<compile_context>
chip_gen: v7x
topology: tpu7x:2x2x1
jax: 0.10.2.dev20260603
libtpu: 0.0.44.dev20260713+nightly
codegen_flags: <defaults>
</compile_context>

<pallas_src>
import functools

import jax
import jax.numpy as jnp
from jax import lax
from jax.experimental import pallas as pl
from jax.experimental.pallas import tpu as pltpu
from jax.experimental.pallas import tpu_sc as plsc

N = 10000
E = 320000
B = 8
IN = 128
OUT = 16
NET = 25

NW = 32
PER_W = E // NW
CSUB = 80
NSUB = 5
CHUNK = CSUB * NSUB
NCH = PER_W // CHUNK
N2 = 10240
NROWS_T = N2 // 16

@functools.lru_cache(maxsize=None)
def _mesh():
    return plsc.VectorSubcoreMesh(core_axis_name="c", subcore_axis_name="s")


def _gather_body(per_w, csub, nsub, nch, table, idx3, out, idx_v, rows_v, sem):
    w = lax.axis_index("c") * 16 + lax.axis_index("s")
    pltpu.sync_copy(idx3.at[w], idx_v)
    chunk_rows = csub * nsub

    def chunk(c, carry):
        hs = [
            pltpu.async_copy(table.at[idx_v.at[c * nsub + j]],
                             rows_v.at[pl.ds(j * csub, csub)], sem)
            for j in range(nsub)
        ]
        for h in hs:
            h.wait()
        pltpu.sync_copy(rows_v,
                        out.at[pl.ds(w * per_w + c * chunk_rows, chunk_rows)])
        return carry

    lax.fori_loop(0, nch, chunk, 0)


@functools.lru_cache(maxsize=None)
def _make_gather(d, ne=E, csub=CSUB, dtype=jnp.float32):
    per_w = ne // NW
    nch = per_w // (csub * NSUB)
    return pl.kernel(
        functools.partial(_gather_body, per_w, csub, NSUB, nch),
        out_type=jax.ShapeDtypeStruct((ne, d), dtype),
        mesh=_mesh(),
        compiler_params=pltpu.CompilerParams(use_tc_tiling_on_sc=False),
        scratch_types=[
            pltpu.VMEM((nch * NSUB, csub), jnp.int32),
            pltpu.VMEM((csub * NSUB, d), dtype),
            pltpu.SemaphoreType.DMA,
        ],
    )


def _scatter_loop(msg, sid, idx_v, rows_v, acc):
    def chunk(c, carry):
        pltpu.sync_copy(msg.at[pl.ds(sid * PER_W + c * CHUNK, CHUNK)], rows_v)
        for j in range(NSUB):
            pltpu.sync_copy(rows_v.at[pl.ds(j * CSUB, CSUB)],
                            acc.at[idx_v.at[c * NSUB + j]], add=True)
        return carry

    lax.fori_loop(0, NCH, chunk, 0)


def _scatter_prologue(cid, sid, dst3, zeros, idx_v, acc):
    pltpu.sync_copy(zeros.at[pl.ds(sid * NROWS_T, NROWS_T)],
                    acc.at[pl.ds(sid * NROWS_T, NROWS_T)])
    plsc.subcore_barrier()
    pltpu.sync_copy(dst3.at[cid * 16 + sid], idx_v)


def _scatter_epilogue(cid, sid, out, acc):
    plsc.subcore_barrier()
    pltpu.sync_copy(acc.at[pl.ds(sid * NROWS_T, NROWS_T)],
                    out.at[cid, pl.ds(sid * NROWS_T, NROWS_T)])


def _scatter_body(msg, dst3, zeros, out, idx_v, rows_v, acc):
    cid = lax.axis_index("c")
    sid = lax.axis_index("s")
    _scatter_prologue(cid, sid, dst3, zeros, idx_v, acc)
    _scatter_loop(msg, cid * 16 + sid, idx_v, rows_v, acc)
    _scatter_epilogue(cid, sid, out, acc)


def _scatter2_body(msga, msgb, dst3, zeros, out, idx_v, rows_v, acc):
    cid = lax.axis_index("c")
    sid = lax.axis_index("s")
    _scatter_prologue(cid, sid, dst3, zeros, idx_v, acc)

    @pl.when(cid == 0)
    def _():
        _scatter_loop(msga, sid, idx_v, rows_v, acc)

    @pl.when(cid == 1)
    def _():
        _scatter_loop(msgb, sid, idx_v, rows_v, acc)

    _scatter_epilogue(cid, sid, out, acc)


@functools.lru_cache(maxsize=None)
def _make_scatter(two=False):
    return pl.kernel(
        _scatter2_body if two else _scatter_body,
        out_type=jax.ShapeDtypeStruct((2, N2, 16), jnp.float32),
        mesh=_mesh(),
        compiler_params=pltpu.CompilerParams(use_tc_tiling_on_sc=False),
        scratch_types=[
            pltpu.VMEM((NCH * NSUB, CSUB), jnp.int32),
            pltpu.VMEM((CHUNK, 16), jnp.float32),
            pltpu.VMEM_SHARED((N2, 16), jnp.float32),
        ],
    )


def _edge_g(be, et_ref, ef0_ref, ef1_ref):
    etb = et_ref[:].reshape(be, 1)
    ef0 = ef0_ref[:].reshape(be, 1)
    ef1 = ef1_ref[:].reshape(be, 1)
    i75 = lax.broadcasted_iota(jnp.int32, (be, 75), 1)
    eq = (etb == (i75 % 25)).astype(jnp.float32)
    sel = i75 // 25
    mult = jnp.where(sel == 0, ef0, jnp.where(sel == 1, ef1, 1.0))
    return (eq * mult).astype(jnp.bfloat16)


def _pack_msg(msgw, be, add_count):
    lane = lax.broadcasted_iota(jnp.int32, (be, 128), 1)
    row = lax.broadcasted_iota(jnp.int32, (be, 128), 0)
    own = lane // 16 == row % 8
    m8 = own.astype(jnp.float32)
    msgw = msgw * m8
    if add_count:
        msgw = msgw + (own & (lane % 16 == 10)).astype(jnp.float32)
    return msgw.reshape(be // 8, 8, 128).sum(axis=1)


def _edge1_body(xs_ref, et_ref, ef0_ref, ef1_ref, abc_ref, s_ref, out_ref):
    be = xs_ref.shape[0]
    g = _edge_g(be, et_ref, ef0_ref, ef1_ref)
    w = jax.nn.relu(
        lax.dot_general(g, abc_ref[:], (((1,), (0,)), ((), ())),
                        preferred_element_type=jnp.float32)).astype(jnp.bfloat16)
    xt = jnp.concatenate([xs_ref[:].astype(jnp.bfloat16)] * 10, axis=1)
    p = w * xt
    msgw = lax.dot_general(p, s_ref[:], (((1,), (0,)), ((), ())),
                           preferred_element_type=jnp.float32)
    out_ref[:] = _pack_msg(msgw, be, add_count=True)


def _edge23_body(xs_ref, et_ref, ef0_ref, ef1_ref, abc_ref, t_ref, s_ref,
                 out_ref):
    be = et_ref.shape[0]
    g = _edge_g(be, et_ref, ef0_ref, ef1_ref)
    w = jax.nn.relu(
        lax.dot_general(g, abc_ref[:], (((1,), (0,)), ((), ())),
                        preferred_element_type=jnp.float32)).astype(jnp.bfloat16)
    hp = xs_ref[:].astype(jnp.bfloat16)
    hp_exp = jnp.broadcast_to(hp[:, None, :], (be // 8, 8, 128)
                              ).reshape(be, 128)
    lane = lax.broadcasted_iota(jnp.int32, (be, 128), 1)
    row = lax.broadcasted_iota(jnp.int32, (be, 128), 0)
    m8 = (lane // 16 == row % 8).astype(jnp.bfloat16)
    hsel = hp_exp * m8
    xt = lax.dot_general(hsel, t_ref[:], (((1,), (0,)), ((), ())),
                         preferred_element_type=jnp.float32).astype(jnp.bfloat16)
    p = w * xt
    msgw = lax.dot_general(p, s_ref[:], (((1,), (0,)), ((), ())),
                           preferred_element_type=jnp.float32)
    out_ref[:] = _pack_msg(msgw, be, add_count=False)


def _tc_edge1(xs, et1d, ef01d, ef11d, abc, s_mat, be):
    ne = xs.shape[0]
    grid = ne // be
    return pl.pallas_call(
        _edge1_body,
        grid=(grid,),
        in_specs=[
            pl.BlockSpec((be, IN), lambda i: (i, 0)),
            pl.BlockSpec((be,), lambda i: (i,)),
            pl.BlockSpec((be,), lambda i: (i,)),
            pl.BlockSpec((be,), lambda i: (i,)),
            pl.BlockSpec((75, 1280), lambda i: (0, 0)),
            pl.BlockSpec((1280, 128), lambda i: (0, 0)),
        ],
        out_specs=pl.BlockSpec((be * 16 // 128, 128), lambda i: (i, 0)),
        out_shape=jax.ShapeDtypeStruct((ne * 16 // 128, 128), jnp.float32),
    )(xs, et1d, ef01d, ef11d, abc, s_mat)


def _tc_edge23(xs, et1d, ef01d, ef11d, abc, t_mat, s_mat, be):
    grid = E // be
    return pl.pallas_call(
        _edge23_body,
        grid=(grid,),
        in_specs=[
            pl.BlockSpec((be * 16 // 128, 128), lambda i: (i, 0)),
            pl.BlockSpec((be,), lambda i: (i,)),
            pl.BlockSpec((be,), lambda i: (i,)),
            pl.BlockSpec((be,), lambda i: (i,)),
            pl.BlockSpec((75, 160), lambda i: (0, 0)),
            pl.BlockSpec((128, 160), lambda i: (0, 0)),
            pl.BlockSpec((160, 128), lambda i: (0, 0)),
        ],
        out_specs=pl.BlockSpec((be * 16 // 128, 128), lambda i: (i, 0)),
        out_shape=jax.ShapeDtypeStruct((E * 16 // 128, 128), jnp.float32),
    )(xs, et1d, ef01d, ef11d, abc, t_mat, s_mat)


def _combine1_body(p0, p1, x_ref, root_ref, b_ref, h_ref, rec_ref):
    s = p0[:] + p1[:]
    cnt = s[:, 10:11]
    rec = 1.0 / jnp.maximum(cnt, 1.0)
    mask = (lax.broadcasted_iota(jnp.int32, s.shape, 1) < 10).astype(jnp.float32)
    rootc = lax.dot_general(x_ref[:], root_ref[:], (((1,), (0,)), ((), ())),
                            preferred_element_type=jnp.float32)
    h_ref[:] = jax.nn.relu(s * rec * mask + rootc + b_ref[:])
    rec_ref[:] = rec


def _combine1(p0, p1, x, rootp, biasp, bn=2000):
    grid = N // bn
    return pl.pallas_call(
        _combine1_body,
        grid=(grid,),
        in_specs=[
            pl.BlockSpec((bn, 16), lambda i: (i, 0)),
            pl.BlockSpec((bn, 16), lambda i: (i, 0)),
            pl.BlockSpec((bn, IN), lambda i: (i, 0)),
            pl.BlockSpec((IN, 16), lambda i: (0, 0)),
            pl.BlockSpec((1, 16), lambda i: (0, 0)),
        ],
        out_specs=[
            pl.BlockSpec((bn, 16), lambda i: (i, 0)),
            pl.BlockSpec((bn, 1), lambda i: (i, 0)),
        ],
        out_shape=[
            jax.ShapeDtypeStruct((N, 16), jnp.float32),
            jax.ShapeDtypeStruct((N, 1), jnp.float32),
        ],
    )(p0, p1, x, rootp, biasp)


def _combine23_body(p0, p1, rec_ref, h_ref, root_ref, b_ref, out_ref):
    s = p0[:] + p1[:]
    rootc = lax.dot_general(h_ref[:], root_ref[:], (((1,), (0,)), ((), ())),
                            preferred_element_type=jnp.float32)
    out_ref[:] = jax.nn.relu(s * rec_ref[:] + rootc + b_ref[:])


def _combine23(p0, p1, rec, hprev, rootp, biasp, bn=2000):
    grid = N // bn
    return pl.pallas_call(
        _combine23_body,
        grid=(grid,),
        in_specs=[
            pl.BlockSpec((bn, 16), lambda i: (i, 0)),
            pl.BlockSpec((bn, 16), lambda i: (i, 0)),
            pl.BlockSpec((bn, 1), lambda i: (i, 0)),
            pl.BlockSpec((bn, 16), lambda i: (i, 0)),
            pl.BlockSpec((16, 16), lambda i: (0, 0)),
            pl.BlockSpec((1, 16), lambda i: (0, 0)),
        ],
        out_specs=pl.BlockSpec((bn, 16), lambda i: (i, 0)),
        out_shape=jax.ShapeDtypeStruct((N, 16), jnp.float32),
    )(p0, p1, rec, hprev, rootp, biasp)


def _dot_t(a, b):
    return lax.dot_general(a, b, (((1,), (1,)), ((), ())),
                           preferred_element_type=jnp.float32)


def _final_body(ng, h_ref, ct_ref, bt_ref, pt_ref, pemb_ref, cc_ref, wcomp_ref,
                bcomp_ref, mic_ref, wmic_ref, bmic_ref, wv_ref, bv_ref,
                wo_ref, bo_ref, wf1_ref, bf1_ref, wf2_ref, bf2_ref,
                out_ref, acc):
    i = pl.program_id(0)

    @pl.when(i == 0)
    def _():
        acc[:] = jnp.zeros_like(acc)

    bn = h_ref.shape[0]
    i8 = lax.broadcasted_iota(jnp.int32, (bn, 8), 1)
    mask = ((bt_ref[:] == i8) & (ct_ref[:] == 1)).astype(jnp.float32)
    hcat = jnp.concatenate(
        [h_ref[:], jnp.ones((bn, 16), jnp.float32)], axis=1)
    acc[:] += lax.dot_general(mask, hcat, (((0,), (0,)), ((), ())),
                              preferred_element_type=jnp.float32)

    @pl.when(i == ng - 1)
    def _():
        a = acc[:]
        cnt = a[:, 16:17]
        gf = a[:, :16] / jnp.maximum(cnt, 1.0)
        i6 = lax.broadcasted_iota(jnp.int32, (8, 6), 1)
        oh6 = (pt_ref[:] == i6).astype(jnp.float32)
        pe = lax.dot_general(oh6, pemb_ref[:], (((1,), (0,)), ((), ())),
                             preferred_element_type=jnp.float32)
        comp = _dot_t(cc_ref[:], wcomp_ref[:]) + bcomp_ref[:]
        mic = _dot_t(mic_ref[:], wmic_ref[:]) + bmic_ref[:]
        c = jnp.concatenate([gf, pe, comp, mic], axis=1)
        v = _dot_t(c, wv_ref[:]) + bv_ref[:]
        att = _dot_t(v, wo_ref[:]) + bo_ref[:]
        f = jax.nn.relu(_dot_t(att, wf1_ref[:]) + bf1_ref[:])
        out_ref[:] = _dot_t(f, wf2_ref[:]) + bf2_ref[:]


def _final(h3, ct1, bt1, pt1, pemb, ccomp, wcomp, bcomp1, mic, wmic, bmic1,
           wv, bv1, wo, bo1, wf1, bf11, wf2, bf21, bn=2000):
    ng = N // bn
    const = lambda shape: pl.BlockSpec(shape, lambda i: tuple(0 for _ in shape))
    return pl.pallas_call(
        functools.partial(_final_body, ng),
        grid=(ng,),
        in_specs=[
            pl.BlockSpec((bn, 16), lambda i: (i, 0)),
            pl.BlockSpec((bn, 1), lambda i: (i, 0)),
            pl.BlockSpec((bn, 1), lambda i: (i, 0)),
            const((8, 1)), const((6, 16)), const((8, 5)), const((16, 5)),
            const((1, 16)), const((8, 9)), const((16, 9)), const((1, 16)),
            const((64, 64)), const((1, 64)), const((64, 64)), const((1, 64)),
            const((64, 64)), const((1, 64)), const((16, 64)), const((1, 16)),
        ],
        out_specs=pl.BlockSpec((8, 16), lambda i: (0, 0)),
        out_shape=jax.ShapeDtypeStruct((8, 16), jnp.float32),
        scratch_shapes=[pltpu.VMEM((8, 32), jnp.float32)],
    )(h3, ct1, bt1, pt1, pemb, ccomp, wcomp, bcomp1, mic, wmic, bmic1,
      wv, bv1, wo, bo1, wf1, bf11, wf2, bf21)


def _abc_parts(emb, Wh, bh, Wg, bg):
    a = emb * Wh[:, 0][None, :] + Wg[:, 0][None, :]
    b = emb * Wh[:, 1][None, :] + Wg[:, 1][None, :]
    c = emb * bh[None, :] + bg[None, :]
    return a, b, c


def _tables1(emb, Wh, bh, Wg, bg):
    def reorder(m):
        return m.reshape(NET, IN, 10).transpose(0, 2, 1).reshape(NET, 1280)

    parts = _abc_parts(emb, Wh, bh, Wg, bg)
    abc = jnp.concatenate([reorder(m) for m in parts], axis=0)
    s_mat = (jnp.arange(1280)[:, None] // 128
             == jnp.arange(128)[None, :] % 16).astype(jnp.bfloat16)
    return abc.astype(jnp.bfloat16), s_mat


def _tables23(emb, Wh, bh, Wg, bg, oc):
    def reorder(m):
        m = m.reshape(NET, 10, oc)
        if oc != 16:
            m = jnp.pad(m, ((0, 0), (0, 0), (0, 16 - oc)))
        return m.reshape(NET, 160)

    parts = _abc_parts(emb, Wh, bh, Wg, bg)
    abc = jnp.concatenate([reorder(m) for m in parts], axis=0)
    t_mat = ((jnp.arange(128)[:, None] % 16)
             == jnp.arange(160)[None, :] // 16).astype(jnp.bfloat16)
    s_mat = (jnp.arange(160)[:, None] % 16
             == jnp.arange(128)[None, :] % 16).astype(jnp.bfloat16)
    return abc.astype(jnp.bfloat16), t_mat, s_mat


def kernel(x, edge_index, edge_type, edge_feat, cell_type, batch, patch_type,
           cell_composition, microenv, emb1, Wh1, bh1, Wg1, bg1, root1, bias1,
           emb2, Wh2, bh2, Wg2, bg2, root2, bias2, emb3, Wh3, bh3, Wg3, bg3,
           root3, bias3, patch_emb, Wcomp, bcomp, Wmic, bmic, in_proj_w,
           in_proj_b, out_proj_w, out_proj_b, Wf1, bf1, Wf2, bf2):
    src = edge_index[0].astype(jnp.int32)
    dst = edge_index[1].astype(jnp.int32)
    src3 = src.reshape(NW, NCH * NSUB, CSUB)
    dst3 = dst.reshape(NW, NCH * NSUB, CSUB)
    et1d = edge_type.astype(jnp.int32)
    ef01d = edge_feat[:, 0]
    ef11d = edge_feat[:, 1]
    zeros = jnp.zeros((N2, 16), jnp.float32)

    abc1, s1 = _tables1(emb1, Wh1, bh1, Wg1, bg1)
    abc2, u2, s2 = _tables23(emb2, Wh2, bh2, Wg2, bg2, 10)
    abc3, u3, s3 = _tables23(emb3, Wh3, bh3, Wg3, bg3, 16)
    root1p = jnp.pad(root1, ((0, 0), (0, 6)))
    root2p = jnp.pad(root2, ((0, 6), (0, 6)))
    root3p = jnp.pad(root3, ((0, 6), (0, 0)))
    bias1p = jnp.pad(bias1, (0, 6)).reshape(1, 16)
    bias2p = jnp.pad(bias2, (0, 6)).reshape(1, 16)
    bias3p = bias3.reshape(1, 16)

    gather128h = _make_gather(IN, E // 2, 40)
    gather16 = _make_gather(16)
    eh = E // 2

    srca3 = src[:eh].reshape(NW, 125, 40)
    srcb3 = src[eh:].reshape(NW, 125, 40)
    xsa = gather128h(x, srca3)
    xsb = gather128h(x, srcb3)
    msg1a = _tc_edge1(xsa, et1d[:eh], ef01d[:eh], ef11d[:eh], abc1, s1, be=256)
    msg1b = _tc_edge1(xsb, et1d[eh:], ef01d[eh:], ef11d[eh:], abc1, s1, be=256)
    parts1 = _make_scatter(True)(msg1a.reshape(eh, 16), msg1b.reshape(eh, 16),
                                 dst3, zeros)
    h1, rec = _combine1(parts1[0], parts1[1], x, root1p, bias1p)

    hs2 = gather16(h1, src3).reshape(E * 16 // 128, 128)
    msg2 = _tc_edge23(hs2, et1d, ef01d, ef11d, abc2, u2, s2, be=512)
    parts2 = _make_scatter()(msg2.reshape(E, 16), dst3, zeros)
    h2 = _combine23(parts2[0], parts2[1], rec, h1, root2p, bias2p)

    hs3 = gather16(h2, src3).reshape(E * 16 // 128, 128)
    msg3 = _tc_edge23(hs3, et1d, ef01d, ef11d, abc3, u3, s3, be=512)
    parts3 = _make_scatter()(msg3.reshape(E, 16), dst3, zeros)
    h3 = _combine23(parts3[0], parts3[1], rec, h2, root3p, bias3p)

    ct1 = cell_type.astype(jnp.int32).reshape(N, 1)
    bt1 = batch.astype(jnp.int32).reshape(N, 1)
    pt1 = patch_type.astype(jnp.int32).reshape(8, 1)
    wv = in_proj_w[128:192]
    bv1 = in_proj_b[128:192].reshape(1, 64)
    return _final(h3, ct1, bt1, pt1, patch_emb, cell_composition, Wcomp,
                  bcomp.reshape(1, 16), microenv, Wmic, bmic.reshape(1, 16),
                  wv, bv1, out_proj_w, out_proj_b.reshape(1, 64),
                  Wf1, bf1.reshape(1, 64), Wf2, bf2.reshape(1, 16))

# --- scband reference (transcript-rebuilt; emitter-appended) ---
"""Pipeline reference for scband-multi-patch-type-cell-net-10041633538771 (READ-ONLY COPY).

The authoritative reference and input builder live on the scoring server;
editing this copy changes nothing except your own understanding.
"""

import jax, jax.numpy as jnp
import numpy as np

N = 10000; E = 320000; B = 8
IN = 128; OUT = 16; EF = 2; NET = 25; NPT = 6; ME = 9


def setup_inputs(seed: int = 0):
    key = jax.random.key(seed)
    ks = jax.random.split(key, 48)
    s = 0.05
    def W(k, shape):
        return jax.random.normal(k, shape, jnp.float32) * s
    inp = {}
    inp["x"] = jax.random.normal(ks[0], (N, IN), jnp.float32)
    inp["edge_index"] = jax.random.randint(ks[1], (2, E), 0, N)
    inp["edge_type"] = jax.random.randint(ks[2], (E,), 0, NET)
    inp["edge_feat"] = jax.random.uniform(ks[3], (E, EF), dtype=jnp.float32)
    inp["cell_type"] = jax.random.randint(ks[4], (N,), 0, 3)
    inp["batch"] = jnp.sort(jax.random.randint(ks[5], (N,), 0, B))
    inp["patch_type"] = jax.random.randint(ks[6], (B,), 0, NPT)
    inp["cell_composition"] = jax.random.uniform(ks[7], (B, 5), dtype=jnp.float32)
    inp["microenv"] = jax.random.normal(ks[8], (B, ME), jnp.float32)
    inp["emb1"] = W(ks[9], (NET, IN * 10)); inp["Wh1"] = W(ks[10], (IN * 10, EF)); inp["bh1"] = jnp.zeros((IN * 10,), jnp.float32); inp["Wg1"] = W(ks[11], (IN * 10, EF)); inp["bg1"] = jnp.zeros((IN * 10,), jnp.float32); inp["root1"] = W(ks[12], (IN, 10)); inp["bias1"] = jnp.zeros((10,), jnp.float32)
    inp["emb2"] = W(ks[13], (NET, 100)); inp["Wh2"] = W(ks[14], (100, EF)); inp["bh2"] = jnp.zeros((100,), jnp.float32); inp["Wg2"] = W(ks[15], (100, EF)); inp["bg2"] = jnp.zeros((100,), jnp.float32); inp["root2"] = W(ks[16], (10, 10)); inp["bias2"] = jnp.zeros((10,), jnp.float32)
    inp["emb3"] = W(ks[17], (NET, 10 * OUT)); inp["Wh3"] = W(ks[18], (10 * OUT, EF)); inp["bh3"] = jnp.zeros((10 * OUT,), jnp.float32); inp["Wg3"] = W(ks[19], (10 * OUT, EF)); inp["bg3"] = jnp.zeros((10 * OUT,), jnp.float32); inp["root3"] = W(ks[20], (10, OUT)); inp["bias3"] = jnp.zeros((OUT,), jnp.float32)
    inp["patch_emb"] = W(ks[21], (NPT, 16))
    inp["Wcomp"] = W(ks[22], (16, 5)); inp["bcomp"] = jnp.zeros((16,), jnp.float32)
    inp["Wmic"] = W(ks[23], (16, ME)); inp["bmic"] = jnp.zeros((16,), jnp.float32)
    D = OUT + 48
    inp["in_proj_w"] = W(ks[24], (3 * D, D)); inp["in_proj_b"] = jnp.zeros((3 * D,), jnp.float32)
    inp["out_proj_w"] = W(ks[25], (D, D)); inp["out_proj_b"] = jnp.zeros((D,), jnp.float32)
    inp["Wf1"] = W(ks[26], (64, D)); inp["bf1"] = jnp.zeros((64,), jnp.float32)
    inp["Wf2"] = W(ks[27], (OUT, 64)); inp["bf2"] = jnp.zeros((OUT,), jnp.float32)
    return inp


def _nnconv(x, ei, et, ef, emb, Wh, bh, Wg, bg, root, bias, ic, oc):
    # EdgeNN: per-edge weight matrix generation
    y = emb[et]
    h = ef @ Wh.T + bh
    g = ef @ Wg.T + bg
    w = jax.nn.relu(y * h + g).reshape(-1, ic, oc)
    src = ei[0]; dst = ei[1]
    msg = jnp.einsum('ei,eio->eo', x[src], w)
    ssum = jax.ops.segment_sum(msg, dst, num_segments=N)
    cnt = jax.ops.segment_sum(jnp.ones((E,), jnp.float32), dst, num_segments=N)
    aggr = ssum / jnp.clip(cnt, 1.0)[:, None]
    return aggr + x @ root + bias


def _forward(x, edge_index, edge_type, edge_feat, cell_type, batch, patch_type, cell_composition, microenv, emb1, Wh1, bh1, Wg1, bg1, root1, bias1, emb2, Wh2, bh2, Wg2, bg2, root2, bias2, emb3, Wh3, bh3, Wg3, bg3, root3, bias3, patch_emb, Wcomp, bcomp, Wmic, bmic, in_proj_w, in_proj_b, out_proj_w, out_proj_b, Wf1, bf1, Wf2, bf2):
    h = jax.nn.relu(_nnconv(x, edge_index, edge_type, edge_feat, emb1, Wh1, bh1, Wg1, bg1, root1, bias1, IN, 10))
    h = jax.nn.relu(_nnconv(h, edge_index, edge_type, edge_feat, emb2, Wh2, bh2, Wg2, bg2, root2, bias2, 10, 10))
    h = jax.nn.relu(_nnconv(h, edge_index, edge_type, edge_feat, emb3, Wh3, bh3, Wg3, bg3, root3, bias3, 10, OUT))
    gate = (cell_type == 1).astype(jnp.int32)
    idx = gate * (batch.astype(jnp.int32) + 1)
    ssum = jax.ops.segment_sum(h, idx, num_segments=B + 1)
    cnt = jax.ops.segment_sum(jnp.ones((N,), jnp.float32), idx, num_segments=B + 1)
    gf = (ssum / jnp.clip(cnt, 1.0)[:, None])[1:B + 1]
    pe = patch_emb[patch_type]
    comp = cell_composition @ Wcomp.T + bcomp
    mic = microenv @ Wmic.T + bmic
    c = jnp.concatenate([gf, pe, comp, mic], axis=1)
    D = OUT + 48; H = 4; dh = D // H
    qkv = c @ in_proj_w.T + in_proj_b
    q, k, v = qkv[:, :D], qkv[:, D:2 * D], qkv[:, 2 * D:]
    qh = q.reshape(-1, H, dh); kh = k.reshape(-1, H, dh); vh = v.reshape(-1, H, dh)
    scores = jnp.sum(qh * kh, axis=-1, keepdims=True) / jnp.sqrt(float(dh))
    attn = jax.nn.softmax(scores, axis=-1)
    o = (attn * vh).reshape(-1, D)
    att_out = o @ out_proj_w.T + out_proj_b
    f = jax.nn.relu(att_out @ Wf1.T + bf1)
    return f @ Wf2.T + bf2


def reference(x, edge_index, edge_type, edge_feat, cell_type, batch, patch_type, cell_composition, microenv, emb1, Wh1, bh1, Wg1, bg1, root1, bias1, emb2, Wh2, bh2, Wg2, bg2, root2, bias2, emb3, Wh3, bh3, Wg3, bg3, root3, bias3, patch_emb, Wcomp, bcomp, Wmic, bmic, in_proj_w, in_proj_b, out_proj_w, out_proj_b, Wf1, bf1, Wf2, bf2):
    return _forward(x, edge_index, edge_type, edge_feat, cell_type, batch, patch_type, cell_composition, microenv, emb1, Wh1, bh1, Wg1, bg1, root1, bias1, emb2, Wh2, bh2, Wg2, bg2, root2, bias2, emb3, Wh3, bh3, Wg3, bg3, root3, bias3, patch_emb, Wcomp, bcomp, Wmic, bmic, in_proj_w, in_proj_b, out_proj_w, out_proj_b, Wf1, bf1, Wf2, bf2)

if __name__ == "__main__":
    import jax
    _d = setup_inputs()
    print(jax.jit(kernel)(*tuple(_d.values())))

</pallas_src>

<mosaic_0001>
#map = affine_map<(d0, d1) -> (0, 0)>
#map1 = affine_map<(d0, d1) -> (0, 0, 0)>
module attributes {stable_mosaic.version = 14 : i64} {
  func.func @_gather_body(%arg0: i32, %arg1: i32, %arg2: memref<10000x128xf32, #tpu.memory_space<hbm>>, %arg3: memref<32x125x40xi32, #tpu.memory_space<hbm>>, %arg4: memref<160000x128xf32, #tpu.memory_space<hbm>>, %arg5: memref<125x40xi32, #tpu.memory_space<vmem>>, %arg6: memref<200x128xf32, #tpu.memory_space<vmem>>, %arg7: memref<!tpu.dma_semaphore, #tpu.memory_space<semaphore_mem>>) attributes {dimension_semantics = [#tpu.dimension_semantics<core_parallel>, #tpu.dimension_semantics<subcore_parallel>], iteration_bounds = array<i64: 2, 16>, scalar_prefetch = 0 : i64, scratch_operands = 3 : i64, tpu.core_type = #tpu.core_type<sc_vector_subcore>, window_params = [{transform_indices = #map}, {transform_indices = #map1}, {transform_indices = #map}]} {
    %mul3A = arith.constant 16 : i32
    %mul3A_0 = arith.muli %arg0, %mul3A : i32
    %add3A = arith.addi %mul3A_0, %arg1 : i32
    "tpu.region"() ({
      %run_scoped3A = tpu.sem_alloc : memref<!tpu.dma_semaphore, #tpu.memory_space<semaphore_mem>>
      %dma_start3A = arith.constant 0 : i32
      %dma_start3A_6 = arith.constant 0 : i32
      %dma_start3A_7 = tpu.memref_slice %arg3[%add3A, %dma_start3A, %dma_start3A_6] : memref<32x125x40xi32, #tpu.memory_space<hbm>> -> memref<1x125x40xi32, #tpu.memory_space<hbm>>
      %dma_start3A_8 = tpu.memref_squeeze %dma_start3A_7 : memref<1x125x40xi32, #tpu.memory_space<hbm>> -> memref<125x40xi32, #tpu.memory_space<hbm>>
      %dma_start3A_9 = arith.constant 0 : i32
      %dma_start3A_10 = arith.constant 0 : i32
      %dma_start3A_11 = tpu.memref_slice %arg3[%add3A, %dma_start3A_9, %dma_start3A_10] : memref<32x125x40xi32, #tpu.memory_space<hbm>> -> memref<1x125x40xi32, #tpu.memory_space<hbm>>
      %dma_start3A_12 = tpu.memref_squeeze %dma_start3A_11 : memref<1x125x40xi32, #tpu.memory_space<hbm>> -> memref<125x40xi32, #tpu.memory_space<hbm>>
      tpu.enqueue_dma source(%dma_start3A_12 : memref<125x40xi32, #tpu.memory_space<hbm>>) target(%arg5 : memref<125x40xi32, #tpu.memory_space<vmem>>) target_semaphore(%run_scoped3A : memref<!tpu.dma_semaphore, #tpu.memory_space<semaphore_mem>>)
      %dma_wait3A = arith.constant 0 : i32
      %dma_wait3A_13 = arith.constant 0 : i32
      %dma_wait3A_14 = tpu.memref_slice %arg3[%add3A, %dma_wait3A, %dma_wait3A_13] : memref<32x125x40xi32, #tpu.memory_space<hbm>> -> memref<1x125x40xi32, #tpu.memory_space<hbm>>
      %dma_wait3A_15 = tpu.memref_squeeze %dma_wait3A_14 : memref<1x125x40xi32, #tpu.memory_space<hbm>> -> memref<125x40xi32, #tpu.memory_space<hbm>>
      %dma_wait3A_16 = arith.constant 0 : i32
      %dma_wait3A_17 = arith.constant 0 : i32
      %dma_wait3A_18 = tpu.memref_slice %arg3[%add3A, %dma_wait3A_16, %dma_wait3A_17] : memref<32x125x40xi32, #tpu.memory_space<hbm>> -> memref<1x125x40xi32, #tpu.memory_space<hbm>>
      %dma_wait3A_19 = tpu.memref_squeeze %dma_wait3A_18 : memref<1x125x40xi32, #tpu.memory_space<hbm>> -> memref<125x40xi32, #tpu.memory_space<hbm>>
      tpu.wait_dma2 semaphore(%run_scoped3A : memref<!tpu.dma_semaphore, #tpu.memory_space<semaphore_mem>>) src(%dma_wait3A_19 : memref<125x40xi32, #tpu.memory_space<hbm>>) dst(%arg5 : memref<125x40xi32, #tpu.memory_space<vmem>>)
      tpu.yield
    }) : () -> ()
    %scan3A = arith.constant 0 : i32
    %scan3A_1 = arith.constant 0 : i32
    %scan3A_2 = arith.constant 25 : i32
    %scan3A_3 = arith.addi %scan3A_1, %scan3A_2 : i32
    %scan3A_4 = arith.constant 1 : i32
    scf.for %scan3A_6 = %scan3A_1 to %scan3A_3 step %scan3A_4  : i32 {
      %mul3A_7 = arith.constant 5 : i32
      %mul3A_8 = arith.muli %scan3A_6, %mul3A_7 : i32
      %add3A_9 = arith.constant 0 : i32
      %add3A_10 = arith.addi %mul3A_8, %add3A_9 : i32
      %dma_start3A = arith.constant 0 : i32
      %dma_start3A_11 = arith.constant 0 : i32
      %dma_start3A_12 = tpu.memref_slice %arg6[%dma_start3A, %dma_start3A_11] : memref<200x128xf32, #tpu.memory_space<vmem>> -> memref<40x128xf32, #tpu.memory_space<vmem>>
      %dma_start3A_13 = arith.constant 0 : i32
      %dma_start3A_14 = tpu.memref_slice %arg5[%add3A_10, %dma_start3A_13] : memref<125x40xi32, #tpu.memory_space<vmem>> -> memref<1x40xi32, #tpu.memory_space<vmem>>
      %dma_start3A_15 = tpu.memref_squeeze %dma_start3A_14 : memref<1x40xi32, #tpu.memory_space<vmem>> -> memref<40xi32, #tpu.memory_space<vmem>>
      %dma_start3A_16 = arith.constant 0 : i32
      %dma_start3A_17 = arith.constant 0 : i32
      %dma_start3A_18 = tpu.memref_slice %arg2[%dma_start3A_16, %dma_start3A_17] : memref<10000x128xf32, #tpu.memory_space<hbm>> -> memref<10000x128xf32, #tpu.memory_space<hbm>>
      tpu.enqueue_indirect_dma source(%dma_start3A_18 : memref<10000x128xf32, #tpu.memory_space<hbm>>) target(%dma_start3A_12 : memref<40x128xf32, #tpu.memory_space<vmem>>) offsets(%dma_start3A_15 : memref<40xi32, #tpu.memory_space<vmem>>) semaphore(%arg7 : memref<!tpu.dma_semaphore, #tpu.memory_space<semaphore_mem>>)
      %mul3A_19 = arith.constant 5 : i32
      %mul3A_20 = arith.muli %scan3A_6, %mul3A_19 : i32
      %add3A_21 = arith.constant 1 : i32
      %add3A_22 = arith.addi %mul3A_20, %add3A_21 : i32
      %dma_start3A_23 = arith.constant 40 : i32
      %dma_start3A_24 = arith.constant 0 : i32
      %dma_start3A_25 = tpu.memref_slice %arg6[%dma_start3A_23, %dma_start3A_24] : memref<200x128xf32, #tpu.memory_space<vmem>> -> memref<40x128xf32, #tpu.memory_space<vmem>>
      %dma_start3A_26 = arith.constant 0 : i32
      %dma_start3A_27 = tpu.memref_slice %arg5[%add3A_22, %dma_start3A_26] : memref<125x40xi32, #tpu.memory_space<vmem>> -> memref<1x40xi32, #tpu.memory_space<vmem>>
      %dma_start3A_28 = tpu.memref_squeeze %dma_start3A_27 : memref<1x40xi32, #tpu.memory_space<vmem>> -> memref<40xi32, #tpu.memory_space<vmem>>
      %dma_start3A_29 = arith.constant 0 : i32
      %dma_start3A_30 = arith.constant 0 : i32
      %dma_start3A_31 = tpu.memref_slice %arg2[%dma_start3A_29, %dma_start3A_30] : memref<10000x128xf32, #tpu.memory_space<hbm>> -> memref<10000x128xf32, #tpu.memory_space<hbm>>
      tpu.enqueue_indirect_dma source(%dma_start3A_31 : memref<10000x128xf32, #tpu.memory_space<hbm>>) target(%dma_start3A_25 : memref<40x128xf32, #tpu.memory_space<vmem>>) offsets(%dma_start3A_28 : memref<40xi32, #tpu.memory_space<vmem>>) semaphore(%arg7 : memref<!tpu.dma_semaphore, #tpu.memory_space<semaphore_mem>>)
      %mul3A_32 = arith.constant 5 : i32
      %mul3A_33 = arith.muli %scan3A_6, %mul3A_32 : i32
      %add3A_34 = arith.constant 2 : i32
      %add3A_35 = arith.addi %mul3A_33, %add3A_34 : i32
      %dma_start3A_36 = arith.constant 80 : i32
      %dma_start3A_37 = arith.constant 0 : i32
      %dma_start3A_38 = tpu.memref_slice %arg6[%dma_start3A_36, %dma_start3A_37] : memref<200x128xf32, #tpu.memory_space<vmem>> -> memref<40x128xf32, #tpu.memory_space<vmem>>
      %dma_start3A_39 = arith.constant 0 : i32
      %dma_start3A_40 = tpu.memref_slice %arg5[%add3A_35, %dma_start3A_39] : memref<125x40xi32, #tpu.memory_space<vmem>> -> memref<1x40xi32, #tpu.memory_space<vmem>>
      %dma_start3A_41 = tpu.memref_squeeze %dma_start3A_40 : memref<1x40xi32, #tpu.memory_space<vmem>> -> memref<40xi32, #tpu.memory_space<vmem>>
      %dma_start3A_42 = arith.constant 0 : i32
      %dma_start3A_43 = arith.constant 0 : i32
      %dma_start3A_44 = tpu.memref_slice %arg2[%dma_start3A_42, %dma_start3A_43] : memref<10000x128xf32, #tpu.memory_space<hbm>> -> memref<10000x128xf32, #tpu.memory_space<hbm>>
      tpu.enqueue_indirect_dma source(%dma_start3A_44 : memref<10000x128xf32, #tpu.memory_space<hbm>>) target(%dma_start3A_38 : memref<40x128xf32, #tpu.memory_space<vmem>>) offsets(%dma_start3A_41 : memref<40xi32, #tpu.memory_space<vmem>>) semaphore(%arg7 : memref<!tpu.dma_semaphore, #tpu.memory_space<semaphore_mem>>)
      %mul3A_45 = arith.constant 5 : i32
      %mul3A_46 = arith.muli %scan3A_6, %mul3A_45 : i32
      %add3A_47 = arith.constant 3 : i32
      %add3A_48 = arith.addi %mul3A_46, %add3A_47 : i32
      %dma_start3A_49 = arith.constant 120 : i32
      %dma_start3A_50 = arith.constant 0 : i32
      %dma_start3A_51 = tpu.memref_slice %arg6[%dma_start3A_49, %dma_start3A_50] : memref<200x128xf32, #tpu.memory_space<vmem>> -> memref<40x128xf32, #tpu.memory_space<vmem>>
      %dma_start3A_52 = arith.constant 0 : i32
      %dma_start3A_53 = tpu.memref_slice %arg5[%add3A_48, %dma_start3A_52] : memref<125x40xi32, #tpu.memory_space<vmem>> -> memref<1x40xi32, #tpu.memory_space<vmem>>
      %dma_start3A_54 = tpu.memref_squeeze %dma_start3A_53 : memref<1x40xi32, #tpu.memory_space<vmem>> -> memref<40xi32, #tpu.memory_space<vmem>>
      %dma_start3A_55 = arith.constant 0 : i32
      %dma_start3A_56 = arith.constant 0 : i32
      %dma_start3A_57 = tpu.memref_slice %arg2[%dma_start3A_55, %dma_start3A_56] : memref<10000x128xf32, #tpu.memory_space<hbm>> -> memref<10000x128xf32, #tpu.memory_space<hbm>>
      tpu.enqueue_indirect_dma source(%dma_start3A_57 : memref<10000x128xf32, #tpu.memory_space<hbm>>) target(%dma_start3A_51 : memref<40x128xf32, #tpu.memory_space<vmem>>) offsets(%dma_start3A_54 : memref<40xi32, #tpu.memory_space<vmem>>) semaphore(%arg7 : memref<!tpu.dma_semaphore, #tpu.memory_space<semaphore_mem>>)
      %mul3A_58 = arith.constant 5 : i32
      %mul3A_59 = arith.muli %scan3A_6, %mul3A_58 : i32
      %add3A_60 = arith.constant 4 : i32
      %add3A_61 = arith.addi %mul3A_59, %add3A_60 : i32
      %dma_start3A_62 = arith.constant 160 : i32
      %dma_start3A_63 = arith.constant 0 : i32
      %dma_start3A_64 = tpu.memref_slice %arg6[%dma_start3A_62, %dma_start3A_63] : memref<200x128xf32, #tpu.memory_space<vmem>> -> memref<40x128xf32, #tpu.memory_space<vmem>>
      %dma_start3A_65 = arith.constant 0 : i32
      %dma_start3A_66 = tpu.memref_slice %arg5[%add3A_61, %dma_start3A_65] : memref<125x40xi32, #tpu.memory_space<vmem>> -> memref<1x40xi32, #tpu.memory_space<vmem>>
      %dma_start3A_67 = tpu.memref_squeeze %dma_start3A_66 : memref<1x40xi32, #tpu.memory_space<vmem>> -> memref<40xi32, #tpu.memory_space<vmem>>
      %dma_start3A_68 = arith.constant 0 : i32
      %dma_start3A_69 = arith.constant 0 : i32
      %dma_start3A_70 = tpu.memref_slice %arg2[%dma_start3A_68, %dma_start3A_69] : memref<10000x128xf32, #tpu.memory_space<hbm>> -> memref<10000x128xf32, #tpu.memory_space<hbm>>
      tpu.enqueue_indirect_dma source(%dma_start3A_70 : memref<10000x128xf32, #tpu.memory_space<hbm>>) target(%dma_start3A_64 : memref<40x128xf32, #tpu.memory_space<vmem>>) offsets(%dma_start3A_67 : memref<40xi32, #tpu.memory_space<vmem>>) semaphore(%arg7 : memref<!tpu.dma_semaphore, #tpu.memory_space<semaphore_mem>>)
      %dma_wait3A = arith.constant 0 : i32
      %dma_wait3A_71 = arith.constant 0 : i32
      %dma_wait3A_72 = tpu.memref_slice %arg6[%dma_wait3A, %dma_wait3A_71] : memref<200x128xf32, #tpu.memory_space<vmem>> -> memref<40x128xf32, #tpu.memory_space<vmem>>
      %dma_wait3A_73 = arith.constant 0 : i32
      %dma_wait3A_74 = tpu.memref_slice %arg5[%add3A_10, %dma_wait3A_73] : memref<125x40xi32, #tpu.memory_space<vmem>> -> memref<1x40xi32, #tpu.memory_space<vmem>>
      %dma_wait3A_75 = tpu.memref_squeeze %dma_wait3A_74 : memref<1x40xi32, #tpu.memory_space<vmem>> -> memref<40xi32, #tpu.memory_space<vmem>>
      %dma_wait3A_76 = arith.constant 0 : i32
      %dma_wait3A_77 = arith.constant 0 : i32
      %dma_wait3A_78 = tpu.memref_slice %arg2[%dma_wait3A_76, %dma_wait3A_77] : memref<10000x128xf32, #tpu.memory_space<hbm>> -> memref<10000x128xf32, #tpu.memory_space<hbm>>
      tpu.wait_indirect_dma semaphore(%arg7 : memref<!tpu.dma_semaphore, #tpu.memory_space<semaphore_mem>>) src(%dma_wait3A_78 : memref<10000x128xf32, #tpu.memory_space<hbm>>) dst(%dma_wait3A_72 : memref<40x128xf32, #tpu.memory_space<vmem>>)
      %dma_wait3A_79 = arith.constant 40 : i32
      %dma_wait3A_80 = arith.constant 0 : i32
      %dma_wait3A_81 = tpu.memref_slice %arg6[%dma_wait3A_79, %dma_wait3A_80] : memref<200x128xf32, #tpu.memory_space<vmem>> -> memref<40x128xf32, #tpu.memory_space<vmem>>
      %dma_wait3A_82 = arith.constant 0 : i32
      %dma_wait3A_83 = tpu.memref_slice %arg5[%add3A_22, %dma_wait3A_82] : memref<125x40xi32, #tpu.memory_space<vmem>> -> memref<1x40xi32, #tpu.memory_space<vmem>>
      %dma_wait3A_84 = tpu.memref_squeeze %dma_wait3A_83 : memref<1x40xi32, #tpu.memory_space<vmem>> -> memref<40xi32, #tpu.memory_space<vmem>>
      %dma_wait3A_85 = arith.constant 0 : i32
      %dma_wait3A_86 = arith.constant 0 : i32
      %dma_wait3A_87 = tpu.memref_slice %arg2[%dma_wait3A_85, %dma_wait3A_86] : memref<10000x128xf32, #tpu.memory_space<hbm>> -> memref<10000x128xf32, #tpu.memory_space<hbm>>
      tpu.wait_indirect_dma semaphore(%arg7 : memref<!tpu.dma_semaphore, #tpu.memory_space<semaphore_mem>>) src(%dma_wait3A_87 : memref<10000x128xf32, #tpu.memory_space<hbm>>) dst(%dma_wait3A_81 : memref<40x128xf32, #tpu.memory_space<vmem>>)
      %dma_wait3A_88 = arith.constant 80 : i32
      %dma_wait3A_89 = arith.constant 0 : i32
      %dma_wait3A_90 = tpu.memref_slice %arg6[%dma_wait3A_88, %dma_wait3A_89] : memref<200x128xf32, #tpu.memory_space<vmem>> -> memref<40x128xf32, #tpu.memory_space<vmem>>
      %dma_wait3A_91 = arith.constant 0 : i32
      %dma_wait3A_92 = tpu.memref_slice %arg5[%add3A_35, %dma_wait3A_91] : memref<125x40xi32, #tpu.memory_space<vmem>> -> memref<1x40xi32, #tpu.memory_space<vmem>>
      %dma_wait3A_93 = tpu.memref_squeeze %dma_wait3A_92 : memref<1x40xi32, #tpu.memory_space<vmem>> -> memref<40xi32, #tpu.memory_space<vmem>>
      %dma_wait3A_94 = arith.constant 0 : i32
      %dma_wait3A_95 = arith.constant 0 : i32
      %dma_wait3A_96 = tpu.memref_slice %arg2[%dma_wait3A_94, %dma_wait3A_95] : memref<10000x128xf32, #tpu.memory_space<hbm>> -> memref<10000x128xf32, #tpu.memory_space<hbm>>
      tpu.wait_indirect_dma semaphore(%arg7 : memref<!tpu.dma_semaphore, #tpu.memory_space<semaphore_mem>>) src(%dma_wait3A_96 : memref<10000x128xf32, #tpu.memory_space<hbm>>) dst(%dma_wait3A_90 : memref<40x128xf32, #tpu.memory_space<vmem>>)
      %dma_wait3A_97 = arith.constant 120 : i32
      %dma_wait3A_98 = arith.constant 0 : i32
      %dma_wait3A_99 = tpu.memref_slice %arg6[%dma_wait3A_97, %dma_wait3A_98] : memref<200x128xf32, #tpu.memory_space<vmem>> -> memref<40x128xf32, #tpu.memory_space<vmem>>
      %dma_wait3A_100 = arith.constant 0 : i32
      %dma_wait3A_101 = tpu.memref_slice %arg5[%add3A_48, %dma_wait3A_100] : memref<125x40xi32, #tpu.memory_space<vmem>> -> memref<1x40xi32, #tpu.memory_space<vmem>>
      %dma_wait3A_102 = tpu.memref_squeeze %dma_wait3A_101 : memref<1x40xi32, #tpu.memory_space<vmem>> -> memref<40xi32, #tpu.memory_space<vmem>>
      %dma_wait3A_103 = arith.constant 0 : i32
      %dma_wait3A_104 = arith.constant 0 : i32
      %dma_wait3A_105 = tpu.memref_slice %arg2[%dma_wait3A_103, %dma_wait3A_104] : memref<10000x128xf32, #tpu.memory_space<hbm>> -> memref<10000x128xf32, #tpu.memory_space<hbm>>
      tpu.wait_indirect_dma semaphore(%arg7 : memref<!tpu.dma_semaphore, #tpu.memory_space<semaphore_mem>>) src(%dma_wait3A_105 : memref<10000x128xf32, #tpu.memory_space<hbm>>) dst(%dma_wait3A_99 : memref<40x128xf32, #tpu.memory_space<vmem>>)
      %dma_wait3A_106 = arith.constant 160 : i32
      %dma_wait3A_107 = arith.constant 0 : i32
      %dma_wait3A_108 = tpu.memref_slice %arg6[%dma_wait3A_106, %dma_wait3A_107] : memref<200x128xf32, #tpu.memory_space<vmem>> -> memref<40x128xf32, #tpu.memory_space<vmem>>
      %dma_wait3A_109 = arith.constant 0 : i32
      %dma_wait3A_110 = tpu.memref_slice %arg5[%add3A_61, %dma_wait3A_109] : memref<125x40xi32, #tpu.memory_space<vmem>> -> memref<1x40xi32, #tpu.memory_space<vmem>>
      %dma_wait3A_111 = tpu.memref_squeeze %dma_wait3A_110 : memref<1x40xi32, #tpu.memory_space<vmem>> -> memref<40xi32, #tpu.memory_space<vmem>>
      %dma_wait3A_112 = arith.constant 0 : i32
      %dma_wait3A_113 = arith.constant 0 : i32
      %dma_wait3A_114 = tpu.memref_slice %arg2[%dma_wait3A_112, %dma_wait3A_113] : memref<10000x128xf32, #tpu.memory_space<hbm>> -> memref<10000x128xf32, #tpu.memory_space<hbm>>
      tpu.wait_indirect_dma semaphore(%arg7 : memref<!tpu.dma_semaphore, #tpu.memory_space<semaphore_mem>>) src(%dma_wait3A_114 : memref<10000x128xf32, #tpu.memory_space<hbm>>) dst(%dma_wait3A_108 : memref<40x128xf32, #tpu.memory_space<vmem>>)
      %mul3A_115 = arith.constant 5000 : i32
      %mul3A_116 = arith.muli %add3A, %mul3A_115 : i32
      %mul3A_117 = arith.constant 200 : i32
      %mul3A_118 = arith.muli %scan3A_6, %mul3A_117 : i32
      %add3A_119 = arith.addi %mul3A_116, %mul3A_118 : i32
      "tpu.region"() ({
        %run_scoped3A = tpu.sem_alloc : memref<!tpu.dma_semaphore, #tpu.memory_space<semaphore_mem>>
        %dma_start3A_120 = arith.constant 0 : i32
        %dma_start3A_121 = tpu.memref_slice %arg4[%add3A_119, %dma_start3A_120] : memref<160000x128xf32, #tpu.memory_space<hbm>> -> memref<200x128xf32, #tpu.memory_space<hbm>>
        %dma_start3A_122 = arith.constant 0 : i32
        %dma_start3A_123 = tpu.memref_slice %arg4[%add3A_119, %dma_start3A_122] : memref<160000x128xf32, #tpu.memory_space<hbm>> -> memref<200x128xf32, #tpu.memory_space<hbm>>
        tpu.enqueue_dma source(%arg6 : memref<200x128xf32, #tpu.memory_space<vmem>>) target(%dma_start3A_123 : memref<200x128xf32, #tpu.memory_space<hbm>>) target_semaphore(%run_scoped3A : memref<!tpu.dma_semaphore, #tpu.memory_space<semaphore_mem>>)
        %dma_wait3A_124 = arith.constant 0 : i32
        %dma_wait3A_125 = tpu.memref_slice %arg4[%add3A_119, %dma_wait3A_124] : memref<160000x128xf32, #tpu.memory_space<hbm>> -> memref<200x128xf32, #tpu.memory_space<hbm>>
        %dma_wait3A_126 = arith.constant 0 : i32
        %dma_wait3A_127 = tpu.memref_slice %arg4[%add3A_119, %dma_wait3A_126] : memref<160000x128xf32, #tpu.memory_space<hbm>> -> memref<200x128xf32, #tpu.memory_space<hbm>>
        tpu.wait_dma2 semaphore(%run_scoped3A : memref<!tpu.dma_semaphore, #tpu.memory_space<semaphore_mem>>) src(%arg6 : memref<200x128xf32, #tpu.memory_space<vmem>>) dst(%dma_wait3A_127 : memref<200x128xf32, #tpu.memory_space<hbm>>)
        tpu.yield
      }) : () -> ()
    }
    %scan3A_5 = arith.constant 25 : i32
    return
  }
}

#map = affine_map<(d0, d1) -> (0, 0)>
#map1 = affine_map<(d0, d1) -> (0, 0, 0)>
module attributes {stable_mosaic.version = 14 : i64} {
  func.func @_gather_body(%arg0: i32, %arg1: i32, %arg2: memref<10000x128xf32, #tpu.memory_space<hbm>>, %arg3: memref<32x125x40xi32, #tpu.memory_space<hbm>>, %arg4: memref<160000x128xf32, #tpu.memory_space<hbm>>, %arg5: memref<125x40xi32, #tpu.memory_space<vmem>>, %arg6: memref<200x128xf32, #tpu.memory_space<vmem>>, %arg7: memref<!tpu.dma_semaphore, #tpu.memory_space<semaphore_mem>>) attributes {dimension_semantics = [#tpu.dimension_semantics<core_parallel>, #tpu.dimension_semantics<subcore_parallel>], iteration_bounds = array<i64: 2, 16>, scalar_prefetch = 0 : i64, scratch_operands = 3 : i64, tpu.core_type = #tpu.core_type<sc_vector_subcore>, window_params = [{transform_indices = #map}, {transform_indices = #map1}, {transform_indices = #map}]} {
    %mul3A = arith.constant 16 : i32
    %mul3A_0 = arith.muli %arg0, %mul3A : i32
    %add3A = arith.addi %mul3A_0, %arg1 : i32
    "tpu.region"() ({
      %run_scoped3A = tpu.sem_alloc : memref<!tpu.dma_semaphore, #tpu.memory_space<semaphore_mem>>
      %dma_start3A = arith.constant 0 : i32
      %dma_start3A_6 = arith.constant 0 : i32
      %dma_start3A_7 = tpu.memref_slice %arg3[%add3A, %dma_start3A, %dma_start3A_6] : memref<32x125x40xi32, #tpu.memory_space<hbm>> -> memref<1x125x40xi32, #tpu.memory_space<hbm>>
      %dma_start3A_8 = tpu.memref_squeeze %dma_start3A_7 : memref<1x125x40xi32, #tpu.memory_space<hbm>> -> memref<125x40xi32, #tpu.memory_space<hbm>>
      %dma_start3A_9 = arith.constant 0 : i32
      %dma_start3A_10 = arith.constant 0 : i32
      %dma_start3A_11 = tpu.memref_slice %arg3[%add3A, %dma_start3A_9, %dma_start3A_10] : memref<32x125x40xi32, #tpu.memory_space<hbm>> -> memref<1x125x40xi32, #tpu.memory_space<hbm>>
      %dma_start3A_12 = tpu.memref_squeeze %dma_start3A_11 : memref<1x125x40xi32, #tpu.memory_space<hbm>> -> memref<125x40xi32, #tpu.memory_space<hbm>>
      tpu.enqueue_dma source(%dma_start3A_12 : memref<125x40xi32, #tpu.memory_space<hbm>>) target(%arg5 : memref<125x40xi32, #tpu.memory_space<vmem>>) target_semaphore(%run_scoped3A : memref<!tpu.dma_semaphore, #tpu.memory_space<semaphore_mem>>)
      %dma_wait3A = arith.constant 0 : i32
      %dma_wait3A_13 = arith.constant 0 : i32
      %dma_wait3A_14 = tpu.memref_slice %arg3[%add3A, %dma_wait3A, %dma_wait3A_13] : memref<32x125x40xi32, #tpu.memory_space<hbm>> -> memref<1x125x40xi32, #tpu.memory_space<hbm>>
      %dma_wait3A_15 = tpu.memref_squeeze %dma_wait3A_14 : memref<1x125x40xi32, #tpu.memory_space<hbm>> -> memref<125x40xi32, #tpu.memory_space<hbm>>
      %dma_wait3A_16 = arith.constant 0 : i32
      %dma_wait3A_17 = arith.constant 0 : i32
      %dma_wait3A_18 = tpu.memref_slice %arg3[%add3A, %dma_wait3A_16, %dma_wait3A_17] : memref<32x125x40xi32, #tpu.memory_space<hbm>> -> memref<1x125x40xi32, #tpu.memory_space<hbm>>
      %dma_wait3A_19 = tpu.memref_squeeze %dma_wait3A_18 : memref<1x125x40xi32, #tpu.memory_space<hbm>> -> memref<125x40xi32, #tpu.memory_space<hbm>>
      tpu.wait_dma2 semaphore(%run_scoped3A : memref<!tpu.dma_semaphore, #tpu.memory_space<semaphore_mem>>) src(%dma_wait3A_19 : memref<125x40xi32, #tpu.memory_space<hbm>>) dst(%arg5 : memref<125x40xi32, #tpu.memory_space<vmem>>)
      tpu.yield
    }) : () -> ()
    %scan3A = arith.constant 0 : i32
    %scan3A_1 = arith.constant 0 : i32
    %scan3A_2 = arith.constant 25 : i32
    %scan3A_3 = arith.addi %scan3A_1, %scan3A_2 : i32
    %scan3A_4 = arith.constant 1 : i32
    scf.for %scan3A_6 = %scan3A_1 to %scan3A_3 step %scan3A_4  : i32 {
      %mul3A_7 = arith.constant 5 : i32
      %mul3A_8 = arith.muli %scan3A_6, %mul3A_7 : i32
      %add3A_9 = arith.constant 0 : i32
      %add3A_10 = arith.addi %mul3A_8, %add3A_9 : i32
      %dma_start3A = arith.constant 0 : i32
      %dma_start3A_11 = arith.constant 0 : i32
      %dma_start3A_12 = tpu.memref_slice %arg6[%dma_start3A, %dma_start3A_11] : memref<200x128xf32, #tpu.memory_space<vmem>> -> memref<40x128xf32, #tpu.memory_space<vmem>>
      %dma_start3A_13 = arith.constant 0 : i32
      %dma_start3A_14 = tpu.memref_slice %arg5[%add3A_10, %dma_start3A_13] : memref<125x40xi32, #tpu.memory_space<vmem>> -> memref<1x40xi32, #tpu.memory_space<vmem>>
      %dma_start3A_15 = tpu.memref_squeeze %dma_start3A_14 : memref<1x40xi32, #tpu.memory_space<vmem>> -> memref<40xi32, #tpu.memory_space<vmem>>
      %dma_start3A_16 = arith.constant 0 : i32
      %dma_start3A_17 = arith.constant 0 : i32
      %dma_start3A_18 = tpu.memref_slice %arg2[%dma_start3A_16, %dma_start3A_17] : memref<10000x128xf32, #tpu.memory_space<hbm>> -> memref<10000x128xf32, #tpu.memory_space<hbm>>
      tpu.enqueue_indirect_dma source(%dma_start3A_18 : memref<10000x128xf32, #tpu.memory_space<hbm>>) target(%dma_start3A_12 : memref<40x128xf32, #tpu.memory_space<vmem>>) offsets(%dma_start3A_15 : memref<40xi32, #tpu.memory_space<vmem>>) semaphore(%arg7 : memref<!tpu.dma_semaphore, #tpu.memory_space<semaphore_mem>>)
      %mul3A_19 = arith.constant 5 : i32
      %mul3A_20 = arith.muli %scan3A_6, %mul3A_19 : i32
      %add3A_21 = arith.constant 1 : i32
      %add3A_22 = arith.addi %mul3A_20, %add3A_21 : i32
      %dma_start3A_23 = arith.constant 40 : i32
      %dma_start3A_24 = arith.constant 0 : i32
      %dma_start3A_25 = tpu.memref_slice %arg6[%dma_start3A_23, %dma_start3A_24] : memref<200x128xf32, #tpu.memory_space<vmem>> -> memref<40x128xf32, #tpu.memory_space<vmem>>
      %dma_start3A_26 = arith.constant 0 : i32
      %dma_start3A_27 = tpu.memref_slice %arg5[%add3A_22, %dma_start3A_26] : memref<125x40xi32, #tpu.memory_space<vmem>> -> memref<1x40xi32, #tpu.memory_space<vmem>>
      %dma_start3A_28 = tpu.memref_squeeze %dma_start3A_27 : memref<1x40xi32, #tpu.memory_space<vmem>> -> memref<40xi32, #tpu.memory_space<vmem>>
      %dma_start3A_29 = arith.constant 0 : i32
      %dma_start3A_30 = arith.constant 0 : i32
      %dma_start3A_31 = tpu.memref_slice %arg2[%dma_start3A_29, %dma_start3A_30] : memref<10000x128xf32, #tpu.memory_space<hbm>> -> memref<10000x128xf32, #tpu.memory_space<hbm>>
      tpu.enqueue_indirect_dma source(%dma_start3A_31 : memref<10000x128xf32, #tpu.memory_space<hbm>>) target(%dma_start3A_25 : memref<40x128xf32, #tpu.memory_space<vmem>>) offsets(%dma_start3A_28 : memref<40xi32, #tpu.memory_space<vmem>>) semaphore(%arg7 : memref<!tpu.dma_semaphore, #tpu.memory_space<semaphore_mem>>)
      %mul3A_32 = arith.constant 5 : i32
      %mul3A_33 = arith.muli %scan3A_6, %mul3A_32 : i32
      %add3A_34 = arith.constant 2 : i32
      %add3A_35 = arith.addi %mul3A_33, %add3A_34 : i32
      %dma_start3A_36 = arith.constant 80 : i32
      %dma_start3A_37 = arith.constant 0 : i32
      %dma_start3A_38 = tpu.memref_slice %arg6[%dma_start3A_36, %dma_start3A_37] : memref<200x128xf32, #tpu.memory_space<vmem>> -> memref<40x128xf32, #tpu.memory_space<vmem>>
      %dma_start3A_39 = arith.constant 0 : i32
      %dma_start3A_40 = tpu.memref_slice %arg5[%add3A_35, %dma_start3A_39] : memref<125x40xi32, #tpu.memory_space<vmem>> -> memref<1x40xi32, #tpu.memory_space<vmem>>
      %dma_start3A_41 = tpu.memref_squeeze %dma_start3A_40 : memref<1x40xi32, #tpu.memory_space<vmem>> -> memref<40xi32, #tpu.memory_space<vmem>>
      %dma_start3A_42 = arith.constant 0 : i32
      %dma_start3A_43 = arith.constant 0 : i32
      %dma_start3A_44 = tpu.memref_slice %arg2[%dma_start3A_42, %dma_start3A_43] : memref<10000x128xf32, #tpu.memory_space<hbm>> -> memref<10000x128xf32, #tpu.memory_space<hbm>>
      tpu.enqueue_indirect_dma source(%dma_start3A_44 : memref<10000x128xf32, #tpu.memory_space<hbm>>) target(%dma_start3A_38 : memref<40x128xf32, #tpu.memory_space<vmem>>) offsets(%dma_start3A_41 : memref<40xi32, #tpu.memory_space<vmem>>) semaphore(%arg7 : memref<!tpu.dma_semaphore, #tpu.memory_space<semaphore_mem>>)
      %mul3A_45 = arith.constant 5 : i32
      %mul3A_46 = arith.muli %scan3A_6, %mul3A_45 : i32
      %add3A_47 = arith.constant 3 : i32
      %add3A_48 = arith.addi %mul3A_46, %add3A_47 : i32
      %dma_start3A_49 = arith.constant 120 : i32
      %dma_start3A_50 = arith.constant 0 : i32
      %dma_start3A_51 = tpu.memref_slice %arg6[%dma_start3A_49, %dma_start3A_50] : memref<200x128xf32, #tpu.memory_space<vmem>> -> memref<40x128xf32, #tpu.memory_space<vmem>>
      %dma_start3A_52 = arith.constant 0 : i32
      %dma_start3A_53 = tpu.memref_slice %arg5[%add3A_48, %dma_start3A_52] : memref<125x40xi32, #tpu.memory_space<vmem>> -> memref<1x40xi32, #tpu.memory_space<vmem>>
      %dma_start3A_54 = tpu.memref_squeeze %dma_start3A_53 : memref<1x40xi32, #tpu.memory_space<vmem>> -> memref<40xi32, #tpu.memory_space<vmem>>
      %dma_start3A_55 = arith.constant 0 : i32
      %dma_start3A_56 = arith.constant 0 : i32
      %dma_start3A_57 = tpu.memref_slice %arg2[%dma_start3A_55, %dma_start3A_56] : memref<10000x128xf32, #tpu.memory_space<hbm>> -> memref<10000x128xf32, #tpu.memory_space<hbm>>
      tpu.enqueue_indirect_dma source(%dma_start3A_57 : memref<10000x128xf32, #tpu.memory_space<hbm>>) target(%dma_start3A_51 : memref<40x128xf32, #tpu.memory_space<vmem>>) offsets(%dma_start3A_54 : memref<40xi32, #tpu.memory_space<vmem>>) semaphore(%arg7 : memref<!tpu.dma_semaphore, #tpu.memory_space<semaphore_mem>>)
      %mul3A_58 = arith.constant 5 : i32
      %mul3A_59 = arith.muli %scan3A_6, %mul3A_58 : i32
      %add3A_60 = arith.constant 4 : i32
      %add3A_61 = arith.addi %mul3A_59, %add3A_60 : i32
      %dma_start3A_62 = arith.constant 160 : i32
      %dma_start3A_63 = arith.constant 0 : i32
      %dma_start3A_64 = tpu.memref_slice %arg6[%dma_start3A_62, %dma_start3A_63] : memref<200x128xf32, #tpu.memory_space<vmem>> -> memref<40x128xf32, #tpu.memory_space<vmem>>
      %dma_start3A_65 = arith.constant 0 : i32
      %dma_start3A_66 = tpu.memref_slice %arg5[%add3A_61, %dma_start3A_65] : memref<125x40xi32, #tpu.memory_space<vmem>> -> memref<1x40xi32, #tpu.memory_space<vmem>>
      %dma_start3A_67 = tpu.memref_squeeze %dma_start3A_66 : memref<1x40xi32, #tpu.memory_space<vmem>> -> memref<40xi32, #tpu.memory_space<vmem>>
      %dma_start3A_68 = arith.constant 0 : i32
      %dma_start3A_69 = arith.constant 0 : i32
      %dma_start3A_70 = tpu.memref_slice %arg2[%dma_start3A_68, %dma_start3A_69] : memref<10000x128xf32, #tpu.memory_space<hbm>> -> memref<10000x128xf32, #tpu.memory_space<hbm>>
      tpu.enqueue_indirect_dma source(%dma_start3A_70 : memref<10000x128xf32, #tpu.memory_space<hbm>>) target(%dma_start3A_64 : memref<40x128xf32, #tpu.memory_space<vmem>>) offsets(%dma_start3A_67 : memref<40xi32, #tpu.memory_space<vmem>>) semaphore(%arg7 : memref<!tpu.dma_semaphore, #tpu.memory_space<semaphore_mem>>)
      %dma_wait3A = arith.constant 0 : i32
      %dma_wait3A_71 = arith.constant 0 : i32
      %dma_wait3A_72 = tpu.memref_slice %arg6[%dma_wait3A, %dma_wait3A_71] : memref<200x128xf32, #tpu.memory_space<vmem>> -> memref<40x128xf32, #tpu.memory_space<vmem>>
      %dma_wait3A_73 = arith.constant 0 : i32
      %dma_wait3A_74 = tpu.memref_slice %arg5[%add3A_10, %dma_wait3A_73] : memref<125x40xi32, #tpu.memory_space<vmem>> -> memref<1x40xi32, #tpu.memory_space<vmem>>
      %dma_wait3A_75 = tpu.memref_squeeze %dma_wait3A_74 : memref<1x40xi32, #tpu.memory_space<vmem>> -> memref<40xi32, #tpu.memory_space<vmem>>
      %dma_wait3A_76 = arith.constant 0 : i32
      %dma_wait3A_77 = arith.constant 0 : i32
      %dma_wait3A_78 = tpu.memref_slice %arg2[%dma_wait3A_76, %dma_wait3A_77] : memref<10000x128xf32, #tpu.memory_space<hbm>> -> memref<10000x128xf32, #tpu.memory_space<hbm>>
      tpu.wait_indirect_dma semaphore(%arg7 : memref<!tpu.dma_semaphore, #tpu.memory_space<semaphore_mem>>) src(%dma_wait3A_78 : memref<10000x128xf32, #tpu.memory_space<hbm>>) dst(%dma_wait3A_72 : memref<40x128xf32, #tpu.memory_space<vmem>>)
      %dma_wait3A_79 = arith.constant 40 : i32
      %dma_wait3A_80 = arith.constant 0 : i32
      %dma_wait3A_81 = tpu.memref_slice %arg6[%dma_wait3A_79, %dma_wait3A_80] : memref<200x128xf32, #tpu.memory_space<vmem>> -> memref<40x128xf32, #tpu.memory_space<vmem>>
      %dma_wait3A_82 = arith.constant 0 : i32
      %dma_wait3A_83 = tpu.memref_slice %arg5[%add3A_22, %dma_wait3A_82] : memref<125x40xi32, #tpu.memory_space<vmem>> -> memref<1x40xi32, #tpu.memory_space<vmem>>
      %dma_wait3A_84 = tpu.memref_squeeze %dma_wait3A_83 : memref<1x40xi32, #tpu.memory_space<vmem>> -> memref<40xi32, #tpu.memory_space<vmem>>
      %dma_wait3A_85 = arith.constant 0 : i32
      %dma_wait3A_86 = arith.constant 0 : i32
      %dma_wait3A_87 = tpu.memref_slice %arg2[%dma_wait3A_85, %dma_wait3A_86] : memref<10000x128xf32, #tpu.memory_space<hbm>> -> memref<10000x128xf32, #tpu.memory_space<hbm>>
      tpu.wait_indirect_dma semaphore(%arg7 : memref<!tpu.dma_semaphore, #tpu.memory_space<semaphore_mem>>) src(%dma_wait3A_87 : memref<10000x128xf32, #tpu.memory_space<hbm>>) dst(%dma_wait3A_81 : memref<40x128xf32, #tpu.memory_space<vmem>>)
      %dma_wait3A_88 = arith.constant 80 : i32
      %dma_wait3A_89 = arith.constant 0 : i32
      %dma_wait3A_90 = tpu.memref_slice %arg6[%dma_wait3A_88, %dma_wait3A_89] : memref<200x128xf32, #tpu.memory_space<vmem>> -> memref<40x128xf32, #tpu.memory_space<vmem>>
      %dma_wait3A_91 = arith.constant 0 : i32
      %dma_wait3A_92 = tpu.memref_slice %arg5[%add3A_35, %dma_wait3A_91] : memref<125x40xi32, #tpu.memory_space<vmem>> -> memref<1x40xi32, #tpu.memory_space<vmem>>
      %dma_wait3A_93 = tpu.memref_squeeze %dma_wait3A_92 : memref<1x40xi32, #tpu.memory_space<vmem>> -> memref<40xi32, #tpu.memory_space<vmem>>
      %dma_wait3A_94 = arith.constant 0 : i32
      %dma_wait3A_95 = arith.constant 0 : i32
      %dma_wait3A_96 = tpu.memref_slice %arg2[%dma_wait3A_94, %dma_wait3A_95] : memref<10000x128xf32, #tpu.memory_space<hbm>> -> memref<10000x128xf32, #tpu.memory_space<hbm>>
      tpu.wait_indirect_dma semaphore(%arg7 : memref<!tpu.dma_semaphore, #tpu.memory_space<semaphore_mem>>) src(%dma_wait3A_96 : memref<10000x128xf32, #tpu.memory_space<hbm>>) dst(%dma_wait3A_90 : memref<40x128xf32, #tpu.memory_space<vmem>>)
      %dma_wait3A_97 = arith.constant 120 : i32
      %dma_wait3A_98 = arith.constant 0 : i32
      %dma_wait3A_99 = tpu.memref_slice %arg6[%dma_wait3A_97, %dma_wait3A_98] : memref<200x128xf32, #tpu.memory_space<vmem>> -> memref<40x128xf32, #tpu.memory_space<vmem>>
      %dma_wait3A_100 = arith.constant 0 : i32
      %dma_wait3A_101 = tpu.memref_slice %arg5[%add3A_48, %dma_wait3A_100] : memref<125x40xi32, #tpu.memory_space<vmem>> -> memref<1x40xi32, #tpu.memory_space<vmem>>
      %dma_wait3A_102 = tpu.memref_squeeze %dma_wait3A_101 : memref<1x40xi32, #tpu.memory_space<vmem>> -> memref<40xi32, #tpu.memory_space<vmem>>
      %dma_wait3A_103 = arith.constant 0 : i32
      %dma_wait3A_104 = arith.constant 0 : i32
      %dma_wait3A_105 = tpu.memref_slice %arg2[%dma_wait3A_103, %dma_wait3A_104] : memref<10000x128xf32, #tpu.memory_space<hbm>> -> memref<10000x128xf32, #tpu.memory_space<hbm>>
      tpu.wait_indirect_dma semaphore(%arg7 : memref<!tpu.dma_semaphore, #tpu.memory_space<semaphore_mem>>) src(%dma_wait3A_105 : memref<10000x128xf32, #tpu.memory_space<hbm>>) dst(%dma_wait3A_99 : memref<40x128xf32, #tpu.memory_space<vmem>>)
      %dma_wait3A_106 = arith.constant 160 : i32
      %dma_wait3A_107 = arith.constant 0 : i32
      %dma_wait3A_108 = tpu.memref_slice %arg6[%dma_wait3A_106, %dma_wait3A_107] : memref<200x128xf32, #tpu.memory_space<vmem>> -> memref<40x128xf32, #tpu.memory_space<vmem>>
      %dma_wait3A_109 = arith.constant 0 : i32
      %dma_wait3A_110 = tpu.memref_slice %arg5[%add3A_61, %dma_wait3A_109] : memref<125x40xi32, #tpu.memory_space<vmem>> -> memref<1x40xi32, #tpu.memory_space<vmem>>
      %dma_wait3A_111 = tpu.memref_squeeze %dma_wait3A_110 : memref<1x40xi32, #tpu.memory_space<vmem>> -> memref<40xi32, #tpu.memory_space<vmem>>
      %dma_wait3A_112 = arith.constant 0 : i32
      %dma_wait3A_113 = arith.constant 0 : i32
      %dma_wait3A_114 = tpu.memref_slice %arg2[%dma_wait3A_112, %dma_wait3A_113] : memref<10000x128xf32, #tpu.memory_space<hbm>> -> memref<10000x128xf32, #tpu.memory_space<hbm>>
      tpu.wait_indirect_dma semaphore(%arg7 : memref<!tpu.dma_semaphore, #tpu.memory_space<semaphore_mem>>) src(%dma_wait3A_114 : memref<10000x128xf32, #tpu.memory_space<hbm>>) dst(%dma_wait3A_108 : memref<40x128xf32, #tpu.memory_space<vmem>>)
      %mul3A_115 = arith.constant 5000 : i32
      %mul3A_116 = arith.muli %add3A, %mul3A_115 : i32
      %mul3A_117 = arith.constant 200 : i32
      %mul3A_118 = arith.muli %scan3A_6, %mul3A_117 : i32
      %add3A_119 = arith.addi %mul3A_116, %mul3A_118 : i32
      "tpu.region"() ({
        %run_scoped3A = tpu.sem_alloc : memref<!tpu.dma_semaphore, #tpu.memory_space<semaphore_mem>>
        %dma_start3A_120 = arith.constant 0 : i32
        %dma_start3A_121 = tpu.memref_slice %arg4[%add3A_119, %dma_start3A_120] : memref<160000x128xf32, #tpu.memory_space<hbm>> -> memref<200x128xf32, #tpu.memory_space<hbm>>
        %dma_start3A_122 = arith.constant 0 : i32
        %dma_start3A_123 = tpu.memref_slice %arg4[%add3A_119, %dma_start3A_122] : memref<160000x128xf32, #tpu.memory_space<hbm>> -> memref<200x128xf32, #tpu.memory_space<hbm>>
        tpu.enqueue_dma source(%arg6 : memref<200x128xf32, #tpu.memory_space<vmem>>) target(%dma_start3A_123 : memref<200x128xf32, #tpu.memory_space<hbm>>) target_semaphore(%run_scoped3A : memref<!tpu.dma_semaphore, #tpu.memory_space<semaphore_mem>>)
        %dma_wait3A_124 = arith.constant 0 : i32
        %dma_wait3A_125 = tpu.memref_slice %arg4[%add3A_119, %dma_wait3A_124] : memref<160000x128xf32, #tpu.memory_space<hbm>> -> memref<200x128xf32, #tpu.memory_space<hbm>>
        %dma_wait3A_126 = arith.constant 0 : i32
        %dma_wait3A_127 = tpu.memref_slice %arg4[%add3A_119, %dma_wait3A_126] : memref<160000x128xf32, #tpu.memory_space<hbm>> -> memref<200x128xf32, #tpu.memory_space<hbm>>
        tpu.wait_dma2 semaphore(%run_scoped3A : memref<!tpu.dma_semaphore, #tpu.memory_space<semaphore_mem>>) src(%arg6 : memref<200x128xf32, #tpu.memory_space<vmem>>) dst(%dma_wait3A_127 : memref<200x128xf32, #tpu.memory_space<hbm>>)
        tpu.yield
      }) : () -> ()
    }
    %scan3A_5 = arith.constant 25 : i32
    return
  }
}

#map = affine_map<(d0, d1) -> (0, 0)>
#map1 = affine_map<(d0, d1) -> (0, 0, 0)>
module attributes {stable_mosaic.version = 14 : i64} {
  func.func @_scatter2_body(%arg0: i32, %arg1: i32, %arg2: memref<160000x16xf32, #tpu.memory_space<hbm>>, %arg3: memref<160000x16xf32, #tpu.memory_space<hbm>>, %arg4: memref<32x125x80xi32, #tpu.memory_space<hbm>>, %arg5: memref<10240x16xf32, #tpu.memory_space<hbm>>, %arg6: memref<2x10240x16xf32, #tpu.memory_space<hbm>>, %arg7: memref<125x80xi32, #tpu.memory_space<vmem>>, %arg8: memref<400x16xf32, #tpu.memory_space<vmem>>, %arg9: memref<10240x16xf32, #tpu.memory_space<vmem_shared>>) attributes {dimension_semantics = [#tpu.dimension_semantics<core_parallel>, #tpu.dimension_semantics<subcore_parallel>], iteration_bounds = array<i64: 2, 16>, scalar_prefetch = 0 : i64, scratch_operands = 3 : i64, tpu.core_type = #tpu.core_type<sc_vector_subcore>, window_params = [{transform_indices = #map}, {transform_indices = #map}, {transform_indices = #map1}, {transform_indices = #map}, {transform_indices = #map1}]} {
    %mul3A = arith.constant 640 : i32
    %mul3A_0 = arith.muli %arg1, %mul3A : i32
    %mul3A_1 = arith.constant 640 : i32
    %mul3A_2 = arith.muli %arg1, %mul3A_1 : i32
    "tpu.region"() ({
      %run_scoped3A = tpu.sem_alloc : memref<!tpu.dma_semaphore, #tpu.memory_space<semaphore_mem>>
      %dma_start3A = arith.constant 0 : i32
      %dma_start3A_17 = tpu.memref_slice %arg9[%mul3A_2, %dma_start3A] : memref<10240x16xf32, #tpu.memory_space<vmem_shared>> -> memref<640x16xf32, #tpu.memory_space<vmem_shared>>
      %dma_start3A_18 = arith.constant 0 : i32
      %dma_start3A_19 = tpu.memref_slice %arg5[%mul3A_0, %dma_start3A_18] : memref<10240x16xf32, #tpu.memory_space<hbm>> -> memref<640x16xf32, #tpu.memory_space<hbm>>
      tpu.enqueue_dma source(%dma_start3A_19 : memref<640x16xf32, #tpu.memory_space<hbm>>) target(%dma_start3A_17 : memref<640x16xf32, #tpu.memory_space<vmem_shared>>) target_semaphore(%run_scoped3A : memref<!tpu.dma_semaphore, #tpu.memory_space<semaphore_mem>>)
      %dma_wait3A = arith.constant 0 : i32
      %dma_wait3A_20 = tpu.memref_slice %arg9[%mul3A_2, %dma_wait3A] : memref<10240x16xf32, #tpu.memory_space<vmem_shared>> -> memref<640x16xf32, #tpu.memory_space<vmem_shared>>
      %dma_wait3A_21 = arith.constant 0 : i32
      %dma_wait3A_22 = tpu.memref_slice %arg5[%mul3A_0, %dma_wait3A_21] : memref<10240x16xf32, #tpu.memory_space<hbm>> -> memref<640x16xf32, #tpu.memory_space<hbm>>
      tpu.wait_dma2 semaphore(%run_scoped3A : memref<!tpu.dma_semaphore, #tpu.memory_space<semaphore_mem>>) src(%dma_wait3A_22 : memref<640x16xf32, #tpu.memory_space<hbm>>) dst(%dma_wait3A_20 : memref<640x16xf32, #tpu.memory_space<vmem_shared>>)
      tpu.yield
    }) : () -> ()
    %barrier3A = arith.constant 0 : index
    tpu.barrier barrier_id(%barrier3A)
    %mul3A_3 = arith.constant 16 : i32
    %mul3A_4 = arith.muli %arg0, %mul3A_3 : i32
    %add3A = arith.addi %mul3A_4, %arg1 : i32
    "tpu.region"() ({
      %run_scoped3A = tpu.sem_alloc : memref<!tpu.dma_semaphore, #tpu.memory_space<semaphore_mem>>
      %dma_start3A = arith.constant 0 : i32
      %dma_start3A_17 = arith.constant 0 : i32
      %dma_start3A_18 = tpu.memref_slice %arg4[%add3A, %dma_start3A, %dma_start3A_17] : memref<32x125x80xi32, #tpu.memory_space<hbm>> -> memref<1x125x80xi32, #tpu.memory_space<hbm>>
      %dma_start3A_19 = tpu.memref_squeeze %dma_start3A_18 : memref<1x125x80xi32, #tpu.memory_space<hbm>> -> memref<125x80xi32, #tpu.memory_space<hbm>>
      %dma_start3A_20 = arith.constant 0 : i32
      %dma_start3A_21 = arith.constant 0 : i32
      %dma_start3A_22 = tpu.memref_slice %arg4[%add3A, %dma_start3A_20, %dma_start3A_21] : memref<32x125x80xi32, #tpu.memory_space<hbm>> -> memref<1x125x80xi32, #tpu.memory_space<hbm>>
      %dma_start3A_23 = tpu.memref_squeeze %dma_start3A_22 : memref<1x125x80xi32, #tpu.memory_space<hbm>> -> memref<125x80xi32, #tpu.memory_space<hbm>>
      tpu.enqueue_dma source(%dma_start3A_23 : memref<125x80xi32, #tpu.memory_space<hbm>>) target(%arg7 : memref<125x80xi32, #tpu.memory_space<vmem>>) target_semaphore(%run_scoped3A : memref<!tpu.dma_semaphore, #tpu.memory_space<semaphore_mem>>)
      %dma_wait3A = arith.constant 0 : i32
      %dma_wait3A_24 = arith.constant 0 : i32
      %dma_wait3A_25 = tpu.memref_slice %arg4[%add3A, %dma_wait3A, %dma_wait3A_24] : memref<32x125x80xi32, #tpu.memory_space<hbm>> -> memref<1x125x80xi32, #tpu.memory_space<hbm>>
      %dma_wait3A_26 = tpu.memref_squeeze %dma_wait3A_25 : memref<1x125x80xi32, #tpu.memory_space<hbm>> -> memref<125x80xi32, #tpu.memory_space<hbm>>
      %dma_wait3A_27 = arith.constant 0 : i32
      %dma_wait3A_28 = arith.constant 0 : i32
      %dma_wait3A_29 = tpu.memref_slice %arg4[%add3A, %dma_wait3A_27, %dma_wait3A_28] : memref<32x125x80xi32, #tpu.memory_space<hbm>> -> memref<1x125x80xi32, #tpu.memory_space<hbm>>
      %dma_wait3A_30 = tpu.memref_squeeze %dma_wait3A_29 : memref<1x125x80xi32, #tpu.memory_space<hbm>> -> memref<125x80xi32, #tpu.memory_space<hbm>>
      tpu.wait_dma2 semaphore(%run_scoped3A : memref<!tpu.dma_semaphore, #tpu.memory_space<semaphore_mem>>) src(%dma_wait3A_30 : memref<125x80xi32, #tpu.memory_space<hbm>>) dst(%arg7 : memref<125x80xi32, #tpu.memory_space<vmem>>)
      tpu.yield
    }) : () -> ()
    %eq3A = arith.constant 0 : i32
    %eq3A_5 = arith.cmpi eq, %arg0, %eq3A : i32
    %convert_element_type3A = arith.extui %eq3A_5 : i1 to i32
    %cond3A = arith.constant 0 : i32
    %cond3A_6 = arith.cmpi ne, %convert_element_type3A, %cond3A : i32
    scf.if %cond3A_6 {
      %scan3A = arith.constant 0 : i32
      %scan3A_17 = arith.constant 0 : i32
      %scan3A_18 = arith.constant 25 : i32
      %scan3A_19 = arith.addi %scan3A_17, %scan3A_18 : i32
      %scan3A_20 = arith.constant 1 : i32
      scf.for %scan3A_22 = %scan3A_17 to %scan3A_19 step %scan3A_20  : i32 {
        %mul3A_23 = arith.constant 10000 : i32
        %mul3A_24 = arith.muli %arg1, %mul3A_23 : i32
        %mul3A_25 = arith.constant 400 : i32
        %mul3A_26 = arith.muli %scan3A_22, %mul3A_25 : i32
        %add3A_27 = arith.addi %mul3A_24, %mul3A_26 : i32
        "tpu.region"() ({
          %run_scoped3A = tpu.sem_alloc : memref<!tpu.dma_semaphore, #tpu.memory_space<semaphore_mem>>
          %dma_start3A = arith.constant 0 : i32
          %dma_start3A_48 = tpu.memref_slice %arg2[%add3A_27, %dma_start3A] : memref<160000x16xf32, #tpu.memory_space<hbm>> -> memref<400x16xf32, #tpu.memory_space<hbm>>
          %dma_start3A_49 = arith.constant 0 : i32
          %dma_start3A_50 = tpu.memref_slice %arg2[%add3A_27, %dma_start3A_49] : memref<160000x16xf32, #tpu.memory_space<hbm>> -> memref<400x16xf32, #tpu.memory_space<hbm>>
          tpu.enqueue_dma source(%dma_start3A_50 : memref<400x16xf32, #tpu.memory_space<hbm>>) target(%arg8 : memref<400x16xf32, #tpu.memory_space<vmem>>) target_semaphore(%run_scoped3A : memref<!tpu.dma_semaphore, #tpu.memory_space<semaphore_mem>>)
          %dma_wait3A = arith.constant 0 : i32
          %dma_wait3A_51 = tpu.memref_slice %arg2[%add3A_27, %dma_wait3A] : memref<160000x16xf32, #tpu.memory_space<hbm>> -> memref<400x16xf32, #tpu.memory_space<hbm>>
          %dma_wait3A_52 = arith.constant 0 : i32
          %dma_wait3A_53 = tpu.memref_slice %arg2[%add3A_27, %dma_wait3A_52] : memref<160000x16xf32, #tpu.memory_space<hbm>> -> memref<400x16xf32, #tpu.memory_space<hbm>>
          tpu.wait_dma2 semaphore(%run_scoped3A : memref<!tpu.dma_semaphore, #tpu.memory_space<semaphore_mem>>) src(%dma_wait3A_53 : memref<400x16xf32, #tpu.memory_space<hbm>>) dst(%arg8 : memref<400x16xf32, #tpu.memory_space<vmem>>)
          tpu.yield
        }) : () -> ()
        %mul3A_28 = arith.constant 5 : i32
        %mul3A_29 = arith.muli %scan3A_22, %mul3A_28 : i32
        %add3A_30 = arith.constant 0 : i32
        %add3A_31 = arith.addi %mul3A_29, %add3A_30 : i32
        "tpu.region"() ({
          %run_scoped3A = tpu.sem_alloc : memref<!tpu.dma_semaphore, #tpu.memory_space<semaphore_mem>>
          %dma_start3A = arith.constant 0 : i32
          %dma_start3A_48 = arith.constant 0 : i32
          %dma_start3A_49 = tpu.memref_slice %arg8[%dma_start3A, %dma_start3A_48] : memref<400x16xf32, #tpu.memory_space<vmem>> -> memref<80x16xf32, #tpu.memory_space<vmem>>
          %dma_start3A_50 = arith.constant 0 : i32
          %dma_start3A_51 = tpu.memref_slice %arg7[%add3A_31, %dma_start3A_50] : memref<125x80xi32, #tpu.memory_space<vmem>> -> memref<1x80xi32, #tpu.memory_space<vmem>>
          %dma_start3A_52 = tpu.memref_squeeze %dma_start3A_51 : memref<1x80xi32, #tpu.memory_space<vmem>> -> memref<80xi32, #tpu.memory_space<vmem>>
          %dma_start3A_53 = arith.constant 0 : i32
          %dma_start3A_54 = arith.constant 0 : i32
          %dma_start3A_55 = tpu.memref_slice %arg9[%dma_start3A_53, %dma_start3A_54] : memref<10240x16xf32, #tpu.memory_space<vmem_shared>> -> memref<10240x16xf32, #tpu.memory_space<vmem_shared>>
          tpu.enqueue_indirect_dma source(%dma_start3A_49 : memref<80x16xf32, #tpu.memory_space<vmem>>) target(%dma_start3A_55 : memref<10240x16xf32, #tpu.memory_space<vmem_shared>>) offsets(%dma_start3A_52 : memref<80xi32, #tpu.memory_space<vmem>>) semaphore(%run_scoped3A : memref<!tpu.dma_semaphore, #tpu.memory_space<semaphore_mem>>) {add = true}
          %dma_wait3A = arith.constant 0 : i32
          %dma_wait3A_56 = arith.constant 0 : i32
          %dma_wait3A_57 = tpu.memref_slice %arg8[%dma_wait3A, %dma_wait3A_56] : memref<400x16xf32, #tpu.memory_space<vmem>> -> memref<80x16xf32, #tpu.memory_space<vmem>>
          %dma_wait3A_58 = arith.constant 0 : i32
          %dma_wait3A_59 = tpu.memref_slice %arg7[%add3A_31, %dma_wait3A_58] : memref<125x80xi32, #tpu.memory_space<vmem>> -> memref<1x80xi32, #tpu.memory_space<vmem>>
          %dma_wait3A_60 = tpu.memref_squeeze %dma_wait3A_59 : memref<1x80xi32, #tpu.memory_space<vmem>> -> memref<80xi32, #tpu.memory_space<vmem>>
          %dma_wait3A_61 = arith.constant 0 : i32
          %dma_wait3A_62 = arith.constant 0 : i32
          %dma_wait3A_63 = tpu.memref_slice %arg9[%dma_wait3A_61, %dma_wait3A_62] : memref<10240x16xf32, #tpu.memory_space<vmem_shared>> -> memref<10240x16xf32, #tpu.memory_space<vmem_shared>>
          tpu.wait_indirect_dma semaphore(%run_scoped3A : memref<!tpu.dma_semaphore, #tpu.memory_space<semaphore_mem>>) src(%dma_wait3A_57 : memref<80x16xf32, #tpu.memory_space<vmem>>) dst(%dma_wait3A_63 : memref<10240x16xf32, #tpu.memory_space<vmem_shared>>)
          tpu.yield
        }) : () -> ()
        %mul3A_32 = arith.constant 5 : i32
        %mul3A_33 = arith.muli %scan3A_22, %mul3A_32 : i32
        %add3A_34 = arith.constant 1 : i32
        %add3A_35 = arith.addi %mul3A_33, %add3A_34 : i32
        "tpu.region"() ({
          %run_scoped3A = tpu.sem_alloc : memref<!tpu.dma_semaphore, #tpu.memory_space<semaphore_mem>>
          %dma_start3A = arith.constant 80 : i32
          %dma_start3A_48 = arith.constant 0 : i32
          %dma_start3A_49 = tpu.memref_slice %arg8[%dma_start3A, %dma_start3A_48] : memref<400x16xf32, #tpu.memory_space<vmem>> -> memref<80x16xf32, #tpu.memory_space<vmem>>
          %dma_start3A_50 = arith.constant 0 : i32
          %dma_start3A_51 = tpu.memref_slice %arg7[%add3A_35, %dma_start3A_50] : memref<125x80xi32, #tpu.memory_space<vmem>> -> memref<1x80xi32, #tpu.memory_space<vmem>>
          %dma_start3A_52 = tpu.memref_squeeze %dma_start3A_51 : memref<1x80xi32, #tpu.memory_space<vmem>> -> memref<80xi32, #tpu.memory_space<vmem>>
          %dma_start3A_53 = arith.constant 0 : i32
          %dma_start3A_54 = arith.constant 0 : i32
          %dma_start3A_55 = tpu.memref_slice %arg9[%dma_start3A_53, %dma_start3A_54] : memref<10240x16xf32, #tpu.memory_space<vmem_shared>> -> memref<10240x16xf32, #tpu.memory_space<vmem_shared>>
          tpu.enqueue_indirect_dma source(%dma_start3A_49 : memref<80x16xf32, #tpu.memory_space<vmem>>) target(%dma_start3A_55 : memref<10240x16xf32, #tpu.memory_space<vmem_shared>>) offsets(%dma_start3A_52 : memref<80xi32, #tpu.memory_space<vmem>>) semaphore(%run_scoped3A : memref<!tpu.dma_semaphore, #tpu.memory_space<semaphore_mem>>) {add = true}
          %dma_wait3A = arith.constant 80 : i32
          %dma_wait3A_56 = arith.constant 0 : i32
          %dma_wait3A_57 = tpu.memref_slice %arg8[%dma_wait3A, %dma_wait3A_56] : memref<400x16xf32, #tpu.memory_space<vmem>> -> memref<80x16xf32, #tpu.memory_space<vmem>>
          %dma_wait3A_58 = arith.constant 0 : i32
          %dma_wait3A_59 = tpu.memref_slice %arg7[%add3A_35, %dma_wait3A_58] : memref<125x80xi32, #tpu.memory_space<vmem>> -> memref<1x80xi32, #tpu.memory_space<vmem>>
          %dma_wait3A_60 = tpu.memref_squeeze %dma_wait3A_59 : memref<1x80xi32, #tpu.memory_space<vmem>> -> memref<80xi32, #tpu.memory_space<vmem>>
          %dma_wait3A_61 = arith.constant 0 : i32
          %dma_wait3A_62 = arith.constant 0 : i32
          %dma_wait3A_63 = tpu.memref_slice %arg9[%dma_wait3A_61, %dma_wait3A_62] : memref<10240x16xf32, #tpu.memory_space<vmem_shared>> -> memref<10240x16xf32, #tpu.memory_space<vmem_shared>>
          tpu.wait_indirect_dma semaphore(%run_scoped3A : memref<!tpu.dma_semaphore, #tpu.memory_space<semaphore_mem>>) src(%dma_wait3A_57 : memref<80x16xf32, #tpu.memory_space<vmem>>) dst(%dma_wait3A_63 : memref<10240x16xf32, #tpu.memory_space<vmem_shared>>)
          tpu.yield
        }) : () -> ()
        %mul3A_36 = arith.constant 5 : i32
        %mul3A_37 = arith.muli %scan3A_22, %mul3A_36 : i32
        %add3A_38 = arith.constant 2 : i32
        %add3A_39 = arith.addi %mul3A_37, %add3A_38 : i32
        "tpu.region"() ({
          %run_scoped3A = tpu.sem_alloc : memref<!tpu.dma_semaphore, #tpu.memory_space<semaphore_mem>>
          %dma_start3A = arith.constant 160 : i32
          %dma_start3A_48 = arith.constant 0 : i32
          %dma_start3A_49 = tpu.memref_slice %arg8[%dma_start3A, %dma_start3A_48] : memref<400x16xf32, #tpu.memory_space<vmem>> -> memref<80x16xf32, #tpu.memory_space<vmem>>
          %dma_start3A_50 = arith.constant 0 : i32
          %dma_start3A_51 = tpu.memref_slice %arg7[%add3A_39, %dma_start3A_50] : memref<125x80xi32, #tpu.memory_space<vmem>> -> memref<1x80xi32, #tpu.memory_space<vmem>>
          %dma_start3A_52 = tpu.memref_squeeze %dma_start3A_51 : memref<1x80xi32, #tpu.memory_space<vmem>> -> memref<80xi32, #tpu.memory_space<vmem>>
          %dma_start3A_53 = arith.constant 0 : i32
          %dma_start3A_54 = arith.constant 0 : i32
          %dma_start3A_55 = tpu.memref_slice %arg9[%dma_start3A_53, %dma_start3A_54] : memref<10240x16xf32, #tpu.memory_space<vmem_shared>> -> memref<10240x16xf32, #tpu.memory_space<vmem_shared>>
          tpu.enqueue_indirect_dma source(%dma_start3A_49 : memref<80x16xf32, #tpu.memory_space<vmem>>) target(%dma_start3A_55 : memref<10240x16xf32, #tpu.memory_space<vmem_shared>>) offsets(%dma_start3A_52 : memref<80xi32, #tpu.memory_space<vmem>>) semaphore(%run_scoped3A : memref<!tpu.dma_semaphore, #tpu.memory_space<semaphore_mem>>) {add = true}
          %dma_wait3A = arith.constant 160 : i32
          %dma_wait3A_56 = arith.constant 0 : i32
          %dma_wait3A_57 = tpu.memref_slice %arg8[%dma_wait3A, %dma_wait3A_56] : memref<400x16xf32, #tpu.memory_space<vmem>> -> memref<80x16xf32, #tpu.memory_space<vmem>>
          %dma_wait3A_58 = arith.constant 0 : i32
          %dma_wait3A_59 = tpu.memref_slice %arg7[%add3A_39, %dma_wait3A_58] : memref<125x80xi32, #tpu.memory_space<vmem>> -> memref<1x80xi32, #tpu.memory_space<vmem>>
          %dma_wait3A_60 = tpu.memref_squeeze %dma_wait3A_59 : memref<1x80xi32, #tpu.memory_space<vmem>> -> memref<80xi32, #tpu.memory_space<vmem>>
          %dma_wait3A_61 = arith.constant 0 : i32
          %dma_wait3A_62 = arith.constant 0 : i32
          %dma_wait3A_63 = tpu.memref_slice %arg9[%dma_wait3A_61, %dma_wait3A_62] : memref<10240x16xf32, #tpu.memory_space<vmem_shared>> -> memref<10240x16xf32, #tpu.memory_space<vmem_shared>>
          tpu.wait_indirect_dma semaphore(%run_scoped3A : memref<!tpu.dma_semaphore, #tpu.memory_space<semaphore_mem>>) src(%dma_wait3A_57 : memref<80x16xf32, #tpu.memory_space<vmem>>) dst(%dma_wait3A_63 : memref<10240x16xf32, #tpu.memory_space<vmem_shared>>)
          tpu.yield
        }) : () -> ()
        %mul3A_40 = arith.constant 5 : i32
        %mul3A_41 = arith.muli %scan3A_22, %mul3A_40 : i32
        %add3A_42 = arith.constant 3 : i32
        %add3A_43 = arith.addi %mul3A_41, %add3A_42 : i32
        "tpu.region"() ({
          %run_scoped3A = tpu.sem_alloc : memref<!tpu.dma_semaphore, #tpu.memory_space<semaphore_mem>>
          %dma_start3A = arith.constant 240 : i32
          %dma_start3A_48 = arith.constant 0 : i32
          %dma_start3A_49 = tpu.memref_slice %arg8[%dma_start3A, %dma_start3A_48] : memref<400x16xf32, #tpu.memory_space<vmem>> -> memref<80x16xf32, #tpu.memory_space<vmem>>
          %dma_start3A_50 = arith.constant 0 : i32
          %dma_start3A_51 = tpu.memref_slice %arg7[%add3A_43, %dma_start3A_50] : memref<125x80xi32, #tpu.memory_space<vmem>> -> memref<1x80xi32, #tpu.memory_space<vmem>>
          %dma_start3A_52 = tpu.memref_squeeze %dma_start3A_51 : memref<1x80xi32, #tpu.memory_space<vmem>> -> memref<80xi32, #tpu.memory_space<vmem>>
          %dma_start3A_53 = arith.constant 0 : i32
          %dma_start3A_54 = arith.constant 0 : i32
          %dma_start3A_55 = tpu.memref_slice %arg9[%dma_start3A_53, %dma_start3A_54] : memref<10240x16xf32, #tpu.memory_space<vmem_shared>> -> memref<10240x16xf32, #tpu.memory_space<vmem_shared>>
          tpu.enqueue_indirect_dma source(%dma_start3A_49 : memref<80x16xf32, #tpu.memory_space<vmem>>) target(%dma_start3A_55 : memref<10240x16xf32, #tpu.memory_space<vmem_shared>>) offsets(%dma_start3A_52 : memref<80xi32, #tpu.memory_space<vmem>>) semaphore(%run_scoped3A : memref<!tpu.dma_semaphore, #tpu.memory_space<semaphore_mem>>) {add = true}
          %dma_wait3A = arith.constant 240 : i32
          %dma_wait3A_56 = arith.constant 0 : i32
          %dma_wait3A_57 = tpu.memref_slice %arg8[%dma_wait3A, %dma_wait3A_56] : memref<400x16xf32, #tpu.memory_space<vmem>> -> memref<80x16xf32, #tpu.memory_space<vmem>>
          %dma_wait3A_58 = arith.constant 0 : i32
          %dma_wait3A_59 = tpu.memref_slice %arg7[%add3A_43, %dma_wait3A_58] : memref<125x80xi32, #tpu.memory_space<vmem>> -> memref<1x80xi32, #tpu.memory_space<vmem>>
          %dma_wait3A_60 = tpu.memref_squeeze %dma_wait3A_59 : memref<1x80xi32, #tpu.memory_space<vmem>> -> memref<80xi32, #tpu.memory_space<vmem>>
          %dma_wait3A_61 = arith.constant 0 : i32
          %dma_wait3A_62 = arith.constant 0 : i32
          %dma_wait3A_63 = tpu.memref_slice %arg9[%dma_wait3A_61, %dma_wait3A_62] : memref<10240x16xf32, #tpu.memory_space<vmem_shared>> -> memref<10240x16xf32, #tpu.memory_space<vmem_shared>>
          tpu.wait_indirect_dma semaphore(%run_scoped3A : memref<!tpu.dma_semaphore, #tpu.memory_space<semaphore_mem>>) src(%dma_wait3A_57 : memref<80x16xf32, #tpu.memory_space<vmem>>) dst(%dma_wait3A_63 : memref<10240x16xf32, #tpu.memory_space<vmem_shared>>)
          tpu.yield
        }) : () -> ()
        %mul3A_44 = arith.constant 5 : i32
        %mul3A_45 = arith.muli %scan3A_22, %mul3A_44 : i32
        %add3A_46 = arith.constant 4 : i32
        %add3A_47 = arith.addi %mul3A_45, %add3A_46 : i32
        "tpu.region"() ({
          %run_scoped3A = tpu.sem_alloc : memref<!tpu.dma_semaphore, #tpu.memory_space<semaphore_mem>>
          %dma_start3A = arith.constant 320 : i32
          %dma_start3A_48 = arith.constant 0 : i32
          %dma_start3A_49 = tpu.memref_slice %arg8[%dma_start3A, %dma_start3A_48] : memref<400x16xf32, #tpu.memory_space<vmem>> -> memref<80x16xf32, #tpu.memory_space<vmem>>
          %dma_start3A_50 = arith.constant 0 : i32
          %dma_start3A_51 = tpu.memref_slice %arg7[%add3A_47, %dma_start3A_50] : memref<125x80xi32, #tpu.memory_space<vmem>> -> memref<1x80xi32, #tpu.memory_space<vmem>>
          %dma_start3A_52 = tpu.memref_squeeze %dma_start3A_51 : memref<1x80xi32, #tpu.memory_space<vmem>> -> memref<80xi32, #tpu.memory_space<vmem>>
          %dma_start3A_53 = arith.constant 0 : i32
          %dma_start3A_54 = arith.constant 0 : i32
          %dma_start3A_55 = tpu.memref_slice %arg9[%dma_start3A_53, %dma_start3A_54] : memref<10240x16xf32, #tpu.memory_space<vmem_shared>> -> memref<10240x16xf32, #tpu.memory_space<vmem_shared>>
          tpu.enqueue_indirect_dma source(%dma_start3A_49 : memref<80x16xf32, #tpu.memory_space<vmem>>) target(%dma_start3A_55 : memref<10240x16xf32, #tpu.memory_space<vmem_shared>>) offsets(%dma_start3A_52 : memref<80xi32, #tpu.memory_space<vmem>>) semaphore(%run_scoped3A : memref<!tpu.dma_semaphore, #tpu.memory_space<semaphore_mem>>) {add = true}
          %dma_wait3A = arith.constant 320 : i32
          %dma_wait3A_56 = arith.constant 0 : i32
          %dma_wait3A_57 = tpu.memref_slice %arg8[%dma_wait3A, %dma_wait3A_56] : memref<400x16xf32, #tpu.memory_space<vmem>> -> memref<80x16xf32, #tpu.memory_space<vmem>>
          %dma_wait3A_58 = arith.constant 0 : i32
          %dma_wait3A_59 = tpu.memref_slice %arg7[%add3A_47, %dma_wait3A_58] : memref<125x80xi32, #tpu.memory_space<vmem>> -> memref<1x80xi32, #tpu.memory_space<vmem>>
          %dma_wait3A_60 = tpu.memref_squeeze %dma_wait3A_59 : memref<1x80xi32, #tpu.memory_space<vmem>> -> memref<80xi32, #tpu.memory_space<vmem>>
          %dma_wait3A_61 = arith.constant 0 : i32
          %dma_wait3A_62 = arith.constant 0 : i32
          %dma_wait3A_63 = tpu.memref_slice %arg9[%dma_wait3A_61, %dma_wait3A_62] : memref<10240x16xf32, #tpu.memory_space<vmem_shared>> -> memref<10240x16xf32, #tpu.memory_space<vmem_shared>>
          tpu.wait_indirect_dma semaphore(%run_scoped3A : memref<!tpu.dma_semaphore, #tpu.memory_space<semaphore_mem>>) src(%dma_wait3A_57 : memref<80x16xf32, #tpu.memory_space<vmem>>) dst(%dma_wait3A_63 : memref<10240x16xf32, #tpu.memory_space<vmem_shared>>)
          tpu.yield
        }) : () -> ()
      }
      %scan3A_21 = arith.constant 25 : i32
    } else {
    }
    %eq3A_7 = arith.constant 1 : i32
    %eq3A_8 = arith.cmpi eq, %arg0, %eq3A_7 : i32
    %convert_element_type3A_9 = arith.extui %eq3A_8 : i1 to i32
    %cond3A_10 = arith.constant 0 : i32
    %cond3A_11 = arith.cmpi ne, %convert_element_type3A_9, %cond3A_10 : i32
    scf.if %cond3A_11 {
      %scan3A = arith.constant 0 : i32
      %scan3A_17 = arith.constant 0 : i32
      %scan3A_18 = arith.constant 25 : i32
      %scan3A_19 = arith.addi %scan3A_17, %scan3A_18 : i32
      %scan3A_20 = arith.constant 1 : i32
      scf.for %scan3A_22 = %scan3A_17 to %scan3A_19 step %scan3A_20  : i32 {
        %mul3A_23 = arith.constant 10000 : i32
        %mul3A_24 = arith.muli %arg1, %mul3A_23 : i32
        %mul3A_25 = arith.constant 400 : i32
        %mul3A_26 = arith.muli %scan3A_22, %mul3A_25 : i32
        %add3A_27 = arith.addi %mul3A_24, %mul3A_26 : i32
        "tpu.region"() ({
          %run_scoped3A = tpu.sem_alloc : memref<!tpu.dma_semaphore, #tpu.memory_space<semaphore_mem>>
          %dma_start3A = arith.constant 0 : i32
          %dma_start3A_48 = tpu.memref_slice %arg3[%add3A_27, %dma_start3A] : memref<160000x16xf32, #tpu.memory_space<hbm>> -> memref<400x16xf32, #tpu.memory_space<hbm>>
          %dma_start3A_49 = arith.constant 0 : i32
          %dma_start3A_50 = tpu.memref_slice %arg3[%add3A_27, %dma_start3A_49] : memref<160000x16xf32, #tpu.memory_space<hbm>> -> memref<400x16xf32, #tpu.memory_space<hbm>>
          tpu.enqueue_dma source(%dma_start3A_50 : memref<400x16xf32, #tpu.memory_space<hbm>>) target(%arg8 : memref<400x16xf32, #tpu.memory_space<vmem>>) target_semaphore(%run_scoped3A : memref<!tpu.dma_semaphore, #tpu.memory_space<semaphore_mem>>)
          %dma_wait3A = arith.constant 0 : i32
          %dma_wait3A_51 = tpu.memref_slice %arg3[%add3A_27, %dma_wait3A] : memref<160000x16xf32, #tpu.memory_space<hbm>> -> memref<400x16xf32, #tpu.memory_space<hbm>>
          %dma_wait3A_52 = arith.constant 0 : i32
          %dma_wait3A_53 = tpu.memref_slice %arg3[%add3A_27, %dma_wait3A_52] : memref<160000x16xf32, #tpu.memory_space<hbm>> -> memref<400x16xf32, #tpu.memory_space<hbm>>
          tpu.wait_dma2 semaphore(%run_scoped3A : memref<!tpu.dma_semaphore, #tpu.memory_space<semaphore_mem>>) src(%dma_wait3A_53 : memref<400x16xf32, #tpu.memory_space<hbm>>) dst(%arg8 : memref<400x16xf32, #tpu.memory_space<vmem>>)
          tpu.yield
        }) : () -> ()
        %mul3A_28 = arith.constant 5 : i32
        %mul3A_29 = arith.muli %scan3A_22, %mul3A_28 : i32
        %add3A_30 = arith.constant 0 : i32
        %add3A_31 = arith.addi %mul3A_29, %add3A_30 : i32
        "tpu.region"() ({
          %run_scoped3A = tpu.sem_alloc : memref<!tpu.dma_semaphore, #tpu.memory_space<semaphore_mem>>
          %dma_start3A = arith.constant 0 : i32
          %dma_start3A_48 = arith.constant 0 : i32
          %dma_start3A_49 = tpu.memref_slice %arg8[%dma_start3A, %dma_start3A_48] : memref<400x16xf32, #tpu.memory_space<vmem>> -> memref<80x16xf32, #tpu.memory_space<vmem>>
          %dma_start3A_50 = arith.constant 0 : i32
          %dma_start3A_51 = tpu.memref_slice %arg7[%add3A_31, %dma_start3A_50] : memref<125x80xi32, #tpu.memory_space<vmem>> -> memref<1x80xi32, #tpu.memory_space<vmem>>
          %dma_start3A_52 = tpu.memref_squeeze %dma_start3A_51 : memref<1x80xi32, #tpu.memory_space<vmem>> -> memref<80xi32, #tpu.memory_space<vmem>>
          %dma_start3A_53 = arith.constant 0 : i32
          %dma_start3A_54 = arith.constant 0 : i32
          %dma_start3A_55 = tpu.memref_slice %arg9[%dma_start3A_53, %dma_start3A_54] : memref<10240x16xf32, #tpu.memory_space<vmem_shared>> -> memref<10240x16xf32, #tpu.memory_space<vmem_shared>>
          tpu.enqueue_indirect_dma source(%dma_start3A_49 : memref<80x16xf32, #tpu.memory_space<vmem>>) target(%dma_start3A_55 : memref<10240x16xf32, #tpu.memory_space<vmem_shared>>) offsets(%dma_start3A_52 : memref<80xi32, #tpu.memory_space<vmem>>) semaphore(%run_scoped3A : memref<!tpu.dma_semaphore, #tpu.memory_space<semaphore_mem>>) {add = true}
          %dma_wait3A = arith.constant 0 : i32
          %dma_wait3A_56 = arith.constant 0 : i32
          %dma_wait3A_57 = tpu.memref_slice %arg8[%dma_wait3A, %dma_wait3A_56] : memref<400x16xf32, #tpu.memory_space<vmem>> -> memref<80x16xf32, #tpu.memory_space<vmem>>
          %dma_wait3A_58 = arith.constant 0 : i32
          %dma_wait3A_59 = tpu.memref_slice %arg7[%add3A_31, %dma_wait3A_58] : memref<125x80xi32, #tpu.memory_space<vmem>> -> memref<1x80xi32, #tpu.memory_space<vmem>>
          %dma_wait3A_60 = tpu.memref_squeeze %dma_wait3A_59 : memref<1x80xi32, #tpu.memory_space<vmem>> -> memref<80xi32, #tpu.memory_space<vmem>>
          %dma_wait3A_61 = arith.constant 0 : i32
          %dma_wait3A_62 = arith.constant 0 : i32
          %dma_wait3A_63 = tpu.memref_slice %arg9[%dma_wait3A_61, %dma_wait3A_62] : memref<10240x16xf32, #tpu.memory_space<vmem_shared>> -> memref<10240x16xf32, #tpu.memory_space<vmem_shared>>
          tpu.wait_indirect_dma semaphore(%run_scoped3A : memref<!tpu.dma_semaphore, #tpu.memory_space<semaphore_mem>>) src(%dma_wait3A_57 : memref<80x16xf32, #tpu.memory_space<vmem>>) dst(%dma_wait3A_63 : memref<10240x16xf32, #tpu.memory_space<vmem_shared>>)
          tpu.yield
        }) : () -> ()
        %mul3A_32 = arith.constant 5 : i32
        %mul3A_33 = arith.muli %scan3A_22, %mul3A_32 : i32
        %add3A_34 = arith.constant 1 : i32
        %add3A_35 = arith.addi %mul3A_33, %add3A_34 : i32
        "tpu.region"() ({
          %run_scoped3A = tpu.sem_alloc : memref<!tpu.dma_semaphore, #tpu.memory_space<semaphore_mem>>
          %dma_start3A = arith.constant 80 : i32
          %dma_start3A_48 = arith.constant 0 : i32
          %dma_start3A_49 = tpu.memref_slice %arg8[%dma_start3A, %dma_start3A_48] : memref<400x16xf32, #tpu.memory_space<vmem>> -> memref<80x16xf32, #tpu.memory_space<vmem>>
          %dma_start3A_50 = arith.constant 0 : i32
          %dma_start3A_51 = tpu.memref_slice %arg7[%add3A_35, %dma_start3A_50] : memref<125x80xi32, #tpu.memory_space<vmem>> -> memref<1x80xi32, #tpu.memory_space<vmem>>
          %dma_start3A_52 = tpu.memref_squeeze %dma_start3A_51 : memref<1x80xi32, #tpu.memory_space<vmem>> -> memref<80xi32, #tpu.memory_space<vmem>>
          %dma_start3A_53 = arith.constant 0 : i32
          %dma_start3A_54 = arith.constant 0 : i32
          %dma_start3A_55 = tpu.memref_slice %arg9[%dma_start3A_53, %dma_start3A_54] : memref<10240x16xf32, #tpu.memory_space<vmem_shared>> -> memref<10240x16xf32, #tpu.memory_space<vmem_shared>>
          tpu.enqueue_indirect_dma source(%dma_start3A_49 : memref<80x16xf32, #tpu.memory_space<vmem>>) target(%dma_start3A_55 : memref<10240x16xf32, #tpu.memory_space<vmem_shared>>) offsets(%dma_start3A_52 : memref<80xi32, #tpu.memory_space<vmem>>) semaphore(%run_scoped3A : memref<!tpu.dma_semaphore, #tpu.memory_space<semaphore_mem>>) {add = true}
          %dma_wait3A = arith.constant 80 : i32
          %dma_wait3A_56 = arith.constant 0 : i32
          %dma_wait3A_57 = tpu.memref_slice %arg8[%dma_wait3A, %dma_wait3A_56] : memref<400x16xf32, #tpu.memory_space<vmem>> -> memref<80x16xf32, #tpu.memory_space<vmem>>
          %dma_wait3A_58 = arith.constant 0 : i32
          %dma_wait3A_59 = tpu.memref_slice %arg7[%add3A_35, %dma_wait3A_58] : memref<125x80xi32, #tpu.memory_space<vmem>> -> memref<1x80xi32, #tpu.memory_space<vmem>>
          %dma_wait3A_60 = tpu.memref_squeeze %dma_wait3A_59 : memref<1x80xi32, #tpu.memory_space<vmem>> -> memref<80xi32, #tpu.memory_space<vmem>>
          %dma_wait3A_61 = arith.constant 0 : i32
          %dma_wait3A_62 = arith.constant 0 : i32
          %dma_wait3A_63 = tpu.memref_slice %arg9[%dma_wait3A_61, %dma_wait3A_62] : memref<10240x16xf32, #tpu.memory_space<vmem_shared>> -> memref<10240x16xf32, #tpu.memory_space<vmem_shared>>
          tpu.wait_indirect_dma semaphore(%run_scoped3A : memref<!tpu.dma_semaphore, #tpu.memory_space<semaphore_mem>>) src(%dma_wait3A_57 : memref<80x16xf32, #tpu.memory_space<vmem>>) dst(%dma_wait3A_63 : memref<10240x16xf32, #tpu.memory_space<vmem_shared>>)
          tpu.yield
        }) : () -> ()
        %mul3A_36 = arith.constant 5 : i32
        %mul3A_37 = arith.muli %scan3A_22, %mul3A_36 : i32
        %add3A_38 = arith.constant 2 : i32
        %add3A_39 = arith.addi %mul3A_37, %add3A_38 : i32
        "tpu.region"() ({
          %run_scoped3A = tpu.sem_alloc : memref<!tpu.dma_semaphore, #tpu.memory_space<semaphore_mem>>
          %dma_start3A = arith.constant 160 : i32
          %dma_start3A_48 = arith.constant 0 : i32
          %dma_start3A_49 = tpu.memref_slice %arg8[%dma_start3A, %dma_start3A_48] : memref<400x16xf32, #tpu.memory_space<vmem>> -> memref<80x16xf32, #tpu.memory_space<vmem>>
          %dma_start3A_50 = arith.constant 0 : i32
          %dma_start3A_51 = tpu.memref_slice %arg7[%add3A_39, %dma_start3A_50] : memref<125x80xi32, #tpu.memory_space<vmem>> -> memref<1x80xi32, #tpu.memory_space<vmem>>
          %dma_start3A_52 = tpu.memref_squeeze %dma_start3A_51 : memref<1x80xi32, #tpu.memory_space<vmem>> -> memref<80xi32, #tpu.memory_space<vmem>>
          %dma_start3A_53 = arith.constant 0 : i32
          %dma_start3A_54 = arith.constant 0 : i32
          %dma_start3A_55 = tpu.memref_slice %arg9[%dma_start3A_53, %dma_start3A_54] : memref<10240x16xf32, #tpu.memory_space<vmem_shared>> -> memref<10240x16xf32, #tpu.memory_space<vmem_shared>>
          tpu.enqueue_indirect_dma source(%dma_start3A_49 : memref<80x16xf32, #tpu.memory_space<vmem>>) target(%dma_start3A_55 : memref<10240x16xf32, #tpu.memory_space<vmem_shared>>) offsets(%dma_start3A_52 : memref<80xi32, #tpu.memory_space<vmem>>) semaphore(%run_scoped3A : memref<!tpu.dma_semaphore, #tpu.memory_space<semaphore_mem>>) {add = true}
          %dma_wait3A = arith.constant 160 : i32
          %dma_wait3A_56 = arith.constant 0 : i32
          %dma_wait3A_57 = tpu.memref_slice %arg8[%dma_wait3A, %dma_wait3A_56] : memref<400x16xf32, #tpu.memory_space<vmem>> -> memref<80x16xf32, #tpu.memory_space<vmem>>
          %dma_wait3A_58 = arith.constant 0 : i32
          %dma_wait3A_59 = tpu.memref_slice %arg7[%add3A_39, %dma_wait3A_58] : memref<125x80xi32, #tpu.memory_space<vmem>> -> memref<1x80xi32, #tpu.memory_space<vmem>>
          %dma_wait3A_60 = tpu.memref_squeeze %dma_wait3A_59 : memref<1x80xi32, #tpu.memory_space<vmem>> -> memref<80xi32, #tpu.memory_space<vmem>>
          %dma_wait3A_61 = arith.constant 0 : i32
          %dma_wait3A_62 = arith.constant 0 : i32
          %dma_wait3A_63 = tpu.memref_slice %arg9[%dma_wait3A_61, %dma_wait3A_62] : memref<10240x16xf32, #tpu.memory_space<vmem_shared>> -> memref<10240x16xf32, #tpu.memory_space<vmem_shared>>
          tpu.wait_indirect_dma semaphore(%run_scoped3A : memref<!tpu.dma_semaphore, #tpu.memory_space<semaphore_mem>>) src(%dma_wait3A_57 : memref<80x16xf32, #tpu.memory_space<vmem>>) dst(%dma_wait3A_63 : memref<10240x16xf32, #tpu.memory_space<vmem_shared>>)
          tpu.yield
        }) : () -> ()
        %mul3A_40 = arith.constant 5 : i32
        %mul3A_41 = arith.muli %scan3A_22, %mul3A_40 : i32
        %add3A_42 = arith.constant 3 : i32
        %add3A_43 = arith.addi %mul3A_41, %add3A_42 : i32
        "tpu.region"() ({
          %run_scoped3A = tpu.sem_alloc : memref<!tpu.dma_semaphore, #tpu.memory_space<semaphore_mem>>
          %dma_start3A = arith.constant 240 : i32
          %dma_start3A_48 = arith.constant 0 : i32
          %dma_start3A_49 = tpu.memref_slice %arg8[%dma_start3A, %dma_start3A_48] : memref<400x16xf32, #tpu.memory_space<vmem>> -> memref<80x16xf32, #tpu.memory_space<vmem>>
          %dma_start3A_50 = arith.constant 0 : i32
          %dma_start3A_51 = tpu.memref_slice %arg7[%add3A_43, %dma_start3A_50] : memref<125x80xi32, #tpu.memory_space<vmem>> -> memref<1x80xi32, #tpu.memory_space<vmem>>
          %dma_start3A_52 = tpu.memref_squeeze %dma_start3A_51 : memref<1x80xi32, #tpu.memory_space<vmem>> -> memref<80xi32, #tpu.memory_space<vmem>>
          %dma_start3A_53 = arith.constant 0 : i32
          %dma_start3A_54 = arith.constant 0 : i32
          %dma_start3A_55 = tpu.memref_slice %arg9[%dma_start3A_53, %dma_start3A_54] : memref<10240x16xf32, #tpu.memory_space<vmem_shared>> -> memref<10240x16xf32, #tpu.memory_space<vmem_shared>>
          tpu.enqueue_indirect_dma source(%dma_start3A_49 : memref<80x16xf32, #tpu.memory_space<vmem>>) target(%dma_start3A_55 : memref<10240x16xf32, #tpu.memory_space<vmem_shared>>) offsets(%dma_start3A_52 : memref<80xi32, #tpu.memory_space<vmem>>) semaphore(%run_scoped3A : memref<!tpu.dma_semaphore, #tpu.memory_space<semaphore_mem>>) {add = true}
          %dma_wait3A = arith.constant 240 : i32
          %dma_wait3A_56 = arith.constant 0 : i32
          %dma_wait3A_57 = tpu.memref_slice %arg8[%dma_wait3A, %dma_wait3A_56] : memref<400x16xf32, #tpu.memory_space<vmem>> -> memref<80x16xf32, #tpu.memory_space<vmem>>
          %dma_wait3A_58 = arith.constant 0 : i32
          %dma_wait3A_59 = tpu.memref_slice %arg7[%add3A_43, %dma_wait3A_58] : memref<125x80xi32, #tpu.memory_space<vmem>> -> memref<1x80xi32, #tpu.memory_space<vmem>>
          %dma_wait3A_60 = tpu.memref_squeeze %dma_wait3A_59 : memref<1x80xi32, #tpu.memory_space<vmem>> -> memref<80xi32, #tpu.memory_space<vmem>>
          %dma_wait3A_61 = arith.constant 0 : i32
          %dma_wait3A_62 = arith.constant 0 : i32
          %dma_wait3A_63 = tpu.memref_slice %arg9[%dma_wait3A_61, %dma_wait3A_62] : memref<10240x16xf32, #tpu.memory_space<vmem_shared>> -> memref<10240x16xf32, #tpu.memory_space<vmem_shared>>
          tpu.wait_indirect_dma semaphore(%run_scoped3A : memref<!tpu.dma_semaphore, #tpu.memory_space<semaphore_mem>>) src(%dma_wait3A_57 : memref<80x16xf32, #tpu.memory_space<vmem>>) dst(%dma_wait3A_63 : memref<10240x16xf32, #tpu.memory_space<vmem_shared>>)
          tpu.yield
        }) : () -> ()
        %mul3A_44 = arith.constant 5 : i32
        %mul3A_45 = arith.muli %scan3A_22, %mul3A_44 : i32
        %add3A_46 = arith.constant 4 : i32
        %add3A_47 = arith.addi %mul3A_45, %add3A_46 : i32
        "tpu.region"() ({
          %run_scoped3A = tpu.sem_alloc : memref<!tpu.dma_semaphore, #tpu.memory_space<semaphore_mem>>
          %dma_start3A = arith.constant 320 : i32
          %dma_start3A_48 = arith.constant 0 : i32
          %dma_start3A_49 = tpu.memref_slice %arg8[%dma_start3A, %dma_start3A_48] : memref<400x16xf32, #tpu.memory_space<vmem>> -> memref<80x16xf32, #tpu.memory_space<vmem>>
          %dma_start3A_50 = arith.constant 0 : i32
          %dma_start3A_51 = tpu.memref_slice %arg7[%add3A_47, %dma_start3A_50] : memref<125x80xi32, #tpu.memory_space<vmem>> -> memref<1x80xi32, #tpu.memory_space<vmem>>
          %dma_start3A_52 = tpu.memref_squeeze %dma_start3A_51 : memref<1x80xi32, #tpu.memory_space<vmem>> -> memref<80xi32, #tpu.memory_space<vmem>>
          %dma_start3A_53 = arith.constant 0 : i32
          %dma_start3A_54 = arith.constant 0 : i32
          %dma_start3A_55 = tpu.memref_slice %arg9[%dma_start3A_53, %dma_start3A_54] : memref<10240x16xf32, #tpu.memory_space<vmem_shared>> -> memref<10240x16xf32, #tpu.memory_space<vmem_shared>>
          tpu.enqueue_indirect_dma source(%dma_start3A_49 : memref<80x16xf32, #tpu.memory_space<vmem>>) target(%dma_start3A_55 : memref<10240x16xf32, #tpu.memory_space<vmem_shared>>) offsets(%dma_start3A_52 : memref<80xi32, #tpu.memory_space<vmem>>) semaphore(%run_scoped3A : memref<!tpu.dma_semaphore, #tpu.memory_space<semaphore_mem>>) {add = true}
          %dma_wait3A = arith.constant 320 : i32
          %dma_wait3A_56 = arith.constant 0 : i32
          %dma_wait3A_57 = tpu.memref_slice %arg8[%dma_wait3A, %dma_wait3A_56] : memref<400x16xf32, #tpu.memory_space<vmem>> -> memref<80x16xf32, #tpu.memory_space<vmem>>
          %dma_wait3A_58 = arith.constant 0 : i32
          %dma_wait3A_59 = tpu.memref_slice %arg7[%add3A_47, %dma_wait3A_58] : memref<125x80xi32, #tpu.memory_space<vmem>> -> memref<1x80xi32, #tpu.memory_space<vmem>>
          %dma_wait3A_60 = tpu.memref_squeeze %dma_wait3A_59 : memref<1x80xi32, #tpu.memory_space<vmem>> -> memref<80xi32, #tpu.memory_space<vmem>>
          %dma_wait3A_61 = arith.constant 0 : i32
          %dma_wait3A_62 = arith.constant 0 : i32
          %dma_wait3A_63 = tpu.memref_slice %arg9[%dma_wait3A_61, %dma_wait3A_62] : memref<10240x16xf32, #tpu.memory_space<vmem_shared>> -> memref<10240x16xf32, #tpu.memory_space<vmem_shared>>
          tpu.wait_indirect_dma semaphore(%run_scoped3A : memref<!tpu.dma_semaphore, #tpu.memory_space<semaphore_mem>>) src(%dma_wait3A_57 : memref<80x16xf32, #tpu.memory_space<vmem>>) dst(%dma_wait3A_63 : memref<10240x16xf32, #tpu.memory_space<vmem_shared>>)
          tpu.yield
        }) : () -> ()
      }
      %scan3A_21 = arith.constant 25 : i32
    } else {
    }
    %barrier3A_12 = arith.constant 0 : index
    tpu.barrier barrier_id(%barrier3A_12)
    %mul3A_13 = arith.constant 640 : i32
    %mul3A_14 = arith.muli %arg1, %mul3A_13 : i32
    %mul3A_15 = arith.constant 640 : i32
    %mul3A_16 = arith.muli %arg1, %mul3A_15 : i32
    "tpu.region"() ({
      %run_scoped3A = tpu.sem_alloc : memref<!tpu.dma_semaphore, #tpu.memory_space<semaphore_mem>>
      %dma_start3A = arith.constant 0 : i32
      %dma_start3A_17 = tpu.memref_slice %arg6[%arg0, %mul3A_16, %dma_start3A] : memref<2x10240x16xf32, #tpu.memory_space<hbm>> -> memref<1x640x16xf32, #tpu.memory_space<hbm>>
      %dma_start3A_18 = tpu.memref_squeeze %dma_start3A_17 : memref<1x640x16xf32, #tpu.memory_space<hbm>> -> memref<640x16xf32, #tpu.memory_space<hbm>>
      %dma_start3A_19 = arith.constant 0 : i32
      %dma_start3A_20 = tpu.memref_slice %arg9[%mul3A_14, %dma_start3A_19] : memref<10240x16xf32, #tpu.memory_space<vmem_shared>> -> memref<640x16xf32, #tpu.memory_space<vmem_shared>>
      tpu.enqueue_dma source(%dma_start3A_20 : memref<640x16xf32, #tpu.memory_space<vmem_shared>>) target(%dma_start3A_18 : memref<640x16xf32, #tpu.memory_space<hbm>>) target_semaphore(%run_scoped3A : memref<!tpu.dma_semaphore, #tpu.memory_space<semaphore_mem>>)
      %dma_wait3A = arith.constant 0 : i32
      %dma_wait3A_21 = tpu.memref_slice %arg6[%arg0, %mul3A_16, %dma_wait3A] : memref<2x10240x16xf32, #tpu.memory_space<hbm>> -> memref<1x640x16xf32, #tpu.memory_space<hbm>>
      %dma_wait3A_22 = tpu.memref_squeeze %dma_wait3A_21 : memref<1x640x16xf32, #tpu.memory_space<hbm>> -> memref<640x16xf32, #tpu.memory_space<hbm>>
      %dma_wait3A_23 = arith.constant 0 : i32
      %dma_wait3A_24 = tpu.memref_slice %arg9[%mul3A_14, %dma_wait3A_23] : memref<10240x16xf32, #tpu.memory_space<vmem_shared>> -> memref<640x16xf32, #tpu.memory_space<vmem_shared>>
      tpu.wait_dma2 semaphore(%run_scoped3A : memref<!tpu.dma_semaphore, #tpu.memory_space<semaphore_mem>>) src(%dma_wait3A_24 : memref<640x16xf32, #tpu.memory_space<vmem_shared>>) dst(%dma_wait3A_22 : memref<640x16xf32, #tpu.memory_space<hbm>>)
      tpu.yield
    }) : () -> ()
    return
  }
}

#map = affine_map<(d0, d1) -> (0, 0)>
#map1 = affine_map<(d0, d1) -> (0, 0, 0)>
module attributes {stable_mosaic.version = 14 : i64} {
  func.func @_gather_body(%arg0: i32, %arg1: i32, %arg2: memref<10000x16xf32, #tpu.memory_space<hbm>>, %arg3: memref<32x125x80xi32, #tpu.memory_space<hbm>>, %arg4: memref<320000x16xf32, #tpu.memory_space<hbm>>, %arg5: memref<125x80xi32, #tpu.memory_space<vmem>>, %arg6: memref<400x16xf32, #tpu.memory_space<vmem>>, %arg7: memref<!tpu.dma_semaphore, #tpu.memory_space<semaphore_mem>>) attributes {dimension_semantics = [#tpu.dimension_semantics<core_parallel>, #tpu.dimension_semantics<subcore_parallel>], iteration_bounds = array<i64: 2, 16>, scalar_prefetch = 0 : i64, scratch_operands = 3 : i64, tpu.core_type = #tpu.core_type<sc_vector_subcore>, window_params = [{transform_indices = #map}, {transform_indices = #map1}, {transform_indices = #map}]} {
    %mul3A = arith.constant 16 : i32
    %mul3A_0 = arith.muli %arg0, %mul3A : i32
    %add3A = arith.addi %mul3A_0, %arg1 : i32
    "tpu.region"() ({
      %run_scoped3A = tpu.sem_alloc : memref<!tpu.dma_semaphore, #tpu.memory_space<semaphore_mem>>
      %dma_start3A = arith.constant 0 : i32
      %dma_start3A_6 = arith.constant 0 : i32
      %dma_start3A_7 = tpu.memref_slice %arg3[%add3A, %dma_start3A, %dma_start3A_6] : memref<32x125x80xi32, #tpu.memory_space<hbm>> -> memref<1x125x80xi32, #tpu.memory_space<hbm>>
      %dma_start3A_8 = tpu.memref_squeeze %dma_start3A_7 : memref<1x125x80xi32, #tpu.memory_space<hbm>> -> memref<125x80xi32, #tpu.memory_space<hbm>>
      %dma_start3A_9 = arith.constant 0 : i32
      %dma_start3A_10 = arith.constant 0 : i32
      %dma_start3A_11 = tpu.memref_slice %arg3[%add3A, %dma_start3A_9, %dma_start3A_10] : memref<32x125x80xi32, #tpu.memory_space<hbm>> -> memref<1x125x80xi32, #tpu.memory_space<hbm>>
      %dma_start3A_12 = tpu.memref_squeeze %dma_start3A_11 : memref<1x125x80xi32, #tpu.memory_space<hbm>> -> memref<125x80xi32, #tpu.memory_space<hbm>>
      tpu.enqueue_dma source(%dma_start3A_12 : memref<125x80xi32, #tpu.memory_space<hbm>>) target(%arg5 : memref<125x80xi32, #tpu.memory_space<vmem>>) target_semaphore(%run_scoped3A : memref<!tpu.dma_semaphore, #tpu.memory_space<semaphore_mem>>)
      %dma_wait3A = arith.constant 0 : i32
      %dma_wait3A_13 = arith.constant 0 : i32
      %dma_wait3A_14 = tpu.memref_slice %arg3[%add3A, %dma_wait3A, %dma_wait3A_13] : memref<32x125x80xi32, #tpu.memory_space<hbm>> -> memref<1x125x80xi32, #tpu.memory_space<hbm>>
      %dma_wait3A_15 = tpu.memref_squeeze %dma_wait3A_14 : memref<1x125x80xi32, #tpu.memory_space<hbm>> -> memref<125x80xi32, #tpu.memory_space<hbm>>
      %dma_wait3A_16 = arith.constant 0 : i32
      %dma_wait3A_17 = arith.constant 0 : i32
      %dma_wait3A_18 = tpu.memref_slice %arg3[%add3A, %dma_wait3A_16, %dma_wait3A_17] : memref<32x125x80xi32, #tpu.memory_space<hbm>> -> memref<1x125x80xi32, #tpu.memory_space<hbm>>
      %dma_wait3A_19 = tpu.memref_squeeze %dma_wait3A_18 : memref<1x125x80xi32, #tpu.memory_space<hbm>> -> memref<125x80xi32, #tpu.memory_space<hbm>>
      tpu.wait_dma2 semaphore(%run_scoped3A : memref<!tpu.dma_semaphore, #tpu.memory_space<semaphore_mem>>) src(%dma_wait3A_19 : memref<125x80xi32, #tpu.memory_space<hbm>>) dst(%arg5 : memref<125x80xi32, #tpu.memory_space<vmem>>)
      tpu.yield
    }) : () -> ()
    %scan3A = arith.constant 0 : i32
    %scan3A_1 = arith.constant 0 : i32
    %scan3A_2 = arith.constant 25 : i32
    %scan3A_3 = arith.addi %scan3A_1, %scan3A_2 : i32
    %scan3A_4 = arith.constant 1 : i32
    scf.for %scan3A_6 = %scan3A_1 to %scan3A_3 step %scan3A_4  : i32 {
      %mul3A_7 = arith.constant 5 : i32
      %mul3A_8 = arith.muli %scan3A_6, %mul3A_7 : i32
      %add3A_9 = arith.constant 0 : i32
      %add3A_10 = arith.addi %mul3A_8, %add3A_9 : i32
      %dma_start3A = arith.constant 0 : i32
      %dma_start3A_11 = arith.constant 0 : i32
      %dma_start3A_12 = tpu.memref_slice %arg6[%dma_start3A, %dma_start3A_11] : memref<400x16xf32, #tpu.memory_space<vmem>> -> memref<80x16xf32, #tpu.memory_space<vmem>>
      %dma_start3A_13 = arith.constant 0 : i32
      %dma_start3A_14 = tpu.memref_slice %arg5[%add3A_10, %dma_start3A_13] : memref<125x80xi32, #tpu.memory_space<vmem>> -> memref<1x80xi32, #tpu.memory_space<vmem>>
      %dma_start3A_15 = tpu.memref_squeeze %dma_start3A_14 : memref<1x80xi32, #tpu.memory_space<vmem>> -> memref<80xi32, #tpu.memory_space<vmem>>
      %dma_start3A_16 = arith.constant 0 : i32
      %dma_start3A_17 = arith.constant 0 : i32
      %dma_start3A_18 = tpu.memref_slice %arg2[%dma_start3A_16, %dma_start3A_17] : memref<10000x16xf32, #tpu.memory_space<hbm>> -> memref<10000x16xf32, #tpu.memory_space<hbm>>
      tpu.enqueue_indirect_dma source(%dma_start3A_18 : memref<10000x16xf32, #tpu.memory_space<hbm>>) target(%dma_start3A_12 : memref<80x16xf32, #tpu.memory_space<vmem>>) offsets(%dma_start3A_15 : memref<80xi32, #tpu.memory_space<vmem>>) semaphore(%arg7 : memref<!tpu.dma_semaphore, #tpu.memory_space<semaphore_mem>>)
      %mul3A_19 = arith.constant 5 : i32
      %mul3A_20 = arith.muli %scan3A_6, %mul3A_19 : i32
      %add3A_21 = arith.constant 1 : i32
      %add3A_22 = arith.addi %mul3A_20, %add3A_21 : i32
      %dma_start3A_23 = arith.constant 80 : i32
      %dma_start3A_24 = arith.constant 0 : i32
      %dma_start3A_25 = tpu.memref_slice %arg6[%dma_start3A_23, %dma_start3A_24] : memref<400x16xf32, #tpu.memory_space<vmem>> -> memref<80x16xf32, #tpu.memory_space<vmem>>
      %dma_start3A_26 = arith.constant 0 : i32
      %dma_start3A_27 = tpu.memref_slice %arg5[%add3A_22, %dma_start3A_26] : memref<125x80xi32, #tpu.memory_space<vmem>> -> memref<1x80xi32, #tpu.memory_space<vmem>>
      %dma_start3A_28 = tpu.memref_squeeze %dma_start3A_27 : memref<1x80xi32, #tpu.memory_space<vmem>> -> memref<80xi32, #tpu.memory_space<vmem>>
      %dma_start3A_29 = arith.constant 0 : i32
      %dma_start3A_30 = arith.constant 0 : i32
      %dma_start3A_31 = tpu.memref_slice %arg2[%dma_start3A_29, %dma_start3A_30] : memref<10000x16xf32, #tpu.memory_space<hbm>> -> memref<10000x16xf32, #tpu.memory_space<hbm>>
      tpu.enqueue_indirect_dma source(%dma_start3A_31 : memref<10000x16xf32, #tpu.memory_space<hbm>>) target(%dma_start3A_25 : memref<80x16xf32, #tpu.memory_space<vmem>>) offsets(%dma_start3A_28 : memref<80xi32, #tpu.memory_space<vmem>>) semaphore(%arg7 : memref<!tpu.dma_semaphore, #tpu.memory_space<semaphore_mem>>)
      %mul3A_32 = arith.constant 5 : i32
      %mul3A_33 = arith.muli %scan3A_6, %mul3A_32 : i32
      %add3A_34 = arith.constant 2 : i32
      %add3A_35 = arith.addi %mul3A_33, %add3A_34 : i32
      %dma_start3A_36 = arith.constant 160 : i32
      %dma_start3A_37 = arith.constant 0 : i32
      %dma_start3A_38 = tpu.memref_slice %arg6[%dma_start3A_36, %dma_start3A_37] : memref<400x16xf32, #tpu.memory_space<vmem>> -> memref<80x16xf32, #tpu.memory_space<vmem>>
      %dma_start3A_39 = arith.constant 0 : i32
      %dma_start3A_40 = tpu.memref_slice %arg5[%add3A_35, %dma_start3A_39] : memref<125x80xi32, #tpu.memory_space<vmem>> -> memref<1x80xi32, #tpu.memory_space<vmem>>
      %dma_start3A_41 = tpu.memref_squeeze %dma_start3A_40 : memref<1x80xi32, #tpu.memory_space<vmem>> -> memref<80xi32, #tpu.memory_space<vmem>>
      %dma_start3A_42 = arith.constant 0 : i32
      %dma_start3A_43 = arith.constant 0 : i32
      %dma_start3A_44 = tpu.memref_slice %arg2[%dma_start3A_42, %dma_start3A_43] : memref<10000x16xf32, #tpu.memory_space<hbm>> -> memref<10000x16xf32, #tpu.memory_space<hbm>>
      tpu.enqueue_indirect_dma source(%dma_start3A_44 : memref<10000x16xf32, #tpu.memory_space<hbm>>) target(%dma_start3A_38 : memref<80x16xf32, #tpu.memory_space<vmem>>) offsets(%dma_start3A_41 : memref<80xi32, #tpu.memory_space<vmem>>) semaphore(%arg7 : memref<!tpu.dma_semaphore, #tpu.memory_space<semaphore_mem>>)
      %mul3A_45 = arith.constant 5 : i32
      %mul3A_46 = arith.muli %scan3A_6, %mul3A_45 : i32
      %add3A_47 = arith.constant 3 : i32
      %add3A_48 = arith.addi %mul3A_46, %add3A_47 : i32
      %dma_start3A_49 = arith.constant 240 : i32
      %dma_start3A_50 = arith.constant 0 : i32
      %dma_start3A_51 = tpu.memref_slice %arg6[%dma_start3A_49, %dma_start3A_50] : memref<400x16xf32, #tpu.memory_space<vmem>> -> memref<80x16xf32, #tpu.memory_space<vmem>>
      %dma_start3A_52 = arith.constant 0 : i32
      %dma_start3A_53 = tpu.memref_slice %arg5[%add3A_48, %dma_start3A_52] : memref<125x80xi32, #tpu.memory_space<vmem>> -> memref<1x80xi32, #tpu.memory_space<vmem>>
      %dma_start3A_54 = tpu.memref_squeeze %dma_start3A_53 : memref<1x80xi32, #tpu.memory_space<vmem>> -> memref<80xi32, #tpu.memory_space<vmem>>
      %dma_start3A_55 = arith.constant 0 : i32
      %dma_start3A_56 = arith.constant 0 : i32
      %dma_start3A_57 = tpu.memref_slice %arg2[%dma_start3A_55, %dma_start3A_56] : memref<10000x16xf32, #tpu.memory_space<hbm>> -> memref<10000x16xf32, #tpu.memory_space<hbm>>
      tpu.enqueue_indirect_dma source(%dma_start3A_57 : memref<10000x16xf32, #tpu.memory_space<hbm>>) target(%dma_start3A_51 : memref<80x16xf32, #tpu.memory_space<vmem>>) offsets(%dma_start3A_54 : memref<80xi32, #tpu.memory_space<vmem>>) semaphore(%arg7 : memref<!tpu.dma_semaphore, #tpu.memory_space<semaphore_mem>>)
      %mul3A_58 = arith.constant 5 : i32
      %mul3A_59 = arith.muli %scan3A_6, %mul3A_58 : i32
      %add3A_60 = arith.constant 4 : i32
      %add3A_61 = arith.addi %mul3A_59, %add3A_60 : i32
      %dma_start3A_62 = arith.constant 320 : i32
      %dma_start3A_63 = arith.constant 0 : i32
      %dma_start3A_64 = tpu.memref_slice %arg6[%dma_start3A_62, %dma_start3A_63] : memref<400x16xf32, #tpu.memory_space<vmem>> -> memref<80x16xf32, #tpu.memory_space<vmem>>
      %dma_start3A_65 = arith.constant 0 : i32
      %dma_start3A_66 = tpu.memref_slice %arg5[%add3A_61, %dma_start3A_65] : memref<125x80xi32, #tpu.memory_space<vmem>> -> memref<1x80xi32, #tpu.memory_space<vmem>>
      %dma_start3A_67 = tpu.memref_squeeze %dma_start3A_66 : memref<1x80xi32, #tpu.memory_space<vmem>> -> memref<80xi32, #tpu.memory_space<vmem>>
      %dma_start3A_68 = arith.constant 0 : i32
      %dma_start3A_69 = arith.constant 0 : i32
      %dma_start3A_70 = tpu.memref_slice %arg2[%dma_start3A_68, %dma_start3A_69] : memref<10000x16xf32, #tpu.memory_space<hbm>> -> memref<10000x16xf32, #tpu.memory_space<hbm>>
      tpu.enqueue_indirect_dma source(%dma_start3A_70 : memref<10000x16xf32, #tpu.memory_space<hbm>>) target(%dma_start3A_64 : memref<80x16xf32, #tpu.memory_space<vmem>>) offsets(%dma_start3A_67 : memref<80xi32, #tpu.memory_space<vmem>>) semaphore(%arg7 : memref<!tpu.dma_semaphore, #tpu.memory_space<semaphore_mem>>)
      %dma_wait3A = arith.constant 0 : i32
      %dma_wait3A_71 = arith.constant 0 : i32
      %dma_wait3A_72 = tpu.memref_slice %arg6[%dma_wait3A, %dma_wait3A_71] : memref<400x16xf32, #tpu.memory_space<vmem>> -> memref<80x16xf32, #tpu.memory_space<vmem>>
      %dma_wait3A_73 = arith.constant 0 : i32
      %dma_wait3A_74 = tpu.memref_slice %arg5[%add3A_10, %dma_wait3A_73] : memref<125x80xi32, #tpu.memory_space<vmem>> -> memref<1x80xi32, #tpu.memory_space<vmem>>
      %dma_wait3A_75 = tpu.memref_squeeze %dma_wait3A_74 : memref<1x80xi32, #tpu.memory_space<vmem>> -> memref<80xi32, #tpu.memory_space<vmem>>
      %dma_wait3A_76 = arith.constant 0 : i32
      %dma_wait3A_77 = arith.constant 0 : i32
      %dma_wait3A_78 = tpu.memref_slice %arg2[%dma_wait3A_76, %dma_wait3A_77] : memref<10000x16xf32, #tpu.memory_space<hbm>> -> memref<10000x16xf32, #tpu.memory_space<hbm>>
      tpu.wait_indirect_dma semaphore(%arg7 : memref<!tpu.dma_semaphore, #tpu.memory_space<semaphore_mem>>) src(%dma_wait3A_78 : memref<10000x16xf32, #tpu.memory_space<hbm>>) dst(%dma_wait3A_72 : memref<80x16xf32, #tpu.memory_space<vmem>>)
      %dma_wait3A_79 = arith.constant 80 : i32
      %dma_wait3A_80 = arith.constant 0 : i32
      %dma_wait3A_81 = tpu.memref_slice %arg6[%dma_wait3A_79, %dma_wait3A_80] : memref<400x16xf32, #tpu.memory_space<vmem>> -> memref<80x16xf32, #tpu.memory_space<vmem>>
      %dma_wait3A_82 = arith.constant 0 : i32
      %dma_wait3A_83 = tpu.memref_slice %arg5[%add3A_22, %dma_wait3A_82] : memref<125x80xi32, #tpu.memory_space<vmem>> -> memref<1x80xi32, #tpu.memory_space<vmem>>
      %dma_wait3A_84 = tpu.memref_squeeze %dma_wait3A_83 : memref<1x80xi32, #tpu.memory_space<vmem>> -> memref<80xi32, #tpu.memory_space<vmem>>
      %dma_wait3A_85 = arith.constant 0 : i32
      %dma_wait3A_86 = arith.constant 0 : i32
      %dma_wait3A_87 = tpu.memref_slice %arg2[%dma_wait3A_85, %dma_wait3A_86] : memref<10000x16xf32, #tpu.memory_space<hbm>> -> memref<10000x16xf32, #tpu.memory_space<hbm>>
      tpu.wait_indirect_dma semaphore(%arg7 : memref<!tpu.dma_semaphore, #tpu.memory_space<semaphore_mem>>) src(%dma_wait3A_87 : memref<10000x16xf32, #tpu.memory_space<hbm>>) dst(%dma_wait3A_81 : memref<80x16xf32, #tpu.memory_space<vmem>>)
      %dma_wait3A_88 = arith.constant 160 : i32
      %dma_wait3A_89 = arith.constant 0 : i32
      %dma_wait3A_90 = tpu.memref_slice %arg6[%dma_wait3A_88, %dma_wait3A_89] : memref<400x16xf32, #tpu.memory_space<vmem>> -> memref<80x16xf32, #tpu.memory_space<vmem>>
      %dma_wait3A_91 = arith.constant 0 : i32
      %dma_wait3A_92 = tpu.memref_slice %arg5[%add3A_35, %dma_wait3A_91] : memref<125x80xi32, #tpu.memory_space<vmem>> -> memref<1x80xi32, #tpu.memory_space<vmem>>
      %dma_wait3A_93 = tpu.memref_squeeze %dma_wait3A_92 : memref<1x80xi32, #tpu.memory_space<vmem>> -> memref<80xi32, #tpu.memory_space<vmem>>
      %dma_wait3A_94 = arith.constant 0 : i32
      %dma_wait3A_95 = arith.constant 0 : i32
      %dma_wait3A_96 = tpu.memref_slice %arg2[%dma_wait3A_94, %dma_wait3A_95] : memref<10000x16xf32, #tpu.memory_space<hbm>> -> memref<10000x16xf32, #tpu.memory_space<hbm>>
      tpu.wait_indirect_dma semaphore(%arg7 : memref<!tpu.dma_semaphore, #tpu.memory_space<semaphore_mem>>) src(%dma_wait3A_96 : memref<10000x16xf32, #tpu.memory_space<hbm>>) dst(%dma_wait3A_90 : memref<80x16xf32, #tpu.memory_space<vmem>>)
      %dma_wait3A_97 = arith.constant 240 : i32
      %dma_wait3A_98 = arith.constant 0 : i32
      %dma_wait3A_99 = tpu.memref_slice %arg6[%dma_wait3A_97, %dma_wait3A_98] : memref<400x16xf32, #tpu.memory_space<vmem>> -> memref<80x16xf32, #tpu.memory_space<vmem>>
      %dma_wait3A_100 = arith.constant 0 : i32
      %dma_wait3A_101 = tpu.memref_slice %arg5[%add3A_48, %dma_wait3A_100] : memref<125x80xi32, #tpu.memory_space<vmem>> -> memref<1x80xi32, #tpu.memory_space<vmem>>
      %dma_wait3A_102 = tpu.memref_squeeze %dma_wait3A_101 : memref<1x80xi32, #tpu.memory_space<vmem>> -> memref<80xi32, #tpu.memory_space<vmem>>
      %dma_wait3A_103 = arith.constant 0 : i32
      %dma_wait3A_104 = arith.constant 0 : i32
      %dma_wait3A_105 = tpu.memref_slice %arg2[%dma_wait3A_103, %dma_wait3A_104] : memref<10000x16xf32, #tpu.memory_space<hbm>> -> memref<10000x16xf32, #tpu.memory_space<hbm>>
      tpu.wait_indirect_dma semaphore(%arg7 : memref<!tpu.dma_semaphore, #tpu.memory_space<semaphore_mem>>) src(%dma_wait3A_105 : memref<10000x16xf32, #tpu.memory_space<hbm>>) dst(%dma_wait3A_99 : memref<80x16xf32, #tpu.memory_space<vmem>>)
      %dma_wait3A_106 = arith.constant 320 : i32
      %dma_wait3A_107 = arith.constant 0 : i32
      %dma_wait3A_108 = tpu.memref_slice %arg6[%dma_wait3A_106, %dma_wait3A_107] : memref<400x16xf32, #tpu.memory_space<vmem>> -> memref<80x16xf32, #tpu.memory_space<vmem>>
      %dma_wait3A_109 = arith.constant 0 : i32
      %dma_wait3A_110 = tpu.memref_slice %arg5[%add3A_61, %dma_wait3A_109] : memref<125x80xi32, #tpu.memory_space<vmem>> -> memref<1x80xi32, #tpu.memory_space<vmem>>
      %dma_wait3A_111 = tpu.memref_squeeze %dma_wait3A_110 : memref<1x80xi32, #tpu.memory_space<vmem>> -> memref<80xi32, #tpu.memory_space<vmem>>
      %dma_wait3A_112 = arith.constant 0 : i32
      %dma_wait3A_113 = arith.constant 0 : i32
      %dma_wait3A_114 = tpu.memref_slice %arg2[%dma_wait3A_112, %dma_wait3A_113] : memref<10000x16xf32, #tpu.memory_space<hbm>> -> memref<10000x16xf32, #tpu.memory_space<hbm>>
      tpu.wait_indirect_dma semaphore(%arg7 : memref<!tpu.dma_semaphore, #tpu.memory_space<semaphore_mem>>) src(%dma_wait3A_114 : memref<10000x16xf32, #tpu.memory_space<hbm>>) dst(%dma_wait3A_108 : memref<80x16xf32, #tpu.memory_space<vmem>>)
      %mul3A_115 = arith.constant 10000 : i32
      %mul3A_116 = arith.muli %add3A, %mul3A_115 : i32
      %mul3A_117 = arith.constant 400 : i32
      %mul3A_118 = arith.muli %scan3A_6, %mul3A_117 : i32
      %add3A_119 = arith.addi %mul3A_116, %mul3A_118 : i32
      "tpu.region"() ({
        %run_scoped3A = tpu.sem_alloc : memref<!tpu.dma_semaphore, #tpu.memory_space<semaphore_mem>>
        %dma_start3A_120 = arith.constant 0 : i32
        %dma_start3A_121 = tpu.memref_slice %arg4[%add3A_119, %dma_start3A_120] : memref<320000x16xf32, #tpu.memory_space<hbm>> -> memref<400x16xf32, #tpu.memory_space<hbm>>
        %dma_start3A_122 = arith.constant 0 : i32
        %dma_start3A_123 = tpu.memref_slice %arg4[%add3A_119, %dma_start3A_122] : memref<320000x16xf32, #tpu.memory_space<hbm>> -> memref<400x16xf32, #tpu.memory_space<hbm>>
        tpu.enqueue_dma source(%arg6 : memref<400x16xf32, #tpu.memory_space<vmem>>) target(%dma_start3A_123 : memref<400x16xf32, #tpu.memory_space<hbm>>) target_semaphore(%run_scoped3A : memref<!tpu.dma_semaphore, #tpu.memory_space<semaphore_mem>>)
        %dma_wait3A_124 = arith.constant 0 : i32
        %dma_wait3A_125 = tpu.memref_slice %arg4[%add3A_119, %dma_wait3A_124] : memref<320000x16xf32, #tpu.memory_space<hbm>> -> memref<400x16xf32, #tpu.memory_space<hbm>>
        %dma_wait3A_126 = arith.constant 0 : i32
        %dma_wait3A_127 = tpu.memref_slice %arg4[%add3A_119, %dma_wait3A_126] : memref<320000x16xf32, #tpu.memory_space<hbm>> -> memref<400x16xf32, #tpu.memory_space<hbm>>
        tpu.wait_dma2 semaphore(%run_scoped3A : memref<!tpu.dma_semaphore, #tpu.memory_space<semaphore_mem>>) src(%arg6 : memref<400x16xf32, #tpu.memory_space<vmem>>) dst(%dma_wait3A_127 : memref<400x16xf32, #tpu.memory_space<hbm>>)
        tpu.yield
      }) : () -> ()
    }
    %scan3A_5 = arith.constant 25 : i32
    return
  }
}

#map = affine_map<(d0, d1) -> (0, 0)>
#map1 = affine_map<(d0, d1) -> (0, 0, 0)>
module attributes {stable_mosaic.version = 14 : i64} {
  func.func @_gather_body(%arg0: i32, %arg1: i32, %arg2: memref<10000x16xf32, #tpu.memory_space<hbm>>, %arg3: memref<32x125x80xi32, #tpu.memory_space<hbm>>, %arg4: memref<320000x16xf32, #tpu.memory_space<hbm>>, %arg5: memref<125x80xi32, #tpu.memory_space<vmem>>, %arg6: memref<400x16xf32, #tpu.memory_space<vmem>>, %arg7: memref<!tpu.dma_semaphore, #tpu.memory_space<semaphore_mem>>) attributes {dimension_semantics = [#tpu.dimension_semantics<core_parallel>, #tpu.dimension_semantics<subcore_parallel>], iteration_bounds = array<i64: 2, 16>, scalar_prefetch = 0 : i64, scratch_operands = 3 : i64, tpu.core_type = #tpu.core_type<sc_vector_subcore>, window_params = [{transform_indices = #map}, {transform_indices = #map1}, {transform_indices = #map}]} {
    %mul3A = arith.constant 16 : i32
    %mul3A_0 = arith.muli %arg0, %mul3A : i32
    %add3A = arith.addi %mul3A_0, %arg1 : i32
    "tpu.region"() ({
      %run_scoped3A = tpu.sem_alloc : memref<!tpu.dma_semaphore, #tpu.memory_space<semaphore_mem>>
      %dma_start3A = arith.constant 0 : i32
      %dma_start3A_6 = arith.constant 0 : i32
      %dma_start3A_7 = tpu.memref_slice %arg3[%add3A, %dma_start3A, %dma_start3A_6] : memref<32x125x80xi32, #tpu.memory_space<hbm>> -> memref<1x125x80xi32, #tpu.memory_space<hbm>>
      %dma_start3A_8 = tpu.memref_squeeze %dma_start3A_7 : memref<1x125x80xi32, #tpu.memory_space<hbm>> -> memref<125x80xi32, #tpu.memory_space<hbm>>
      %dma_start3A_9 = arith.constant 0 : i32
      %dma_start3A_10 = arith.constant 0 : i32
      %dma_start3A_11 = tpu.memref_slice %arg3[%add3A, %dma_start3A_9, %dma_start3A_10] : memref<32x125x80xi32, #tpu.memory_space<hbm>> -> memref<1x125x80xi32, #tpu.memory_space<hbm>>
      %dma_start3A_12 = tpu.memref_squeeze %dma_start3A_11 : memref<1x125x80xi32, #tpu.memory_space<hbm>> -> memref<125x80xi32, #tpu.memory_space<hbm>>
      tpu.enqueue_dma source(%dma_start3A_12 : memref<125x80xi32, #tpu.memory_space<hbm>>) target(%arg5 : memref<125x80xi32, #tpu.memory_space<vmem>>) target_semaphore(%run_scoped3A : memref<!tpu.dma_semaphore, #tpu.memory_space<semaphore_mem>>)
      %dma_wait3A = arith.constant 0 : i32
      %dma_wait3A_13 = arith.constant 0 : i32
      %dma_wait3A_14 = tpu.memref_slice %arg3[%add3A, %dma_wait3A, %dma_wait3A_13] : memref<32x125x80xi32, #tpu.memory_space<hbm>> -> memref<1x125x80xi32, #tpu.memory_space<hbm>>
      %dma_wait3A_15 = tpu.memref_squeeze %dma_wait3A_14 : memref<1x125x80xi32, #tpu.memory_space<hbm>> -> memref<125x80xi32, #tpu.memory_space<hbm>>
      %dma_wait3A_16 = arith.constant 0 : i32
      %dma_wait3A_17 = arith.constant 0 : i32
      %dma_wait3A_18 = tpu.memref_slice %arg3[%add3A, %dma_wait3A_16, %dma_wait3A_17] : memref<32x125x80xi32, #tpu.memory_space<hbm>> -> memref<1x125x80xi32, #tpu.memory_space<hbm>>
      %dma_wait3A_19 = tpu.memref_squeeze %dma_wait3A_18 : memref<1x125x80xi32, #tpu.memory_space<hbm>> -> memref<125x80xi32, #tpu.memory_space<hbm>>
      tpu.wait_dma2 semaphore(%run_scoped3A : memref<!tpu.dma_semaphore, #tpu.memory_space<semaphore_mem>>) src(%dma_wait3A_19 : memref<125x80xi32, #tpu.memory_space<hbm>>) dst(%arg5 : memref<125x80xi32, #tpu.memory_space<vmem>>)
      tpu.yield
    }) : () -> ()
    %scan3A = arith.constant 0 : i32
    %scan3A_1 = arith.constant 0 : i32
    %scan3A_2 = arith.constant 25 : i32
    %scan3A_3 = arith.addi %scan3A_1, %scan3A_2 : i32
    %scan3A_4 = arith.constant 1 : i32
    scf.for %scan3A_6 = %scan3A_1 to %scan3A_3 step %scan3A_4  : i32 {
      %mul3A_7 = arith.constant 5 : i32
      %mul3A_8 = arith.muli %scan3A_6, %mul3A_7 : i32
      %add3A_9 = arith.constant 0 : i32
      %add3A_10 = arith.addi %mul3A_8, %add3A_9 : i32
      %dma_start3A = arith.constant 0 : i32
      %dma_start3A_11 = arith.constant 0 : i32
      %dma_start3A_12 = tpu.memref_slice %arg6[%dma_start3A, %dma_start3A_11] : memref<400x16xf32, #tpu.memory_space<vmem>> -> memref<80x16xf32, #tpu.memory_space<vmem>>
      %dma_start3A_13 = arith.constant 0 : i32
      %dma_start3A_14 = tpu.memref_slice %arg5[%add3A_10, %dma_start3A_13] : memref<125x80xi32, #tpu.memory_space<vmem>> -> memref<1x80xi32, #tpu.memory_space<vmem>>
      %dma_start3A_15 = tpu.memref_squeeze %dma_start3A_14 : memref<1x80xi32, #tpu.memory_space<vmem>> -> memref<80xi32, #tpu.memory_space<vmem>>
      %dma_start3A_16 = arith.constant 0 : i32
      %dma_start3A_17 = arith.constant 0 : i32
      %dma_start3A_18 = tpu.memref_slice %arg2[%dma_start3A_16, %dma_start3A_17] : memref<10000x16xf32, #tpu.memory_space<hbm>> -> memref<10000x16xf32, #tpu.memory_space<hbm>>
      tpu.enqueue_indirect_dma source(%dma_start3A_18 : memref<10000x16xf32, #tpu.memory_space<hbm>>) target(%dma_start3A_12 : memref<80x16xf32, #tpu.memory_space<vmem>>) offsets(%dma_start3A_15 : memref<80xi32, #tpu.memory_space<vmem>>) semaphore(%arg7 : memref<!tpu.dma_semaphore, #tpu.memory_space<semaphore_mem>>)
      %mul3A_19 = arith.constant 5 : i32
      %mul3A_20 = arith.muli %scan3A_6, %mul3A_19 : i32
      %add3A_21 = arith.constant 1 : i32
      %add3A_22 = arith.addi %mul3A_20, %add3A_21 : i32
      %dma_start3A_23 = arith.constant 80 : i32
      %dma_start3A_24 = arith.constant 0 : i32
      %dma_start3A_25 = tpu.memref_slice %arg6[%dma_start3A_23, %dma_start3A_24] : memref<400x16xf32, #tpu.memory_space<vmem>> -> memref<80x16xf32, #tpu.memory_space<vmem>>
      %dma_start3A_26 = arith.constant 0 : i32
      %dma_start3A_27 = tpu.memref_slice %arg5[%add3A_22, %dma_start3A_26] : memref<125x80xi32, #tpu.memory_space<vmem>> -> memref<1x80xi32, #tpu.memory_space<vmem>>
      %dma_start3A_28 = tpu.memref_squeeze %dma_start3A_27 : memref<1x80xi32, #tpu.memory_space<vmem>> -> memref<80xi32, #tpu.memory_space<vmem>>
      %dma_start3A_29 = arith.constant 0 : i32
      %dma_start3A_30 = arith.constant 0 : i32
      %dma_start3A_31 = tpu.memref_slice %arg2[%dma_start3A_29, %dma_start3A_30] : memref<10000x16xf32, #tpu.memory_space<hbm>> -> memref<10000x16xf32, #tpu.memory_space<hbm>>
      tpu.enqueue_indirect_dma source(%dma_start3A_31 : memref<10000x16xf32, #tpu.memory_space<hbm>>) target(%dma_start3A_25 : memref<80x16xf32, #tpu.memory_space<vmem>>) offsets(%dma_start3A_28 : memref<80xi32, #tpu.memory_space<vmem>>) semaphore(%arg7 : memref<!tpu.dma_semaphore, #tpu.memory_space<semaphore_mem>>)
      %mul3A_32 = arith.constant 5 : i32
      %mul3A_33 = arith.muli %scan3A_6, %mul3A_32 : i32
      %add3A_34 = arith.constant 2 : i32
      %add3A_35 = arith.addi %mul3A_33, %add3A_34 : i32
      %dma_start3A_36 = arith.constant 160 : i32
      %dma_start3A_37 = arith.constant 0 : i32
      %dma_start3A_38 = tpu.memref_slice %arg6[%dma_start3A_36, %dma_start3A_37] : memref<400x16xf32, #tpu.memory_space<vmem>> -> memref<80x16xf32, #tpu.memory_space<vmem>>
      %dma_start3A_39 = arith.constant 0 : i32
      %dma_start3A_40 = tpu.memref_slice %arg5[%add3A_35, %dma_start3A_39] : memref<125x80xi32, #tpu.memory_space<vmem>> -> memref<1x80xi32, #tpu.memory_space<vmem>>
      %dma_start3A_41 = tpu.memref_squeeze %dma_start3A_40 : memref<1x80xi32, #tpu.memory_space<vmem>> -> memref<80xi32, #tpu.memory_space<vmem>>
      %dma_start3A_42 = arith.constant 0 : i32
      %dma_start3A_43 = arith.constant 0 : i32
      %dma_start3A_44 = tpu.memref_slice %arg2[%dma_start3A_42, %dma_start3A_43] : memref<10000x16xf32, #tpu.memory_space<hbm>> -> memref<10000x16xf32, #tpu.memory_space<hbm>>
      tpu.enqueue_indirect_dma source(%dma_start3A_44 : memref<10000x16xf32, #tpu.memory_space<hbm>>) target(%dma_start3A_38 : memref<80x16xf32, #tpu.memory_space<vmem>>) offsets(%dma_start3A_41 : memref<80xi32, #tpu.memory_space<vmem>>) semaphore(%arg7 : memref<!tpu.dma_semaphore, #tpu.memory_space<semaphore_mem>>)
      %mul3A_45 = arith.constant 5 : i32
      %mul3A_46 = arith.muli %scan3A_6, %mul3A_45 : i32
      %add3A_47 = arith.constant 3 : i32
      %add3A_48 = arith.addi %mul3A_46, %add3A_47 : i32
      %dma_start3A_49 = arith.constant 240 : i32
      %dma_start3A_50 = arith.constant 0 : i32
      %dma_start3A_51 = tpu.memref_slice %arg6[%dma_start3A_49, %dma_start3A_50] : memref<400x16xf32, #tpu.memory_space<vmem>> -> memref<80x16xf32, #tpu.memory_space<vmem>>
      %dma_start3A_52 = arith.constant 0 : i32
      %dma_start3A_53 = tpu.memref_slice %arg5[%add3A_48, %dma_start3A_52] : memref<125x80xi32, #tpu.memory_space<vmem>> -> memref<1x80xi32, #tpu.memory_space<vmem>>
      %dma_start3A_54 = tpu.memref_squeeze %dma_start3A_53 : memref<1x80xi32, #tpu.memory_space<vmem>> -> memref<80xi32, #tpu.memory_space<vmem>>
      %dma_start3A_55 = arith.constant 0 : i32
      %dma_start3A_56 = arith.constant 0 : i32
      %dma_start3A_57 = tpu.memref_slice %arg2[%dma_start3A_55, %dma_start3A_56] : memref<10000x16xf32, #tpu.memory_space<hbm>> -> memref<10000x16xf32, #tpu.memory_space<hbm>>
      tpu.enqueue_indirect_dma source(%dma_start3A_57 : memref<10000x16xf32, #tpu.memory_space<hbm>>) target(%dma_start3A_51 : memref<80x16xf32, #tpu.memory_space<vmem>>) offsets(%dma_start3A_54 : memref<80xi32, #tpu.memory_space<vmem>>) semaphore(%arg7 : memref<!tpu.dma_semaphore, #tpu.memory_space<semaphore_mem>>)
      %mul3A_58 = arith.constant 5 : i32
      %mul3A_59 = arith.muli %scan3A_6, %mul3A_58 : i32
      %add3A_60 = arith.constant 4 : i32
      %add3A_61 = arith.addi %mul3A_59, %add3A_60 : i32
      %dma_start3A_62 = arith.constant 320 : i32
      %dma_start3A_63 = arith.constant 0 : i32
      %dma_start3A_64 = tpu.memref_slice %arg6[%dma_start3A_62, %dma_start3A_63] : memref<400x16xf32, #tpu.memory_space<vmem>> -> memref<80x16xf32, #tpu.memory_space<vmem>>
      %dma_start3A_65 = arith.constant 0 : i32
      %dma_start3A_66 = tpu.memref_slice %arg5[%add3A_61, %dma_start3A_65] : memref<125x80xi32, #tpu.memory_space<vmem>> -> memref<1x80xi32, #tpu.memory_space<vmem>>
      %dma_start3A_67 = tpu.memref_squeeze %dma_start3A_66 : memref<1x80xi32, #tpu.memory_space<vmem>> -> memref<80xi32, #tpu.memory_space<vmem>>
      %dma_start3A_68 = arith.constant 0 : i32
      %dma_start3A_69 = arith.constant 0 : i32
      %dma_start3A_70 = tpu.memref_slice %arg2[%dma_start3A_68, %dma_start3A_69] : memref<10000x16xf32, #tpu.memory_space<hbm>> -> memref<10000x16xf32, #tpu.memory_space<hbm>>
      tpu.enqueue_indirect_dma source(%dma_start3A_70 : memref<10000x16xf32, #tpu.memory_space<hbm>>) target(%dma_start3A_64 : memref<80x16xf32, #tpu.memory_space<vmem>>) offsets(%dma_start3A_67 : memref<80xi32, #tpu.memory_space<vmem>>) semaphore(%arg7 : memref<!tpu.dma_semaphore, #tpu.memory_space<semaphore_mem>>)
      %dma_wait3A = arith.constant 0 : i32
      %dma_wait3A_71 = arith.constant 0 : i32
      %dma_wait3A_72 = tpu.memref_slice %arg6[%dma_wait3A, %dma_wait3A_71] : memref<400x16xf32, #tpu.memory_space<vmem>> -> memref<80x16xf32, #tpu.memory_space<vmem>>
      %dma_wait3A_73 = arith.constant 0 : i32
      %dma_wait3A_74 = tpu.memref_slice %arg5[%add3A_10, %dma_wait3A_73] : memref<125x80xi32, #tpu.memory_space<vmem>> -> memref<1x80xi32, #tpu.memory_space<vmem>>
      %dma_wait3A_75 = tpu.memref_squeeze %dma_wait3A_74 : memref<1x80xi32, #tpu.memory_space<vmem>> -> memref<80xi32, #tpu.memory_space<vmem>>
      %dma_wait3A_76 = arith.constant 0 : i32
      %dma_wait3A_77 = arith.constant 0 : i32
      %dma_wait3A_78 = tpu.memref_slice %arg2[%dma_wait3A_76, %dma_wait3A_77] : memref<10000x16xf32, #tpu.memory_space<hbm>> -> memref<10000x16xf32, #tpu.memory_space<hbm>>
      tpu.wait_indirect_dma semaphore(%arg7 : memref<!tpu.dma_semaphore, #tpu.memory_space<semaphore_mem>>) src(%dma_wait3A_78 : memref<10000x16xf32, #tpu.memory_space<hbm>>) dst(%dma_wait3A_72 : memref<80x16xf32, #tpu.memory_space<vmem>>)
      %dma_wait3A_79 = arith.constant 80 : i32
      %dma_wait3A_80 = arith.constant 0 : i32
      %dma_wait3A_81 = tpu.memref_slice %arg6[%dma_wait3A_79, %dma_wait3A_80] : memref<400x16xf32, #tpu.memory_space<vmem>> -> memref<80x16xf32, #tpu.memory_space<vmem>>
      %dma_wait3A_82 = arith.constant 0 : i32
      %dma_wait3A_83 = tpu.memref_slice %arg5[%add3A_22, %dma_wait3A_82] : memref<125x80xi32, #tpu.memory_space<vmem>> -> memref<1x80xi32, #tpu.memory_space<vmem>>
      %dma_wait3A_84 = tpu.memref_squeeze %dma_wait3A_83 : memref<1x80xi32, #tpu.memory_space<vmem>> -> memref<80xi32, #tpu.memory_space<vmem>>
      %dma_wait3A_85 = arith.constant 0 : i32
      %dma_wait3A_86 = arith.constant 0 : i32
      %dma_wait3A_87 = tpu.memref_slice %arg2[%dma_wait3A_85, %dma_wait3A_86] : memref<10000x16xf32, #tpu.memory_space<hbm>> -> memref<10000x16xf32, #tpu.memory_space<hbm>>
      tpu.wait_indirect_dma semaphore(%arg7 : memref<!tpu.dma_semaphore, #tpu.memory_space<semaphore_mem>>) src(%dma_wait3A_87 : memref<10000x16xf32, #tpu.memory_space<hbm>>) dst(%dma_wait3A_81 : memref<80x16xf32, #tpu.memory_space<vmem>>)
      %dma_wait3A_88 = arith.constant 160 : i32
      %dma_wait3A_89 = arith.constant 0 : i32
      %dma_wait3A_90 = tpu.memref_slice %arg6[%dma_wait3A_88, %dma_wait3A_89] : memref<400x16xf32, #tpu.memory_space<vmem>> -> memref<80x16xf32, #tpu.memory_space<vmem>>
      %dma_wait3A_91 = arith.constant 0 : i32
      %dma_wait3A_92 = tpu.memref_slice %arg5[%add3A_35, %dma_wait3A_91] : memref<125x80xi32, #tpu.memory_space<vmem>> -> memref<1x80xi32, #tpu.memory_space<vmem>>
      %dma_wait3A_93 = tpu.memref_squeeze %dma_wait3A_92 : memref<1x80xi32, #tpu.memory_space<vmem>> -> memref<80xi32, #tpu.memory_space<vmem>>
      %dma_wait3A_94 = arith.constant 0 : i32
      %dma_wait3A_95 = arith.constant 0 : i32
      %dma_wait3A_96 = tpu.memref_slice %arg2[%dma_wait3A_94, %dma_wait3A_95] : memref<10000x16xf32, #tpu.memory_space<hbm>> -> memref<10000x16xf32, #tpu.memory_space<hbm>>
      tpu.wait_indirect_dma semaphore(%arg7 : memref<!tpu.dma_semaphore, #tpu.memory_space<semaphore_mem>>) src(%dma_wait3A_96 : memref<10000x16xf32, #tpu.memory_space<hbm>>) dst(%dma_wait3A_90 : memref<80x16xf32, #tpu.memory_space<vmem>>)
      %dma_wait3A_97 = arith.constant 240 : i32
      %dma_wait3A_98 = arith.constant 0 : i32
      %dma_wait3A_99 = tpu.memref_slice %arg6[%dma_wait3A_97, %dma_wait3A_98] : memref<400x16xf32, #tpu.memory_space<vmem>> -> memref<80x16xf32, #tpu.memory_space<vmem>>
      %dma_wait3A_100 = arith.constant 0 : i32
      %dma_wait3A_101 = tpu.memref_slice %arg5[%add3A_48, %dma_wait3A_100] : memref<125x80xi32, #tpu.memory_space<vmem>> -> memref<1x80xi32, #tpu.memory_space<vmem>>
      %dma_wait3A_102 = tpu.memref_squeeze %dma_wait3A_101 : memref<1x80xi32, #tpu.memory_space<vmem>> -> memref<80xi32, #tpu.memory_space<vmem>>
      %dma_wait3A_103 = arith.constant 0 : i32
      %dma_wait3A_104 = arith.constant 0 : i32
      %dma_wait3A_105 = tpu.memref_slice %arg2[%dma_wait3A_103, %dma_wait3A_104] : memref<10000x16xf32, #tpu.memory_space<hbm>> -> memref<10000x16xf32, #tpu.memory_space<hbm>>
      tpu.wait_indirect_dma semaphore(%arg7 : memref<!tpu.dma_semaphore, #tpu.memory_space<semaphore_mem>>) src(%dma_wait3A_105 : memref<10000x16xf32, #tpu.memory_space<hbm>>) dst(%dma_wait3A_99 : memref<80x16xf32, #tpu.memory_space<vmem>>)
      %dma_wait3A_106 = arith.constant 320 : i32
      %dma_wait3A_107 = arith.constant 0 : i32
      %dma_wait3A_108 = tpu.memref_slice %arg6[%dma_wait3A_106, %dma_wait3A_107] : memref<400x16xf32, #tpu.memory_space<vmem>> -> memref<80x16xf32, #tpu.memory_space<vmem>>
      %dma_wait3A_109 = arith.constant 0 : i32
      %dma_wait3A_110 = tpu.memref_slice %arg5[%add3A_61, %dma_wait3A_109] : memref<125x80xi32, #tpu.memory_space<vmem>> -> memref<1x80xi32, #tpu.memory_space<vmem>>
      %dma_wait3A_111 = tpu.memref_squeeze %dma_wait3A_110 : memref<1x80xi32, #tpu.memory_space<vmem>> -> memref<80xi32, #tpu.memory_space<vmem>>
      %dma_wait3A_112 = arith.constant 0 : i32
      %dma_wait3A_113 = arith.constant 0 : i32
      %dma_wait3A_114 = tpu.memref_slice %arg2[%dma_wait3A_112, %dma_wait3A_113] : memref<10000x16xf32, #tpu.memory_space<hbm>> -> memref<10000x16xf32, #tpu.memory_space<hbm>>
      tpu.wait_indirect_dma semaphore(%arg7 : memref<!tpu.dma_semaphore, #tpu.memory_space<semaphore_mem>>) src(%dma_wait3A_114 : memref<10000x16xf32, #tpu.memory_space<hbm>>) dst(%dma_wait3A_108 : memref<80x16xf32, #tpu.memory_space<vmem>>)
      %mul3A_115 = arith.constant 10000 : i32
      %mul3A_116 = arith.muli %add3A, %mul3A_115 : i32
      %mul3A_117 = arith.constant 400 : i32
      %mul3A_118 = arith.muli %scan3A_6, %mul3A_117 : i32
      %add3A_119 = arith.addi %mul3A_116, %mul3A_118 : i32
      "tpu.region"() ({
        %run_scoped3A = tpu.sem_alloc : memref<!tpu.dma_semaphore, #tpu.memory_space<semaphore_mem>>
        %dma_start3A_120 = arith.constant 0 : i32
        %dma_start3A_121 = tpu.memref_slice %arg4[%add3A_119, %dma_start3A_120] : memref<320000x16xf32, #tpu.memory_space<hbm>> -> memref<400x16xf32, #tpu.memory_space<hbm>>
        %dma_start3A_122 = arith.constant 0 : i32
        %dma_start3A_123 = tpu.memref_slice %arg4[%add3A_119, %dma_start3A_122] : memref<320000x16xf32, #tpu.memory_space<hbm>> -> memref<400x16xf32, #tpu.memory_space<hbm>>
        tpu.enqueue_dma source(%arg6 : memref<400x16xf32, #tpu.memory_space<vmem>>) target(%dma_start3A_123 : memref<400x16xf32, #tpu.memory_space<hbm>>) target_semaphore(%run_scoped3A : memref<!tpu.dma_semaphore, #tpu.memory_space<semaphore_mem>>)
        %dma_wait3A_124 = arith.constant 0 : i32
        %dma_wait3A_125 = tpu.memref_slice %arg4[%add3A_119, %dma_wait3A_124] : memref<320000x16xf32, #tpu.memory_space<hbm>> -> memref<400x16xf32, #tpu.memory_space<hbm>>
        %dma_wait3A_126 = arith.constant 0 : i32
        %dma_wait3A_127 = tpu.memref_slice %arg4[%add3A_119, %dma_wait3A_126] : memref<320000x16xf32, #tpu.memory_space<hbm>> -> memref<400x16xf32, #tpu.memory_space<hbm>>
        tpu.wait_dma2 semaphore(%run_scoped3A : memref<!tpu.dma_semaphore, #tpu.memory_space<semaphore_mem>>) src(%arg6 : memref<400x16xf32, #tpu.memory_space<vmem>>) dst(%dma_wait3A_127 : memref<400x16xf32, #tpu.memory_space<hbm>>)
        tpu.yield
      }) : () -> ()
    }
    %scan3A_5 = arith.constant 25 : i32
    return
  }
}

#map = affine_map<(d0, d1) -> (0, 0)>
#map1 = affine_map<(d0, d1) -> (0, 0, 0)>
module attributes {stable_mosaic.version = 14 : i64} {
  func.func @_scatter_body(%arg0: i32, %arg1: i32, %arg2: memref<320000x16xf32, #tpu.memory_space<hbm>>, %arg3: memref<32x125x80xi32, #tpu.memory_space<hbm>>, %arg4: memref<10240x16xf32, #tpu.memory_space<hbm>>, %arg5: memref<2x10240x16xf32, #tpu.memory_space<hbm>>, %arg6: memref<125x80xi32, #tpu.memory_space<vmem>>, %arg7: memref<400x16xf32, #tpu.memory_space<vmem>>, %arg8: memref<10240x16xf32, #tpu.memory_space<vmem_shared>>) attributes {dimension_semantics = [#tpu.dimension_semantics<core_parallel>, #tpu.dimension_semantics<subcore_parallel>], iteration_bounds = array<i64: 2, 16>, scalar_prefetch = 0 : i64, scratch_operands = 3 : i64, tpu.core_type = #tpu.core_type<sc_vector_subcore>, window_params = [{transform_indices = #map}, {transform_indices = #map1}, {transform_indices = #map}, {transform_indices = #map1}]} {
    %mul3A = arith.constant 640 : i32
    %mul3A_0 = arith.muli %arg1, %mul3A : i32
    %mul3A_1 = arith.constant 640 : i32
    %mul3A_2 = arith.muli %arg1, %mul3A_1 : i32
    "tpu.region"() ({
      %run_scoped3A = tpu.sem_alloc : memref<!tpu.dma_semaphore, #tpu.memory_space<semaphore_mem>>
      %dma_start3A = arith.constant 0 : i32
      %dma_start3A_18 = tpu.memref_slice %arg8[%mul3A_2, %dma_start3A] : memref<10240x16xf32, #tpu.memory_space<vmem_shared>> -> memref<640x16xf32, #tpu.memory_space<vmem_shared>>
      %dma_start3A_19 = arith.constant 0 : i32
      %dma_start3A_20 = tpu.memref_slice %arg4[%mul3A_0, %dma_start3A_19] : memref<10240x16xf32, #tpu.memory_space<hbm>> -> memref<640x16xf32, #tpu.memory_space<hbm>>
      tpu.enqueue_dma source(%dma_start3A_20 : memref<640x16xf32, #tpu.memory_space<hbm>>) target(%dma_start3A_18 : memref<640x16xf32, #tpu.memory_space<vmem_shared>>) target_semaphore(%run_scoped3A : memref<!tpu.dma_semaphore, #tpu.memory_space<semaphore_mem>>)
      %dma_wait3A = arith.constant 0 : i32
      %dma_wait3A_21 = tpu.memref_slice %arg8[%mul3A_2, %dma_wait3A] : memref<10240x16xf32, #tpu.memory_space<vmem_shared>> -> memref<640x16xf32, #tpu.memory_space<vmem_shared>>
      %dma_wait3A_22 = arith.constant 0 : i32
      %dma_wait3A_23 = tpu.memref_slice %arg4[%mul3A_0, %dma_wait3A_22] : memref<10240x16xf32, #tpu.memory_space<hbm>> -> memref<640x16xf32, #tpu.memory_space<hbm>>
      tpu.wait_dma2 semaphore(%run_scoped3A : memref<!tpu.dma_semaphore, #tpu.memory_space<semaphore_mem>>) src(%dma_wait3A_23 : memref<640x16xf32, #tpu.memory_space<hbm>>) dst(%dma_wait3A_21 : memref<640x16xf32, #tpu.memory_space<vmem_shared>>)
      tpu.yield
    }) : () -> ()
    %barrier3A = arith.constant 0 : index
    tpu.barrier barrier_id(%barrier3A)
    %mul3A_3 = arith.constant 16 : i32
    %mul3A_4 = arith.muli %arg0, %mul3A_3 : i32
    %add3A = arith.addi %mul3A_4, %arg1 : i32
    "tpu.region"() ({
      %run_scoped3A = tpu.sem_alloc : memref<!tpu.dma_semaphore, #tpu.memory_space<semaphore_mem>>
      %dma_start3A = arith.constant 0 : i32
      %dma_start3A_18 = arith.constant 0 : i32
      %dma_start3A_19 = tpu.memref_slice %arg3[%add3A, %dma_start3A, %dma_start3A_18] : memref<32x125x80xi32, #tpu.memory_space<hbm>> -> memref<1x125x80xi32, #tpu.memory_space<hbm>>
      %dma_start3A_20 = tpu.memref_squeeze %dma_start3A_19 : memref<1x125x80xi32, #tpu.memory_space<hbm>> -> memref<125x80xi32, #tpu.memory_space<hbm>>
      %dma_start3A_21 = arith.constant 0 : i32
      %dma_start3A_22 = arith.constant 0 : i32
      %dma_start3A_23 = tpu.memref_slice %arg3[%add3A, %dma_start3A_21, %dma_start3A_22] : memref<32x125x80xi32, #tpu.memory_space<hbm>> -> memref<1x125x80xi32, #tpu.memory_space<hbm>>
      %dma_start3A_24 = tpu.memref_squeeze %dma_start3A_23 : memref<1x125x80xi32, #tpu.memory_space<hbm>> -> memref<125x80xi32, #tpu.memory_space<hbm>>
      tpu.enqueue_dma source(%dma_start3A_24 : memref<125x80xi32, #tpu.memory_space<hbm>>) target(%arg6 : memref<125x80xi32, #tpu.memory_space<vmem>>) target_semaphore(%run_scoped3A : memref<!tpu.dma_semaphore, #tpu.memory_space<semaphore_mem>>)
      %dma_wait3A = arith.constant 0 : i32
      %dma_wait3A_25 = arith.constant 0 : i32
      %dma_wait3A_26 = tpu.memref_slice %arg3[%add3A, %dma_wait3A, %dma_wait3A_25] : memref<32x125x80xi32, #tpu.memory_space<hbm>> -> memref<1x125x80xi32, #tpu.memory_space<hbm>>
      %dma_wait3A_27 = tpu.memref_squeeze %dma_wait3A_26 : memref<1x125x80xi32, #tpu.memory_space<hbm>> -> memref<125x80xi32, #tpu.memory_space<hbm>>
      %dma_wait3A_28 = arith.constant 0 : i32
      %dma_wait3A_29 = arith.constant 0 : i32
      %dma_wait3A_30 = tpu.memref_slice %arg3[%add3A, %dma_wait3A_28, %dma_wait3A_29] : memref<32x125x80xi32, #tpu.memory_space<hbm>> -> memref<1x125x80xi32, #tpu.memory_space<hbm>>
      %dma_wait3A_31 = tpu.memref_squeeze %dma_wait3A_30 : memref<1x125x80xi32, #tpu.memory_space<hbm>> -> memref<125x80xi32, #tpu.memory_space<hbm>>
      tpu.wait_dma2 semaphore(%run_scoped3A : memref<!tpu.dma_semaphore, #tpu.memory_space<semaphore_mem>>) src(%dma_wait3A_31 : memref<125x80xi32, #tpu.memory_space<hbm>>) dst(%arg6 : memref<125x80xi32, #tpu.memory_space<vmem>>)
      tpu.yield
    }) : () -> ()
    %mul3A_5 = arith.constant 16 : i32
    %mul3A_6 = arith.muli %arg0, %mul3A_5 : i32
    %add3A_7 = arith.addi %mul3A_6, %arg1 : i32
    %scan3A = arith.constant 0 : i32
    %scan3A_8 = arith.constant 0 : i32
    %scan3A_9 = arith.constant 25 : i32
    %scan3A_10 = arith.addi %scan3A_8, %scan3A_9 : i32
    %scan3A_11 = arith.constant 1 : i32
    scf.for %scan3A_18 = %scan3A_8 to %scan3A_10 step %scan3A_11  : i32 {
      %mul3A_19 = arith.constant 10000 : i32
      %mul3A_20 = arith.muli %add3A_7, %mul3A_19 : i32
      %mul3A_21 = arith.constant 400 : i32
      %mul3A_22 = arith.muli %scan3A_18, %mul3A_21 : i32
      %add3A_23 = arith.addi %mul3A_20, %mul3A_22 : i32
      "tpu.region"() ({
        %run_scoped3A = tpu.sem_alloc : memref<!tpu.dma_semaphore, #tpu.memory_space<semaphore_mem>>
        %dma_start3A = arith.constant 0 : i32
        %dma_start3A_44 = tpu.memref_slice %arg2[%add3A_23, %dma_start3A] : memref<320000x16xf32, #tpu.memory_space<hbm>> -> memref<400x16xf32, #tpu.memory_space<hbm>>
        %dma_start3A_45 = arith.constant 0 : i32
        %dma_start3A_46 = tpu.memref_slice %arg2[%add3A_23, %dma_start3A_45] : memref<320000x16xf32, #tpu.memory_space<hbm>> -> memref<400x16xf32, #tpu.memory_space<hbm>>
        tpu.enqueue_dma source(%dma_start3A_46 : memref<400x16xf32, #tpu.memory_space<hbm>>) target(%arg7 : memref<400x16xf32, #tpu.memory_space<vmem>>) target_semaphore(%run_scoped3A : memref<!tpu.dma_semaphore, #tpu.memory_space<semaphore_mem>>)
        %dma_wait3A = arith.constant 0 : i32
        %dma_wait3A_47 = tpu.memref_slice %arg2[%add3A_23, %dma_wait3A] : memref<320000x16xf32, #tpu.memory_space<hbm>> -> memref<400x16xf32, #tpu.memory_space<hbm>>
        %dma_wait3A_48 = arith.constant 0 : i32
        %dma_wait3A_49 = tpu.memref_slice %arg2[%add3A_23, %dma_wait3A_48] : memref<320000x16xf32, #tpu.memory_space<hbm>> -> memref<400x16xf32, #tpu.memory_space<hbm>>
        tpu.wait_dma2 semaphore(%run_scoped3A : memref<!tpu.dma_semaphore, #tpu.memory_space<semaphore_mem>>) src(%dma_wait3A_49 : memref<400x16xf32, #tpu.memory_space<hbm>>) dst(%arg7 : memref<400x16xf32, #tpu.memory_space<vmem>>)
        tpu.yield
      }) : () -> ()
      %mul3A_24 = arith.constant 5 : i32
      %mul3A_25 = arith.muli %scan3A_18, %mul3A_24 : i32
      %add3A_26 = arith.constant 0 : i32
      %add3A_27 = arith.addi %mul3A_25, %add3A_26 : i32
      "tpu.region"() ({
        %run_scoped3A = tpu.sem_alloc : memref<!tpu.dma_semaphore, #tpu.memory_space<semaphore_mem>>
        %dma_start3A = arith.constant 0 : i32
        %dma_start3A_44 = arith.constant 0 : i32
        %dma_start3A_45 = tpu.memref_slice %arg7[%dma_start3A, %dma_start3A_44] : memref<400x16xf32, #tpu.memory_space<vmem>> -> memref<80x16xf32, #tpu.memory_space<vmem>>
        %dma_start3A_46 = arith.constant 0 : i32
        %dma_start3A_47 = tpu.memref_slice %arg6[%add3A_27, %dma_start3A_46] : memref<125x80xi32, #tpu.memory_space<vmem>> -> memref<1x80xi32, #tpu.memory_space<vmem>>
        %dma_start3A_48 = tpu.memref_squeeze %dma_start3A_47 : memref<1x80xi32, #tpu.memory_space<vmem>> -> memref<80xi32, #tpu.memory_space<vmem>>
        %dma_start3A_49 = arith.constant 0 : i32
        %dma_start3A_50 = arith.constant 0 : i32
        %dma_start3A_51 = tpu.memref_slice %arg8[%dma_start3A_49, %dma_start3A_50] : memref<10240x16xf32, #tpu.memory_space<vmem_shared>> -> memref<10240x16xf32, #tpu.memory_space<vmem_shared>>
        tpu.enqueue_indirect_dma source(%dma_start3A_45 : memref<80x16xf32, #tpu.memory_space<vmem>>) target(%dma_start3A_51 : memref<10240x16xf32, #tpu.memory_space<vmem_shared>>) offsets(%dma_start3A_48 : memref<80xi32, #tpu.memory_space<vmem>>) semaphore(%run_scoped3A : memref<!tpu.dma_semaphore, #tpu.memory_space<semaphore_mem>>) {add = true}
        %dma_wait3A = arith.constant 0 : i32
        %dma_wait3A_52 = arith.constant 0 : i32
        %dma_wait3A_53 = tpu.memref_slice %arg7[%dma_wait3A, %dma_wait3A_52] : memref<400x16xf32, #tpu.memory_space<vmem>> -> memref<80x16xf32, #tpu.memory_space<vmem>>
        %dma_wait3A_54 = arith.constant 0 : i32
        %dma_wait3A_55 = tpu.memref_slice %arg6[%add3A_27, %dma_wait3A_54] : memref<125x80xi32, #tpu.memory_space<vmem>> -> memref<1x80xi32, #tpu.memory_space<vmem>>
        %dma_wait3A_56 = tpu.memref_squeeze %dma_wait3A_55 : memref<1x80xi32, #tpu.memory_space<vmem>> -> memref<80xi32, #tpu.memory_space<vmem>>
        %dma_wait3A_57 = arith.constant 0 : i32
        %dma_wait3A_58 = arith.constant 0 : i32
        %dma_wait3A_59 = tpu.memref_slice %arg8[%dma_wait3A_57, %dma_wait3A_58] : memref<10240x16xf32, #tpu.memory_space<vmem_shared>> -> memref<10240x16xf32, #tpu.memory_space<vmem_shared>>
        tpu.wait_indirect_dma semaphore(%run_scoped3A : memref<!tpu.dma_semaphore, #tpu.memory_space<semaphore_mem>>) src(%dma_wait3A_53 : memref<80x16xf32, #tpu.memory_space<vmem>>) dst(%dma_wait3A_59 : memref<10240x16xf32, #tpu.memory_space<vmem_shared>>)
        tpu.yield
      }) : () -> ()
      %mul3A_28 = arith.constant 5 : i32
      %mul3A_29 = arith.muli %scan3A_18, %mul3A_28 : i32
      %add3A_30 = arith.constant 1 : i32
      %add3A_31 = arith.addi %mul3A_29, %add3A_30 : i32
      "tpu.region"() ({
        %run_scoped3A = tpu.sem_alloc : memref<!tpu.dma_semaphore, #tpu.memory_space<semaphore_mem>>
        %dma_start3A = arith.constant 80 : i32
        %dma_start3A_44 = arith.constant 0 : i32
        %dma_start3A_45 = tpu.memref_slice %arg7[%dma_start3A, %dma_start3A_44] : memref<400x16xf32, #tpu.memory_space<vmem>> -> memref<80x16xf32, #tpu.memory_space<vmem>>
        %dma_start3A_46 = arith.constant 0 : i32
        %dma_start3A_47 = tpu.memref_slice %arg6[%add3A_31, %dma_start3A_46] : memref<125x80xi32, #tpu.memory_space<vmem>> -> memref<1x80xi32, #tpu.memory_space<vmem>>
        %dma_start3A_48 = tpu.memref_squeeze %dma_start3A_47 : memref<1x80xi32, #tpu.memory_space<vmem>> -> memref<80xi32, #tpu.memory_space<vmem>>
        %dma_start3A_49 = arith.constant 0 : i32
        %dma_start3A_50 = arith.constant 0 : i32
        %dma_start3A_51 = tpu.memref_slice %arg8[%dma_start3A_49, %dma_start3A_50] : memref<10240x16xf32, #tpu.memory_space<vmem_shared>> -> memref<10240x16xf32, #tpu.memory_space<vmem_shared>>
        tpu.enqueue_indirect_dma source(%dma_start3A_45 : memref<80x16xf32, #tpu.memory_space<vmem>>) target(%dma_start3A_51 : memref<10240x16xf32, #tpu.memory_space<vmem_shared>>) offsets(%dma_start3A_48 : memref<80xi32, #tpu.memory_space<vmem>>) semaphore(%run_scoped3A : memref<!tpu.dma_semaphore, #tpu.memory_space<semaphore_mem>>) {add = true}
        %dma_wait3A = arith.constant 80 : i32
        %dma_wait3A_52 = arith.constant 0 : i32
        %dma_wait3A_53 = tpu.memref_slice %arg7[%dma_wait3A, %dma_wait3A_52] : memref<400x16xf32, #tpu.memory_space<vmem>> -> memref<80x16xf32, #tpu.memory_space<vmem>>
        %dma_wait3A_54 = arith.constant 0 : i32
        %dma_wait3A_55 = tpu.memref_slice %arg6[%add3A_31, %dma_wait3A_54] : memref<125x80xi32, #tpu.memory_space<vmem>> -> memref<1x80xi32, #tpu.memory_space<vmem>>
        %dma_wait3A_56 = tpu.memref_squeeze %dma_wait3A_55 : memref<1x80xi32, #tpu.memory_space<vmem>> -> memref<80xi32, #tpu.memory_space<vmem>>
        %dma_wait3A_57 = arith.constant 0 : i32
        %dma_wait3A_58 = arith.constant 0 : i32
        %dma_wait3A_59 = tpu.memref_slice %arg8[%dma_wait3A_57, %dma_wait3A_58] : memref<10240x16xf32, #tpu.memory_space<vmem_shared>> -> memref<10240x16xf32, #tpu.memory_space<vmem_shared>>
        tpu.wait_indirect_dma semaphore(%run_scoped3A : memref<!tpu.dma_semaphore, #tpu.memory_space<semaphore_mem>>) src(%dma_wait3A_53 : memref<80x16xf32, #tpu.memory_space<vmem>>) dst(%dma_wait3A_59 : memref<10240x16xf32, #tpu.memory_space<vmem_shared>>)
        tpu.yield
      }) : () -> ()
      %mul3A_32 = arith.constant 5 : i32
      %mul3A_33 = arith.muli %scan3A_18, %mul3A_32 : i32
      %add3A_34 = arith.constant 2 : i32
      %add3A_35 = arith.addi %mul3A_33, %add3A_34 : i32
      "tpu.region"() ({
        %run_scoped3A = tpu.sem_alloc : memref<!tpu.dma_semaphore, #tpu.memory_space<semaphore_mem>>
        %dma_start3A = arith.constant 160 : i32
        %dma_start3A_44 = arith.constant 0 : i32
        %dma_start3A_45 = tpu.memref_slice %arg7[%dma_start3A, %dma_start3A_44] : memref<400x16xf32, #tpu.memory_space<vmem>> -> memref<80x16xf32, #tpu.memory_space<vmem>>
        %dma_start3A_46 = arith.constant 0 : i32
        %dma_start3A_47 = tpu.memref_slice %arg6[%add3A_35, %dma_start3A_46] : memref<125x80xi32, #tpu.memory_space<vmem>> -> memref<1x80xi32, #tpu.memory_space<vmem>>
        %dma_start3A_48 = tpu.memref_squeeze %dma_start3A_47 : memref<1x80xi32, #tpu.memory_space<vmem>> -> memref<80xi32, #tpu.memory_space<vmem>>
        %dma_start3A_49 = arith.constant 0 : i32
        %dma_start3A_50 = arith.constant 0 : i32
        %dma_start3A_51 = tpu.memref_slice %arg8[%dma_start3A_49, %dma_start3A_50] : memref<10240x16xf32, #tpu.memory_space<vmem_shared>> -> memref<10240x16xf32, #tpu.memory_space<vmem_shared>>
        tpu.enqueue_indirect_dma source(%dma_start3A_45 : memref<80x16xf32, #tpu.memory_space<vmem>>) target(%dma_start3A_51 : memref<10240x16xf32, #tpu.memory_space<vmem_shared>>) offsets(%dma_start3A_48 : memref<80xi32, #tpu.memory_space<vmem>>) semaphore(%run_scoped3A : memref<!tpu.dma_semaphore, #tpu.memory_space<semaphore_mem>>) {add = true}
        %dma_wait3A = arith.constant 160 : i32
        %dma_wait3A_52 = arith.constant 0 : i32
        %dma_wait3A_53 = tpu.memref_slice %arg7[%dma_wait3A, %dma_wait3A_52] : memref<400x16xf32, #tpu.memory_space<vmem>> -> memref<80x16xf32, #tpu.memory_space<vmem>>
        %dma_wait3A_54 = arith.constant 0 : i32
        %dma_wait3A_55 = tpu.memref_slice %arg6[%add3A_35, %dma_wait3A_54] : memref<125x80xi32, #tpu.memory_space<vmem>> -> memref<1x80xi32, #tpu.memory_space<vmem>>
        %dma_wait3A_56 = tpu.memref_squeeze %dma_wait3A_55 : memref<1x80xi32, #tpu.memory_space<vmem>> -> memref<80xi32, #tpu.memory_space<vmem>>
        %dma_wait3A_57 = arith.constant 0 : i32
        %dma_wait3A_58 = arith.constant 0 : i32
        %dma_wait3A_59 = tpu.memref_slice %arg8[%dma_wait3A_57, %dma_wait3A_58] : memref<10240x16xf32, #tpu.memory_space<vmem_shared>> -> memref<10240x16xf32, #tpu.memory_space<vmem_shared>>
        tpu.wait_indirect_dma semaphore(%run_scoped3A : memref<!tpu.dma_semaphore, #tpu.memory_space<semaphore_mem>>) src(%dma_wait3A_53 : memref<80x16xf32, #tpu.memory_space<vmem>>) dst(%dma_wait3A_59 : memref<10240x16xf32, #tpu.memory_space<vmem_shared>>)
        tpu.yield
      }) : () -> ()
      %mul3A_36 = arith.constant 5 : i32
      %mul3A_37 = arith.muli %scan3A_18, %mul3A_36 : i32
      %add3A_38 = arith.constant 3 : i32
      %add3A_39 = arith.addi %mul3A_37, %add3A_38 : i32
      "tpu.region"() ({
        %run_scoped3A = tpu.sem_alloc : memref<!tpu.dma_semaphore, #tpu.memory_space<semaphore_mem>>
        %dma_start3A = arith.constant 240 : i32
        %dma_start3A_44 = arith.constant 0 : i32
        %dma_start3A_45 = tpu.memref_slice %arg7[%dma_start3A, %dma_start3A_44] : memref<400x16xf32, #tpu.memory_space<vmem>> -> memref<80x16xf32, #tpu.memory_space<vmem>>
        %dma_start3A_46 = arith.constant 0 : i32
        %dma_start3A_47 = tpu.memref_slice %arg6[%add3A_39, %dma_start3A_46] : memref<125x80xi32, #tpu.memory_space<vmem>> -> memref<1x80xi32, #tpu.memory_space<vmem>>
        %dma_start3A_48 = tpu.memref_squeeze %dma_start3A_47 : memref<1x80xi32, #tpu.memory_space<vmem>> -> memref<80xi32, #tpu.memory_space<vmem>>
        %dma_start3A_49 = arith.constant 0 : i32
        %dma_start3A_50 = arith.constant 0 : i32
        %dma_start3A_51 = tpu.memref_slice %arg8[%dma_start3A_49, %dma_start3A_50] : memref<10240x16xf32, #tpu.memory_space<vmem_shared>> -> memref<10240x16xf32, #tpu.memory_space<vmem_shared>>
        tpu.enqueue_indirect_dma source(%dma_start3A_45 : memref<80x16xf32, #tpu.memory_space<vmem>>) target(%dma_start3A_51 : memref<10240x16xf32, #tpu.memory_space<vmem_shared>>) offsets(%dma_start3A_48 : memref<80xi32, #tpu.memory_space<vmem>>) semaphore(%run_scoped3A : memref<!tpu.dma_semaphore, #tpu.memory_space<semaphore_mem>>) {add = true}
        %dma_wait3A = arith.constant 240 : i32
        %dma_wait3A_52 = arith.constant 0 : i32
        %dma_wait3A_53 = tpu.memref_slice %arg7[%dma_wait3A, %dma_wait3A_52] : memref<400x16xf32, #tpu.memory_space<vmem>> -> memref<80x16xf32, #tpu.memory_space<vmem>>
        %dma_wait3A_54 = arith.constant 0 : i32
        %dma_wait3A_55 = tpu.memref_slice %arg6[%add3A_39, %dma_wait3A_54] : memref<125x80xi32, #tpu.memory_space<vmem>> -> memref<1x80xi32, #tpu.memory_space<vmem>>
        %dma_wait3A_56 = tpu.memref_squeeze %dma_wait3A_55 : memref<1x80xi32, #tpu.memory_space<vmem>> -> memref<80xi32, #tpu.memory_space<vmem>>
        %dma_wait3A_57 = arith.constant 0 : i32
        %dma_wait3A_58 = arith.constant 0 : i32
        %dma_wait3A_59 = tpu.memref_slice %arg8[%dma_wait3A_57, %dma_wait3A_58] : memref<10240x16xf32, #tpu.memory_space<vmem_shared>> -> memref<10240x16xf32, #tpu.memory_space<vmem_shared>>
        tpu.wait_indirect_dma semaphore(%run_scoped3A : memref<!tpu.dma_semaphore, #tpu.memory_space<semaphore_mem>>) src(%dma_wait3A_53 : memref<80x16xf32, #tpu.memory_space<vmem>>) dst(%dma_wait3A_59 : memref<10240x16xf32, #tpu.memory_space<vmem_shared>>)
        tpu.yield
      }) : () -> ()
      %mul3A_40 = arith.constant 5 : i32
      %mul3A_41 = arith.muli %scan3A_18, %mul3A_40 : i32
      %add3A_42 = arith.constant 4 : i32
      %add3A_43 = arith.addi %mul3A_41, %add3A_42 : i32
      "tpu.region"() ({
        %run_scoped3A = tpu.sem_alloc : memref<!tpu.dma_semaphore, #tpu.memory_space<semaphore_mem>>
        %dma_start3A = arith.constant 320 : i32
        %dma_start3A_44 = arith.constant 0 : i32
        %dma_start3A_45 = tpu.memref_slice %arg7[%dma_start3A, %dma_start3A_44] : memref<400x16xf32, #tpu.memory_space<vmem>> -> memref<80x16xf32, #tpu.memory_space<vmem>>
        %dma_start3A_46 = arith.constant 0 : i32
        %dma_start3A_47 = tpu.memref_slice %arg6[%add3A_43, %dma_start3A_46] : memref<125x80xi32, #tpu.memory_space<vmem>> -> memref<1x80xi32, #tpu.memory_space<vmem>>
        %dma_start3A_48 = tpu.memref_squeeze %dma_start3A_47 : memref<1x80xi32, #tpu.memory_space<vmem>> -> memref<80xi32, #tpu.memory_space<vmem>>
        %dma_start3A_49 = arith.constant 0 : i32
        %dma_start3A_50 = arith.constant 0 : i32
        %dma_start3A_51 = tpu.memref_slice %arg8[%dma_start3A_49, %dma_start3A_50] : memref<10240x16xf32, #tpu.memory_space<vmem_shared>> -> memref<10240x16xf32, #tpu.memory_space<vmem_shared>>
        tpu.enqueue_indirect_dma source(%dma_start3A_45 : memref<80x16xf32, #tpu.memory_space<vmem>>) target(%dma_start3A_51 : memref<10240x16xf32, #tpu.memory_space<vmem_shared>>) offsets(%dma_start3A_48 : memref<80xi32, #tpu.memory_space<vmem>>) semaphore(%run_scoped3A : memref<!tpu.dma_semaphore, #tpu.memory_space<semaphore_mem>>) {add = true}
        %dma_wait3A = arith.constant 320 : i32
        %dma_wait3A_52 = arith.constant 0 : i32
        %dma_wait3A_53 = tpu.memref_slice %arg7[%dma_wait3A, %dma_wait3A_52] : memref<400x16xf32, #tpu.memory_space<vmem>> -> memref<80x16xf32, #tpu.memory_space<vmem>>
        %dma_wait3A_54 = arith.constant 0 : i32
        %dma_wait3A_55 = tpu.memref_slice %arg6[%add3A_43, %dma_wait3A_54] : memref<125x80xi32, #tpu.memory_space<vmem>> -> memref<1x80xi32, #tpu.memory_space<vmem>>
        %dma_wait3A_56 = tpu.memref_squeeze %dma_wait3A_55 : memref<1x80xi32, #tpu.memory_space<vmem>> -> memref<80xi32, #tpu.memory_space<vmem>>
        %dma_wait3A_57 = arith.constant 0 : i32
        %dma_wait3A_58 = arith.constant 0 : i32
        %dma_wait3A_59 = tpu.memref_slice %arg8[%dma_wait3A_57, %dma_wait3A_58] : memref<10240x16xf32, #tpu.memory_space<vmem_shared>> -> memref<10240x16xf32, #tpu.memory_space<vmem_shared>>
        tpu.wait_indirect_dma semaphore(%run_scoped3A : memref<!tpu.dma_semaphore, #tpu.memory_space<semaphore_mem>>) src(%dma_wait3A_53 : memref<80x16xf32, #tpu.memory_space<vmem>>) dst(%dma_wait3A_59 : memref<10240x16xf32, #tpu.memory_space<vmem_shared>>)
        tpu.yield
      }) : () -> ()
    }
    %scan3A_12 = arith.constant 25 : i32
    %barrier3A_13 = arith.constant 0 : index
    tpu.barrier barrier_id(%barrier3A_13)
    %mul3A_14 = arith.constant 640 : i32
    %mul3A_15 = arith.muli %arg1, %mul3A_14 : i32
    %mul3A_16 = arith.constant 640 : i32
    %mul3A_17 = arith.muli %arg1, %mul3A_16 : i32
    "tpu.region"() ({
      %run_scoped3A = tpu.sem_alloc : memref<!tpu.dma_semaphore, #tpu.memory_space<semaphore_mem>>
      %dma_start3A = arith.constant 0 : i32
      %dma_start3A_18 = tpu.memref_slice %arg5[%arg0, %mul3A_17, %dma_start3A] : memref<2x10240x16xf32, #tpu.memory_space<hbm>> -> memref<1x640x16xf32, #tpu.memory_space<hbm>>
      %dma_start3A_19 = tpu.memref_squeeze %dma_start3A_18 : memref<1x640x16xf32, #tpu.memory_space<hbm>> -> memref<640x16xf32, #tpu.memory_space<hbm>>
      %dma_start3A_20 = arith.constant 0 : i32
      %dma_start3A_21 = tpu.memref_slice %arg8[%mul3A_15, %dma_start3A_20] : memref<10240x16xf32, #tpu.memory_space<vmem_shared>> -> memref<640x16xf32, #tpu.memory_space<vmem_shared>>
      tpu.enqueue_dma source(%dma_start3A_21 : memref<640x16xf32, #tpu.memory_space<vmem_shared>>) target(%dma_start3A_19 : memref<640x16xf32, #tpu.memory_space<hbm>>) target_semaphore(%run_scoped3A : memref<!tpu.dma_semaphore, #tpu.memory_space<semaphore_mem>>)
      %dma_wait3A = arith.constant 0 : i32
      %dma_wait3A_22 = tpu.memref_slice %arg5[%arg0, %mul3A_17, %dma_wait3A] : memref<2x10240x16xf32, #tpu.memory_space<hbm>> -> memref<1x640x16xf32, #tpu.memory_space<hbm>>
      %dma_wait3A_23 = tpu.memref_squeeze %dma_wait3A_22 : memref<1x640x16xf32, #tpu.memory_space<hbm>> -> memref<640x16xf32, #tpu.memory_space<hbm>>
      %dma_wait3A_24 = arith.constant 0 : i32
      %dma_wait3A_25 = tpu.memref_slice %arg8[%mul3A_15, %dma_wait3A_24] : memref<10240x16xf32, #tpu.memory_space<vmem_shared>> -> memref<640x16xf32, #tpu.memory_space<vmem_shared>>
      tpu.wait_dma2 semaphore(%run_scoped3A : memref<!tpu.dma_semaphore, #tpu.memory_space<semaphore_mem>>) src(%dma_wait3A_25 : memref<640x16xf32, #tpu.memory_space<vmem_shared>>) dst(%dma_wait3A_23 : memref<640x16xf32, #tpu.memory_space<hbm>>)
      tpu.yield
    }) : () -> ()
    return
  }
}

#map = affine_map<(d0, d1) -> (0, 0)>
#map1 = affine_map<(d0, d1) -> (0, 0, 0)>
module attributes {stable_mosaic.version = 14 : i64} {
  func.func @_scatter_body(%arg0: i32, %arg1: i32, %arg2: memref<320000x16xf32, #tpu.memory_space<hbm>>, %arg3: memref<32x125x80xi32, #tpu.memory_space<hbm>>, %arg4: memref<10240x16xf32, #tpu.memory_space<hbm>>, %arg5: memref<2x10240x16xf32, #tpu.memory_space<hbm>>, %arg6: memref<125x80xi32, #tpu.memory_space<vmem>>, %arg7: memref<400x16xf32, #tpu.memory_space<vmem>>, %arg8: memref<10240x16xf32, #tpu.memory_space<vmem_shared>>) attributes {dimension_semantics = [#tpu.dimension_semantics<core_parallel>, #tpu.dimension_semantics<subcore_parallel>], iteration_bounds = array<i64: 2, 16>, scalar_prefetch = 0 : i64, scratch_operands = 3 : i64, tpu.core_type = #tpu.core_type<sc_vector_subcore>, window_params = [{transform_indices = #map}, {transform_indices = #map1}, {transform_indices = #map}, {transform_indices = #map1}]} {
    %mul3A = arith.constant 640 : i32
    %mul3A_0 = arith.muli %arg1, %mul3A : i32
    %mul3A_1 = arith.constant 640 : i32
    %mul3A_2 = arith.muli %arg1, %mul3A_1 : i32
    "tpu.region"() ({
      %run_scoped3A = tpu.sem_alloc : memref<!tpu.dma_semaphore, #tpu.memory_space<semaphore_mem>>
      %dma_start3A = arith.constant 0 : i32
      %dma_start3A_18 = tpu.memref_slice %arg8[%mul3A_2, %dma_start3A] : memref<10240x16xf32, #tpu.memory_space<vmem_shared>> -> memref<640x16xf32, #tpu.memory_space<vmem_shared>>
      %dma_start3A_19 = arith.constant 0 : i32
      %dma_start3A_20 = tpu.memref_slice %arg4[%mul3A_0, %dma_start3A_19] : memref<10240x16xf32, #tpu.memory_space<hbm>> -> memref<640x16xf32, #tpu.memory_space<hbm>>
      tpu.enqueue_dma source(%dma_start3A_20 : memref<640x16xf32, #tpu.memory_space<hbm>>) target(%dma_start3A_18 : memref<640x16xf32, #tpu.memory_space<vmem_shared>>) target_semaphore(%run_scoped3A : memref<!tpu.dma_semaphore, #tpu.memory_space<semaphore_mem>>)
      %dma_wait3A = arith.constant 0 : i32
      %dma_wait3A_21 = tpu.memref_slice %arg8[%mul3A_2, %dma_wait3A] : memref<10240x16xf32, #tpu.memory_space<vmem_shared>> -> memref<640x16xf32, #tpu.memory_space<vmem_shared>>
      %dma_wait3A_22 = arith.constant 0 : i32
      %dma_wait3A_23 = tpu.memref_slice %arg4[%mul3A_0, %dma_wait3A_22] : memref<10240x16xf32, #tpu.memory_space<hbm>> -> memref<640x16xf32, #tpu.memory_space<hbm>>
      tpu.wait_dma2 semaphore(%run_scoped3A : memref<!tpu.dma_semaphore, #tpu.memory_space<semaphore_mem>>) src(%dma_wait3A_23 : memref<640x16xf32, #tpu.memory_space<hbm>>) dst(%dma_wait3A_21 : memref<640x16xf32, #tpu.memory_space<vmem_shared>>)
      tpu.yield
    }) : () -> ()
    %barrier3A = arith.constant 0 : index
    tpu.barrier barrier_id(%barrier3A)
    %mul3A_3 = arith.constant 16 : i32
    %mul3A_4 = arith.muli %arg0, %mul3A_3 : i32
    %add3A = arith.addi %mul3A_4, %arg1 : i32
    "tpu.region"() ({
      %run_scoped3A = tpu.sem_alloc : memref<!tpu.dma_semaphore, #tpu.memory_space<semaphore_mem>>
      %dma_start3A = arith.constant 0 : i32
      %dma_start3A_18 = arith.constant 0 : i32
      %dma_start3A_19 = tpu.memref_slice %arg3[%add3A, %dma_start3A, %dma_start3A_18] : memref<32x125x80xi32, #tpu.memory_space<hbm>> -> memref<1x125x80xi32, #tpu.memory_space<hbm>>
      %dma_start3A_20 = tpu.memref_squeeze %dma_start3A_19 : memref<1x125x80xi32, #tpu.memory_space<hbm>> -> memref<125x80xi32, #tpu.memory_space<hbm>>
      %dma_start3A_21 = arith.constant 0 : i32
      %dma_start3A_22 = arith.constant 0 : i32
      %dma_start3A_23 = tpu.memref_slice %arg3[%add3A, %dma_start3A_21, %dma_start3A_22] : memref<32x125x80xi32, #tpu.memory_space<hbm>> -> memref<1x125x80xi32, #tpu.memory_space<hbm>>
      %dma_start3A_24 = tpu.memref_squeeze %dma_start3A_23 : memref<1x125x80xi32, #tpu.memory_space<hbm>> -> memref<125x80xi32, #tpu.memory_space<hbm>>
      tpu.enqueue_dma source(%dma_start3A_24 : memref<125x80xi32, #tpu.memory_space<hbm>>) target(%arg6 : memref<125x80xi32, #tpu.memory_space<vmem>>) target_semaphore(%run_scoped3A : memref<!tpu.dma_semaphore, #tpu.memory_space<semaphore_mem>>)
      %dma_wait3A = arith.constant 0 : i32
      %dma_wait3A_25 = arith.constant 0 : i32
      %dma_wait3A_26 = tpu.memref_slice %arg3[%add3A, %dma_wait3A, %dma_wait3A_25] : memref<32x125x80xi32, #tpu.memory_space<hbm>> -> memref<1x125x80xi32, #tpu.memory_space<hbm>>
      %dma_wait3A_27 = tpu.memref_squeeze %dma_wait3A_26 : memref<1x125x80xi32, #tpu.memory_space<hbm>> -> memref<125x80xi32, #tpu.memory_space<hbm>>
      %dma_wait3A_28 = arith.constant 0 : i32
      %dma_wait3A_29 = arith.constant 0 : i32
      %dma_wait3A_30 = tpu.memref_slice %arg3[%add3A, %dma_wait3A_28, %dma_wait3A_29] : memref<32x125x80xi32, #tpu.memory_space<hbm>> -> memref<1x125x80xi32, #tpu.memory_space<hbm>>
      %dma_wait3A_31 = tpu.memref_squeeze %dma_wait3A_30 : memref<1x125x80xi32, #tpu.memory_space<hbm>> -> memref<125x80xi32, #tpu.memory_space<hbm>>
      tpu.wait_dma2 semaphore(%run_scoped3A : memref<!tpu.dma_semaphore, #tpu.memory_space<semaphore_mem>>) src(%dma_wait3A_31 : memref<125x80xi32, #tpu.memory_space<hbm>>) dst(%arg6 : memref<125x80xi32, #tpu.memory_space<vmem>>)
      tpu.yield
    }) : () -> ()
    %mul3A_5 = arith.constant 16 : i32
    %mul3A_6 = arith.muli %arg0, %mul3A_5 : i32
    %add3A_7 = arith.addi %mul3A_6, %arg1 : i32
    %scan3A = arith.constant 0 : i32
    %scan3A_8 = arith.constant 0 : i32
    %scan3A_9 = arith.constant 25 : i32
    %scan3A_10 = arith.addi %scan3A_8, %scan3A_9 : i32
    %scan3A_11 = arith.constant 1 : i32
    scf.for %scan3A_18 = %scan3A_8 to %scan3A_10 step %scan3A_11  : i32 {
      %mul3A_19 = arith.constant 10000 : i32
      %mul3A_20 = arith.muli %add3A_7, %mul3A_19 : i32
      %mul3A_21 = arith.constant 400 : i32
      %mul3A_22 = arith.muli %scan3A_18, %mul3A_21 : i32
      %add3A_23 = arith.addi %mul3A_20, %mul3A_22 : i32
      "tpu.region"() ({
        %run_scoped3A = tpu.sem_alloc : memref<!tpu.dma_semaphore, #tpu.memory_space<semaphore_mem>>
        %dma_start3A = arith.constant 0 : i32
        %dma_start3A_44 = tpu.memref_slice %arg2[%add3A_23, %dma_start3A] : memref<320000x16xf32, #tpu.memory_space<hbm>> -> memref<400x16xf32, #tpu.memory_space<hbm>>
        %dma_start3A_45 = arith.constant 0 : i32
        %dma_start3A_46 = tpu.memref_slice %arg2[%add3A_23, %dma_start3A_45] : memref<320000x16xf32, #tpu.memory_space<hbm>> -> memref<400x16xf32, #tpu.memory_space<hbm>>
        tpu.enqueue_dma source(%dma_start3A_46 : memref<400x16xf32, #tpu.memory_space<hbm>>) target(%arg7 : memref<400x16xf32, #tpu.memory_space<vmem>>) target_semaphore(%run_scoped3A : memref<!tpu.dma_semaphore, #tpu.memory_space<semaphore_mem>>)
        %dma_wait3A = arith.constant 0 : i32
        %dma_wait3A_47 = tpu.memref_slice %arg2[%add3A_23, %dma_wait3A] : memref<320000x16xf32, #tpu.memory_space<hbm>> -> memref<400x16xf32, #tpu.memory_space<hbm>>
        %dma_wait3A_48 = arith.constant 0 : i32
        %dma_wait3A_49 = tpu.memref_slice %arg2[%add3A_23, %dma_wait3A_48] : memref<320000x16xf32, #tpu.memory_space<hbm>> -> memref<400x16xf32, #tpu.memory_space<hbm>>
        tpu.wait_dma2 semaphore(%run_scoped3A : memref<!tpu.dma_semaphore, #tpu.memory_space<semaphore_mem>>) src(%dma_wait3A_49 : memref<400x16xf32, #tpu.memory_space<hbm>>) dst(%arg7 : memref<400x16xf32, #tpu.memory_space<vmem>>)
        tpu.yield
      }) : () -> ()
      %mul3A_24 = arith.constant 5 : i32
      %mul3A_25 = arith.muli %scan3A_18, %mul3A_24 : i32
      %add3A_26 = arith.constant 0 : i32
      %add3A_27 = arith.addi %mul3A_25, %add3A_26 : i32
      "tpu.region"() ({
        %run_scoped3A = tpu.sem_alloc : memref<!tpu.dma_semaphore, #tpu.memory_space<semaphore_mem>>
        %dma_start3A = arith.constant 0 : i32
        %dma_start3A_44 = arith.constant 0 : i32
        %dma_start3A_45 = tpu.memref_slice %arg7[%dma_start3A, %dma_start3A_44] : memref<400x16xf32, #tpu.memory_space<vmem>> -> memref<80x16xf32, #tpu.memory_space<vmem>>
        %dma_start3A_46 = arith.constant 0 : i32
        %dma_start3A_47 = tpu.memref_slice %arg6[%add3A_27, %dma_start3A_46] : memref<125x80xi32, #tpu.memory_space<vmem>> -> memref<1x80xi32, #tpu.memory_space<vmem>>
        %dma_start3A_48 = tpu.memref_squeeze %dma_start3A_47 : memref<1x80xi32, #tpu.memory_space<vmem>> -> memref<80xi32, #tpu.memory_space<vmem>>
        %dma_start3A_49 = arith.constant 0 : i32
        %dma_start3A_50 = arith.constant 0 : i32
        %dma_start3A_51 = tpu.memref_slice %arg8[%dma_start3A_49, %dma_start3A_50] : memref<10240x16xf32, #tpu.memory_space<vmem_shared>> -> memref<10240x16xf32, #tpu.memory_space<vmem_shared>>
        tpu.enqueue_indirect_dma source(%dma_start3A_45 : memref<80x16xf32, #tpu.memory_space<vmem>>) target(%dma_start3A_51 : memref<10240x16xf32, #tpu.memory_space<vmem_shared>>) offsets(%dma_start3A_48 : memref<80xi32, #tpu.memory_space<vmem>>) semaphore(%run_scoped3A : memref<!tpu.dma_semaphore, #tpu.memory_space<semaphore_mem>>) {add = true}
        %dma_wait3A = arith.constant 0 : i32
        %dma_wait3A_52 = arith.constant 0 : i32
        %dma_wait3A_53 = tpu.memref_slice %arg7[%dma_wait3A, %dma_wait3A_52] : memref<400x16xf32, #tpu.memory_space<vmem>> -> memref<80x16xf32, #tpu.memory_space<vmem>>
        %dma_wait3A_54 = arith.constant 0 : i32
        %dma_wait3A_55 = tpu.memref_slice %arg6[%add3A_27, %dma_wait3A_54] : memref<125x80xi32, #tpu.memory_space<vmem>> -> memref<1x80xi32, #tpu.memory_space<vmem>>
        %dma_wait3A_56 = tpu.memref_squeeze %dma_wait3A_55 : memref<1x80xi32, #tpu.memory_space<vmem>> -> memref<80xi32, #tpu.memory_space<vmem>>
        %dma_wait3A_57 = arith.constant 0 : i32
        %dma_wait3A_58 = arith.constant 0 : i32
        %dma_wait3A_59 = tpu.memref_slice %arg8[%dma_wait3A_57, %dma_wait3A_58] : memref<10240x16xf32, #tpu.memory_space<vmem_shared>> -> memref<10240x16xf32, #tpu.memory_space<vmem_shared>>
        tpu.wait_indirect_dma semaphore(%run_scoped3A : memref<!tpu.dma_semaphore, #tpu.memory_space<semaphore_mem>>) src(%dma_wait3A_53 : memref<80x16xf32, #tpu.memory_space<vmem>>) dst(%dma_wait3A_59 : memref<10240x16xf32, #tpu.memory_space<vmem_shared>>)
        tpu.yield
      }) : () -> ()
      %mul3A_28 = arith.constant 5 : i32
      %mul3A_29 = arith.muli %scan3A_18, %mul3A_28 : i32
      %add3A_30 = arith.constant 1 : i32
      %add3A_31 = arith.addi %mul3A_29, %add3A_30 : i32
      "tpu.region"() ({
        %run_scoped3A = tpu.sem_alloc : memref<!tpu.dma_semaphore, #tpu.memory_space<semaphore_mem>>
        %dma_start3A = arith.constant 80 : i32
        %dma_start3A_44 = arith.constant 0 : i32
        %dma_start3A_45 = tpu.memref_slice %arg7[%dma_start3A, %dma_start3A_44] : memref<400x16xf32, #tpu.memory_space<vmem>> -> memref<80x16xf32, #tpu.memory_space<vmem>>
        %dma_start3A_46 = arith.constant 0 : i32
        %dma_start3A_47 = tpu.memref_slice %arg6[%add3A_31, %dma_start3A_46] : memref<125x80xi32, #tpu.memory_space<vmem>> -> memref<1x80xi32, #tpu.memory_space<vmem>>
        %dma_start3A_48 = tpu.memref_squeeze %dma_start3A_47 : memref<1x80xi32, #tpu.memory_space<vmem>> -> memref<80xi32, #tpu.memory_space<vmem>>
        %dma_start3A_49 = arith.constant 0 : i32
        %dma_start3A_50 = arith.constant 0 : i32
        %dma_start3A_51 = tpu.memref_slice %arg8[%dma_start3A_49, %dma_start3A_50] : memref<10240x16xf32, #tpu.memory_space<vmem_shared>> -> memref<10240x16xf32, #tpu.memory_space<vmem_shared>>
        tpu.enqueue_indirect_dma source(%dma_start3A_45 : memref<80x16xf32, #tpu.memory_space<vmem>>) target(%dma_start3A_51 : memref<10240x16xf32, #tpu.memory_space<vmem_shared>>) offsets(%dma_start3A_48 : memref<80xi32, #tpu.memory_space<vmem>>) semaphore(%run_scoped3A : memref<!tpu.dma_semaphore, #tpu.memory_space<semaphore_mem>>) {add = true}
        %dma_wait3A = arith.constant 80 : i32
        %dma_wait3A_52 = arith.constant 0 : i32
        %dma_wait3A_53 = tpu.memref_slice %arg7[%dma_wait3A, %dma_wait3A_52] : memref<400x16xf32, #tpu.memory_space<vmem>> -> memref<80x16xf32, #tpu.memory_space<vmem>>
        %dma_wait3A_54 = arith.constant 0 : i32
        %dma_wait3A_55 = tpu.memref_slice %arg6[%add3A_31, %dma_wait3A_54] : memref<125x80xi32, #tpu.memory_space<vmem>> -> memref<1x80xi32, #tpu.memory_space<vmem>>
        %dma_wait3A_56 = tpu.memref_squeeze %dma_wait3A_55 : memref<1x80xi32, #tpu.memory_space<vmem>> -> memref<80xi32, #tpu.memory_space<vmem>>
        %dma_wait3A_57 = arith.constant 0 : i32
        %dma_wait3A_58 = arith.constant 0 : i32
        %dma_wait3A_59 = tpu.memref_slice %arg8[%dma_wait3A_57, %dma_wait3A_58] : memref<10240x16xf32, #tpu.memory_space<vmem_shared>> -> memref<10240x16xf32, #tpu.memory_space<vmem_shared>>
        tpu.wait_indirect_dma semaphore(%run_scoped3A : memref<!tpu.dma_semaphore, #tpu.memory_space<semaphore_mem>>) src(%dma_wait3A_53 : memref<80x16xf32, #tpu.memory_space<vmem>>) dst(%dma_wait3A_59 : memref<10240x16xf32, #tpu.memory_space<vmem_shared>>)
        tpu.yield
      }) : () -> ()
      %mul3A_32 = arith.constant 5 : i32
      %mul3A_33 = arith.muli %scan3A_18, %mul3A_32 : i32
      %add3A_34 = arith.constant 2 : i32
      %add3A_35 = arith.addi %mul3A_33, %add3A_34 : i32
      "tpu.region"() ({
        %run_scoped3A = tpu.sem_alloc : memref<!tpu.dma_semaphore, #tpu.memory_space<semaphore_mem>>
        %dma_start3A = arith.constant 160 : i32
        %dma_start3A_44 = arith.constant 0 : i32
        %dma_start3A_45 = tpu.memref_slice %arg7[%dma_start3A, %dma_start3A_44] : memref<400x16xf32, #tpu.memory_space<vmem>> -> memref<80x16xf32, #tpu.memory_space<vmem>>
        %dma_start3A_46 = arith.constant 0 : i32
        %dma_start3A_47 = tpu.memref_slice %arg6[%add3A_35, %dma_start3A_46] : memref<125x80xi32, #tpu.memory_space<vmem>> -> memref<1x80xi32, #tpu.memory_space<vmem>>
        %dma_start3A_48 = tpu.memref_squeeze %dma_start3A_47 : memref<1x80xi32, #tpu.memory_space<vmem>> -> memref<80xi32, #tpu.memory_space<vmem>>
        %dma_start3A_49 = arith.constant 0 : i32
        %dma_start3A_50 = arith.constant 0 : i32
        %dma_start3A_51 = tpu.memref_slice %arg8[%dma_start3A_49, %dma_start3A_50] : memref<10240x16xf32, #tpu.memory_space<vmem_shared>> -> memref<10240x16xf32, #tpu.memory_space<vmem_shared>>
        tpu.enqueue_indirect_dma source(%dma_start3A_45 : memref<80x16xf32, #tpu.memory_space<vmem>>) target(%dma_start3A_51 : memref<10240x16xf32, #tpu.memory_space<vmem_shared>>) offsets(%dma_start3A_48 : memref<80xi32, #tpu.memory_space<vmem>>) semaphore(%run_scoped3A : memref<!tpu.dma_semaphore, #tpu.memory_space<semaphore_mem>>) {add = true}
        %dma_wait3A = arith.constant 160 : i32
        %dma_wait3A_52 = arith.constant 0 : i32
        %dma_wait3A_53 = tpu.memref_slice %arg7[%dma_wait3A, %dma_wait3A_52] : memref<400x16xf32, #tpu.memory_space<vmem>> -> memref<80x16xf32, #tpu.memory_space<vmem>>
        %dma_wait3A_54 = arith.constant 0 : i32
        %dma_wait3A_55 = tpu.memref_slice %arg6[%add3A_35, %dma_wait3A_54] : memref<125x80xi32, #tpu.memory_space<vmem>> -> memref<1x80xi32, #tpu.memory_space<vmem>>
        %dma_wait3A_56 = tpu.memref_squeeze %dma_wait3A_55 : memref<1x80xi32, #tpu.memory_space<vmem>> -> memref<80xi32, #tpu.memory_space<vmem>>
        %dma_wait3A_57 = arith.constant 0 : i32
        %dma_wait3A_58 = arith.constant 0 : i32
        %dma_wait3A_59 = tpu.memref_slice %arg8[%dma_wait3A_57, %dma_wait3A_58] : memref<10240x16xf32, #tpu.memory_space<vmem_shared>> -> memref<10240x16xf32, #tpu.memory_space<vmem_shared>>
        tpu.wait_indirect_dma semaphore(%run_scoped3A : memref<!tpu.dma_semaphore, #tpu.memory_space<semaphore_mem>>) src(%dma_wait3A_53 : memref<80x16xf32, #tpu.memory_space<vmem>>) dst(%dma_wait3A_59 : memref<10240x16xf32, #tpu.memory_space<vmem_shared>>)
        tpu.yield
      }) : () -> ()
      %mul3A_36 = arith.constant 5 : i32
      %mul3A_37 = arith.muli %scan3A_18, %mul3A_36 : i32
      %add3A_38 = arith.constant 3 : i32
      %add3A_39 = arith.addi %mul3A_37, %add3A_38 : i32
      "tpu.region"() ({
        %run_scoped3A = tpu.sem_alloc : memref<!tpu.dma_semaphore, #tpu.memory_space<semaphore_mem>>
        %dma_start3A = arith.constant 240 : i32
        %dma_start3A_44 = arith.constant 0 : i32
        %dma_start3A_45 = tpu.memref_slice %arg7[%dma_start3A, %dma_start3A_44] : memref<400x16xf32, #tpu.memory_space<vmem>> -> memref<80x16xf32, #tpu.memory_space<vmem>>
        %dma_start3A_46 = arith.constant 0 : i32
        %dma_start3A_47 = tpu.memref_slice %arg6[%add3A_39, %dma_start3A_46] : memref<125x80xi32, #tpu.memory_space<vmem>> -> memref<1x80xi32, #tpu.memory_space<vmem>>
        %dma_start3A_48 = tpu.memref_squeeze %dma_start3A_47 : memref<1x80xi32, #tpu.memory_space<vmem>> -> memref<80xi32, #tpu.memory_space<vmem>>
        %dma_start3A_49 = arith.constant 0 : i32
        %dma_start3A_50 = arith.constant 0 : i32
        %dma_start3A_51 = tpu.memref_slice %arg8[%dma_start3A_49, %dma_start3A_50] : memref<10240x16xf32, #tpu.memory_space<vmem_shared>> -> memref<10240x16xf32, #tpu.memory_space<vmem_shared>>
        tpu.enqueue_indirect_dma source(%dma_start3A_45 : memref<80x16xf32, #tpu.memory_space<vmem>>) target(%dma_start3A_51 : memref<10240x16xf32, #tpu.memory_space<vmem_shared>>) offsets(%dma_start3A_48 : memref<80xi32, #tpu.memory_space<vmem>>) semaphore(%run_scoped3A : memref<!tpu.dma_semaphore, #tpu.memory_space<semaphore_mem>>) {add = true}
        %dma_wait3A = arith.constant 240 : i32
        %dma_wait3A_52 = arith.constant 0 : i32
        %dma_wait3A_53 = tpu.memref_slice %arg7[%dma_wait3A, %dma_wait3A_52] : memref<400x16xf32, #tpu.memory_space<vmem>> -> memref<80x16xf32, #tpu.memory_space<vmem>>
        %dma_wait3A_54 = arith.constant 0 : i32
        %dma_wait3A_55 = tpu.memref_slice %arg6[%add3A_39, %dma_wait3A_54] : memref<125x80xi32, #tpu.memory_space<vmem>> -> memref<1x80xi32, #tpu.memory_space<vmem>>
        %dma_wait3A_56 = tpu.memref_squeeze %dma_wait3A_55 : memref<1x80xi32, #tpu.memory_space<vmem>> -> memref<80xi32, #tpu.memory_space<vmem>>
        %dma_wait3A_57 = arith.constant 0 : i32
        %dma_wait3A_58 = arith.constant 0 : i32
        %dma_wait3A_59 = tpu.memref_slice %arg8[%dma_wait3A_57, %dma_wait3A_58] : memref<10240x16xf32, #tpu.memory_space<vmem_shared>> -> memref<10240x16xf32, #tpu.memory_space<vmem_shared>>
        tpu.wait_indirect_dma semaphore(%run_scoped3A : memref<!tpu.dma_semaphore, #tpu.memory_space<semaphore_mem>>) src(%dma_wait3A_53 : memref<80x16xf32, #tpu.memory_space<vmem>>) dst(%dma_wait3A_59 : memref<10240x16xf32, #tpu.memory_space<vmem_shared>>)
        tpu.yield
      }) : () -> ()
      %mul3A_40 = arith.constant 5 : i32
      %mul3A_41 = arith.muli %scan3A_18, %mul3A_40 : i32
      %add3A_42 = arith.constant 4 : i32
      %add3A_43 = arith.addi %mul3A_41, %add3A_42 : i32
      "tpu.region"() ({
        %run_scoped3A = tpu.sem_alloc : memref<!tpu.dma_semaphore, #tpu.memory_space<semaphore_mem>>
        %dma_start3A = arith.constant 320 : i32
        %dma_start3A_44 = arith.constant 0 : i32
        %dma_start3A_45 = tpu.memref_slice %arg7[%dma_start3A, %dma_start3A_44] : memref<400x16xf32, #tpu.memory_space<vmem>> -> memref<80x16xf32, #tpu.memory_space<vmem>>
        %dma_start3A_46 = arith.constant 0 : i32
        %dma_start3A_47 = tpu.memref_slice %arg6[%add3A_43, %dma_start3A_46] : memref<125x80xi32, #tpu.memory_space<vmem>> -> memref<1x80xi32, #tpu.memory_space<vmem>>
        %dma_start3A_48 = tpu.memref_squeeze %dma_start3A_47 : memref<1x80xi32, #tpu.memory_space<vmem>> -> memref<80xi32, #tpu.memory_space<vmem>>
        %dma_start3A_49 = arith.constant 0 : i32
        %dma_start3A_50 = arith.constant 0 : i32
        %dma_start3A_51 = tpu.memref_slice %arg8[%dma_start3A_49, %dma_start3A_50] : memref<10240x16xf32, #tpu.memory_space<vmem_shared>> -> memref<10240x16xf32, #tpu.memory_space<vmem_shared>>
        tpu.enqueue_indirect_dma source(%dma_start3A_45 : memref<80x16xf32, #tpu.memory_space<vmem>>) target(%dma_start3A_51 : memref<10240x16xf32, #tpu.memory_space<vmem_shared>>) offsets(%dma_start3A_48 : memref<80xi32, #tpu.memory_space<vmem>>) semaphore(%run_scoped3A : memref<!tpu.dma_semaphore, #tpu.memory_space<semaphore_mem>>) {add = true}
        %dma_wait3A = arith.constant 320 : i32
        %dma_wait3A_52 = arith.constant 0 : i32
        %dma_wait3A_53 = tpu.memref_slice %arg7[%dma_wait3A, %dma_wait3A_52] : memref<400x16xf32, #tpu.memory_space<vmem>> -> memref<80x16xf32, #tpu.memory_space<vmem>>
        %dma_wait3A_54 = arith.constant 0 : i32
        %dma_wait3A_55 = tpu.memref_slice %arg6[%add3A_43, %dma_wait3A_54] : memref<125x80xi32, #tpu.memory_space<vmem>> -> memref<1x80xi32, #tpu.memory_space<vmem>>
        %dma_wait3A_56 = tpu.memref_squeeze %dma_wait3A_55 : memref<1x80xi32, #tpu.memory_space<vmem>> -> memref<80xi32, #tpu.memory_space<vmem>>
        %dma_wait3A_57 = arith.constant 0 : i32
        %dma_wait3A_58 = arith.constant 0 : i32
        %dma_wait3A_59 = tpu.memref_slice %arg8[%dma_wait3A_57, %dma_wait3A_58] : memref<10240x16xf32, #tpu.memory_space<vmem_shared>> -> memref<10240x16xf32, #tpu.memory_space<vmem_shared>>
        tpu.wait_indirect_dma semaphore(%run_scoped3A : memref<!tpu.dma_semaphore, #tpu.memory_space<semaphore_mem>>) src(%dma_wait3A_53 : memref<80x16xf32, #tpu.memory_space<vmem>>) dst(%dma_wait3A_59 : memref<10240x16xf32, #tpu.memory_space<vmem_shared>>)
        tpu.yield
      }) : () -> ()
    }
    %scan3A_12 = arith.constant 25 : i32
    %barrier3A_13 = arith.constant 0 : index
    tpu.barrier barrier_id(%barrier3A_13)
    %mul3A_14 = arith.constant 640 : i32
    %mul3A_15 = arith.muli %arg1, %mul3A_14 : i32
    %mul3A_16 = arith.constant 640 : i32
    %mul3A_17 = arith.muli %arg1, %mul3A_16 : i32
    "tpu.region"() ({
      %run_scoped3A = tpu.sem_alloc : memref<!tpu.dma_semaphore, #tpu.memory_space<semaphore_mem>>
      %dma_start3A = arith.constant 0 : i32
      %dma_start3A_18 = tpu.memref_slice %arg5[%arg0, %mul3A_17, %dma_start3A] : memref<2x10240x16xf32, #tpu.memory_space<hbm>> -> memref<1x640x16xf32, #tpu.memory_space<hbm>>
      %dma_start3A_19 = tpu.memref_squeeze %dma_start3A_18 : memref<1x640x16xf32, #tpu.memory_space<hbm>> -> memref<640x16xf32, #tpu.memory_space<hbm>>
      %dma_start3A_20 = arith.constant 0 : i32
      %dma_start3A_21 = tpu.memref_slice %arg8[%mul3A_15, %dma_start3A_20] : memref<10240x16xf32, #tpu.memory_space<vmem_shared>> -> memref<640x16xf32, #tpu.memory_space<vmem_shared>>
      tpu.enqueue_dma source(%dma_start3A_21 : memref<640x16xf32, #tpu.memory_space<vmem_shared>>) target(%dma_start3A_19 : memref<640x16xf32, #tpu.memory_space<hbm>>) target_semaphore(%run_scoped3A : memref<!tpu.dma_semaphore, #tpu.memory_space<semaphore_mem>>)
      %dma_wait3A = arith.constant 0 : i32
      %dma_wait3A_22 = tpu.memref_slice %arg5[%arg0, %mul3A_17, %dma_wait3A] : memref<2x10240x16xf32, #tpu.memory_space<hbm>> -> memref<1x640x16xf32, #tpu.memory_space<hbm>>
      %dma_wait3A_23 = tpu.memref_squeeze %dma_wait3A_22 : memref<1x640x16xf32, #tpu.memory_space<hbm>> -> memref<640x16xf32, #tpu.memory_space<hbm>>
      %dma_wait3A_24 = arith.constant 0 : i32
      %dma_wait3A_25 = tpu.memref_slice %arg8[%mul3A_15, %dma_wait3A_24] : memref<10240x16xf32, #tpu.memory_space<vmem_shared>> -> memref<640x16xf32, #tpu.memory_space<vmem_shared>>
      tpu.wait_dma2 semaphore(%run_scoped3A : memref<!tpu.dma_semaphore, #tpu.memory_space<semaphore_mem>>) src(%dma_wait3A_25 : memref<640x16xf32, #tpu.memory_space<vmem_shared>>) dst(%dma_wait3A_23 : memref<640x16xf32, #tpu.memory_space<hbm>>)
      tpu.yield
    }) : () -> ()
    return
  }
}

module attributes {stable_mosaic.version = 14 : i64} {
  func.func @_edge1_body(%arg0: i32, %arg1: memref<256x128xf32, #tpu.memory_space<vmem>>, %arg2: memref<256xi32, #tpu.memory_space<vmem>>, %arg3: memref<256xf32, #tpu.memory_space<vmem>>, %arg4: memref<256xf32, #tpu.memory_space<vmem>>, %arg5: memref<75x1280xbf16, #tpu.memory_space<vmem>>, %arg6: memref<1280x128xbf16, #tpu.memory_space<vmem>>, %arg7: memref<32x128xf32, #tpu.memory_space<vmem>>) attributes {dimension_semantics = [#tpu.dimension_semantics<arbitrary>], iteration_bounds = array<i64: 625>, scalar_prefetch = 0 : i64, scratch_operands = 0 : i64, tpu.core_type = #tpu.core_type<tc>, window_params = [{transform_indices = @transform_0, window_bounds = array<i64: 256, 128>}, {transform_indices = @transform_1, window_bounds = array<i64: 256>}, {transform_indices = @transform_2, window_bounds = array<i64: 256>}, {transform_indices = @transform_3, window_bounds = array<i64: 256>}, {pipeline_mode = #tpu.pipeline_mode<synchronous>, transform_indices = @transform_4, window_bounds = array<i64: 75, 1280>}, {pipeline_mode = #tpu.pipeline_mode<synchronous>, transform_indices = @transform_5, window_bounds = array<i64: 1280, 128>}, {transform_indices = @transform_6, window_bounds = array<i64: 32, 128>}]} {
    %get3A = arith.constant 0 : index
    %get3A_0 = vector.load %arg2[%get3A] : memref<256xi32, #tpu.memory_space<vmem>>, vector<256xi32>
    %reshape3A = vector.shape_cast %get3A_0 : vector<256xi32> to vector<256x1xi32>
    %get3A_1 = arith.constant 0 : index
    %get3A_2 = vector.load %arg3[%get3A_1] : memref<256xf32, #tpu.memory_space<vmem>>, vector<256xf32>
    %reshape3A_3 = vector.shape_cast %get3A_2 : vector<256xf32> to vector<256x1xf32>
    %get3A_4 = arith.constant 0 : index
    %get3A_5 = vector.load %arg4[%get3A_4] : memref<256xf32, #tpu.memory_space<vmem>>, vector<256xf32>
    %reshape3A_6 = vector.shape_cast %get3A_5 : vector<256xf32> to vector<256x1xf32>
    %iota3A = tpu.iota {dimensions = array<i32: 1>} : vector<256x75xi32>
    %jit3A = arith.constant 25 : i32
    %eq3A = arith.constant 0 : i32
    %eq3A_7 = arith.cmpi eq, %jit3A, %eq3A : i32
    %jit3A_8 = arith.constant 1 : i32
    %select_n3A = arith.select %eq3A_7, %jit3A_8, %jit3A : i32
    %rem3A = vector.broadcast %select_n3A : i32 to vector<256x75xi32>
    %rem3A_9 = arith.remsi %iota3A, %rem3A : vector<256x75xi32>
    %ne3A = arith.constant 0 : i32
    %ne3A_10 = vector.broadcast %ne3A : i32 to vector<256x75xi32>
    %ne3A_11 = arith.cmpi ne, %rem3A_9, %ne3A_10 : vector<256x75xi32>
    %lt3A = arith.constant 0 : i32
    %lt3A_12 = vector.broadcast %lt3A : i32 to vector<256x75xi32>
    %lt3A_13 = arith.cmpi slt, %rem3A_9, %lt3A_12 : vector<256x75xi32>
    %lt3A_14 = arith.constant 0 : i32
    %lt3A_15 = arith.cmpi slt, %select_n3A, %lt3A_14 : i32
    %ne3A_16 = vector.broadcast %lt3A_15 : i1 to vector<256x75xi1>
    %ne3A_17 = vector.broadcast %ne3A_16 : vector<256x75xi1> to vector<256x75xi1>
    %ne3A_18 = arith.xori %lt3A_13, %ne3A_17 : vector<256x75xi1>
    %and3A = arith.andi %ne3A_18, %ne3A_11 : vector<256x75xi1>
    %add3A = vector.broadcast %select_n3A : i32 to vector<256x75xi32>
    %add3A_19 = arith.addi %rem3A_9, %add3A : vector<256x75xi32>
    %select_n3A_20 = arith.select %and3A, %add3A_19, %rem3A_9 : vector<256x75xi1>, vector<256x75xi32>
    %eq3A_21 = vector.broadcast %reshape3A : vector<256x1xi32> to vector<256x75xi32>
    %eq3A_22 = arith.cmpi eq, %eq3A_21, %select_n3A_20 : vector<256x75xi32>
    %convert_element_type3A = arith.extui %eq3A_22 : vector<256x75xi1> to vector<256x75xi32>
    %convert_element_type3A_23 = arith.sitofp %convert_element_type3A : vector<256x75xi32> to vector<256x75xf32>
    %jit3A_24 = arith.constant 25 : i32
    %div3A = vector.broadcast %jit3A_24 : i32 to vector<256x75xi32>
    %div3A_25 = arith.divsi %iota3A, %div3A : vector<256x75xi32>
    %sign3A = arith.constant 0 : i32
    %sign3A_26 = vector.broadcast %sign3A : i32 to vector<256x75xi32>
    %sign3A_27 = arith.cmpi sgt, %iota3A, %sign3A_26 : vector<256x75xi32>
    %sign3A_28 = arith.extui %sign3A_27 : vector<256x75xi1> to vector<256x75xi32>
    %sign3A_29 = arith.constant 0 : i32
    %sign3A_30 = vector.broadcast %sign3A_29 : i32 to vector<256x75xi32>
    %sign3A_31 = arith.cmpi slt, %iota3A, %sign3A_30 : vector<256x75xi32>
    %sign3A_32 = arith.extui %sign3A_31 : vector<256x75xi1> to vector<256x75xi32>
    %sign3A_33 = arith.subi %sign3A_28, %sign3A_32 : vector<256x75xi32>
    %sign3A_34 = arith.constant 0 : i32
    %sign3A_35 = arith.cmpi sgt, %jit3A_24, %sign3A_34 : i32
    %sign3A_36 = arith.extui %sign3A_35 : i1 to i32
    %sign3A_37 = arith.constant 0 : i32
    %sign3A_38 = arith.cmpi slt, %jit3A_24, %sign3A_37 : i32
    %sign3A_39 = arith.extui %sign3A_38 : i1 to i32
    %sign3A_40 = arith.subi %sign3A_36, %sign3A_39 : i32
    %ne3A_41 = vector.broadcast %sign3A_40 : i32 to vector<256x75xi32>
    %ne3A_42 = arith.cmpi ne, %sign3A_33, %ne3A_41 : vector<256x75xi32>
    %rem3A_43 = vector.broadcast %jit3A_24 : i32 to vector<256x75xi32>
    %rem3A_44 = arith.remsi %iota3A, %rem3A_43 : vector<256x75xi32>
    %ne3A_45 = arith.constant 0 : i32
    %ne3A_46 = vector.broadcast %ne3A_45 : i32 to vector<256x75xi32>
    %ne3A_47 = arith.cmpi ne, %rem3A_44, %ne3A_46 : vector<256x75xi32>
    %and3A_48 = arith.andi %ne3A_42, %ne3A_47 : vector<256x75xi1>
    %sub3A = arith.constant 1 : i32
    %sub3A_49 = vector.broadcast %sub3A : i32 to vector<256x75xi32>
    %sub3A_50 = arith.subi %div3A_25, %sub3A_49 : vector<256x75xi32>
    %select_n3A_51 = arith.select %and3A_48, %sub3A_50, %div3A_25 : vector<256x75xi1>, vector<256x75xi32>
    %eq3A_52 = arith.constant 0 : i32
    %eq3A_53 = vector.broadcast %eq3A_52 : i32 to vector<256x75xi32>
    %eq3A_54 = arith.cmpi eq, %select_n3A_51, %eq3A_53 : vector<256x75xi32>
    %eq3A_55 = arith.constant 1 : i32
    %eq3A_56 = vector.broadcast %eq3A_55 : i32 to vector<256x75xi32>
    %eq3A_57 = arith.cmpi eq, %select_n3A_51, %eq3A_56 : vector<256x75xi32>
    %jit3A_58 = arith.constant 1.000000e+00 : f32
    %broadcast_in_dim3A = vector.shape_cast %reshape3A_6 : vector<256x1xf32> to vector<256x1xf32>
    %broadcast_in_dim3A_59 = vector.broadcast %broadcast_in_dim3A : vector<256x1xf32> to vector<256x75xf32>
    %broadcast_in_dim3A_60 = vector.broadcast %jit3A_58 : f32 to vector<256x75xf32>
    %select_n3A_61 = arith.select %eq3A_57, %broadcast_in_dim3A_59, %broadcast_in_dim3A_60 : vector<256x75xi1>, vector<256x75xf32>
    %broadcast_in_dim3A_62 = vector.shape_cast %reshape3A_3 : vector<256x1xf32> to vector<256x1xf32>
    %broadcast_in_dim3A_63 = vector.broadcast %broadcast_in_dim3A_62 : vector<256x1xf32> to vector<256x75xf32>
    %select_n3A_64 = arith.select %eq3A_54, %broadcast_in_dim3A_63, %select_n3A_61 : vector<256x75xi1>, vector<256x75xf32>
    %mul3A = arith.mulf %convert_element_type3A_23, %select_n3A_64 : vector<256x75xf32>
    %convert_element_type3A_65 = arith.truncf %mul3A : vector<256x75xf32> to vector<256x75xbf16>
    %get3A_66 = arith.constant 0 : index
    %get3A_67 = arith.constant 0 : index
    %get3A_68 = vector.load %arg5[%get3A_66, %get3A_67] : memref<75x1280xbf16, #tpu.memory_space<vmem>>, vector<75x1280xbf16>
    %dot_general3A = arith.constant dense<0.000000e+00> : vector<256x1280xf32>
    %dot_general3A_69 = tpu.matmul %convert_element_type3A_65, %get3A_68, %dot_general3A {dimension_numbers = #tpu.dot_dimension_numbers<[1], [0], [0], [1], [0, 0, 1, 1], [], []>, transpose_lhs_hint = false} : vector<256x75xbf16>, vector<75x1280xbf16>, vector<256x1280xf32> -> vector<256x1280xf32>
    %max3A = arith.constant 0.000000e+00 : f32
    %max3A_70 = vector.broadcast %max3A : f32 to vector<256x1280xf32>
    %max3A_71 = arith.maximumf %dot_general3A_69, %max3A_70 : vector<256x1280xf32>
    %convert_element_type3A_72 = arith.truncf %max3A_71 : vector<256x1280xf32> to vector<256x1280xbf16>
    %get3A_73 = arith.constant 0 : index
    %get3A_74 = arith.constant 0 : index
    %get3A_75 = vector.load %arg1[%get3A_73, %get3A_74] : memref<256x128xf32, #tpu.memory_space<vmem>>, vector<256x128xf32>
    %convert_element_type3A_76 = arith.truncf %get3A_75 : vector<256x128xf32> to vector<256x128xbf16>
    %concatenate3A = tpu.concatenate %convert_element_type3A_76, %convert_element_type3A_76, %convert_element_type3A_76, %convert_element_type3A_76, %convert_element_type3A_76, %convert_element_type3A_76, %convert_element_type3A_76, %convert_element_type3A_76, %convert_element_type3A_76, %convert_element_type3A_76 in 1 : vector<256x128xbf16>, vector<256x128xbf16>, vector<256x128xbf16>, vector<256x128xbf16>, vector<256x128xbf16>, vector<256x128xbf16>, vector<256x128xbf16>, vector<256x128xbf16>, vector<256x128xbf16>, vector<256x128xbf16> -> vector<256x1280xbf16>
    %mul3A_77 = arith.mulf %convert_element_type3A_72, %concatenate3A : vector<256x1280xbf16>
    %get3A_78 = arith.constant 0 : index
    %get3A_79 = arith.constant 0 : index
    %get3A_80 = vector.load %arg6[%get3A_78, %get3A_79] : memref<1280x128xbf16, #tpu.memory_space<vmem>>, vector<1280x128xbf16>
    %dot_general3A_81 = arith.constant dense<0.000000e+00> : vector<256x128xf32>
    %dot_general3A_82 = tpu.matmul %mul3A_77, %get3A_80, %dot_general3A_81 {dimension_numbers = #tpu.dot_dimension_numbers<[1], [0], [0], [1], [0, 0, 1, 1], [], []>, transpose_lhs_hint = false} : vector<256x1280xbf16>, vector<1280x128xbf16>, vector<256x128xf32> -> vector<256x128xf32>
    %iota3A_83 = tpu.iota {dimensions = array<i32: 1>} : vector<256x128xi32>
    %iota3A_84 = tpu.iota {dimensions = array<i32: 0>} : vector<256x128xi32>
    %jit3A_85 = arith.constant 16 : i32
    %div3A_86 = vector.broadcast %jit3A_85 : i32 to vector<256x128xi32>
    %div3A_87 = arith.divsi %iota3A_83, %div3A_86 : vector<256x128xi32>
    %sign3A_88 = arith.constant 0 : i32
    %sign3A_89 = vector.broadcast %sign3A_88 : i32 to vector<256x128xi32>
    %sign3A_90 = arith.cmpi sgt, %iota3A_83, %sign3A_89 : vector<256x128xi32>
    %sign3A_91 = arith.extui %sign3A_90 : vector<256x128xi1> to vector<256x128xi32>
    %sign3A_92 = arith.constant 0 : i32
    %sign3A_93 = vector.broadcast %sign3A_92 : i32 to vector<256x128xi32>
    %sign3A_94 = arith.cmpi slt, %iota3A_83, %sign3A_93 : vector<256x128xi32>
    %sign3A_95 = arith.extui %sign3A_94 : vector<256x128xi1> to vector<256x128xi32>
    %sign3A_96 = arith.subi %sign3A_91, %sign3A_95 : vector<256x128xi32>
    %sign3A_97 = arith.constant 0 : i32
    %sign3A_98 = arith.cmpi sgt, %jit3A_85, %sign3A_97 : i32
    %sign3A_99 = arith.extui %sign3A_98 : i1 to i32
    %sign3A_100 = arith.constant 0 : i32
    %sign3A_101 = arith.cmpi slt, %jit3A_85, %sign3A_100 : i32
    %sign3A_102 = arith.extui %sign3A_101 : i1 to i32
    %sign3A_103 = arith.subi %sign3A_99, %sign3A_102 : i32
    %ne3A_104 = vector.broadcast %sign3A_103 : i32 to vector<256x128xi32>
    %ne3A_105 = arith.cmpi ne, %sign3A_96, %ne3A_104 : vector<256x128xi32>
    %rem3A_106 = vector.broadcast %jit3A_85 : i32 to vector<256x128xi32>
    %rem3A_107 = arith.remsi %iota3A_83, %rem3A_106 : vector<256x128xi32>
    %ne3A_108 = arith.constant 0 : i32
    %ne3A_109 = vector.broadcast %ne3A_108 : i32 to vector<256x128xi32>
    %ne3A_110 = arith.cmpi ne, %rem3A_107, %ne3A_109 : vector<256x128xi32>
    %and3A_111 = arith.andi %ne3A_105, %ne3A_110 : vector<256x128xi1>
    %sub3A_112 = arith.constant 1 : i32
    %sub3A_113 = vector.broadcast %sub3A_112 : i32 to vector<256x128xi32>
    %sub3A_114 = arith.subi %div3A_87, %sub3A_113 : vector<256x128xi32>
    %select_n3A_115 = arith.select %and3A_111, %sub3A_114, %div3A_87 : vector<256x128xi1>, vector<256x128xi32>
    %jit3A_116 = arith.constant 8 : i32
    %eq3A_117 = arith.constant 0 : i32
    %eq3A_118 = arith.cmpi eq, %jit3A_116, %eq3A_117 : i32
    %jit3A_119 = arith.constant 1 : i32
    %select_n3A_120 = arith.select %eq3A_118, %jit3A_119, %jit3A_116 : i32
    %rem3A_121 = vector.broadcast %select_n3A_120 : i32 to vector<256x128xi32>
    %rem3A_122 = arith.remsi %iota3A_84, %rem3A_121 : vector<256x128xi32>
    %ne3A_123 = arith.constant 0 : i32
    %ne3A_124 = vector.broadcast %ne3A_123 : i32 to vector<256x128xi32>
    %ne3A_125 = arith.cmpi ne, %rem3A_122, %ne3A_124 : vector<256x128xi32>
    %lt3A_126 = arith.constant 0 : i32
    %lt3A_127 = vector.broadcast %lt3A_126 : i32 to vector<256x128xi32>
    %lt3A_128 = arith.cmpi slt, %rem3A_122, %lt3A_127 : vector<256x128xi32>
    %lt3A_129 = arith.constant 0 : i32
    %lt3A_130 = arith.cmpi slt, %select_n3A_120, %lt3A_129 : i32
    %ne3A_131 = vector.broadcast %lt3A_130 : i1 to vector<256x128xi1>
    %ne3A_132 = vector.broadcast %ne3A_131 : vector<256x128xi1> to vector<256x128xi1>
    %ne3A_133 = arith.xori %lt3A_128, %ne3A_132 : vector<256x128xi1>
    %and3A_134 = arith.andi %ne3A_133, %ne3A_125 : vector<256x128xi1>
    %add3A_135 = vector.broadcast %select_n3A_120 : i32 to vector<256x128xi32>
    %add3A_136 = arith.addi %rem3A_122, %add3A_135 : vector<256x128xi32>
    %select_n3A_137 = arith.select %and3A_134, %add3A_136, %rem3A_122 : vector<256x128xi1>, vector<256x128xi32>
    %eq3A_138 = arith.cmpi eq, %select_n3A_115, %select_n3A_137 : vector<256x128xi32>
    %convert_element_type3A_139 = arith.extui %eq3A_138 : vector<256x128xi1> to vector<256x128xi32>
    %convert_element_type3A_140 = arith.sitofp %convert_element_type3A_139 : vector<256x128xi32> to vector<256x128xf32>
    %mul3A_141 = arith.mulf %dot_general3A_82, %convert_element_type3A_140 : vector<256x128xf32>
    %jit3A_142 = arith.constant 16 : i32
    %eq3A_143 = arith.constant 0 : i32
    %eq3A_144 = arith.cmpi eq, %jit3A_142, %eq3A_143 : i32
    %jit3A_145 = arith.constant 1 : i32
    %select_n3A_146 = arith.select %eq3A_144, %jit3A_145, %jit3A_142 : i32
    %rem3A_147 = vector.broadcast %select_n3A_146 : i32 to vector<256x128xi32>
    %rem3A_148 = arith.remsi %iota3A_83, %rem3A_147 : vector<256x128xi32>
    %ne3A_149 = arith.constant 0 : i32
    %ne3A_150 = vector.broadcast %ne3A_149 : i32 to vector<256x128xi32>
    %ne3A_151 = arith.cmpi ne, %rem3A_148, %ne3A_150 : vector<256x128xi32>
    %lt3A_152 = arith.constant 0 : i32
    %lt3A_153 = vector.broadcast %lt3A_152 : i32 to vector<256x128xi32>
    %lt3A_154 = arith.cmpi slt, %rem3A_148, %lt3A_153 : vector<256x128xi32>
    %lt3A_155 = arith.constant 0 : i32
    %lt3A_156 = arith.cmpi slt, %select_n3A_146, %lt3A_155 : i32
    %ne3A_157 = vector.broadcast %lt3A_156 : i1 to vector<256x128xi1>
    %ne3A_158 = vector.broadcast %ne3A_157 : vector<256x128xi1> to vector<256x128xi1>
    %ne3A_159 = arith.xori %lt3A_154, %ne3A_158 : vector<256x128xi1>
    %and3A_160 = arith.andi %ne3A_159, %ne3A_151 : vector<256x128xi1>
    %add3A_161 = vector.broadcast %select_n3A_146 : i32 to vector<256x128xi32>
    %add3A_162 = arith.addi %rem3A_148, %add3A_161 : vector<256x128xi32>
    %select_n3A_163 = arith.select %and3A_160, %add3A_162, %rem3A_148 : vector<256x128xi1>, vector<256x128xi32>
    %eq3A_164 = arith.constant 10 : i32
    %eq3A_165 = vector.broadcast %eq3A_164 : i32 to vector<256x128xi32>
    %eq3A_166 = arith.cmpi eq, %select_n3A_163, %eq3A_165 : vector<256x128xi32>
    %and3A_167 = arith.andi %eq3A_138, %eq3A_166 : vector<256x128xi1>
    %convert_element_type3A_168 = arith.extui %and3A_167 : vector<256x128xi1> to vector<256x128xi32>
    %convert_element_type3A_169 = arith.sitofp %convert_element_type3A_168 : vector<256x128xi32> to vector<256x128xf32>
    %add3A_170 = arith.addf %mul3A_141, %convert_element_type3A_169 : vector<256x128xf32>
    %reshape3A_171 = vector.shape_cast %add3A_170 : vector<256x128xf32> to vector<32x8x128xf32>
    %reduce_sum3A = arith.constant dense<0.000000e+00> : vector<32x128xf32>
    %reduce_sum3A_172 = vector.multi_reduction <add>, %reshape3A_171, %reduce_sum3A [1] : vector<32x8x128xf32> to vector<32x128xf32>
    %swap3A = arith.constant 0 : index
    %swap3A_173 = arith.constant 0 : index
    %swap3A_174 = vector.load %arg7[%swap3A, %swap3A_173] : memref<32x128xf32, #tpu.memory_space<vmem>>, vector<32x128xf32>
    tpu.vector_store %arg7[%swap3A, %swap3A_173], %reduce_sum3A_172 {strides = array<i32>} : memref<32x128xf32, #tpu.memory_space<vmem>>, vector<32x128xf32>,
    return
  }
  func.func @transform_0(%arg0: i32) -> (i32, i32) {
    %c0_i32 = arith.constant 0 : i32
    %c0_i32_0 = arith.constant 0 : i32
    return %arg0, %c0_i32 : i32, i32
  }
  func.func @transform_1(%arg0: i32) -> i32 {
    %c0_i32 = arith.constant 0 : i32
    return %arg0 : i32
  }
  func.func @transform_2(%arg0: i32) -> i32 {
    %c0_i32 = arith.constant 0 : i32
    return %arg0 : i32
  }
  func.func @transform_3(%arg0: i32) -> i32 {
    %c0_i32 = arith.constant 0 : i32
    return %arg0 : i32
  }
  func.func @transform_4(%arg0: i32) -> (i32, i32) {
    %c0_i32 = arith.constant 0 : i32
    %c0_i32_0 = arith.constant 0 : i32
    %c0_i32_1 = arith.constant 0 : i32
    return %c0_i32, %c0_i32_0 : i32, i32
  }
  func.func @transform_5(%arg0: i32) -> (i32, i32) {
    %c0_i32 = arith.constant 0 : i32
    %c0_i32_0 = arith.constant 0 : i32
    %c0_i32_1 = arith.constant 0 : i32
    return %c0_i32, %c0_i32_0 : i32, i32
  }
  func.func @transform_6(%arg0: i32) -> (i32, i32) {
    %c0_i32 = arith.constant 0 : i32
    %c0_i32_0 = arith.constant 0 : i32
    return %arg0, %c0_i32 : i32, i32
  }
}

module attributes {stable_mosaic.version = 14 : i64} {
  func.func @_combine1_body(%arg0: i32, %arg1: memref<2000x16xf32, #tpu.memory_space<vmem>>, %arg2: memref<2000x16xf32, #tpu.memory_space<vmem>>, %arg3: memref<2000x128xf32, #tpu.memory_space<vmem>>, %arg4: memref<128x16xf32, #tpu.memory_space<vmem>>, %arg5: memref<1x16xf32, #tpu.memory_space<vmem>>, %arg6: memref<2000x16xf32, #tpu.memory_space<vmem>>, %arg7: memref<2000x1xf32, #tpu.memory_space<vmem>>) attributes {dimension_semantics = [#tpu.dimension_semantics<arbitrary>], iteration_bounds = array<i64: 5>, scalar_prefetch = 0 : i64, scratch_operands = 0 : i64, tpu.core_type = #tpu.core_type<tc>, window_params = [{transform_indices = @transform_0, window_bounds = array<i64: 2000, 16>}, {transform_indices = @transform_1, window_bounds = array<i64: 2000, 16>}, {transform_indices = @transform_2, window_bounds = array<i64: 2000, 128>}, {pipeline_mode = #tpu.pipeline_mode<synchronous>, transform_indices = @transform_3, window_bounds = array<i64: 128, 16>}, {pipeline_mode = #tpu.pipeline_mode<synchronous>, transform_indices = @transform_4, window_bounds = array<i64: 1, 16>}, {transform_indices = @transform_5, window_bounds = array<i64: 2000, 16>}, {transform_indices = @transform_6, window_bounds = array<i64: 2000, 1>}]} {
    %get3A = arith.constant 0 : index
    %get3A_0 = arith.constant 0 : index
    %get3A_1 = vector.load %arg1[%get3A, %get3A_0] : memref<2000x16xf32, #tpu.memory_space<vmem>>, vector<2000x16xf32>
    %get3A_2 = arith.constant 0 : index
    %get3A_3 = arith.constant 0 : index
    %get3A_4 = vector.load %arg2[%get3A_2, %get3A_3] : memref<2000x16xf32, #tpu.memory_space<vmem>>, vector<2000x16xf32>
    %add3A = arith.addf %get3A_1, %get3A_4 : vector<2000x16xf32>
    %slice3A = vector.extract_strided_slice %add3A {offsets = [0, 10], sizes = [2000, 1], strides = [1, 1]} : vector<2000x16xf32> to vector<2000x1xf32>
    %max3A = arith.constant 1.000000e+00 : f32
    %max3A_5 = vector.broadcast %max3A : f32 to vector<2000x1xf32>
    %max3A_6 = arith.maximumf %slice3A, %max3A_5 : vector<2000x1xf32>
    %div3A = arith.constant 1.000000e+00 : f32
    %div3A_7 = vector.broadcast %div3A : f32 to vector<2000x1xf32>
    %div3A_8 = arith.divf %div3A_7, %max3A_6 : vector<2000x1xf32>
    %iota3A = tpu.iota {dimensions = array<i32: 1>} : vector<2000x16xi32>
    %lt3A = arith.constant 10 : i32
    %lt3A_9 = vector.broadcast %lt3A : i32 to vector<2000x16xi32>
    %lt3A_10 = arith.cmpi slt, %iota3A, %lt3A_9 : vector<2000x16xi32>
    %convert_element_type3A = arith.extui %lt3A_10 : vector<2000x16xi1> to vector<2000x16xi32>
    %convert_element_type3A_11 = arith.sitofp %convert_element_type3A : vector<2000x16xi32> to vector<2000x16xf32>
    %get3A_12 = arith.constant 0 : index
    %get3A_13 = arith.constant 0 : index
    %get3A_14 = vector.load %arg3[%get3A_12, %get3A_13] : memref<2000x128xf32, #tpu.memory_space<vmem>>, vector<2000x128xf32>
    %get3A_15 = arith.constant 0 : index
    %get3A_16 = arith.constant 0 : index
    %get3A_17 = vector.load %arg4[%get3A_15, %get3A_16] : memref<128x16xf32, #tpu.memory_space<vmem>>, vector<128x16xf32>
    %dot_general3A = arith.constant dense<0.000000e+00> : vector<2000x16xf32>
    %dot_general3A_18 = tpu.matmul %get3A_14, %get3A_17, %dot_general3A {dimension_numbers = #tpu.dot_dimension_numbers<[1], [0], [0], [1], [0, 0, 1, 1], [], []>, transpose_lhs_hint = false} : vector<2000x128xf32>, vector<128x16xf32>, vector<2000x16xf32> -> vector<2000x16xf32>
    %mul3A = vector.broadcast %div3A_8 : vector<2000x1xf32> to vector<2000x16xf32>
    %mul3A_19 = arith.mulf %add3A, %mul3A : vector<2000x16xf32>
    %mul3A_20 = arith.mulf %mul3A_19, %convert_element_type3A_11 : vector<2000x16xf32>
    %add3A_21 = arith.addf %mul3A_20, %dot_general3A_18 : vector<2000x16xf32>
    %get3A_22 = arith.constant 0 : index
    %get3A_23 = arith.constant 0 : index
    %get3A_24 = vector.load %arg5[%get3A_22, %get3A_23] : memref<1x16xf32, #tpu.memory_space<vmem>>, vector<1x16xf32>
    %add3A_25 = vector.broadcast %get3A_24 : vector<1x16xf32> to vector<2000x16xf32>
    %add3A_26 = arith.addf %add3A_21, %add3A_25 : vector<2000x16xf32>
    %max3A_27 = arith.constant 0.000000e+00 : f32
    %max3A_28 = vector.broadcast %max3A_27 : f32 to vector<2000x16xf32>
    %max3A_29 = arith.maximumf %add3A_26, %max3A_28 : vector<2000x16xf32>
    %swap3A = arith.constant 0 : index
    %swap3A_30 = arith.constant 0 : index
    %swap3A_31 = vector.load %arg6[%swap3A, %swap3A_30] : memref<2000x16xf32, #tpu.memory_space<vmem>>, vector<2000x16xf32>
    tpu.vector_store %arg6[%swap3A, %swap3A_30], %max3A_29 {strides = array<i32>} : memref<2000x16xf32, #tpu.memory_space<vmem>>, vector<2000x16xf32>,
    %swap3A_32 = arith.constant 0 : index
    %swap3A_33 = arith.constant 0 : index
    %swap3A_34 = vector.load %arg7[%swap3A_32, %swap3A_33] : memref<2000x1xf32, #tpu.memory_space<vmem>>, vector<2000x1xf32>
    tpu.vector_store %arg7[%swap3A_32, %swap3A_33], %div3A_8 {strides = array<i32>} : memref<2000x1xf32, #tpu.memory_space<vmem>>, vector<2000x1xf32>,
    return
  }
  func.func @transform_0(%arg0: i32) -> (i32, i32) {
    %c0_i32 = arith.constant 0 : i32
    %c0_i32_0 = arith.constant 0 : i32
    return %arg0, %c0_i32 : i32, i32
  }
  func.func @transform_1(%arg0: i32) -> (i32, i32) {
    %c0_i32 = arith.constant 0 : i32
    %c0_i32_0 = arith.constant 0 : i32
    return %arg0, %c0_i32 : i32, i32
  }
  func.func @transform_2(%arg0: i32) -> (i32, i32) {
    %c0_i32 = arith.constant 0 : i32
    %c0_i32_0 = arith.constant 0 : i32
    return %arg0, %c0_i32 : i32, i32
  }
  func.func @transform_3(%arg0: i32) -> (i32, i32) {
    %c0_i32 = arith.constant 0 : i32
    %c0_i32_0 = arith.constant 0 : i32
    %c0_i32_1 = arith.constant 0 : i32
    return %c0_i32, %c0_i32_0 : i32, i32
  }
  func.func @transform_4(%arg0: i32) -> (i32, i32) {
    %c0_i32 = arith.constant 0 : i32
    %c0_i32_0 = arith.constant 0 : i32
    %c0_i32_1 = arith.constant 0 : i32
    return %c0_i32, %c0_i32_0 : i32, i32
  }
  func.func @transform_5(%arg0: i32) -> (i32, i32) {
    %c0_i32 = arith.constant 0 : i32
    %c0_i32_0 = arith.constant 0 : i32
    return %arg0, %c0_i32 : i32, i32
  }
  func.func @transform_6(%arg0: i32) -> (i32, i32) {
    %c0_i32 = arith.constant 0 : i32
    %c0_i32_0 = arith.constant 0 : i32
    return %arg0, %c0_i32 : i32, i32
  }
}

module attributes {stable_mosaic.version = 14 : i64} {
  func.func @_edge23_body(%arg0: i32, %arg1: memref<64x128xf32, #tpu.memory_space<vmem>>, %arg2: memref<512xi32, #tpu.memory_space<vmem>>, %arg3: memref<512xf32, #tpu.memory_space<vmem>>, %arg4: memref<512xf32, #tpu.memory_space<vmem>>, %arg5: memref<75x160xbf16, #tpu.memory_space<vmem>>, %arg6: memref<128x160xbf16, #tpu.memory_space<vmem>>, %arg7: memref<160x128xbf16, #tpu.memory_space<vmem>>, %arg8: memref<64x128xf32, #tpu.memory_space<vmem>>) attributes {dimension_semantics = [#tpu.dimension_semantics<arbitrary>], iteration_bounds = array<i64: 625>, scalar_prefetch = 0 : i64, scratch_operands = 0 : i64, tpu.core_type = #tpu.core_type<tc>, window_params = [{transform_indices = @transform_0, window_bounds = array<i64: 64, 128>}, {transform_indices = @transform_1, window_bounds = array<i64: 512>}, {transform_indices = @transform_2, window_bounds = array<i64: 512>}, {transform_indices = @transform_3, window_bounds = array<i64: 512>}, {pipeline_mode = #tpu.pipeline_mode<synchronous>, transform_indices = @transform_4, window_bounds = array<i64: 75, 160>}, {pipeline_mode = #tpu.pipeline_mode<synchronous>, transform_indices = @transform_5, window_bounds = array<i64: 128, 160>}, {pipeline_mode = #tpu.pipeline_mode<synchronous>, transform_indices = @transform_6, window_bounds = array<i64: 160, 128>}, {transform_indices = @transform_7, window_bounds = array<i64: 64, 128>}]} {
    %get3A = arith.constant 0 : index
    %get3A_0 = vector.load %arg2[%get3A] : memref<512xi32, #tpu.memory_space<vmem>>, vector<512xi32>
    %reshape3A = vector.shape_cast %get3A_0 : vector<512xi32> to vector<512x1xi32>
    %get3A_1 = arith.constant 0 : index
    %get3A_2 = vector.load %arg3[%get3A_1] : memref<512xf32, #tpu.memory_space<vmem>>, vector<512xf32>
    %reshape3A_3 = vector.shape_cast %get3A_2 : vector<512xf32> to vector<512x1xf32>
    %get3A_4 = arith.constant 0 : index
    %get3A_5 = vector.load %arg4[%get3A_4] : memref<512xf32, #tpu.memory_space<vmem>>, vector<512xf32>
    %reshape3A_6 = vector.shape_cast %get3A_5 : vector<512xf32> to vector<512x1xf32>
    %iota3A = tpu.iota {dimensions = array<i32: 1>} : vector<512x75xi32>
    %jit3A = arith.constant 25 : i32
    %eq3A = arith.constant 0 : i32
    %eq3A_7 = arith.cmpi eq, %jit3A, %eq3A : i32
    %jit3A_8 = arith.constant 1 : i32
    %select_n3A = arith.select %eq3A_7, %jit3A_8, %jit3A : i32
    %rem3A = vector.broadcast %select_n3A : i32 to vector<512x75xi32>
    %rem3A_9 = arith.remsi %iota3A, %rem3A : vector<512x75xi32>
    %ne3A = arith.constant 0 : i32
    %ne3A_10 = vector.broadcast %ne3A : i32 to vector<512x75xi32>
    %ne3A_11 = arith.cmpi ne, %rem3A_9, %ne3A_10 : vector<512x75xi32>
    %lt3A = arith.constant 0 : i32
    %lt3A_12 = vector.broadcast %lt3A : i32 to vector<512x75xi32>
    %lt3A_13 = arith.cmpi slt, %rem3A_9, %lt3A_12 : vector<512x75xi32>
    %lt3A_14 = arith.constant 0 : i32
    %lt3A_15 = arith.cmpi slt, %select_n3A, %lt3A_14 : i32
    %ne3A_16 = vector.broadcast %lt3A_15 : i1 to vector<512x75xi1>
    %ne3A_17 = vector.broadcast %ne3A_16 : vector<512x75xi1> to vector<512x75xi1>
    %ne3A_18 = arith.xori %lt3A_13, %ne3A_17 : vector<512x75xi1>
    %and3A = arith.andi %ne3A_18, %ne3A_11 : vector<512x75xi1>
    %add3A = vector.broadcast %select_n3A : i32 to vector<512x75xi32>
    %add3A_19 = arith.addi %rem3A_9, %add3A : vector<512x75xi32>
    %select_n3A_20 = arith.select %and3A, %add3A_19, %rem3A_9 : vector<512x75xi1>, vector<512x75xi32>
    %eq3A_21 = vector.broadcast %reshape3A : vector<512x1xi32> to vector<512x75xi32>
    %eq3A_22 = arith.cmpi eq, %eq3A_21, %select_n3A_20 : vector<512x75xi32>
    %convert_element_type3A = arith.extui %eq3A_22 : vector<512x75xi1> to vector<512x75xi32>
    %convert_element_type3A_23 = arith.sitofp %convert_element_type3A : vector<512x75xi32> to vector<512x75xf32>
    %jit3A_24 = arith.constant 25 : i32
    %div3A = vector.broadcast %jit3A_24 : i32 to vector<512x75xi32>
    %div3A_25 = arith.divsi %iota3A, %div3A : vector<512x75xi32>
    %sign3A = arith.constant 0 : i32
    %sign3A_26 = vector.broadcast %sign3A : i32 to vector<512x75xi32>
    %sign3A_27 = arith.cmpi sgt, %iota3A, %sign3A_26 : vector<512x75xi32>
    %sign3A_28 = arith.extui %sign3A_27 : vector<512x75xi1> to vector<512x75xi32>
    %sign3A_29 = arith.constant 0 : i32
    %sign3A_30 = vector.broadcast %sign3A_29 : i32 to vector<512x75xi32>
    %sign3A_31 = arith.cmpi slt, %iota3A, %sign3A_30 : vector<512x75xi32>
    %sign3A_32 = arith.extui %sign3A_31 : vector<512x75xi1> to vector<512x75xi32>
    %sign3A_33 = arith.subi %sign3A_28, %sign3A_32 : vector<512x75xi32>
    %sign3A_34 = arith.constant 0 : i32
    %sign3A_35 = arith.cmpi sgt, %jit3A_24, %sign3A_34 : i32
    %sign3A_36 = arith.extui %sign3A_35 : i1 to i32
    %sign3A_37 = arith.constant 0 : i32
    %sign3A_38 = arith.cmpi slt, %jit3A_24, %sign3A_37 : i32
    %sign3A_39 = arith.extui %sign3A_38 : i1 to i32
    %sign3A_40 = arith.subi %sign3A_36, %sign3A_39 : i32
    %ne3A_41 = vector.broadcast %sign3A_40 : i32 to vector<512x75xi32>
    %ne3A_42 = arith.cmpi ne, %sign3A_33, %ne3A_41 : vector<512x75xi32>
    %rem3A_43 = vector.broadcast %jit3A_24 : i32 to vector<512x75xi32>
    %rem3A_44 = arith.remsi %iota3A, %rem3A_43 : vector<512x75xi32>
    %ne3A_45 = arith.constant 0 : i32
    %ne3A_46 = vector.broadcast %ne3A_45 : i32 to vector<512x75xi32>
    %ne3A_47 = arith.cmpi ne, %rem3A_44, %ne3A_46 : vector<512x75xi32>
    %and3A_48 = arith.andi %ne3A_42, %ne3A_47 : vector<512x75xi1>
    %sub3A = arith.constant 1 : i32
    %sub3A_49 = vector.broadcast %sub3A : i32 to vector<512x75xi32>
    %sub3A_50 = arith.subi %div3A_25, %sub3A_49 : vector<512x75xi32>
    %select_n3A_51 = arith.select %and3A_48, %sub3A_50, %div3A_25 : vector<512x75xi1>, vector<512x75xi32>
    %eq3A_52 = arith.constant 0 : i32
    %eq3A_53 = vector.broadcast %eq3A_52 : i32 to vector<512x75xi32>
    %eq3A_54 = arith.cmpi eq, %select_n3A_51, %eq3A_53 : vector<512x75xi32>
    %eq3A_55 = arith.constant 1 : i32
    %eq3A_56 = vector.broadcast %eq3A_55 : i32 to vector<512x75xi32>
    %eq3A_57 = arith.cmpi eq, %select_n3A_51, %eq3A_56 : vector<512x75xi32>
    %jit3A_58 = arith.constant 1.000000e+00 : f32
    %broadcast_in_dim3A = vector.shape_cast %reshape3A_6 : vector<512x1xf32> to vector<512x1xf32>
    %broadcast_in_dim3A_59 = vector.broadcast %broadcast_in_dim3A : vector<512x1xf32> to vector<512x75xf32>
    %broadcast_in_dim3A_60 = vector.broadcast %jit3A_58 : f32 to vector<512x75xf32>
    %select_n3A_61 = arith.select %eq3A_57, %broadcast_in_dim3A_59, %broadcast_in_dim3A_60 : vector<512x75xi1>, vector<512x75xf32>
    %broadcast_in_dim3A_62 = vector.shape_cast %reshape3A_3 : vector<512x1xf32> to vector<512x1xf32>
    %broadcast_in_dim3A_63 = vector.broadcast %broadcast_in_dim3A_62 : vector<512x1xf32> to vector<512x75xf32>
    %select_n3A_64 = arith.select %eq3A_54, %broadcast_in_dim3A_63, %select_n3A_61 : vector<512x75xi1>, vector<512x75xf32>
    %mul3A = arith.mulf %convert_element_type3A_23, %select_n3A_64 : vector<512x75xf32>
    %convert_element_type3A_65 = arith.truncf %mul3A : vector<512x75xf32> to vector<512x75xbf16>
    %get3A_66 = arith.constant 0 : index
    %get3A_67 = arith.constant 0 : index
    %get3A_68 = vector.load %arg5[%get3A_66, %get3A_67] : memref<75x160xbf16, #tpu.memory_space<vmem>>, vector<75x160xbf16>
    %dot_general3A = arith.constant dense<0.000000e+00> : vector<512x160xf32>
    %dot_general3A_69 = tpu.matmul %convert_element_type3A_65, %get3A_68, %dot_general3A {dimension_numbers = #tpu.dot_dimension_numbers<[1], [0], [0], [1], [0, 0, 1, 1], [], []>, transpose_lhs_hint = false} : vector<512x75xbf16>, vector<75x160xbf16>, vector<512x160xf32> -> vector<512x160xf32>
    %max3A = arith.constant 0.000000e+00 : f32
    %max3A_70 = vector.broadcast %max3A : f32 to vector<512x160xf32>
    %max3A_71 = arith.maximumf %dot_general3A_69, %max3A_70 : vector<512x160xf32>
    %convert_element_type3A_72 = arith.truncf %max3A_71 : vector<512x160xf32> to vector<512x160xbf16>
    %get3A_73 = arith.constant 0 : index
    %get3A_74 = arith.constant 0 : index
    %get3A_75 = vector.load %arg1[%get3A_73, %get3A_74] : memref<64x128xf32, #tpu.memory_space<vmem>>, vector<64x128xf32>
    %convert_element_type3A_76 = arith.truncf %get3A_75 : vector<64x128xf32> to vector<64x128xbf16>
    %broadcast_in_dim3A_77 = vector.shape_cast %convert_element_type3A_76 : vector<64x128xbf16> to vector<64x1x128xbf16>
    %broadcast_in_dim3A_78 = vector.shape_cast %broadcast_in_dim3A_77 : vector<64x1x128xbf16> to vector<64x1x128xbf16>
    %broadcast_in_dim3A_79 = vector.broadcast %broadcast_in_dim3A_78 : vector<64x1x128xbf16> to vector<64x8x128xbf16>
    %reshape3A_80 = vector.shape_cast %broadcast_in_dim3A_79 : vector<64x8x128xbf16> to vector<512x128xbf16>
    %iota3A_81 = tpu.iota {dimensions = array<i32: 1>} : vector<512x128xi32>
    %iota3A_82 = tpu.iota {dimensions = array<i32: 0>} : vector<512x128xi32>
    %jit3A_83 = arith.constant 16 : i32
    %div3A_84 = vector.broadcast %jit3A_83 : i32 to vector<512x128xi32>
    %div3A_85 = arith.divsi %iota3A_81, %div3A_84 : vector<512x128xi32>
    %sign3A_86 = arith.constant 0 : i32
    %sign3A_87 = vector.broadcast %sign3A_86 : i32 to vector<512x128xi32>
    %sign3A_88 = arith.cmpi sgt, %iota3A_81, %sign3A_87 : vector<512x128xi32>
    %sign3A_89 = arith.extui %sign3A_88 : vector<512x128xi1> to vector<512x128xi32>
    %sign3A_90 = arith.constant 0 : i32
    %sign3A_91 = vector.broadcast %sign3A_90 : i32 to vector<512x128xi32>
    %sign3A_92 = arith.cmpi slt, %iota3A_81, %sign3A_91 : vector<512x128xi32>
    %sign3A_93 = arith.extui %sign3A_92 : vector<512x128xi1> to vector<512x128xi32>
    %sign3A_94 = arith.subi %sign3A_89, %sign3A_93 : vector<512x128xi32>
    %sign3A_95 = arith.constant 0 : i32
    %sign3A_96 = arith.cmpi sgt, %jit3A_83, %sign3A_95 : i32
    %sign3A_97 = arith.extui %sign3A_96 : i1 to i32
    %sign3A_98 = arith.constant 0 : i32
    %sign3A_99 = arith.cmpi slt, %jit3A_83, %sign3A_98 : i32
    %sign3A_100 = arith.extui %sign3A_99 : i1 to i32
    %sign3A_101 = arith.subi %sign3A_97, %sign3A_100 : i32
    %ne3A_102 = vector.broadcast %sign3A_101 : i32 to vector<512x128xi32>
    %ne3A_103 = arith.cmpi ne, %sign3A_94, %ne3A_102 : vector<512x128xi32>
    %rem3A_104 = vector.broadcast %jit3A_83 : i32 to vector<512x128xi32>
    %rem3A_105 = arith.remsi %iota3A_81, %rem3A_104 : vector<512x128xi32>
    %ne3A_106 = arith.constant 0 : i32
    %ne3A_107 = vector.broadcast %ne3A_106 : i32 to vector<512x128xi32>
    %ne3A_108 = arith.cmpi ne, %rem3A_105, %ne3A_107 : vector<512x128xi32>
    %and3A_109 = arith.andi %ne3A_103, %ne3A_108 : vector<512x128xi1>
    %sub3A_110 = arith.constant 1 : i32
    %sub3A_111 = vector.broadcast %sub3A_110 : i32 to vector<512x128xi32>
    %sub3A_112 = arith.subi %div3A_85, %sub3A_111 : vector<512x128xi32>
    %select_n3A_113 = arith.select %and3A_109, %sub3A_112, %div3A_85 : vector<512x128xi1>, vector<512x128xi32>
    %jit3A_114 = arith.constant 8 : i32
    %eq3A_115 = arith.constant 0 : i32
    %eq3A_116 = arith.cmpi eq, %jit3A_114, %eq3A_115 : i32
    %jit3A_117 = arith.constant 1 : i32
    %select_n3A_118 = arith.select %eq3A_116, %jit3A_117, %jit3A_114 : i32
    %rem3A_119 = vector.broadcast %select_n3A_118 : i32 to vector<512x128xi32>
    %rem3A_120 = arith.remsi %iota3A_82, %rem3A_119 : vector<512x128xi32>
    %ne3A_121 = arith.constant 0 : i32
    %ne3A_122 = vector.broadcast %ne3A_121 : i32 to vector<512x128xi32>
    %ne3A_123 = arith.cmpi ne, %rem3A_120, %ne3A_122 : vector<512x128xi32>
    %lt3A_124 = arith.constant 0 : i32
    %lt3A_125 = vector.broadcast %lt3A_124 : i32 to vector<512x128xi32>
    %lt3A_126 = arith.cmpi slt, %rem3A_120, %lt3A_125 : vector<512x128xi32>
    %lt3A_127 = arith.constant 0 : i32
    %lt3A_128 = arith.cmpi slt, %select_n3A_118, %lt3A_127 : i32
    %ne3A_129 = vector.broadcast %lt3A_128 : i1 to vector<512x128xi1>
    %ne3A_130 = vector.broadcast %ne3A_129 : vector<512x128xi1> to vector<512x128xi1>
    %ne3A_131 = arith.xori %lt3A_126, %ne3A_130 : vector<512x128xi1>
    %and3A_132 = arith.andi %ne3A_131, %ne3A_123 : vector<512x128xi1>
    %add3A_133 = vector.broadcast %select_n3A_118 : i32 to vector<512x128xi32>
    %add3A_134 = arith.addi %rem3A_120, %add3A_133 : vector<512x128xi32>
    %select_n3A_135 = arith.select %and3A_132, %add3A_134, %rem3A_120 : vector<512x128xi1>, vector<512x128xi32>
    %eq3A_136 = arith.cmpi eq, %select_n3A_113, %select_n3A_135 : vector<512x128xi32>
    %convert_element_type3A_137 = arith.extui %eq3A_136 : vector<512x128xi1> to vector<512x128xi32>
    %convert_element_type3A_138 = arith.sitofp %convert_element_type3A_137 : vector<512x128xi32> to vector<512x128xf32>
    %convert_element_type3A_139 = arith.truncf %convert_element_type3A_138 : vector<512x128xf32> to vector<512x128xbf16>
    %mul3A_140 = arith.mulf %reshape3A_80, %convert_element_type3A_139 : vector<512x128xbf16>
    %get3A_141 = arith.constant 0 : index
    %get3A_142 = arith.constant 0 : index
    %get3A_143 = vector.load %arg6[%get3A_141, %get3A_142] : memref<128x160xbf16, #tpu.memory_space<vmem>>, vector<128x160xbf16>
    %dot_general3A_144 = arith.constant dense<0.000000e+00> : vector<512x160xf32>
    %dot_general3A_145 = tpu.matmul %mul3A_140, %get3A_143, %dot_general3A_144 {dimension_numbers = #tpu.dot_dimension_numbers<[1], [0], [0], [1], [0, 0, 1, 1], [], []>, transpose_lhs_hint = false} : vector<512x128xbf16>, vector<128x160xbf16>, vector<512x160xf32> -> vector<512x160xf32>
    %convert_element_type3A_146 = arith.truncf %dot_general3A_145 : vector<512x160xf32> to vector<512x160xbf16>
    %mul3A_147 = arith.mulf %convert_element_type3A_72, %convert_element_type3A_146 : vector<512x160xbf16>
    %get3A_148 = arith.constant 0 : index
    %get3A_149 = arith.constant 0 : index
    %get3A_150 = vector.load %arg7[%get3A_148, %get3A_149] : memref<160x128xbf16, #tpu.memory_space<vmem>>, vector<160x128xbf16>
    %dot_general3A_151 = arith.constant dense<0.000000e+00> : vector<512x128xf32>
    %dot_general3A_152 = tpu.matmul %mul3A_147, %get3A_150, %dot_general3A_151 {dimension_numbers = #tpu.dot_dimension_numbers<[1], [0], [0], [1], [0, 0, 1, 1], [], []>, transpose_lhs_hint = false} : vector<512x160xbf16>, vector<160x128xbf16>, vector<512x128xf32> -> vector<512x128xf32>
    %iota3A_153 = tpu.iota {dimensions = array<i32: 1>} : vector<512x128xi32>
    %iota3A_154 = tpu.iota {dimensions = array<i32: 0>} : vector<512x128xi32>
    %jit3A_155 = arith.constant 16 : i32
    %div3A_156 = vector.broadcast %jit3A_155 : i32 to vector<512x128xi32>
    %div3A_157 = arith.divsi %iota3A_153, %div3A_156 : vector<512x128xi32>
    %sign3A_158 = arith.constant 0 : i32
    %sign3A_159 = vector.broadcast %sign3A_158 : i32 to vector<512x128xi32>
    %sign3A_160 = arith.cmpi sgt, %iota3A_153, %sign3A_159 : vector<512x128xi32>
    %sign3A_161 = arith.extui %sign3A_160 : vector<512x128xi1> to vector<512x128xi32>
    %sign3A_162 = arith.constant 0 : i32
    %sign3A_163 = vector.broadcast %sign3A_162 : i32 to vector<512x128xi32>
    %sign3A_164 = arith.cmpi slt, %iota3A_153, %sign3A_163 : vector<512x128xi32>
    %sign3A_165 = arith.extui %sign3A_164 : vector<512x128xi1> to vector<512x128xi32>
    %sign3A_166 = arith.subi %sign3A_161, %sign3A_165 : vector<512x128xi32>
    %sign3A_167 = arith.constant 0 : i32
    %sign3A_168 = arith.cmpi sgt, %jit3A_155, %sign3A_167 : i32
    %sign3A_169 = arith.extui %sign3A_168 : i1 to i32
    %sign3A_170 = arith.constant 0 : i32
    %sign3A_171 = arith.cmpi slt, %jit3A_155, %sign3A_170 : i32
    %sign3A_172 = arith.extui %sign3A_171 : i1 to i32
    %sign3A_173 = arith.subi %sign3A_169, %sign3A_172 : i32
    %ne3A_174 = vector.broadcast %sign3A_173 : i32 to vector<512x128xi32>
    %ne3A_175 = arith.cmpi ne, %sign3A_166, %ne3A_174 : vector<512x128xi32>
    %rem3A_176 = vector.broadcast %jit3A_155 : i32 to vector<512x128xi32>
    %rem3A_177 = arith.remsi %iota3A_153, %rem3A_176 : vector<512x128xi32>
    %ne3A_178 = arith.constant 0 : i32
    %ne3A_179 = vector.broadcast %ne3A_178 : i32 to vector<512x128xi32>
    %ne3A_180 = arith.cmpi ne, %rem3A_177, %ne3A_179 : vector<512x128xi32>
    %and3A_181 = arith.andi %ne3A_175, %ne3A_180 : vector<512x128xi1>
    %sub3A_182 = arith.constant 1 : i32
    %sub3A_183 = vector.broadcast %sub3A_182 : i32 to vector<512x128xi32>
    %sub3A_184 = arith.subi %div3A_157, %sub3A_183 : vector<512x128xi32>
    %select_n3A_185 = arith.select %and3A_181, %sub3A_184, %div3A_157 : vector<512x128xi1>, vector<512x128xi32>
    %jit3A_186 = arith.constant 8 : i32
    %eq3A_187 = arith.constant 0 : i32
    %eq3A_188 = arith.cmpi eq, %jit3A_186, %eq3A_187 : i32
    %jit3A_189 = arith.constant 1 : i32
    %select_n3A_190 = arith.select %eq3A_188, %jit3A_189, %jit3A_186 : i32
    %rem3A_191 = vector.broadcast %select_n3A_190 : i32 to vector<512x128xi32>
    %rem3A_192 = arith.remsi %iota3A_154, %rem3A_191 : vector<512x128xi32>
    %ne3A_193 = arith.constant 0 : i32
    %ne3A_194 = vector.broadcast %ne3A_193 : i32 to vector<512x128xi32>
    %ne3A_195 = arith.cmpi ne, %rem3A_192, %ne3A_194 : vector<512x128xi32>
    %lt3A_196 = arith.constant 0 : i32
    %lt3A_197 = vector.broadcast %lt3A_196 : i32 to vector<512x128xi32>
    %lt3A_198 = arith.cmpi slt, %rem3A_192, %lt3A_197 : vector<512x128xi32>
    %lt3A_199 = arith.constant 0 : i32
    %lt3A_200 = arith.cmpi slt, %select_n3A_190, %lt3A_199 : i32
    %ne3A_201 = vector.broadcast %lt3A_200 : i1 to vector<512x128xi1>
    %ne3A_202 = vector.broadcast %ne3A_201 : vector<512x128xi1> to vector<512x128xi1>
    %ne3A_203 = arith.xori %lt3A_198, %ne3A_202 : vector<512x128xi1>
    %and3A_204 = arith.andi %ne3A_203, %ne3A_195 : vector<512x128xi1>
    %add3A_205 = vector.broadcast %select_n3A_190 : i32 to vector<512x128xi32>
    %add3A_206 = arith.addi %rem3A_192, %add3A_205 : vector<512x128xi32>
    %select_n3A_207 = arith.select %and3A_204, %add3A_206, %rem3A_192 : vector<512x128xi1>, vector<512x128xi32>
    %eq3A_208 = arith.cmpi eq, %select_n3A_185, %select_n3A_207 : vector<512x128xi32>
    %convert_element_type3A_209 = arith.extui %eq3A_208 : vector<512x128xi1> to vector<512x128xi32>
    %convert_element_type3A_210 = arith.sitofp %convert_element_type3A_209 : vector<512x128xi32> to vector<512x128xf32>
    %mul3A_211 = arith.mulf %dot_general3A_152, %convert_element_type3A_210 : vector<512x128xf32>
    %reshape3A_212 = vector.shape_cast %mul3A_211 : vector<512x128xf32> to vector<64x8x128xf32>
    %reduce_sum3A = arith.constant dense<0.000000e+00> : vector<64x128xf32>
    %reduce_sum3A_213 = vector.multi_reduction <add>, %reshape3A_212, %reduce_sum3A [1] : vector<64x8x128xf32> to vector<64x128xf32>
    %swap3A = arith.constant 0 : index
    %swap3A_214 = arith.constant 0 : index
    %swap3A_215 = vector.load %arg8[%swap3A, %swap3A_214] : memref<64x128xf32, #tpu.memory_space<vmem>>, vector<64x128xf32>
    tpu.vector_store %arg8[%swap3A, %swap3A_214], %reduce_sum3A_213 {strides = array<i32>} : memref<64x128xf32, #tpu.memory_space<vmem>>, vector<64x128xf32>,
    return
  }
  func.func @transform_0(%arg0: i32) -> (i32, i32) {
    %c0_i32 = arith.constant 0 : i32
    %c0_i32_0 = arith.constant 0 : i32
    return %arg0, %c0_i32 : i32, i32
  }
  func.func @transform_1(%arg0: i32) -> i32 {
    %c0_i32 = arith.constant 0 : i32
    return %arg0 : i32
  }
  func.func @transform_2(%arg0: i32) -> i32 {
    %c0_i32 = arith.constant 0 : i32
    return %arg0 : i32
  }
  func.func @transform_3(%arg0: i32) -> i32 {
    %c0_i32 = arith.constant 0 : i32
    return %arg0 : i32
  }
  func.func @transform_4(%arg0: i32) -> (i32, i32) {
    %c0_i32 = arith.constant 0 : i32
    %c0_i32_0 = arith.constant 0 : i32
    %c0_i32_1 = arith.constant 0 : i32
    return %c0_i32, %c0_i32_0 : i32, i32
  }
  func.func @transform_5(%arg0: i32) -> (i32, i32) {
    %c0_i32 = arith.constant 0 : i32
    %c0_i32_0 = arith.constant 0 : i32
    %c0_i32_1 = arith.constant 0 : i32
    return %c0_i32, %c0_i32_0 : i32, i32
  }
  func.func @transform_6(%arg0: i32) -> (i32, i32) {
    %c0_i32 = arith.constant 0 : i32
    %c0_i32_0 = arith.constant 0 : i32
    %c0_i32_1 = arith.constant 0 : i32
    return %c0_i32, %c0_i32_0 : i32, i32
  }
  func.func @transform_7(%arg0: i32) -> (i32, i32) {
    %c0_i32 = arith.constant 0 : i32
    %c0_i32_0 = arith.constant 0 : i32
    return %arg0, %c0_i32 : i32, i32
  }
}

module attributes {stable_mosaic.version = 14 : i64} {
  func.func @_combine23_body(%arg0: i32, %arg1: memref<2000x16xf32, #tpu.memory_space<vmem>>, %arg2: memref<2000x16xf32, #tpu.memory_space<vmem>>, %arg3: memref<2000x1xf32, #tpu.memory_space<vmem>>, %arg4: memref<2000x16xf32, #tpu.memory_space<vmem>>, %arg5: memref<16x16xf32, #tpu.memory_space<vmem>>, %arg6: memref<1x16xf32, #tpu.memory_space<vmem>>, %arg7: memref<2000x16xf32, #tpu.memory_space<vmem>>) attributes {dimension_semantics = [#tpu.dimension_semantics<arbitrary>], iteration_bounds = array<i64: 5>, scalar_prefetch = 0 : i64, scratch_operands = 0 : i64, tpu.core_type = #tpu.core_type<tc>, window_params = [{transform_indices = @transform_0, window_bounds = array<i64: 2000, 16>}, {transform_indices = @transform_1, window_bounds = array<i64: 2000, 16>}, {transform_indices = @transform_2, window_bounds = array<i64: 2000, 1>}, {transform_indices = @transform_3, window_bounds = array<i64: 2000, 16>}, {pipeline_mode = #tpu.pipeline_mode<synchronous>, transform_indices = @transform_4, window_bounds = array<i64: 16, 16>}, {pipeline_mode = #tpu.pipeline_mode<synchronous>, transform_indices = @transform_5, window_bounds = array<i64: 1, 16>}, {transform_indices = @transform_6, window_bounds = array<i64: 2000, 16>}]} {
    %get3A = arith.constant 0 : index
    %get3A_0 = arith.constant 0 : index
    %get3A_1 = vector.load %arg1[%get3A, %get3A_0] : memref<2000x16xf32, #tpu.memory_space<vmem>>, vector<2000x16xf32>
    %get3A_2 = arith.constant 0 : index
    %get3A_3 = arith.constant 0 : index
    %get3A_4 = vector.load %arg2[%get3A_2, %get3A_3] : memref<2000x16xf32, #tpu.memory_space<vmem>>, vector<2000x16xf32>
    %add3A = arith.addf %get3A_1, %get3A_4 : vector<2000x16xf32>
    %get3A_5 = arith.constant 0 : index
    %get3A_6 = arith.constant 0 : index
    %get3A_7 = vector.load %arg4[%get3A_5, %get3A_6] : memref<2000x16xf32, #tpu.memory_space<vmem>>, vector<2000x16xf32>
    %get3A_8 = arith.constant 0 : index
    %get3A_9 = arith.constant 0 : index
    %get3A_10 = vector.load %arg5[%get3A_8, %get3A_9] : memref<16x16xf32, #tpu.memory_space<vmem>>, vector<16x16xf32>
    %dot_general3A = arith.constant dense<0.000000e+00> : vector<2000x16xf32>
    %dot_general3A_11 = tpu.matmul %get3A_7, %get3A_10, %dot_general3A {dimension_numbers = #tpu.dot_dimension_numbers<[1], [0], [0], [1], [0, 0, 1, 1], [], []>, transpose_lhs_hint = false} : vector<2000x16xf32>, vector<16x16xf32>, vector<2000x16xf32> -> vector<2000x16xf32>
    %get3A_12 = arith.constant 0 : index
    %get3A_13 = arith.constant 0 : index
    %get3A_14 = vector.load %arg3[%get3A_12, %get3A_13] : memref<2000x1xf32, #tpu.memory_space<vmem>>, vector<2000x1xf32>
    %mul3A = vector.broadcast %get3A_14 : vector<2000x1xf32> to vector<2000x16xf32>
    %mul3A_15 = arith.mulf %add3A, %mul3A : vector<2000x16xf32>
    %add3A_16 = arith.addf %mul3A_15, %dot_general3A_11 : vector<2000x16xf32>
    %get3A_17 = arith.constant 0 : index
    %get3A_18 = arith.constant 0 : index
    %get3A_19 = vector.load %arg6[%get3A_17, %get3A_18] : memref<1x16xf32, #tpu.memory_space<vmem>>, vector<1x16xf32>
    %add3A_20 = vector.broadcast %get3A_19 : vector<1x16xf32> to vector<2000x16xf32>
    %add3A_21 = arith.addf %add3A_16, %add3A_20 : vector<2000x16xf32>
    %max3A = arith.constant 0.000000e+00 : f32
    %max3A_22 = vector.broadcast %max3A : f32 to vector<2000x16xf32>
    %max3A_23 = arith.maximumf %add3A_21, %max3A_22 : vector<2000x16xf32>
    %swap3A = arith.constant 0 : index
    %swap3A_24 = arith.constant 0 : index
    %swap3A_25 = vector.load %arg7[%swap3A, %swap3A_24] : memref<2000x16xf32, #tpu.memory_space<vmem>>, vector<2000x16xf32>
    tpu.vector_store %arg7[%swap3A, %swap3A_24], %max3A_23 {strides = array<i32>} : memref<2000x16xf32, #tpu.memory_space<vmem>>, vector<2000x16xf32>,
    return
  }
  func.func @transform_0(%arg0: i32) -> (i32, i32) {
    %c0_i32 = arith.constant 0 : i32
    %c0_i32_0 = arith.constant 0 : i32
    return %arg0, %c0_i32 : i32, i32
  }
  func.func @transform_1(%arg0: i32) -> (i32, i32) {
    %c0_i32 = arith.constant 0 : i32
    %c0_i32_0 = arith.constant 0 : i32
    return %arg0, %c0_i32 : i32, i32
  }
  func.func @transform_2(%arg0: i32) -> (i32, i32) {
    %c0_i32 = arith.constant 0 : i32
    %c0_i32_0 = arith.constant 0 : i32
    return %arg0, %c0_i32 : i32, i32
  }
  func.func @transform_3(%arg0: i32) -> (i32, i32) {
    %c0_i32 = arith.constant 0 : i32
    %c0_i32_0 = arith.constant 0 : i32
    return %arg0, %c0_i32 : i32, i32
  }
  func.func @transform_4(%arg0: i32) -> (i32, i32) {
    %c0_i32 = arith.constant 0 : i32
    %c0_i32_0 = arith.constant 0 : i32
    %c0_i32_1 = arith.constant 0 : i32
    return %c0_i32, %c0_i32_0 : i32, i32
  }
  func.func @transform_5(%arg0: i32) -> (i32, i32) {
    %c0_i32 = arith.constant 0 : i32
    %c0_i32_0 = arith.constant 0 : i32
    %c0_i32_1 = arith.constant 0 : i32
    return %c0_i32, %c0_i32_0 : i32, i32
  }
  func.func @transform_6(%arg0: i32) -> (i32, i32) {
    %c0_i32 = arith.constant 0 : i32
    %c0_i32_0 = arith.constant 0 : i32
    return %arg0, %c0_i32 : i32, i32
  }
}

module attributes {stable_mosaic.version = 14 : i64} {
  func.func @_final_body(%arg0: i32, %arg1: memref<2000x16xf32, #tpu.memory_space<vmem>>, %arg2: memref<2000x1xi32, #tpu.memory_space<vmem>>, %arg3: memref<2000x1xi32, #tpu.memory_space<vmem>>, %arg4: memref<8x1xi32, #tpu.memory_space<vmem>>, %arg5: memref<6x16xf32, #tpu.memory_space<vmem>>, %arg6: memref<8x5xf32, #tpu.memory_space<vmem>>, %arg7: memref<16x5xf32, #tpu.memory_space<vmem>>, %arg8: memref<1x16xf32, #tpu.memory_space<vmem>>, %arg9: memref<8x9xf32, #tpu.memory_space<vmem>>, %arg10: memref<16x9xf32, #tpu.memory_space<vmem>>, %arg11: memref<1x16xf32, #tpu.memory_space<vmem>>, %arg12: memref<64x64xf32, #tpu.memory_space<vmem>>, %arg13: memref<1x64xf32, #tpu.memory_space<vmem>>, %arg14: memref<64x64xf32, #tpu.memory_space<vmem>>, %arg15: memref<1x64xf32, #tpu.memory_space<vmem>>, %arg16: memref<64x64xf32, #tpu.memory_space<vmem>>, %arg17: memref<1x64xf32, #tpu.memory_space<vmem>>, %arg18: memref<16x64xf32, #tpu.memory_space<vmem>>, %arg19: memref<1x16xf32, #tpu.memory_space<vmem>>, %arg20: memref<8x16xf32, #tpu.memory_space<vmem>>, %arg21: memref<8x32xf32, #tpu.memory_space<vmem>>) attributes {dimension_semantics = [#tpu.dimension_semantics<arbitrary>], iteration_bounds = array<i64: 5>, scalar_prefetch = 0 : i64, scratch_operands = 1 : i64, tpu.core_type = #tpu.core_type<tc>, window_params = [{transform_indices = @transform_0, window_bounds = array<i64: 2000, 16>}, {transform_indices = @transform_1, window_bounds = array<i64: 2000, 1>}, {transform_indices = @transform_2, window_bounds = array<i64: 2000, 1>}, {pipeline_mode = #tpu.pipeline_mode<synchronous>, transform_indices = @transform_3, window_bounds = array<i64: 8, 1>}, {pipeline_mode = #tpu.pipeline_mode<synchronous>, transform_indices = @transform_4, window_bounds = array<i64: 6, 16>}, {pipeline_mode = #tpu.pipeline_mode<synchronous>, transform_indices = @transform_5, window_bounds = array<i64: 8, 5>}, {pipeline_mode = #tpu.pipeline_mode<synchronous>, transform_indices = @transform_6, window_bounds = array<i64: 16, 5>}, {pipeline_mode = #tpu.pipeline_mode<synchronous>, transform_indices = @transform_7, window_bounds = array<i64: 1, 16>}, {pipeline_mode = #tpu.pipeline_mode<synchronous>, transform_indices = @transform_8, window_bounds = array<i64: 8, 9>}, {pipeline_mode = #tpu.pipeline_mode<synchronous>, transform_indices = @transform_9, window_bounds = array<i64: 16, 9>}, {pipeline_mode = #tpu.pipeline_mode<synchronous>, transform_indices = @transform_10, window_bounds = array<i64: 1, 16>}, {pipeline_mode = #tpu.pipeline_mode<synchronous>, transform_indices = @transform_11, window_bounds = array<i64: 64, 64>}, {pipeline_mode = #tpu.pipeline_mode<synchronous>, transform_indices = @transform_12, window_bounds = array<i64: 1, 64>}, {pipeline_mode = #tpu.pipeline_mode<synchronous>, transform_indices = @transform_13, window_bounds = array<i64: 64, 64>}, {pipeline_mode = #tpu.pipeline_mode<synchronous>, transform_indices = @transform_14, window_bounds = array<i64: 1, 64>}, {pipeline_mode = #tpu.pipeline_mode<synchronous>, transform_indices = @transform_15, window_bounds = array<i64: 64, 64>}, {pipeline_mode = #tpu.pipeline_mode<synchronous>, transform_indices = @transform_16, window_bounds = array<i64: 1, 64>}, {pipeline_mode = #tpu.pipeline_mode<synchronous>, transform_indices = @transform_17, window_bounds = array<i64: 16, 64>}, {pipeline_mode = #tpu.pipeline_mode<synchronous>, transform_indices = @transform_18, window_bounds = array<i64: 1, 16>}, {pipeline_mode = #tpu.pipeline_mode<synchronous>, transform_indices = @transform_19, window_bounds = array<i64: 8, 16>}]} {
    %eq3A = arith.constant 0 : i32
    %eq3A_0 = arith.cmpi eq, %arg0, %eq3A : i32
    %convert_element_type3A = arith.extui %eq3A_0 : i1 to i32
    %cond3A = arith.constant 0 : i32
    %cond3A_1 = arith.cmpi ne, %convert_element_type3A, %cond3A : i32
    scf.if %cond3A_1 {
      %broadcast_in_dim3A_30 = arith.constant 0.000000e+00 : f32
      %broadcast_in_dim3A_31 = vector.broadcast %broadcast_in_dim3A_30 : f32 to vector<8x32xf32>
      %swap3A_32 = arith.constant 0 : index
      %swap3A_33 = arith.constant 0 : index
      %swap3A_34 = vector.load %arg21[%swap3A_32, %swap3A_33] : memref<8x32xf32, #tpu.memory_space<vmem>>, vector<8x32xf32>
      tpu.vector_store %arg21[%swap3A_32, %swap3A_33], %broadcast_in_dim3A_31 {strides = array<i32>} : memref<8x32xf32, #tpu.memory_space<vmem>>, vector<8x32xf32>,
    } else {
    }
    %iota3A = tpu.iota {dimensions = array<i32: 1>} : vector<2000x8xi32>
    %get3A = arith.constant 0 : index
    %get3A_2 = arith.constant 0 : index
    %get3A_3 = vector.load %arg3[%get3A, %get3A_2] : memref<2000x1xi32, #tpu.memory_space<vmem>>, vector<2000x1xi32>
    %eq3A_4 = vector.broadcast %get3A_3 : vector<2000x1xi32> to vector<2000x8xi32>
    %eq3A_5 = arith.cmpi eq, %eq3A_4, %iota3A : vector<2000x8xi32>
    %get3A_6 = arith.constant 0 : index
    %get3A_7 = arith.constant 0 : index
    %get3A_8 = vector.load %arg2[%get3A_6, %get3A_7] : memref<2000x1xi32, #tpu.memory_space<vmem>>, vector<2000x1xi32>
    %eq3A_9 = arith.constant 1 : i32
    %eq3A_10 = vector.broadcast %eq3A_9 : i32 to vector<2000x1xi32>
    %eq3A_11 = arith.cmpi eq, %get3A_8, %eq3A_10 : vector<2000x1xi32>
    %and3A = vector.broadcast %eq3A_11 : vector<2000x1xi1> to vector<2000x8xi1>
    %and3A_12 = arith.andi %eq3A_5, %and3A : vector<2000x8xi1>
    %convert_element_type3A_13 = arith.extui %and3A_12 : vector<2000x8xi1> to vector<2000x8xi32>
    %convert_element_type3A_14 = arith.sitofp %convert_element_type3A_13 : vector<2000x8xi32> to vector<2000x8xf32>
    %get3A_15 = arith.constant 0 : index
    %get3A_16 = arith.constant 0 : index
    %get3A_17 = vector.load %arg1[%get3A_15, %get3A_16] : memref<2000x16xf32, #tpu.memory_space<vmem>>, vector<2000x16xf32>
    %broadcast_in_dim3A = arith.constant 1.000000e+00 : f32
    %broadcast_in_dim3A_18 = vector.broadcast %broadcast_in_dim3A : f32 to vector<2000x16xf32>
    %concatenate3A = tpu.concatenate %get3A_17, %broadcast_in_dim3A_18 in 1 : vector<2000x16xf32>, vector<2000x16xf32> -> vector<2000x32xf32>
    %get3A_19 = arith.constant 0 : index
    %get3A_20 = arith.constant 0 : index
    %get3A_21 = vector.load %arg21[%get3A_19, %get3A_20] : memref<8x32xf32, #tpu.memory_space<vmem>>, vector<8x32xf32>
    %dot_general3A = arith.constant dense<0.000000e+00> : vector<8x32xf32>
    %dot_general3A_22 = tpu.matmul %convert_element_type3A_14, %concatenate3A, %dot_general3A {dimension_numbers = #tpu.dot_dimension_numbers<[0], [0], [1], [1], [0, 1, 1, 1], [], []>, transpose_lhs_hint = false} : vector<2000x8xf32>, vector<2000x32xf32>, vector<8x32xf32> -> vector<8x32xf32>
    %add3A = arith.addf %get3A_21, %dot_general3A_22 : vector<8x32xf32>
    %swap3A = arith.constant 0 : index
    %swap3A_23 = arith.constant 0 : index
    %swap3A_24 = vector.load %arg21[%swap3A, %swap3A_23] : memref<8x32xf32, #tpu.memory_space<vmem>>, vector<8x32xf32>
    tpu.vector_store %arg21[%swap3A, %swap3A_23], %add3A {strides = array<i32>} : memref<8x32xf32, #tpu.memory_space<vmem>>, vector<8x32xf32>,
    %eq3A_25 = arith.constant 4 : i32
    %eq3A_26 = arith.cmpi eq, %arg0, %eq3A_25 : i32
    %convert_element_type3A_27 = arith.extui %eq3A_26 : i1 to i32
    %cond3A_28 = arith.constant 0 : i32
    %cond3A_29 = arith.cmpi ne, %convert_element_type3A_27, %cond3A_28 : i32
    scf.if %cond3A_29 {
      %get3A_30 = arith.constant 0 : index
      %get3A_31 = arith.constant 0 : index
      %get3A_32 = vector.load %arg21[%get3A_30, %get3A_31] : memref<8x32xf32, #tpu.memory_space<vmem>>, vector<8x32xf32>
      %slice3A = vector.extract_strided_slice %get3A_32 {offsets = [0, 16], sizes = [8, 1], strides = [1, 1]} : vector<8x32xf32> to vector<8x1xf32>
      %slice3A_33 = vector.extract_strided_slice %get3A_32 {offsets = [0, 0], sizes = [8, 16], strides = [1, 1]} : vector<8x32xf32> to vector<8x16xf32>
      %max3A = arith.constant 1.000000e+00 : f32
      %max3A_34 = vector.broadcast %max3A : f32 to vector<8x1xf32>
      %max3A_35 = arith.maximumf %slice3A, %max3A_34 : vector<8x1xf32>
      %div3A = vector.broadcast %max3A_35 : vector<8x1xf32> to vector<8x16xf32>
      %div3A_36 = arith.divf %slice3A_33, %div3A : vector<8x16xf32>
      %iota3A_37 = tpu.iota {dimensions = array<i32: 1>} : vector<8x6xi32>
      %get3A_38 = arith.constant 0 : index
      %get3A_39 = arith.constant 0 : index
      %get3A_40 = vector.load %arg4[%get3A_38, %get3A_39] : memref<8x1xi32, #tpu.memory_space<vmem>>, vector<8x1xi32>
      %eq3A_41 = vector.broadcast %get3A_40 : vector<8x1xi32> to vector<8x6xi32>
      %eq3A_42 = arith.cmpi eq, %eq3A_41, %iota3A_37 : vector<8x6xi32>
      %convert_element_type3A_43 = arith.extui %eq3A_42 : vector<8x6xi1> to vector<8x6xi32>
      %convert_element_type3A_44 = arith.sitofp %convert_element_type3A_43 : vector<8x6xi32> to vector<8x6xf32>
      %get3A_45 = arith.constant 0 : index
      %get3A_46 = arith.constant 0 : index
      %get3A_47 = vector.load %arg5[%get3A_45, %get3A_46] : memref<6x16xf32, #tpu.memory_space<vmem>>, vector<6x16xf32>
      %dot_general3A_48 = arith.constant dense<0.000000e+00> : vector<8x16xf32>
      %dot_general3A_49 = tpu.matmul %convert_element_type3A_44, %get3A_47, %dot_general3A_48 {dimension_numbers = #tpu.dot_dimension_numbers<[1], [0], [0], [1], [0, 0, 1, 1], [], []>, transpose_lhs_hint = false} : vector<8x6xf32>, vector<6x16xf32>, vector<8x16xf32> -> vector<8x16xf32>
      %get3A_50 = arith.constant 0 : index
      %get3A_51 = arith.constant 0 : index
      %get3A_52 = vector.load %arg6[%get3A_50, %get3A_51] : memref<8x5xf32, #tpu.memory_space<vmem>>, vector<8x5xf32>
      %get3A_53 = arith.constant 0 : index
      %get3A_54 = arith.constant 0 : index
      %get3A_55 = vector.load %arg7[%get3A_53, %get3A_54] : memref<16x5xf32, #tpu.memory_space<vmem>>, vector<16x5xf32>
      %dot_general3A_56 = arith.constant dense<0.000000e+00> : vector<8x16xf32>
      %dot_general3A_57 = tpu.matmul %get3A_52, %get3A_55, %dot_general3A_56 {dimension_numbers = #tpu.dot_dimension_numbers<[1], [1], [0], [0], [0, 0, 1, 0], [], []>, transpose_lhs_hint = false} : vector<8x5xf32>, vector<16x5xf32>, vector<8x16xf32> -> vector<8x16xf32>
      %get3A_58 = arith.constant 0 : index
      %get3A_59 = arith.constant 0 : index
      %get3A_60 = vector.load %arg8[%get3A_58, %get3A_59] : memref<1x16xf32, #tpu.memory_space<vmem>>, vector<1x16xf32>
      %add3A_61 = vector.broadcast %get3A_60 : vector<1x16xf32> to vector<8x16xf32>
      %add3A_62 = arith.addf %dot_general3A_57, %add3A_61 : vector<8x16xf32>
      %get3A_63 = arith.constant 0 : index
      %get3A_64 = arith.constant 0 : index
      %get3A_65 = vector.load %arg9[%get3A_63, %get3A_64] : memref<8x9xf32, #tpu.memory_space<vmem>>, vector<8x9xf32>
      %get3A_66 = arith.constant 0 : index
      %get3A_67 = arith.constant 0 : index
      %get3A_68 = vector.load %arg10[%get3A_66, %get3A_67] : memref<16x9xf32, #tpu.memory_space<vmem>>, vector<16x9xf32>
      %dot_general3A_69 = arith.constant dense<0.000000e+00> : vector<8x16xf32>
      %dot_general3A_70 = tpu.matmul %get3A_65, %get3A_68, %dot_general3A_69 {dimension_numbers = #tpu.dot_dimension_numbers<[1], [1], [0], [0], [0, 0, 1, 0], [], []>, transpose_lhs_hint = false} : vector<8x9xf32>, vector<16x9xf32>, vector<8x16xf32> -> vector<8x16xf32>
      %get3A_71 = arith.constant 0 : index
      %get3A_72 = arith.constant 0 : index
      %get3A_73 = vector.load %arg11[%get3A_71, %get3A_72] : memref<1x16xf32, #tpu.memory_space<vmem>>, vector<1x16xf32>
      %add3A_74 = vector.broadcast %get3A_73 : vector<1x16xf32> to vector<8x16xf32>
      %add3A_75 = arith.addf %dot_general3A_70, %add3A_74 : vector<8x16xf32>
      %concatenate3A_76 = tpu.concatenate %div3A_36, %dot_general3A_49, %add3A_62, %add3A_75 in 1 : vector<8x16xf32>, vector<8x16xf32>, vector<8x16xf32>, vector<8x16xf32> -> vector<8x64xf32>
      %get3A_77 = arith.constant 0 : index
      %get3A_78 = arith.constant 0 : index
      %get3A_79 = vector.load %arg12[%get3A_77, %get3A_78] : memref<64x64xf32, #tpu.memory_space<vmem>>, vector<64x64xf32>
      %dot_general3A_80 = arith.constant dense<0.000000e+00> : vector<8x64xf32>
      %dot_general3A_81 = tpu.matmul %concatenate3A_76, %get3A_79, %dot_general3A_80 {dimension_numbers = #tpu.dot_dimension_numbers<[1], [1], [0], [0], [0, 0, 1, 0], [], []>, transpose_lhs_hint = false} : vector<8x64xf32>, vector<64x64xf32>, vector<8x64xf32> -> vector<8x64xf32>
      %get3A_82 = arith.constant 0 : index
      %get3A_83 = arith.constant 0 : index
      %get3A_84 = vector.load %arg13[%get3A_82, %get3A_83] : memref<1x64xf32, #tpu.memory_space<vmem>>, vector<1x64xf32>
      %add3A_85 = vector.broadcast %get3A_84 : vector<1x64xf32> to vector<8x64xf32>
      %add3A_86 = arith.addf %dot_general3A_81, %add3A_85 : vector<8x64xf32>
      %get3A_87 = arith.constant 0 : index
      %get3A_88 = arith.constant 0 : index
      %get3A_89 = vector.load %arg14[%get3A_87, %get3A_88] : memref<64x64xf32, #tpu.memory_space<vmem>>, vector<64x64xf32>
      %dot_general3A_90 = arith.constant dense<0.000000e+00> : vector<8x64xf32>
      %dot_general3A_91 = tpu.matmul %add3A_86, %get3A_89, %dot_general3A_90 {dimension_numbers = #tpu.dot_dimension_numbers<[1], [1], [0], [0], [0, 0, 1, 0], [], []>, transpose_lhs_hint = false} : vector<8x64xf32>, vector<64x64xf32>, vector<8x64xf32> -> vector<8x64xf32>
      %get3A_92 = arith.constant 0 : index
      %get3A_93 = arith.constant 0 : index
      %get3A_94 = vector.load %arg15[%get3A_92, %get3A_93] : memref<1x64xf32, #tpu.memory_space<vmem>>, vector<1x64xf32>
      %add3A_95 = vector.broadcast %get3A_94 : vector<1x64xf32> to vector<8x64xf32>
      %add3A_96 = arith.addf %dot_general3A_91, %add3A_95 : vector<8x64xf32>
      %get3A_97 = arith.constant 0 : index
      %get3A_98 = arith.constant 0 : index
      %get3A_99 = vector.load %arg16[%get3A_97, %get3A_98] : memref<64x64xf32, #tpu.memory_space<vmem>>, vector<64x64xf32>
      %dot_general3A_100 = arith.constant dense<0.000000e+00> : vector<8x64xf32>
      %dot_general3A_101 = tpu.matmul %add3A_96, %get3A_99, %dot_general3A_100 {dimension_numbers = #tpu.dot_dimension_numbers<[1], [1], [0], [0], [0, 0, 1, 0], [], []>, transpose_lhs_hint = false} : vector<8x64xf32>, vector<64x64xf32>, vector<8x64xf32> -> vector<8x64xf32>
      %get3A_102 = arith.constant 0 : index
      %get3A_103 = arith.constant 0 : index
      %get3A_104 = vector.load %arg17[%get3A_102, %get3A_103] : memref<1x64xf32, #tpu.memory_space<vmem>>, vector<1x64xf32>
      %add3A_105 = vector.broadcast %get3A_104 : vector<1x64xf32> to vector<8x64xf32>
      %add3A_106 = arith.addf %dot_general3A_101, %add3A_105 : vector<8x64xf32>
      %max3A_107 = arith.constant 0.000000e+00 : f32
      %max3A_108 = vector.broadcast %max3A_107 : f32 to vector<8x64xf32>
      %max3A_109 = arith.maximumf %add3A_106, %max3A_108 : vector<8x64xf32>
      %get3A_110 = arith.constant 0 : index
      %get3A_111 = arith.constant 0 : index
      %get3A_112 = vector.load %arg18[%get3A_110, %get3A_111] : memref<16x64xf32, #tpu.memory_space<vmem>>, vector<16x64xf32>
      %dot_general3A_113 = arith.constant dense<0.000000e+00> : vector<8x16xf32>
      %dot_general3A_114 = tpu.matmul %max3A_109, %get3A_112, %dot_general3A_113 {dimension_numbers = #tpu.dot_dimension_numbers<[1], [1], [0], [0], [0, 0, 1, 0], [], []>, transpose_lhs_hint = false} : vector<8x64xf32>, vector<16x64xf32>, vector<8x16xf32> -> vector<8x16xf32>
      %get3A_115 = arith.constant 0 : index
      %get3A_116 = arith.constant 0 : index
      %get3A_117 = vector.load %arg19[%get3A_115, %get3A_116] : memref<1x16xf32, #tpu.memory_space<vmem>>, vector<1x16xf32>
      %add3A_118 = vector.broadcast %get3A_117 : vector<1x16xf32> to vector<8x16xf32>
      %add3A_119 = arith.addf %dot_general3A_114, %add3A_118 : vector<8x16xf32>
      %swap3A_120 = arith.constant 0 : index
      %swap3A_121 = arith.constant 0 : index
      %swap3A_122 = vector.load %arg20[%swap3A_120, %swap3A_121] : memref<8x16xf32, #tpu.memory_space<vmem>>, vector<8x16xf32>
      tpu.vector_store %arg20[%swap3A_120, %swap3A_121], %add3A_119 {strides = array<i32>} : memref<8x16xf32, #tpu.memory_space<vmem>>, vector<8x16xf32>,
    } else {
    }
    return
  }
  func.func @transform_0(%arg0: i32) -> (i32, i32) {
    %c0_i32 = arith.constant 0 : i32
    %c0_i32_0 = arith.constant 0 : i32
    return %arg0, %c0_i32 : i32, i32
  }
  func.func @transform_1(%arg0: i32) -> (i32, i32) {
    %c0_i32 = arith.constant 0 : i32
    %c0_i32_0 = arith.constant 0 : i32
    return %arg0, %c0_i32 : i32, i32
  }
  func.func @transform_2(%arg0: i32) -> (i32, i32) {
    %c0_i32 = arith.constant 0 : i32
    %c0_i32_0 = arith.constant 0 : i32
    return %arg0, %c0_i32 : i32, i32
  }
  func.func @transform_3(%arg0: i32) -> (i32, i32) {
    %c0_i32 = arith.constant 0 : i32
    %c0_i32_0 = arith.constant 0 : i32
    %c0_i32_1 = arith.constant 0 : i32
    return %c0_i32, %c0_i32_0 : i32, i32
  }
  func.func @transform_4(%arg0: i32) -> (i32, i32) {
    %c0_i32 = arith.constant 0 : i32
    %c0_i32_0 = arith.constant 0 : i32
    %c0_i32_1 = arith.constant 0 : i32
    return %c0_i32, %c0_i32_0 : i32, i32
  }
  func.func @transform_5(%arg0: i32) -> (i32, i32) {
    %c0_i32 = arith.constant 0 : i32
    %c0_i32_0 = arith.constant 0 : i32
    %c0_i32_1 = arith.constant 0 : i32
    return %c0_i32, %c0_i32_0 : i32, i32
  }
  func.func @transform_6(%arg0: i32) -> (i32, i32) {
    %c0_i32 = arith.constant 0 : i32
    %c0_i32_0 = arith.constant 0 : i32
    %c0_i32_1 = arith.constant 0 : i32
    return %c0_i32, %c0_i32_0 : i32, i32
  }
  func.func @transform_7(%arg0: i32) -> (i32, i32) {
    %c0_i32 = arith.constant 0 : i32
    %c0_i32_0 = arith.constant 0 : i32
    %c0_i32_1 = arith.constant 0 : i32
    return %c0_i32, %c0_i32_0 : i32, i32
  }
  func.func @transform_8(%arg0: i32) -> (i32, i32) {
    %c0_i32 = arith.constant 0 : i32
    %c0_i32_0 = arith.constant 0 : i32
    %c0_i32_1 = arith.constant 0 : i32
    return %c0_i32, %c0_i32_0 : i32, i32
  }
  func.func @transform_9(%arg0: i32) -> (i32, i32) {
    %c0_i32 = arith.constant 0 : i32
    %c0_i32_0 = arith.constant 0 : i32
    %c0_i32_1 = arith.constant 0 : i32
    return %c0_i32, %c0_i32_0 : i32, i32
  }
  func.func @transform_10(%arg0: i32) -> (i32, i32) {
    %c0_i32 = arith.constant 0 : i32
    %c0_i32_0 = arith.constant 0 : i32
    %c0_i32_1 = arith.constant 0 : i32
    return %c0_i32, %c0_i32_0 : i32, i32
  }
  func.func @transform_11(%arg0: i32) -> (i32, i32) {
    %c0_i32 = arith.constant 0 : i32
    %c0_i32_0 = arith.constant 0 : i32
    %c0_i32_1 = arith.constant 0 : i32
    return %c0_i32, %c0_i32_0 : i32, i32
  }
  func.func @transform_12(%arg0: i32) -> (i32, i32) {
    %c0_i32 = arith.constant 0 : i32
    %c0_i32_0 = arith.constant 0 : i32
    %c0_i32_1 = arith.constant 0 : i32
    return %c0_i32, %c0_i32_0 : i32, i32
  }
  func.func @transform_13(%arg0: i32) -> (i32, i32) {
    %c0_i32 = arith.constant 0 : i32
    %c0_i32_0 = arith.constant 0 : i32
    %c0_i32_1 = arith.constant 0 : i32
    return %c0_i32, %c0_i32_0 : i32, i32
  }
  func.func @transform_14(%arg0: i32) -> (i32, i32) {
    %c0_i32 = arith.constant 0 : i32
    %c0_i32_0 = arith.constant 0 : i32
    %c0_i32_1 = arith.constant 0 : i32
    return %c0_i32, %c0_i32_0 : i32, i32
  }
  func.func @transform_15(%arg0: i32) -> (i32, i32) {
    %c0_i32 = arith.constant 0 : i32
    %c0_i32_0 = arith.constant 0 : i32
    %c0_i32_1 = arith.constant 0 : i32
    return %c0_i32, %c0_i32_0 : i32, i32
  }
  func.func @transform_16(%arg0: i32) -> (i32, i32) {
    %c0_i32 = arith.constant 0 : i32
    %c0_i32_0 = arith.constant 0 : i32
    %c0_i32_1 = arith.constant 0 : i32
    return %c0_i32, %c0_i32_0 : i32, i32
  }
  func.func @transform_17(%arg0: i32) -> (i32, i32) {
    %c0_i32 = arith.constant 0 : i32
    %c0_i32_0 = arith.constant 0 : i32
    %c0_i32_1 = arith.constant 0 : i32
    return %c0_i32, %c0_i32_0 : i32, i32
  }
  func.func @transform_18(%arg0: i32) -> (i32, i32) {
    %c0_i32 = arith.constant 0 : i32
    %c0_i32_0 = arith.constant 0 : i32
    %c0_i32_1 = arith.constant 0 : i32
    return %c0_i32, %c0_i32_0 : i32, i32
  }
  func.func @transform_19(%arg0: i32) -> (i32, i32) {
    %c0_i32 = arith.constant 0 : i32
    %c0_i32_0 = arith.constant 0 : i32
    %c0_i32_1 = arith.constant 0 : i32
    return %c0_i32, %c0_i32_0 : i32, i32
  }
}

</mosaic_0001>

<sc_bundles>
// kernel: kernel.17.cloned.1.call-start
scs
__scs_entry_jumppad:
0x0: {  	(pc) =	sbr.rel $0x88, $3  }
0x1: {  	(tag) =	ssettag $0x0;
	lr =	simm.s32 $0x1  }
0x2: {  	[smem:$0x3F76] =	sst lr;
	_ =	strace $0xD0000000  }
0x3: {  	_ = 	snop  }
0x4: {  	_ = 	snop  }
0x5: {  	_ = 	snop  }
0x6: {  	_ = 	snop  }
0x7: {  	_ = 	snop  }
__scs_overlays_trampoline_lowered:
0x8: {  	[smem:$0x3F85] =	sst s0  }
0x9: {  	[smem:$0x3F86] =	sst s1  }
0xa: {  	[smem:$0x3F87] =	sst s2  }
0xb: {  	[smem:$0x3F88] =	sst s3  }
0xc: {  	[smem:$0x3F89] =	sst s4  }
0xd: {  	[smem:$0x3F8A] =	sst s5  }
0xe: {  	[smem:$0x3F8B] =	sst s6  }
0xf: {  	[smem:$0x3F8C] =	sst s7  }
0x10: {  	[smem:$0x3F8D] =	sst s8  }
0x11: {  	[smem:$0x3F8E] =	sst s9;
	s0 =	simm.s32 @!p0 $0x0  }
0x12: {  	s1 =	sld [smem:$0x3F74];
	s0 =	simm.s32 @p0 $0x1  }
0x13: {  	[smem:$0x3F8F] =	sst s0;
	s0 =	simm.s32 @!p1 $0x0  }
0x14: {  	s2 =	sld [smem:$0x3F73];
	s0 =	simm.s32 @p1 $0x1  }
0x15: {  	[smem:$0x3F90] =	sst s0;
	s0 =	simm.s32 @!p2 $0x0  }
0x16: {  	s3 =	sld [smem:$0x3FDB];
	s0 =	simm.s32 @p2 $0x1  }
0x17: {  	s4 =	simm.s32 $0x1BF5;
	[smem:$0x3F92] =	sst s0  }
0x18: {  	s0 =	sld [smem:$0x3F75];
	_ =	swait.ge [sflag:s4], $0x0  }
0x19: {  	s7 =	sld [smem:$0x3F76]  }
0x1a: {  	s8 =	sadd.s32 $0xFFFFE003, lr  }
0x1b: {  	s9 =	sadd.s32 $0xFFFFFEF7, lr;
	s5 =	simm.s32 $0xFFFFFFFF;
	p2 =	slt.u32 s8, $0xFFFFF086  }
0x1c: {  	p1 =	slt.u32 s9, $0xF7A;
	s5 =	simm.s32 @!p2 $0x0  }
0x1d: {  	s5 =	simm.s32 @p1 $0x1;
	p0 =	seq.s32 s7, s2  }
0x1e: {  	s7 =	smul.u32 @!p0 $0xF7A, s2;
	p2 =	seq.s32 @!p0 s5, $0x0  }
0x1f: {  	s9 =	smul.u32 $0xF7A, s1;
	s8 =	simm.s32 @!p0 $0x1BF5;
	p2 =	por !p2, p0  }
0x20: {  	[sflag:s8] =	ssyncset.s32 @!p0 $0xFFFFF086;
	s6 =	sadd.s32 @!p0 s3, s7;
	s7 =	simm.s32 @!p0 $0x108  }
0x21: {  	s3 =	sadd.s32 s3, s9;
	s6 =	sadd.s32 @!p0 $0x88, s6;
	s7 =	simm.s32 @p2 $0x1082  }
0x22: {  	[simem:s7], [sflag:s8] =	dma.local @!p0 [hbm:s6], $0xF7A  }
0x23: {  	s9 =	sor.u32 $0xD0000000, s2;
	s6 =	simm.s32 $0x108;
	_ =	swait.ge @!p0 [sflag:s8], $0x0  }
0x24: {  	s3 =	sadd.s32 $0x88, s3;
	s6 =	simm.s32 @!p1 $0x1082;
	[sflag:s4] =	ssyncset.s32 $0xFFFFF086  }
0x25: {  	[simem:s6], [sflag:s4] =	dma.local [hbm:s3], $0xF7A  }
0x26: {  	[smem:$0x3F76] =	sst s1;
	(tag) =	ssettag s2;
	_ =	strace s9  }
0x27: {  	s1 =	sld [smem:$0x3F86]  }
0x28: {  	s2 =	sld [smem:$0x3F87]  }
0x29: {  	s4 =	sld [smem:$0x3F89]  }
0x2a: {  	p0 =	seq.s32 s5, $0x0;
	s5 =	sld [smem:$0x3F8A]  }
0x2b: {  	s6 =	sld [smem:$0x3F8B]  }
0x2c: {  	s7 =	sld [smem:$0x3F8C]  }
0x2d: {  	s3 =	simm.s32 $0x108;
	s8 =	sld [smem:$0x3F8D]  }
0x2e: {  	s3 =	simm.s32 @!p0 $0x1082;
	s9 =	sld [smem:$0x3F8E]  }
0x2f: {  	lr =	sadd.s32 s0, s3;
	s0 =	sld [smem:$0x3F85]  }
0x30: {  	s3 =	sld [smem:$0x3F88]  }
0x31: {  	[smem:$0x3F91] =	sst s10  }
0x32: {  	s10 =	sld [smem:$0x3F8F];
	_ =	sdelay $0x3  }
0x33: {  	p0 =	seq.s32 s10, $0x1;
	s10 =	sld [smem:$0x3F91];
	_ =	sdelay $0x3  }
0x34: {  	[smem:$0x3F91] =	sst s10  }
0x35: {  	s10 =	sld [smem:$0x3F90];
	_ =	sdelay $0x3  }
0x36: {  	p1 =	seq.s32 s10, $0x1;
	s10 =	sld [smem:$0x3F91];
	_ =	sdelay $0x3  }
0x37: {  	[smem:$0x3F91] =	sst s10  }
0x38: {  	s10 =	sld [smem:$0x3F92]  }
0x39: {  	_ = 	snop;
	(pc) =	sbr.ind lr, $3  }
0x3a: {  	_ = 	snop  }
0x3b: {  	_ = 	snop  }
0x3c: {  	p2 =	seq.s32 s10, $0x1;
	s10 =	sld [smem:$0x3F91]  }
0x3d: {  	_ =	shalt  }
0x3e: {  	_ =	shalt  }
0x3f: {  	_ =	shalt  }
0x40: {  	_ =	shalt  }
0x41: {  	_ =	shalt  }
0x42: {  	_ =	shalt  }
0x43: {  	_ =	shalt  }
0x44: {  	_ =	shalt  }
0x45: {  	_ =	shalt  }
0x46: {  	_ =	shalt  }
0x47: {  	_ =	shalt  }
0x48: {  	_ =	shalt  }
0x49: {  	_ =	shalt  }
0x4a: {  	_ =	shalt  }
0x4b: {  	_ =	shalt  }
0x4c: {  	_ =	shalt  }
0x4d: {  	_ =	shalt  }
0x4e: {  	_ =	shalt  }
0x4f: {  	_ =	shalt  }
0x50: {  	_ =	shalt  }
0x51: {  	_ =	shalt  }
0x52: {  	_ =	shalt  }
0x53: {  	_ =	shalt  }
0x54: {  	_ =	shalt  }
0x55: {  	_ =	shalt  }
0x56: {  	_ =	shalt  }
0x57: {  	_ =	shalt  }
0x58: {  	_ =	shalt  }
0x59: {  	_ =	shalt  }
0x5a: {  	_ =	shalt  }
0x5b: {  	_ =	shalt  }
0x5c: {  	_ =	shalt  }
0x5d: {  	_ =	shalt  }
0x5e: {  	_ =	shalt  }
0x5f: {  	_ =	shalt  }
0x60: {  	_ =	shalt  }
0x61: {  	_ =	shalt  }
0x62: {  	_ =	shalt  }
0x63: {  	_ =	shalt  }
0x64: {  	_ =	shalt  }
0x65: {  	_ =	shalt  }
0x66: {  	_ =	shalt  }
0x67: {  	_ =	shalt  }
0x68: {  	_ =	shalt  }
0x69: {  	_ =	shalt  }
0x6a: {  	_ =	shalt  }
0x6b: {  	_ =	shalt  }
0x6c: {  	_ =	shalt  }
0x6d: {  	_ =	shalt  }
0x6e: {  	_ =	shalt  }
0x6f: {  	_ =	shalt  }
0x70: {  	_ =	shalt  }
0x71: {  	_ =	shalt  }
0x72: {  	_ =	shalt  }
0x73: {  	_ =	shalt  }
0x74: {  	_ =	shalt  }
0x75: {  	_ =	shalt  }
0x76: {  	_ =	shalt  }
0x77: {  	_ =	shalt  }
0x78: {  	_ =	shalt  }
0x79: {  	_ =	shalt  }
0x7a: {  	_ =	shalt  }
0x7b: {  	_ =	shalt  }
0x7c: {  	_ =	shalt  }
0x7d: {  	_ =	shalt  }
0x7e: {  	_ =	shalt  }
0x7f: {  	_ =	shalt  }
0x80: {  	_ =	shalt  }
0x81: {  	_ =	shalt  }
0x82: {  	_ =	shalt  }
0x83: {  	_ =	shalt  }
0x84: {  	_ =	shalt  }
0x85: {  	_ =	shalt  }
0x86: {  	_ =	shalt  }
0x87: {  	_ =	shalt  }
.Lfunc_end0:
.L_simem_size_0:
called_computation_lowered:
.L_overlay_start_0:
0x88: {  	s2 =	sld [smem:$0x3FD9]  }
0x89: {  	s3 =	sld [smem:$0x3FFE];
	_ =	sdelay $0x1  }
0x8a: {  	s1 =	srdreg.scid  }
0x8b: {  	s0 =	sand.u32 $0x1, s1  }
0x8c: {  	s17 =	sshll.u32 s0, $0xA;
	s2 =	sadd.s32 s3, s2  }
0x8d: {  	s2 =	sadd.s32 s2, s17  }
0x8e: {  	[smem:$0x3F9D] =	sst s2  }
0x8f: {  	_ = 	snop  }
0x90: {  	s18 =	sld [smem:$0x3FC9];
	(tm) =	ssettm $0x1  }
0x91: {  	s19 =	sld [smem:$0x3FFB];
	_ =	sdelay $0x3  }
0x92: {  	_ =	strace s19  }
0x93: {  	s2 =	sld [smem:$0x3FFC];
	_ =	sdelay $0x3  }
0x94: {  	_ =	strace s2  }
0x95: {  	s2 =	sld [smem:$0x3FFD];
	_ =	sdelay $0x3  }
0x96: {  	_ =	strace s2  }
0x97: {  	_ =	strace $0x8FFFFFFF  }
0x98: {  	s20 =	sld [smem:$0x3FDB];
	_ =	sdelay $0x1  }
0x99: {  	s4 =	simm.s32 $_scs_section_size  }
0x9a: {  	s5 =	simm.s32 $_size__tile_overlayer_lowered;
	s6 =	simm.s32 $_tile_overlayer_lowered  }
0x9b: {  	s7 =	simm.s32 $0x1BFF;
	s21 =	sshll.u32 s6, $0x1;
	s4 =	sadd.s32 s4, s20  }
0x9c: {  	s22 =	simm.s32 $0x0;
	s5 =	sshll.u32 s5, $0x1;
	s6 =	sadd.s32 s21, s4  }
0x9d: {  	[timem:s22], [sflag:s7] =	dma.local [hbm:s6], s5  }
0x9e: {  	_ =	swait.ge [sflag:s7], s5  }
0x9f: {  	s5 =	ssub.s32 $0x0, s5;
	[sflag:s7] =	ssyncset.done $0x0  }
0xa0: {  	[sflag:s7] =	ssyncadd.s32 s5;
	_ =	sdelay $0x1  }
0xa1: {  	s23 =	simm.s32 $0x1B8B  }
0xa2: {  	_ =	swait.ge [sflag:s23], $0x1  }
0xa3: {  	[sflag:s23] =	ssyncset.done $0x0  }
0xa4: {  	[sflag:s23] =	ssyncadd.s32 $0xFFFFFFFF  }
0xa5: {  	s5 =	sld [smem:$0x0]  }
0xa6: {  	s6 =	sand.u32 $0xFFFFFFFE, s1  }
0xa7: {  	p0 =	sne.s32 s1, s6  }
0xa8: {  	s6 =	sshll.u32 @p0 s6, $0xE  }
0xa9: {  	s6 =	sadd.s32 @p0 $0x11B8D, s6;
	s7 =	sshll.u32 @p0 s5, $0x11  }
0xaa: {  	s6 =	sor.u32 @p0 s7, s6  }
0xab: {  	[sflag:s6] =	ssyncadd.remote.s32 @p0 $0x1;
	_ =	sdelay $0x1  }
0xac: {  	s6 =	simm.s32 @p0 $0x1B8D  }
0xad: {  	_ =	swait.eq @p0 [sflag:s6], $0x1  }
0xae: {  	[sflag:s6] =	ssyncadd.s32 @p0 $0xFFFFFFFF  }
0xaf: {  	s7 =	sshll.u32 @!p0 s1, $0xE  }
0xb0: {  	s7 =	sor.u32 @!p0 $0x4000, s7;
	s6 =	simm.s32 @!p0 $0x1B8D  }
0xb1: {  	s5 =	sshll.u32 @!p0 s5, $0x11;
	s7 =	sadd.s32 @!p0 $0x11B8D, s7;
	_ =	swait.eq @!p0 [sflag:s6], $0x1  }
0xb2: {  	s5 =	sor.u32 @!p0 s5, s7;
	[sflag:s6] =	ssyncadd.s32 @!p0 $0xFFFFFFFF  }
0xb3: {  	s25 =	simm.s32 $0x1B8E;
	s24 =	sld [smem:$0x3FFE];
	[sflag:s5] =	ssyncadd.remote.s32 @!p0 $0x1  }
0xb4: {  	s26 =	simm.s32 $execute0_lowered;
	[smem:$0x3FD2] =	sst s25  }
0xb5: {  	s6 =	sshll.u32 s26, $0x1;
	_ =	strace $0x80000049;
	[dreg:$0x1] =	wrdreg $0xFFFFFFFF  }
0xb6: {  	s28 =	simm.s32 $_size_execute0_lowered;
	s4 =	sadd.s32 s4, s6;
	[dreg:$0x0] =	wrdreg $0x0  }
0xb7: {  	s6 =	sshll.u32 s28, $0x1;
	[dreg:$0x2] =	wrdreg s4  }
0xb8: {  	[dreg:$0x3] =	wrdreg s6  }
0xb9: {  	[dreg:$0x4] =	wrdreg $0xC0  }
0xba: {  	_ =	task [dreg:s22], $0x5FFFF  }
0xbb: {  	[dreg:$0x1] =	wrdreg $0xFFFFFFFF  }
0xbc: {  	[dreg:$0x0] =	wrdreg $0x60  }
0xbd: {  	[dreg:$0x2] =	wrdreg s18  }
0xbe: {  	[dreg:$0x3] =	wrdreg s24  }
0xbf: {  	[dreg:$0x4] =	wrdreg $0x9  }
0xc0: {  	_ =	task.clear_ibuf [dreg:s22], $0x5FFFF;
	_ =	strace $0x90000049  }
0xc1: {  	s29 =	simm.s32 $0x9;
	_ =	strace $0x8000004B  }
0xc2: {  	_ =	swait.ge [sflag:s29], $0x1  }
0xc3: {  	[sflag:s29] =	ssyncadd.s32 $0xFFFFFFFF  }
0xc4: {  	_ =	strace $0x9000004B  }
0xc5: {  	_ =	sfence  }
0xc6: {  	s30 =	sld [smem:$0x0];
	_ =	sdelay $0x2  }
0xc7: {  	s31 =	sshll.u32 s1, $0xD;
	s1 =	sshrl.u32 s1, $0x2  }
0xc8: {  	s4 =	sand.u32 $0x4000, s31;
	s1 =	sadd.s32 s1, s30  }
0xc9: {  	s0 =	sor.u32 s4, s0;
	s1 =	sshll.u32 s1, $0x11  }
0xca: {  	s0 =	sor.u32 s1, s0  }
0xcb: {  	s0 =	sadd.s32 $0x8F2B, s0  }
0xcc: {  	[sflag:s0] =	ssyncadd.remote.s32 $0x1  }
0xcd: {  	_ =	sfence.sel $0xFFFF  }
0xce: {  	[dreg:$0x0] =	wrdreg $0xFFFFFFFF;
	(pc) =	sbr.abs _section_cstart, $3  }
0xcf: {  	[dreg:$0x1] =	wrdreg $0xFFFFFFFF  }
0xd0: {  	_ =	task.clear_ibuf [dreg:s22], $0x2FFFF;
	_ =	strace $0x9FFFFFFF  }
0xd1: {  	(tm) =	ssettm $0x7FFFFFFF  }
tec
execute0_lowered:
.L_overlay_start_1:
0x0: {  	(tag) =	ssettag $0x1  }
0x1: {  	s2 =	rddreg [dreg:$0x0]  }
0x2: {  	s0 =	srdreg.scid;
	s5 =	rddreg [dreg:$0x1]  }
0x3: {  	s3 =	simm.s32 $0x0;
	s10 =	simm.s32 $0x2788;
	s11 =	simm.s32 $0x3B88  }
0x4: {  	s12 =	simm.s32 $0x4F88;
	s13 =	simm.s32 $0x6388;
	s14 =	simm.s32 $0x1  }
0x5: {  	s15 =	simm.s32 $0x0;
	s4 =	sand.u32 $0x1, s0;
	s0 =	stileid.u32  }
0x6: {  	[smem:$0x7FF] =	sst s3;
	s1 =	sshll.u32 s4, $0x4;
	s7 =	smul.u32 $0x138800, s4  }
0x7: {  	s4 =	ssub.s32 $0x2, s4;
	s8 =	smul.u32 $0x13880, s0;
	s6 =	sor.u32 s0, s1  }
0x8: {  	s1 =	rddreg [dreg:$0x2];
	s9 =	sshrl.u32 s4, $0x1;
	s6 =	smul.u32 $0x1388, s6  }
0x9: {  	_ =	strace $0x8000004A;
	s7 =	sadd.s32 s7, s5;
	s31 =	ssub.s32 s4, s9  }
0xa: {  	s9 =	simm.s32 $0x1388;
	s7 =	sadd.s32 s8, s7;
	s6 =	sshrl.u32 s6, $0x3  }
0xb: {  	s8 =	simm.s32 $0x28;
	s5 =	sadd.s32 s6, s5;
	s6 =	sadd.s32 $0x295000, s7  }
0xc: {  	s7 =	simm.s32 $0x2;
	s4 =	sadd.s32 $0x290000, s5;
	s5 =	smax.u32 s31, $0x1  }
.LBB2_1:
0xd: {  	[tilespmem:s3], [sflag:$0x2] =	stream.linear.gather [hbm4b:s4+s3], $0x1388, $0x38;
	[tilespmem:$0x7788] =	vst v63  }
0xe: {  	_ =	swait.ge [sflag:s7], $0x1388  }
0xf: {  	[sflag:s7] =	ssyncset.done $0x0  }
0x10: {  	s16 =	simm.s32 $0x0;
	[sflag:s7] =	ssyncadd.s32 $0xFFFFEC78  }
0x11: {  	[tilespmem:s9], [sflag:$0x1] =	stream.indirect.gather [hbm4b:s2+s8], $0x80, s16, s8, $0xb8;
	[tilespmem:$0x7788] =	vst v63  }
0x12: {  	s28 =	simm.s32 $0x28  }
0x13: {  	[tilespmem:s10], [sflag:$0x1] =	stream.indirect.gather [hbm4b:s2+s8], $0x80, s28, s8, $0xb8;
	[tilespmem:$0x7788] =	vst v63  }
0x14: {  	s29 =	simm.s32 $0x50  }
0x15: {  	[tilespmem:s11], [sflag:$0x1] =	stream.indirect.gather [hbm4b:s2+s8], $0x80, s29, s8, $0xb8;
	[tilespmem:$0x7788] =	vst v63  }
0x16: {  	s30 =	simm.s32 $0x78  }
0x17: {  	[tilespmem:s12], [sflag:$0x1] =	stream.indirect.gather [hbm4b:s2+s8], $0x80, s30, s8, $0xb8;
	[tilespmem:$0x7788] =	vst v63  }
0x18: {  	s31 =	simm.s32 $0xA0  }
0x19: {  	[tilespmem:s13], [sflag:$0x1] =	stream.indirect.gather [hbm4b:s2+s8], $0x80, s31, s8, $0xb8;
	[tilespmem:$0x7788] =	vst v63  }
0x1a: {  	_ =	swait.ge [sflag:s14], $0x1400  }
0x1b: {  	[sflag:s14] =	ssyncset.done $0x0  }
0x1c: {  	[sflag:s14] =	ssyncadd.s32 $0xFFFFEC00  }
0x1d: {  	_ =	swait.ge [sflag:s14], $0x1400  }
0x1e: {  	[sflag:s14] =	ssyncset.done $0x0  }
0x1f: {  	[sflag:s14] =	ssyncadd.s32 $0xFFFFEC00  }
0x20: {  	_ =	swait.ge [sflag:s14], $0x1400  }
0x21: {  	[sflag:s14] =	ssyncset.done $0x0  }
0x22: {  	[sflag:s14] =	ssyncadd.s32 $0xFFFFEC00  }
0x23: {  	_ =	swait.ge [sflag:s14], $0x1400  }
0x24: {  	[sflag:s14] =	ssyncset.done $0x0  }
0x25: {  	[sflag:s14] =	ssyncadd.s32 $0xFFFFEC00  }
0x26: {  	_ =	swait.ge [sflag:s14], $0x1400  }
0x27: {  	[sflag:s14] =	ssyncset.done $0x0  }
0x28: {  	[sflag:s14] =	ssyncadd.s32 $0xFFFFEC00  }
0x29: {  	[hbm4b:s6+s3] =	stream.linear.scatter [tilespmem:s9], [sflag:$0x2], $0x6400, $0x38;
	[tilespmem:$0x7788] =	vst v63  }
0x2a: {  	s17 =	simm.s32 $0x320;
	_ =	swait.ge [sflag:s7], $0x6400  }
0x2b: {  	s18 =	simm.s32 $0x640;
	s16 =	sadd.s32 $0xC80, s6;
	[sflag:s7] =	ssyncset.done $0x0  }
.LBB2_2:
0x2c: {  	s19 =	sshra.s32 s17, $0x2  }
0x2d: {  	[sflag:s7] =	ssyncadd.s32 $0xFFFF9C00;
	s17 =	smov.u32 s18;
	s20 =	sadd.s32 $0x320, s18  }
0x2e: {  	[tilespmem:s9], [sflag:$0x1] =	stream.indirect.gather [hbm4b:s2+s8], $0x80, s19, s8, $0xb8;
	[tilespmem:$0x7788] =	vst v63  }
0x2f: {  	p0 =	sne.s32 s18, $0x4B00;
	s18 =	sadd.s32 $0x28, s19  }
0x30: {  	[tilespmem:s10], [sflag:$0x1] =	stream.indirect.gather [hbm4b:s2+s8], $0x80, s18, s8, $0xb8;
	[tilespmem:$0x7788] =	vst v63  }
0x31: {  	s18 =	sadd.s32 $0x50, s19  }
0x32: {  	[tilespmem:s11], [sflag:$0x1] =	stream.indirect.gather [hbm4b:s2+s8], $0x80, s18, s8, $0xb8;
	[tilespmem:$0x7788] =	vst v63  }
0x33: {  	s18 =	sadd.s32 $0x78, s19  }
0x34: {  	[tilespmem:s12], [sflag:$0x1] =	stream.indirect.gather [hbm4b:s2+s8], $0x80, s18, s8, $0xb8;
	[tilespmem:$0x7788] =	vst v63  }
0x35: {  	s18 =	sadd.s32 $0xA0, s19  }
0x36: {  	[tilespmem:s13], [sflag:$0x1] =	stream.indirect.gather [hbm4b:s2+s8], $0x80, s18, s8, $0xb8;
	[tilespmem:$0x7788] =	vst v63  }
0x37: {  	_ =	swait.ge [sflag:s14], $0x1400  }
0x38: {  	[sflag:s14] =	ssyncset.done $0x0  }
0x39: {  	[sflag:s14] =	ssyncadd.s32 $0xFFFFEC00  }
0x3a: {  	_ =	swait.ge [sflag:s14], $0x1400  }
0x3b: {  	[sflag:s14] =	ssyncset.done $0x0  }
0x3c: {  	[sflag:s14] =	ssyncadd.s32 $0xFFFFEC00  }
0x3d: {  	_ =	swait.ge [sflag:s14], $0x1400  }
0x3e: {  	[sflag:s14] =	ssyncset.done $0x0  }
0x3f: {  	[sflag:s14] =	ssyncadd.s32 $0xFFFFEC00  }
0x40: {  	_ =	swait.ge [sflag:s14], $0x1400  }
0x41: {  	[sflag:s14] =	ssyncset.done $0x0  }
0x42: {  	[sflag:s14] =	ssyncadd.s32 $0xFFFFEC00  }
0x43: {  	_ =	swait.ge [sflag:s14], $0x1400  }
.Ltmp0:
0x44: {  	[sflag:s14] =	ssyncset.done $0x0;
	(pc) =	sbr.rel @p0 .LBB2_2-.Ltmp0, $4  }
0x45: {  	[sflag:s14] =	ssyncadd.s32 $0xFFFFEC00  }
0x46: {  	[hbm4b:s16+s3] =	stream.linear.scatter [tilespmem:s9], [sflag:$0x2], $0x6400, $0x38;
	[tilespmem:$0x7788] =	vst v63  }
0x47: {  	_ =	swait.ge [sflag:s7], $0x6400  }
0x48: {  	s18 =	smov.u32 s20;
	s16 =	sadd.s32 $0xC80, s16;
	[sflag:s7] =	ssyncset.done $0x0  }
0x49: {  	s17 =	sshra.s32 s17, $0x2;
	[sflag:s7] =	ssyncadd.s32 $0xFFFF9C00  }
0x4a: {  	[tilespmem:s9], [sflag:$0x1] =	stream.indirect.gather [hbm4b:s2+s8], $0x80, s17, s8, $0xb8;
	[tilespmem:$0x7788] =	vst v63  }
0x4b: {  	s18 =	sadd.s32 $0x28, s17  }
0x4c: {  	[tilespmem:s10], [sflag:$0x1] =	stream.indirect.gather [hbm4b:s2+s8], $0x80, s18, s8, $0xb8;
	[tilespmem:$0x7788] =	vst v63  }
0x4d: {  	s30 =	sadd.s32 $0x50, s17  }
0x4e: {  	[tilespmem:s11], [sflag:$0x1] =	stream.indirect.gather [hbm4b:s2+s8], $0x80, s30, s8, $0xb8;
	[tilespmem:$0x7788] =	vst v63  }
0x4f: {  	s31 =	sadd.s32 $0x78, s17  }
0x50: {  	[tilespmem:s12], [sflag:$0x1] =	stream.indirect.gather [hbm4b:s2+s8], $0x80, s31, s8, $0xb8;
	[tilespmem:$0x7788] =	vst v63  }
0x51: {  	s17 =	sadd.s32 $0xA0, s17  }
0x52: {  	[tilespmem:s13], [sflag:$0x1] =	stream.indirect.gather [hbm4b:s2+s8], $0x80, s17, s8, $0xb8;
	[tilespmem:$0x7788] =	vst v63  }
0x53: {  	_ =	swait.ge [sflag:s14], $0x1400  }
0x54: {  	[sflag:s14] =	ssyncset.done $0x0  }
0x55: {  	[sflag:s14] =	ssyncadd.s32 $0xFFFFEC00  }
0x56: {  	_ =	swait.ge [sflag:s14], $0x1400  }
0x57: {  	[sflag:s14] =	ssyncset.done $0x0  }
0x58: {  	[sflag:s14] =	ssyncadd.s32 $0xFFFFEC00  }
0x59: {  	_ =	swait.ge [sflag:s14], $0x1400  }
0x5a: {  	[sflag:s14] =	ssyncset.done $0x0  }
0x5b: {  	[sflag:s14] =	ssyncadd.s32 $0xFFFFEC00  }
0x5c: {  	_ =	swait.ge [sflag:s14], $0x1400  }
0x5d: {  	[sflag:s14] =	ssyncset.done $0x0  }
0x5e: {  	[sflag:s14] =	ssyncadd.s32 $0xFFFFEC00  }
0x5f: {  	s15 =	sadd.s32 $0x1, s15;
	_ =	swait.ge [sflag:s14], $0x1400  }
0x60: {  	p0 =	sne.s32 s15, s5;
	[sflag:s14] =	ssyncset.done $0x0  }
.Ltmp1:
0x61: {  	[sflag:s14] =	ssyncadd.s32 $0xFFFFEC00;
	(pc) =	sbr.rel @p0 .LBB2_1-.Ltmp1, $4  }
0x62: {  	[hbm4b:s16+s3] =	stream.linear.scatter [tilespmem:s9], [sflag:$0x2], $0x6400, $0x38;
	[tilespmem:$0x7788] =	vst v63  }
0x63: {  	_ =	swait.ge [sflag:s7], $0x6400  }
0x64: {  	[sflag:s7] =	ssyncset.done $0x0  }
0x65: {  	[sflag:s7] =	ssyncadd.s32 $0xFFFF9C00  }
0x66: {  	_ =	sfence.sel $0x180000  }
0x67: {  	[bflag:$0x0] =	sbarrier.arrive $0xFFFF  }
0x68: {  	p0 =	sne.s32 s0, $0x0;
	_ =	strace $0x9000004A  }
0x69: {  	s0 =	sadd.s32 @!p0 $0x100000, s1;
	[bflag:$0x2] =	sbarrier.arrive $0xFFFF  }
0x6a: {  	[sflag:s0] =	ssyncadd.tile.s32 @!p0 $0x1;
	_ =	shalt  }
.Lfunc_end2:
_tile_overlayer_lowered:
.L_overlay_start_2:
0x6b: {  	(tag) =	ssettag $0x2  }
0x6c: {  	s0 =	rddreg [dreg:$0x0];
	s2 =	stileid.u32  }
0x6d: {  	s1 =	rddreg [dreg:$0x1];
	p0 =	sne.s32 s2, $0x0  }
0x6e: {  	s3 =	rddreg [dreg:$0x2];
	[bflag:$0x3] =	sbarrier.arrive $0xFFFF;
	s2 =	simm.s32 @!p0 $0x1C02  }
0x6f: {  	[timem:s3], [sflag:s2] =	dma.local @!p0 [hbm:s0], s1  }
0x70: {  	s0 =	simm.s32 @!p0 $0x2  }
0x71: {  	_ =	swait.ge @!p0 [sflag:s0], s1  }
0x72: {  	s1 =	ssub.s32 @!p0 $0x0, s1;
	[sflag:s0] =	ssyncset.done @!p0 $0x0  }
0x73: {  	[sflag:s0] =	ssyncadd.s32 @!p0 s1  }
0x74: {  	[bflag:$0x3] =	sbarrier.arrive $0xFFFF  }
0x75: {  	_ =	shalt  }

// kernel: kernel.20.cloned.1.call-start
scs
__scs_entry_jumppad:
0x0: {  	(pc) =	sbr.rel $0x88, $3  }
0x1: {  	(tag) =	ssettag $0x0;
	lr =	simm.s32 $0x1  }
0x2: {  	[smem:$0x3F76] =	sst lr;
	_ =	strace $0xD0000000  }
0x3: {  	_ = 	snop  }
0x4: {  	_ = 	snop  }
0x5: {  	_ = 	snop  }
0x6: {  	_ = 	snop  }
0x7: {  	_ = 	snop  }
__scs_overlays_trampoline_lowered:
0x8: {  	[smem:$0x3F85] =	sst s0  }
0x9: {  	[smem:$0x3F86] =	sst s1  }
0xa: {  	[smem:$0x3F87] =	sst s2  }
0xb: {  	[smem:$0x3F88] =	sst s3  }
0xc: {  	[smem:$0x3F89] =	sst s4  }
0xd: {  	[smem:$0x3F8A] =	sst s5  }
0xe: {  	[smem:$0x3F8B] =	sst s6  }
0xf: {  	[smem:$0x3F8C] =	sst s7  }
0x10: {  	[smem:$0x3F8D] =	sst s8  }
0x11: {  	[smem:$0x3F8E] =	sst s9;
	s0 =	simm.s32 @!p0 $0x0  }
0x12: {  	s1 =	sld [smem:$0x3F74];
	s0 =	simm.s32 @p0 $0x1  }
0x13: {  	[smem:$0x3F8F] =	sst s0;
	s0 =	simm.s32 @!p1 $0x0  }
0x14: {  	s2 =	sld [smem:$0x3F73];
	s0 =	simm.s32 @p1 $0x1  }
0x15: {  	[smem:$0x3F90] =	sst s0;
	s0 =	simm.s32 @!p2 $0x0  }
0x16: {  	s3 =	sld [smem:$0x3FDB];
	s0 =	simm.s32 @p2 $0x1  }
0x17: {  	s4 =	simm.s32 $0x1BF5;
	[smem:$0x3F92] =	sst s0  }
0x18: {  	s0 =	sld [smem:$0x3F75];
	_ =	swait.ge [sflag:s4], $0x0  }
0x19: {  	s7 =	sld [smem:$0x3F76]  }
0x1a: {  	s8 =	sadd.s32 $0xFFFFE003, lr  }
0x1b: {  	s9 =	sadd.s32 $0xFFFFFEF7, lr;
	s5 =	simm.s32 $0xFFFFFFFF;
	p2 =	slt.u32 s8, $0xFFFFF086  }
0x1c: {  	p1 =	slt.u32 s9, $0xF7A;
	s5 =	simm.s32 @!p2 $0x0  }
0x1d: {  	s5 =	simm.s32 @p1 $0x1;
	p0 =	seq.s32 s7, s2  }
0x1e: {  	s7 =	smul.u32 @!p0 $0xF7A, s2;
	p2 =	seq.s32 @!p0 s5, $0x0  }
0x1f: {  	s9 =	smul.u32 $0xF7A, s1;
	s8 =	simm.s32 @!p0 $0x1BF5;
	p2 =	por !p2, p0  }
0x20: {  	[sflag:s8] =	ssyncset.s32 @!p0 $0xFFFFF086;
	s6 =	sadd.s32 @!p0 s3, s7;
	s7 =	simm.s32 @!p0 $0x108  }
0x21: {  	s3 =	sadd.s32 s3, s9;
	s6 =	sadd.s32 @!p0 $0x88, s6;
	s7 =	simm.s32 @p2 $0x1082  }
0x22: {  	[simem:s7], [sflag:s8] =	dma.local @!p0 [hbm:s6], $0xF7A  }
0x23: {  	s9 =	sor.u32 $0xD0000000, s2;
	s6 =	simm.s32 $0x108;
	_ =	swait.ge @!p0 [sflag:s8], $0x0  }
0x24: {  	s3 =	sadd.s32 $0x88, s3;
	s6 =	simm.s32 @!p1 $0x1082;
	[sflag:s4] =	ssyncset.s32 $0xFFFFF086  }
0x25: {  	[simem:s6], [sflag:s4] =	dma.local [hbm:s3], $0xF7A  }
0x26: {  	[smem:$0x3F76] =	sst s1;
	(tag) =	ssettag s2;
	_ =	strace s9  }
0x27: {  	s1 =	sld [smem:$0x3F86]  }
0x28: {  	s2 =	sld [smem:$0x3F87]  }
0x29: {  	s4 =	sld [smem:$0x3F89]  }
0x2a: {  	p0 =	seq.s32 s5, $0x0;
	s5 =	sld [smem:$0x3F8A]  }
0x2b: {  	s6 =	sld [smem:$0x3F8B]  }
0x2c: {  	s7 =	sld [smem:$0x3F8C]  }
0x2d: {  	s3 =	simm.s32 $0x108;
	s8 =	sld [smem:$0x3F8D]  }
0x2e: {  	s3 =	simm.s32 @!p0 $0x1082;
	s9 =	sld [smem:$0x3F8E]  }
0x2f: {  	lr =	sadd.s32 s0, s3;
	s0 =	sld [smem:$0x3F85]  }
0x30: {  	s3 =	sld [smem:$0x3F88]  }
0x31: {  	[smem:$0x3F91] =	sst s10  }
0x32: {  	s10 =	sld [smem:$0x3F8F];
	_ =	sdelay $0x3  }
0x33: {  	p0 =	seq.s32 s10, $0x1;
	s10 =	sld [smem:$0x3F91];
	_ =	sdelay $0x3  }
0x34: {  	[smem:$0x3F91] =	sst s10  }
0x35: {  	s10 =	sld [smem:$0x3F90];
	_ =	sdelay $0x3  }
0x36: {  	p1 =	seq.s32 s10, $0x1;
	s10 =	sld [smem:$0x3F91];
	_ =	sdelay $0x3  }
0x37: {  	[smem:$0x3F91] =	sst s10  }
0x38: {  	s10 =	sld [smem:$0x3F92]  }
0x39: {  	_ = 	snop;
	(pc) =	sbr.ind lr, $3  }
0x3a: {  	_ = 	snop  }
0x3b: {  	_ = 	snop  }
0x3c: {  	p2 =	seq.s32 s10, $0x1;
	s10 =	sld [smem:$0x3F91]  }
0x3d: {  	_ =	shalt  }
0x3e: {  	_ =	shalt  }
0x3f: {  	_ =	shalt  }
0x40: {  	_ =	shalt  }
0x41: {  	_ =	shalt  }
0x42: {  	_ =	shalt  }
0x43: {  	_ =	shalt  }
0x44: {  	_ =	shalt  }
0x45: {  	_ =	shalt  }
0x46: {  	_ =	shalt  }
0x47: {  	_ =	shalt  }
0x48: {  	_ =	shalt  }
0x49: {  	_ =	shalt  }
0x4a: {  	_ =	shalt  }
0x4b: {  	_ =	shalt  }
0x4c: {  	_ =	shalt  }
0x4d: {  	_ =	shalt  }
0x4e: {  	_ =	shalt  }
0x4f: {  	_ =	shalt  }
0x50: {  	_ =	shalt  }
0x51: {  	_ =	shalt  }
0x52: {  	_ =	shalt  }
0x53: {  	_ =	shalt  }
0x54: {  	_ =	shalt  }
0x55: {  	_ =	shalt  }
0x56: {  	_ =	shalt  }
0x57: {  	_ =	shalt  }
0x58: {  	_ =	shalt  }
0x59: {  	_ =	shalt  }
0x5a: {  	_ =	shalt  }
0x5b: {  	_ =	shalt  }
0x5c: {  	_ =	shalt  }
0x5d: {  	_ =	shalt  }
0x5e: {  	_ =	shalt  }
0x5f: {  	_ =	shalt  }
0x60: {  	_ =	shalt  }
0x61: {  	_ =	shalt  }
0x62: {  	_ =	shalt  }
0x63: {  	_ =	shalt  }
0x64: {  	_ =	shalt  }
0x65: {  	_ =	shalt  }
0x66: {  	_ =	shalt  }
0x67: {  	_ =	shalt  }
0x68: {  	_ =	shalt  }
0x69: {  	_ =	shalt  }
0x6a: {  	_ =	shalt  }
0x6b: {  	_ =	shalt  }
0x6c: {  	_ =	shalt  }
0x6d: {  	_ =	shalt  }
0x6e: {  	_ =	shalt  }
0x6f: {  	_ =	shalt  }
0x70: {  	_ =	shalt  }
0x71: {  	_ =	shalt  }
0x72: {  	_ =	shalt  }
0x73: {  	_ =	shalt  }
0x74: {  	_ =	shalt  }
0x75: {  	_ =	shalt  }
0x76: {  	_ =	shalt  }
0x77: {  	_ =	shalt  }
0x78: {  	_ =	shalt  }
0x79: {  	_ =	shalt  }
0x7a: {  	_ =	shalt  }
0x7b: {  	_ =	shalt  }
0x7c: {  	_ =	shalt  }
0x7d: {  	_ =	shalt  }
0x7e: {  	_ =	shalt  }
0x7f: {  	_ =	shalt  }
0x80: {  	_ =	shalt  }
0x81: {  	_ =	shalt  }
0x82: {  	_ =	shalt  }
0x83: {  	_ =	shalt  }
0x84: {  	_ =	shalt  }
0x85: {  	_ =	shalt  }
0x86: {  	_ =	shalt  }
0x87: {  	_ =	shalt  }
.Lfunc_end0:
.L_simem_size_0:
called_computation.1_lowered:
.L_overlay_start_0:
0x88: {  	s2 =	sld [smem:$0x3FD9]  }
0x89: {  	s3 =	sld [smem:$0x3FFE];
	_ =	sdelay $0x1  }
0x8a: {  	s1 =	srdreg.scid  }
0x8b: {  	s0 =	sand.u32 $0x1, s1  }
0x8c: {  	s17 =	sshll.u32 s0, $0xA;
	s2 =	sadd.s32 s3, s2  }
0x8d: {  	s2 =	sadd.s32 s2, s17  }
0x8e: {  	[smem:$0x3F9D] =	sst s2  }
0x8f: {  	_ = 	snop  }
0x90: {  	s2 =	sld [smem:$0x3FC9];
	(tm) =	ssettm $0x1  }
0x91: {  	s18 =	sld [smem:$0x3FFB];
	_ =	sdelay $0x3  }
0x92: {  	_ =	strace s18  }
0x93: {  	s3 =	sld [smem:$0x3FFC];
	_ =	sdelay $0x3  }
0x94: {  	_ =	strace s3  }
0x95: {  	s3 =	sld [smem:$0x3FFD];
	_ =	sdelay $0x3  }
0x96: {  	_ =	strace s3  }
0x97: {  	_ =	strace $0x8FFFFFFF  }
0x98: {  	s19 =	sld [smem:$0x3FDB];
	_ =	sdelay $0x1  }
0x99: {  	s4 =	simm.s32 $_scs_section_size  }
0x9a: {  	s5 =	simm.s32 $_size__tile_overlayer_lowered;
	s6 =	simm.s32 $_tile_overlayer_lowered  }
0x9b: {  	s22 =	simm.s32 $0x1BFF;
	s21 =	sshll.u32 s6, $0x1;
	s3 =	sadd.s32 s4, s19  }
0x9c: {  	s7 =	simm.s32 $0x0;
	s20 =	sshll.u32 s5, $0x1;
	s5 =	sadd.s32 s21, s3  }
0x9d: {  	[timem:s7], [sflag:s22] =	dma.local [hbm:s5], s20  }
0x9e: {  	_ =	swait.ge [sflag:s22], s20  }
0x9f: {  	s4 =	ssub.s32 $0x0, s20;
	[sflag:s22] =	ssyncset.done $0x0  }
0xa0: {  	[sflag:s22] =	ssyncadd.s32 s4;
	_ =	sdelay $0x1  }
0xa1: {  	s23 =	simm.s32 $0x1B8B  }
0xa2: {  	_ =	swait.ge [sflag:s23], $0x1  }
0xa3: {  	[sflag:s23] =	ssyncset.done $0x0  }
0xa4: {  	s25 =	simm.s32 $0x1B8E;
	s24 =	sld [smem:$0x3FFE];
	[sflag:s23] =	ssyncadd.s32 $0xFFFFFFFF  }
0xa5: {  	s26 =	simm.s32 $execute0_lowered;
	[smem:$0x3FD2] =	sst s25  }
0xa6: {  	s5 =	sshll.u32 s26, $0x1;
	_ =	strace $0x80000046;
	[dreg:$0x1] =	wrdreg $0xFFFFFFFF  }
0xa7: {  	s28 =	simm.s32 $_size_execute0_lowered;
	s3 =	sadd.s32 s3, s5;
	[dreg:$0x0] =	wrdreg $0x0  }
0xa8: {  	s5 =	sshll.u32 s28, $0x1;
	[dreg:$0x2] =	wrdreg s3  }
0xa9: {  	[dreg:$0x3] =	wrdreg s5  }
0xaa: {  	[dreg:$0x4] =	wrdreg $0xC0  }
0xab: {  	_ =	task [dreg:s7], $0x5FFFF  }
0xac: {  	[dreg:$0x1] =	wrdreg $0xFFFFFFFF  }
0xad: {  	[dreg:$0x0] =	wrdreg $0x60  }
0xae: {  	[dreg:$0x2] =	wrdreg s2  }
0xaf: {  	[dreg:$0x3] =	wrdreg s24  }
0xb0: {  	[dreg:$0x4] =	wrdreg $0xA  }
0xb1: {  	_ =	task.clear_ibuf [dreg:s7], $0x5FFFF;
	_ =	strace $0x90000046  }
0xb2: {  	s29 =	simm.s32 $0xA;
	_ =	strace $0x80000048  }
0xb3: {  	_ =	swait.ge [sflag:s29], $0x1  }
0xb4: {  	[sflag:s29] =	ssyncadd.s32 $0xFFFFFFFF  }
0xb5: {  	_ =	strace $0x90000048  }
0xb6: {  	_ =	sfence  }
0xb7: {  	s30 =	sld [smem:$0x0];
	_ =	sdelay $0x2  }
0xb8: {  	s31 =	sshll.u32 s1, $0xD;
	s1 =	sshrl.u32 s1, $0x2  }
0xb9: {  	s3 =	sand.u32 $0x4000, s31;
	s1 =	sadd.s32 s1, s30  }
0xba: {  	s0 =	sor.u32 s3, s0;
	s1 =	sshll.u32 s1, $0x11  }
0xbb: {  	s0 =	sor.u32 s1, s0  }
0xbc: {  	s0 =	sadd.s32 $0x8F2B, s0  }
0xbd: {  	[sflag:s0] =	ssyncadd.remote.s32 $0x1  }
0xbe: {  	_ =	sfence.sel $0xFFFF  }
0xbf: {  	[dreg:$0x0] =	wrdreg $0xFFFFFFFF;
	(pc) =	sbr.abs _section_cstart, $3  }
0xc0: {  	[dreg:$0x1] =	wrdreg $0xFFFFFFFF  }
0xc1: {  	_ =	task.clear_ibuf [dreg:s7], $0x2FFFF;
	_ =	strace $0x9FFFFFFF  }
0xc2: {  	(tm) =	ssettm $0x7FFFFFFF  }
0xc3: {  	_ =	shalt  }
tec
execute0_lowered:
.L_overlay_start_1:
0x0: {  	(tag) =	ssettag $0x1  }
0x1: {  	s2 =	rddreg [dreg:$0x0]  }
0x2: {  	s0 =	srdreg.scid;
	s5 =	rddreg [dreg:$0x1]  }
0x3: {  	s3 =	simm.s32 $0x0;
	s10 =	simm.s32 $0x2788;
	s11 =	simm.s32 $0x3B88  }
0x4: {  	s12 =	simm.s32 $0x4F88;
	s13 =	simm.s32 $0x6388;
	s14 =	simm.s32 $0x1  }
0x5: {  	s15 =	simm.s32 $0x0;
	s4 =	sand.u32 $0x1, s0;
	s0 =	stileid.u32  }
0x6: {  	[smem:$0x7FF] =	sst s3;
	s1 =	sshll.u32 s4, $0x4;
	s7 =	smul.u32 $0x138800, s4  }
0x7: {  	s4 =	ssub.s32 $0x2, s4;
	s8 =	smul.u32 $0x13880, s0;
	s6 =	sor.u32 s0, s1  }
0x8: {  	s1 =	rddreg [dreg:$0x2];
	s9 =	sshrl.u32 s4, $0x1;
	s6 =	smul.u32 $0x1388, s6  }
0x9: {  	_ =	strace $0x80000047;
	s7 =	sadd.s32 s7, s5;
	s31 =	ssub.s32 s4, s9  }
0xa: {  	s9 =	simm.s32 $0x1388;
	s7 =	sadd.s32 s8, s7;
	s6 =	sshrl.u32 s6, $0x3  }
0xb: {  	s8 =	simm.s32 $0x28;
	s5 =	sadd.s32 s6, s5;
	s6 =	sadd.s32 $0x1F000, s7  }
0xc: {  	s7 =	simm.s32 $0x2;
	s4 =	sadd.s32 $0x1A000, s5;
	s5 =	smax.u32 s31, $0x1  }
.LBB2_1:
0xd: {  	[tilespmem:s3], [sflag:$0x2] =	stream.linear.gather [hbm4b:s4+s3], $0x1388, $0x38;
	[tilespmem:$0x7788] =	vst v63  }
0xe: {  	_ =	swait.ge [sflag:s7], $0x1388  }
0xf: {  	[sflag:s7] =	ssyncset.done $0x0  }
0x10: {  	s16 =	simm.s32 $0x0;
	[sflag:s7] =	ssyncadd.s32 $0xFFFFEC78  }
0x11: {  	[tilespmem:s9], [sflag:$0x1] =	stream.indirect.gather [hbm4b:s2+s8], $0x80, s16, s8, $0xb8;
	[tilespmem:$0x7788] =	vst v63  }
0x12: {  	s28 =	simm.s32 $0x28  }
0x13: {  	[tilespmem:s10], [sflag:$0x1] =	stream.indirect.gather [hbm4b:s2+s8], $0x80, s28, s8, $0xb8;
	[tilespmem:$0x7788] =	vst v63  }
0x14: {  	s29 =	simm.s32 $0x50  }
0x15: {  	[tilespmem:s11], [sflag:$0x1] =	stream.indirect.gather [hbm4b:s2+s8], $0x80, s29, s8, $0xb8;
	[tilespmem:$0x7788] =	vst v63  }
0x16: {  	s30 =	simm.s32 $0x78  }
0x17: {  	[tilespmem:s12], [sflag:$0x1] =	stream.indirect.gather [hbm4b:s2+s8], $0x80, s30, s8, $0xb8;
	[tilespmem:$0x7788] =	vst v63  }
0x18: {  	s31 =	simm.s32 $0xA0  }
0x19: {  	[tilespmem:s13], [sflag:$0x1] =	stream.indirect.gather [hbm4b:s2+s8], $0x80, s31, s8, $0xb8;
	[tilespmem:$0x7788] =	vst v63  }
0x1a: {  	_ =	swait.ge [sflag:s14], $0x1400  }
0x1b: {  	[sflag:s14] =	ssyncset.done $0x0  }
0x1c: {  	[sflag:s14] =	ssyncadd.s32 $0xFFFFEC00  }
0x1d: {  	_ =	swait.ge [sflag:s14], $0x1400  }
0x1e: {  	[sflag:s14] =	ssyncset.done $0x0  }
0x1f: {  	[sflag:s14] =	ssyncadd.s32 $0xFFFFEC00  }
0x20: {  	_ =	swait.ge [sflag:s14], $0x1400  }
0x21: {  	[sflag:s14] =	ssyncset.done $0x0  }
0x22: {  	[sflag:s14] =	ssyncadd.s32 $0xFFFFEC00  }
0x23: {  	_ =	swait.ge [sflag:s14], $0x1400  }
0x24: {  	[sflag:s14] =	ssyncset.done $0x0  }
0x25: {  	[sflag:s14] =	ssyncadd.s32 $0xFFFFEC00  }
0x26: {  	_ =	swait.ge [sflag:s14], $0x1400  }
0x27: {  	[sflag:s14] =	ssyncset.done $0x0  }
0x28: {  	[sflag:s14] =	ssyncadd.s32 $0xFFFFEC00  }
0x29: {  	[hbm4b:s6+s3] =	stream.linear.scatter [tilespmem:s9], [sflag:$0x2], $0x6400, $0x38;
	[tilespmem:$0x7788] =	vst v63  }
0x2a: {  	s17 =	simm.s32 $0x320;
	_ =	swait.ge [sflag:s7], $0x6400  }
0x2b: {  	s18 =	simm.s32 $0x640;
	s16 =	sadd.s32 $0xC80, s6;
	[sflag:s7] =	ssyncset.done $0x0  }
.LBB2_2:
0x2c: {  	s19 =	sshra.s32 s17, $0x2  }
0x2d: {  	[sflag:s7] =	ssyncadd.s32 $0xFFFF9C00;
	s17 =	smov.u32 s18;
	s20 =	sadd.s32 $0x320, s18  }
0x2e: {  	[tilespmem:s9], [sflag:$0x1] =	stream.indirect.gather [hbm4b:s2+s8], $0x80, s19, s8, $0xb8;
	[tilespmem:$0x7788] =	vst v63  }
0x2f: {  	p0 =	sne.s32 s18, $0x4B00;
	s18 =	sadd.s32 $0x28, s19  }
0x30: {  	[tilespmem:s10], [sflag:$0x1] =	stream.indirect.gather [hbm4b:s2+s8], $0x80, s18, s8, $0xb8;
	[tilespmem:$0x7788] =	vst v63  }
0x31: {  	s18 =	sadd.s32 $0x50, s19  }
0x32: {  	[tilespmem:s11], [sflag:$0x1] =	stream.indirect.gather [hbm4b:s2+s8], $0x80, s18, s8, $0xb8;
	[tilespmem:$0x7788] =	vst v63  }
0x33: {  	s18 =	sadd.s32 $0x78, s19  }
0x34: {  	[tilespmem:s12], [sflag:$0x1] =	stream.indirect.gather [hbm4b:s2+s8], $0x80, s18, s8, $0xb8;
	[tilespmem:$0x7788] =	vst v63  }
0x35: {  	s18 =	sadd.s32 $0xA0, s19  }
0x36: {  	[tilespmem:s13], [sflag:$0x1] =	stream.indirect.gather [hbm4b:s2+s8], $0x80, s18, s8, $0xb8;
	[tilespmem:$0x7788] =	vst v63  }
0x37: {  	_ =	swait.ge [sflag:s14], $0x1400  }
0x38: {  	[sflag:s14] =	ssyncset.done $0x0  }
0x39: {  	[sflag:s14] =	ssyncadd.s32 $0xFFFFEC00  }
0x3a: {  	_ =	swait.ge [sflag:s14], $0x1400  }
0x3b: {  	[sflag:s14] =	ssyncset.done $0x0  }
0x3c: {  	[sflag:s14] =	ssyncadd.s32 $0xFFFFEC00  }
0x3d: {  	_ =	swait.ge [sflag:s14], $0x1400  }
0x3e: {  	[sflag:s14] =	ssyncset.done $0x0  }
0x3f: {  	[sflag:s14] =	ssyncadd.s32 $0xFFFFEC00  }
0x40: {  	_ =	swait.ge [sflag:s14], $0x1400  }
0x41: {  	[sflag:s14] =	ssyncset.done $0x0  }
0x42: {  	[sflag:s14] =	ssyncadd.s32 $0xFFFFEC00  }
0x43: {  	_ =	swait.ge [sflag:s14], $0x1400  }
.Ltmp0:
0x44: {  	[sflag:s14] =	ssyncset.done $0x0;
	(pc) =	sbr.rel @p0 .LBB2_2-.Ltmp0, $4  }
0x45: {  	[sflag:s14] =	ssyncadd.s32 $0xFFFFEC00  }
0x46: {  	[hbm4b:s16+s3] =	stream.linear.scatter [tilespmem:s9], [sflag:$0x2], $0x6400, $0x38;
	[tilespmem:$0x7788] =	vst v63  }
0x47: {  	_ =	swait.ge [sflag:s7], $0x6400  }
0x48: {  	s18 =	smov.u32 s20;
	s16 =	sadd.s32 $0xC80, s16;
	[sflag:s7] =	ssyncset.done $0x0  }
0x49: {  	s17 =	sshra.s32 s17, $0x2;
	[sflag:s7] =	ssyncadd.s32 $0xFFFF9C00  }
0x4a: {  	[tilespmem:s9], [sflag:$0x1] =	stream.indirect.gather [hbm4b:s2+s8], $0x80, s17, s8, $0xb8;
	[tilespmem:$0x7788] =	vst v63  }
0x4b: {  	s18 =	sadd.s32 $0x28, s17  }
0x4c: {  	[tilespmem:s10], [sflag:$0x1] =	stream.indirect.gather [hbm4b:s2+s8], $0x80, s18, s8, $0xb8;
	[tilespmem:$0x7788] =	vst v63  }
0x4d: {  	s30 =	sadd.s32 $0x50, s17  }
0x4e: {  	[tilespmem:s11], [sflag:$0x1] =	stream.indirect.gather [hbm4b:s2+s8], $0x80, s30, s8, $0xb8;
	[tilespmem:$0x7788] =	vst v63  }
0x4f: {  	s31 =	sadd.s32 $0x78, s17  }
0x50: {  	[tilespmem:s12], [sflag:$0x1] =	stream.indirect.gather [hbm4b:s2+s8], $0x80, s31, s8, $0xb8;
	[tilespmem:$0x7788] =	vst v63  }
0x51: {  	s17 =	sadd.s32 $0xA0, s17  }
0x52: {  	[tilespmem:s13], [sflag:$0x1] =	stream.indirect.gather [hbm4b:s2+s8], $0x80, s17, s8, $0xb8;
	[tilespmem:$0x7788] =	vst v63  }
0x53: {  	_ =	swait.ge [sflag:s14], $0x1400  }
0x54: {  	[sflag:s14] =	ssyncset.done $0x0  }
0x55: {  	[sflag:s14] =	ssyncadd.s32 $0xFFFFEC00  }
0x56: {  	_ =	swait.ge [sflag:s14], $0x1400  }
0x57: {  	[sflag:s14] =	ssyncset.done $0x0  }
0x58: {  	[sflag:s14] =	ssyncadd.s32 $0xFFFFEC00  }
0x59: {  	_ =	swait.ge [sflag:s14], $0x1400  }
0x5a: {  	[sflag:s14] =	ssyncset.done $0x0  }
0x5b: {  	[sflag:s14] =	ssyncadd.s32 $0xFFFFEC00  }
0x5c: {  	_ =	swait.ge [sflag:s14], $0x1400  }
0x5d: {  	[sflag:s14] =	ssyncset.done $0x0  }
0x5e: {  	[sflag:s14] =	ssyncadd.s32 $0xFFFFEC00  }
0x5f: {  	s15 =	sadd.s32 $0x1, s15;
	_ =	swait.ge [sflag:s14], $0x1400  }
0x60: {  	p0 =	sne.s32 s15, s5;
	[sflag:s14] =	ssyncset.done $0x0  }
.Ltmp1:
0x61: {  	[sflag:s14] =	ssyncadd.s32 $0xFFFFEC00;
	(pc) =	sbr.rel @p0 .LBB2_1-.Ltmp1, $4  }
0x62: {  	[hbm4b:s16+s3] =	stream.linear.scatter [tilespmem:s9], [sflag:$0x2], $0x6400, $0x38;
	[tilespmem:$0x7788] =	vst v63  }
0x63: {  	_ =	swait.ge [sflag:s7], $0x6400  }
0x64: {  	[sflag:s7] =	ssyncset.done $0x0  }
0x65: {  	[sflag:s7] =	ssyncadd.s32 $0xFFFF9C00  }
0x66: {  	_ =	sfence.sel $0x180000  }
0x67: {  	[bflag:$0x0] =	sbarrier.arrive $0xFFFF  }
0x68: {  	p0 =	sne.s32 s0, $0x0;
	_ =	strace $0x90000047  }
0x69: {  	s0 =	sadd.s32 @!p0 $0x100000, s1;
	[bflag:$0x2] =	sbarrier.arrive $0xFFFF  }
0x6a: {  	[sflag:s0] =	ssyncadd.tile.s32 @!p0 $0x1;
	_ =	shalt  }
.Lfunc_end2:
_tile_overlayer_lowered:
.L_overlay_start_2:
0x6b: {  	(tag) =	ssettag $0x2  }
0x6c: {  	s0 =	rddreg [dreg:$0x0];
	s2 =	stileid.u32  }
0x6d: {  	s1 =	rddreg [dreg:$0x1];
	p0 =	sne.s32 s2, $0x0  }
0x6e: {  	s3 =	rddreg [dreg:$0x2];
	[bflag:$0x3] =	sbarrier.arrive $0xFFFF;
	s2 =	simm.s32 @!p0 $0x1C02  }
0x6f: {  	[timem:s3], [sflag:s2] =	dma.local @!p0 [hbm:s0], s1  }
0x70: {  	s0 =	simm.s32 @!p0 $0x2  }
0x71: {  	_ =	swait.ge @!p0 [sflag:s0], s1  }
0x72: {  	s1 =	ssub.s32 @!p0 $0x0, s1;
	[sflag:s0] =	ssyncset.done @!p0 $0x0  }
0x73: {  	[sflag:s0] =	ssyncadd.s32 @!p0 s1  }
0x74: {  	[bflag:$0x3] =	sbarrier.arrive $0xFFFF  }
0x75: {  	_ =	shalt  }

// kernel: kernel.23.cloned.1.call-start
scs
__scs_entry_jumppad:
0x0: {  	(pc) =	sbr.rel $0x88, $3  }
0x1: {  	(tag) =	ssettag $0x0;
	lr =	simm.s32 $0x1  }
0x2: {  	[smem:$0x3F76] =	sst lr;
	_ =	strace $0xD0000000  }
0x3: {  	_ = 	snop  }
0x4: {  	_ = 	snop  }
0x5: {  	_ = 	snop  }
0x6: {  	_ = 	snop  }
0x7: {  	_ = 	snop  }
__scs_overlays_trampoline_lowered:
0x8: {  	[smem:$0x3F85] =	sst s0  }
0x9: {  	[smem:$0x3F86] =	sst s1  }
0xa: {  	[smem:$0x3F87] =	sst s2  }
0xb: {  	[smem:$0x3F88] =	sst s3  }
0xc: {  	[smem:$0x3F89] =	sst s4  }
0xd: {  	[smem:$0x3F8A] =	sst s5  }
0xe: {  	[smem:$0x3F8B] =	sst s6  }
0xf: {  	[smem:$0x3F8C] =	sst s7  }
0x10: {  	[smem:$0x3F8D] =	sst s8  }
0x11: {  	[smem:$0x3F8E] =	sst s9;
	s0 =	simm.s32 @!p0 $0x0  }
0x12: {  	s1 =	sld [smem:$0x3F74];
	s0 =	simm.s32 @p0 $0x1  }
0x13: {  	[smem:$0x3F8F] =	sst s0;
	s0 =	simm.s32 @!p1 $0x0  }
0x14: {  	s2 =	sld [smem:$0x3F73];
	s0 =	simm.s32 @p1 $0x1  }
0x15: {  	[smem:$0x3F90] =	sst s0;
	s0 =	simm.s32 @!p2 $0x0  }
0x16: {  	s3 =	sld [smem:$0x3FDB];
	s0 =	simm.s32 @p2 $0x1  }
0x17: {  	s4 =	simm.s32 $0x1BF5;
	[smem:$0x3F92] =	sst s0  }
0x18: {  	s0 =	sld [smem:$0x3F75];
	_ =	swait.ge [sflag:s4], $0x0  }
0x19: {  	s7 =	sld [smem:$0x3F76]  }
0x1a: {  	s8 =	sadd.s32 $0xFFFFE003, lr  }
0x1b: {  	s9 =	sadd.s32 $0xFFFFFEF7, lr;
	s5 =	simm.s32 $0xFFFFFFFF;
	p2 =	slt.u32 s8, $0xFFFFF086  }
0x1c: {  	p1 =	slt.u32 s9, $0xF7A;
	s5 =	simm.s32 @!p2 $0x0  }
0x1d: {  	s5 =	simm.s32 @p1 $0x1;
	p0 =	seq.s32 s7, s2  }
0x1e: {  	s7 =	smul.u32 @!p0 $0xF7A, s2;
	p2 =	seq.s32 @!p0 s5, $0x0  }
0x1f: {  	s9 =	smul.u32 $0xF7A, s1;
	s8 =	simm.s32 @!p0 $0x1BF5;
	p2 =	por !p2, p0  }
0x20: {  	[sflag:s8] =	ssyncset.s32 @!p0 $0xFFFFF086;
	s6 =	sadd.s32 @!p0 s3, s7;
	s7 =	simm.s32 @!p0 $0x108  }
0x21: {  	s3 =	sadd.s32 s3, s9;
	s6 =	sadd.s32 @!p0 $0x88, s6;
	s7 =	simm.s32 @p2 $0x1082  }
0x22: {  	[simem:s7], [sflag:s8] =	dma.local @!p0 [hbm:s6], $0xF7A  }
0x23: {  	s9 =	sor.u32 $0xD0000000, s2;
	s6 =	simm.s32 $0x108;
	_ =	swait.ge @!p0 [sflag:s8], $0x0  }
0x24: {  	s3 =	sadd.s32 $0x88, s3;
	s6 =	simm.s32 @!p1 $0x1082;
	[sflag:s4] =	ssyncset.s32 $0xFFFFF086  }
0x25: {  	[simem:s6], [sflag:s4] =	dma.local [hbm:s3], $0xF7A  }
0x26: {  	[smem:$0x3F76] =	sst s1;
	(tag) =	ssettag s2;
	_ =	strace s9  }
0x27: {  	s1 =	sld [smem:$0x3F86]  }
0x28: {  	s2 =	sld [smem:$0x3F87]  }
0x29: {  	s4 =	sld [smem:$0x3F89]  }
0x2a: {  	p0 =	seq.s32 s5, $0x0;
	s5 =	sld [smem:$0x3F8A]  }
0x2b: {  	s6 =	sld [smem:$0x3F8B]  }
0x2c: {  	s7 =	sld [smem:$0x3F8C]  }
0x2d: {  	s3 =	simm.s32 $0x108;
	s8 =	sld [smem:$0x3F8D]  }
0x2e: {  	s3 =	simm.s32 @!p0 $0x1082;
	s9 =	sld [smem:$0x3F8E]  }
0x2f: {  	lr =	sadd.s32 s0, s3;
	s0 =	sld [smem:$0x3F85]  }
0x30: {  	s3 =	sld [smem:$0x3F88]  }
0x31: {  	[smem:$0x3F91] =	sst s10  }
0x32: {  	s10 =	sld [smem:$0x3F8F];
	_ =	sdelay $0x3  }
0x33: {  	p0 =	seq.s32 s10, $0x1;
	s10 =	sld [smem:$0x3F91];
	_ =	sdelay $0x3  }
0x34: {  	[smem:$0x3F91] =	sst s10  }
0x35: {  	s10 =	sld [smem:$0x3F90];
	_ =	sdelay $0x3  }
0x36: {  	p1 =	seq.s32 s10, $0x1;
	s10 =	sld [smem:$0x3F91];
	_ =	sdelay $0x3  }
0x37: {  	[smem:$0x3F91] =	sst s10  }
0x38: {  	s10 =	sld [smem:$0x3F92]  }
0x39: {  	_ = 	snop;
	(pc) =	sbr.ind lr, $3  }
0x3a: {  	_ = 	snop  }
0x3b: {  	_ = 	snop  }
0x3c: {  	p2 =	seq.s32 s10, $0x1;
	s10 =	sld [smem:$0x3F91]  }
0x3d: {  	_ =	shalt  }
0x3e: {  	_ =	shalt  }
0x3f: {  	_ =	shalt  }
0x40: {  	_ =	shalt  }
0x41: {  	_ =	shalt  }
0x42: {  	_ =	shalt  }
0x43: {  	_ =	shalt  }
0x44: {  	_ =	shalt  }
0x45: {  	_ =	shalt  }
0x46: {  	_ =	shalt  }
0x47: {  	_ =	shalt  }
0x48: {  	_ =	shalt  }
0x49: {  	_ =	shalt  }
0x4a: {  	_ =	shalt  }
0x4b: {  	_ =	shalt  }
0x4c: {  	_ =	shalt  }
0x4d: {  	_ =	shalt  }
0x4e: {  	_ =	shalt  }
0x4f: {  	_ =	shalt  }
0x50: {  	_ =	shalt  }
0x51: {  	_ =	shalt  }
0x52: {  	_ =	shalt  }
0x53: {  	_ =	shalt  }
0x54: {  	_ =	shalt  }
0x55: {  	_ =	shalt  }
0x56: {  	_ =	shalt  }
0x57: {  	_ =	shalt  }
0x58: {  	_ =	shalt  }
0x59: {  	_ =	shalt  }
0x5a: {  	_ =	shalt  }
0x5b: {  	_ =	shalt  }
0x5c: {  	_ =	shalt  }
0x5d: {  	_ =	shalt  }
0x5e: {  	_ =	shalt  }
0x5f: {  	_ =	shalt  }
0x60: {  	_ =	shalt  }
0x61: {  	_ =	shalt  }
0x62: {  	_ =	shalt  }
0x63: {  	_ =	shalt  }
0x64: {  	_ =	shalt  }
0x65: {  	_ =	shalt  }
0x66: {  	_ =	shalt  }
0x67: {  	_ =	shalt  }
0x68: {  	_ =	shalt  }
0x69: {  	_ =	shalt  }
0x6a: {  	_ =	shalt  }
0x6b: {  	_ =	shalt  }
0x6c: {  	_ =	shalt  }
0x6d: {  	_ =	shalt  }
0x6e: {  	_ =	shalt  }
0x6f: {  	_ =	shalt  }
0x70: {  	_ =	shalt  }
0x71: {  	_ =	shalt  }
0x72: {  	_ =	shalt  }
0x73: {  	_ =	shalt  }
0x74: {  	_ =	shalt  }
0x75: {  	_ =	shalt  }
0x76: {  	_ =	shalt  }
0x77: {  	_ =	shalt  }
0x78: {  	_ =	shalt  }
0x79: {  	_ =	shalt  }
0x7a: {  	_ =	shalt  }
0x7b: {  	_ =	shalt  }
0x7c: {  	_ =	shalt  }
0x7d: {  	_ =	shalt  }
0x7e: {  	_ =	shalt  }
0x7f: {  	_ =	shalt  }
0x80: {  	_ =	shalt  }
0x81: {  	_ =	shalt  }
0x82: {  	_ =	shalt  }
0x83: {  	_ =	shalt  }
0x84: {  	_ =	shalt  }
0x85: {  	_ =	shalt  }
0x86: {  	_ =	shalt  }
0x87: {  	_ =	shalt  }
.Lfunc_end0:
.L_simem_size_0:
called_computation.2_lowered:
.L_overlay_start_0:
0x88: {  	s2 =	sld [smem:$0x3FD9]  }
0x89: {  	s3 =	sld [smem:$0x3FFE];
	_ =	sdelay $0x1  }
0x8a: {  	s1 =	srdreg.scid  }
0x8b: {  	s0 =	sand.u32 $0x1, s1  }
0x8c: {  	s16 =	sshll.u32 s0, $0xA;
	s2 =	sadd.s32 s3, s2  }
0x8d: {  	s2 =	sadd.s32 s2, s16  }
0x8e: {  	[smem:$0x3F9D] =	sst s2  }
0x8f: {  	_ = 	snop  }
0x90: {  	(tm) =	ssettm $0x1  }
0x91: {  	s17 =	sld [smem:$0x3FFB];
	_ =	sdelay $0x3  }
0x92: {  	_ =	strace s17  }
0x93: {  	s2 =	sld [smem:$0x3FFC];
	_ =	sdelay $0x3  }
0x94: {  	_ =	strace s2  }
0x95: {  	s2 =	sld [smem:$0x3FFD];
	_ =	sdelay $0x3  }
0x96: {  	_ =	strace s2  }
0x97: {  	_ =	strace $0x8FFFFFFF  }
0x98: {  	s18 =	sld [smem:$0x3FDB];
	_ =	sdelay $0x1  }
0x99: {  	s19 =	simm.s32 $_scs_section_size  }
0x9a: {  	s4 =	simm.s32 $_size__tile_overlayer_lowered;
	s5 =	simm.s32 $_tile_overlayer_lowered  }
0x9b: {  	s22 =	simm.s32 $0x1BFF;
	s21 =	sshll.u32 s5, $0x1;
	s2 =	sadd.s32 s19, s18  }
0x9c: {  	s6 =	simm.s32 $0x0;
	s20 =	sshll.u32 s4, $0x1;
	s4 =	sadd.s32 s21, s2  }
0x9d: {  	[timem:s6], [sflag:s22] =	dma.local [hbm:s4], s20  }
0x9e: {  	_ =	swait.ge [sflag:s22], s20  }
0x9f: {  	s3 =	ssub.s32 $0x0, s20;
	[sflag:s22] =	ssyncset.done $0x0  }
0xa0: {  	[sflag:s22] =	ssyncadd.s32 s3;
	_ =	sdelay $0x1  }
0xa1: {  	s23 =	simm.s32 $0x1B8B  }
0xa2: {  	_ =	swait.ge [sflag:s23], $0x1  }
0xa3: {  	[sflag:s23] =	ssyncset.done $0x0  }
0xa4: {  	s25 =	simm.s32 $0x1B8E;
	s24 =	sld [smem:$0x3FFE];
	[sflag:s23] =	ssyncadd.s32 $0xFFFFFFFF  }
0xa5: {  	s26 =	simm.s32 $execute0_lowered;
	[smem:$0x3FD2] =	sst s25  }
0xa6: {  	s4 =	sshll.u32 s26, $0x1;
	_ =	strace $0x8000004C;
	[dreg:$0x1] =	wrdreg $0xFFFFFFFF  }
0xa7: {  	s28 =	simm.s32 $_size_execute0_lowered;
	s2 =	sadd.s32 s2, s4;
	[dreg:$0x0] =	wrdreg $0x0  }
0xa8: {  	s4 =	sshll.u32 s28, $0x1;
	[dreg:$0x2] =	wrdreg s2  }
0xa9: {  	[dreg:$0x3] =	wrdreg s4  }
0xaa: {  	[dreg:$0x4] =	wrdreg $0xC0  }
0xab: {  	_ =	task [dreg:s6], $0x5FFFF  }
0xac: {  	[dreg:$0x1] =	wrdreg $0xFFFFFFFF  }
0xad: {  	[dreg:$0x0] =	wrdreg $0x60  }
0xae: {  	[dreg:$0x2] =	wrdreg s24  }
0xaf: {  	[dreg:$0x3] =	wrdreg $0x40100  }
0xb0: {  	[dreg:$0x4] =	wrdreg $0x9  }
0xb1: {  	_ =	task.clear_ibuf [dreg:s6], $0x5FFFF;
	_ =	strace $0x9000004C  }
0xb2: {  	s29 =	simm.s32 $0x9;
	_ =	strace $0x8000004E  }
0xb3: {  	_ =	swait.ge [sflag:s29], $0x1  }
0xb4: {  	[sflag:s29] =	ssyncadd.s32 $0xFFFFFFFF  }
0xb5: {  	_ =	strace $0x9000004E  }
0xb6: {  	_ =	sfence  }
0xb7: {  	s30 =	sld [smem:$0x0];
	_ =	sdelay $0x2  }
0xb8: {  	s31 =	sshll.u32 s1, $0xD;
	s1 =	sshrl.u32 s1, $0x2  }
0xb9: {  	s3 =	sand.u32 $0x4000, s31;
	s1 =	sadd.s32 s1, s30  }
0xba: {  	s0 =	sor.u32 s3, s0;
	s1 =	sshll.u32 s1, $0x11  }
0xbb: {  	s0 =	sor.u32 s1, s0  }
0xbc: {  	s0 =	sadd.s32 $0x8F2B, s0  }
0xbd: {  	[sflag:s0] =	ssyncadd.remote.s32 $0x1  }
0xbe: {  	_ =	sfence.sel $0xFFFF  }
0xbf: {  	[dreg:$0x0] =	wrdreg $0xFFFFFFFF;
	(pc) =	sbr.abs _section_cstart, $3  }
0xc0: {  	[dreg:$0x1] =	wrdreg $0xFFFFFFFF  }
0xc1: {  	_ =	task.clear_ibuf [dreg:s6], $0x2FFFF;
	_ =	strace $0x9FFFFFFF  }
0xc2: {  	(tm) =	ssettm $0x7FFFFFFF  }
0xc3: {  	_ =	shalt  }
tec
execute0_lowered:
.L_overlay_start_1:
0x0: {  	(tag) =	ssettag $0x1  }
0x1: {  	s4 =	rddreg [dreg:$0x0]  }
0x2: {  	s0 =	srdreg.scid;
	s2 =	rddreg [dreg:$0x1]  }
0x3: {  	s3 =	simm.s32 $0x0;
	s14 =	simm.s32 $0x50;
	s15 =	simm.s32 $0x2C10  }
0x4: {  	s16 =	simm.s32 $0x3110;
	s7 =	sand.u32 $0x1, s0;
	s0 =	stileid.u32  }
0x5: {  	s17 =	simm.s32 $0x3610;
	s18 =	simm.s32 $0x3B10;
	s5 =	smul.u32 $0x4E20, s0  }
0x6: {  	s19 =	simm.s32 $0x0;
	[smem:$0x7FF] =	sst s3;
	s8 =	smul.u32 $0x2800, s0  }
0x7: {  	s1 =	sshll.u32 s7, $0x4;
	s9 =	smul.u32 $0x28000, s7;
	s11 =	ssub.s32 $0x2, s7  }
0x8: {  	s31 =	sshll.u32 s0, $0x6;
	p0 =	seq.s32 s7, $0x1;
	s1 =	sor.u32 s0, s1  }
0x9: {  	s12 =	sshrl.u32 s11, $0x1;
	s6 =	smul.u32 $0x4E2, s1;
	s1 =	rddreg [dreg:$0x2]  }
0xa: {  	_ =	strace $0x8000004D;
	s10 =	sadd.s32 s5, s4;
	s30 =	sshrl.u32 s8, $0x3  }
0xb: {  	s9 =	sadd.s32 s8, s9;
	s11 =	ssub.s32 s11, s12;
	s13 =	sadd.s32 s8, s2  }
.Ltmp0:
0xc: {  	s12 =	simm.s32 $0x1;
	s5 =	sadd.s32 s30, s4;
	(pc) =	sbr.rel .LBB2_1-.Ltmp0, $4  }
0xd: {  	s9 =	sshrl.u32 s9, $0x3;
	s8 =	smax.u32 s11, $0x1;
	s11 =	sshrl.u32 s13, $0x3  }
0xe: {  	s13 =	simm.s32 $0x2710;
	s6 =	sadd.s32 s6, s4;
	s9 =	sadd.s32 s9, s4  }
0xf: {  	s4 =	sadd.s32 $0xB6400, s5;
	s5 =	sor.u32 $0x1C01, s31;
	s6 =	sadd.s32 $0x6400, s6  }
0x10: {  	s7 =	sadd.s32 $0xBB400, s9;
	s9 =	sadd.s32 $0x68200, s10;
	s10 =	sadd.s32 $0x1A000, s10  }
.LBB2_7:
0x11: {  	[sflag:s12] =	ssyncadd.s32 $0xFFFFFB00  }
.LBB2_8:
0x12: {  	s19 =	sadd.s32 $0x1, s19  }
0x13: {  	p1 =	sne.s32 s19, s8  }
.Ltmp1:
0x14: {  	[bflag:$0x0] =	sbarrier.arrive $0xFFFF;
	(pc) =	sbr.rel @!p1 .LBB2_9-.Ltmp1, $4  }
0x15: {  	[hbm:s7], [sflag:s5] =	dma.local [spmem:s11], $0x500  }
0x16: {  	_ =	swait.ge [sflag:s12], $0x500  }
0x17: {  	[sflag:s12] =	ssyncset.done $0x0  }
0x18: {  	[sflag:s12] =	ssyncadd.s32 $0xFFFFFB00  }
.LBB2_1:
0x19: {  	[spmem:s11], [sflag:s5] =	dma.local [hbm:s4], $0x500  }
0x1a: {  	_ =	swait.ge [sflag:s12], $0x500  }
0x1b: {  	[sflag:s12] =	ssyncset.done $0x0  }
0x1c: {  	[sflag:s12] =	ssyncadd.s32 $0xFFFFFB00  }
.Ltmp2:
0x1d: {  	[bflag:$0x0] =	sbarrier.arrive $0xFFFF;
	(pc) =	sbr.rel @!p0 .LBB2_2-.Ltmp2, $4  }
0x1e: {  	[tilespmem:s3], [sflag:$0x1] =	stream.linear.gather [hbm4b:s6+s3], $0x2710, $0x38;
	[tilespmem:$0x6810] =	vst v63  }
0x1f: {  	_ =	swait.ge [sflag:s12], $0x2710  }
0x20: {  	[sflag:s12] =	ssyncset.done $0x0  }
0x21: {  	[sflag:s12] =	ssyncadd.s32 $0xFFFFD8F0  }
0x22: {  	[tilespmem:s13], [sflag:$0x1] =	stream.linear.gather [hbm4b:s10+s3], $0x1900, $0x38;
	[tilespmem:$0x6810] =	vst v63  }
0x23: {  	_ =	swait.ge [sflag:s12], $0x1900  }
0x24: {  	[sflag:s12] =	ssyncset.done $0x0  }
0x25: {  	s20 =	simm.s32 $0x0;
	[sflag:s12] =	ssyncadd.s32 $0xFFFFE700  }
0x26: {  	[spmem:s2] =	stream.indirect.scatter.add.f32 [tilespmem:s13], [sflag:$0x1], $0x10, s20, s14, $0xb8;
	[tilespmem:$0x6810] =	vst v63  }
0x27: {  	_ =	swait.ge [sflag:s12], $0x500  }
0x28: {  	[sflag:s12] =	ssyncset.done $0x0  }
0x29: {  	s28 =	simm.s32 $0x50;
	[sflag:s12] =	ssyncadd.s32 $0xFFFFFB00  }
0x2a: {  	[spmem:s2] =	stream.indirect.scatter.add.f32 [tilespmem:s15], [sflag:$0x1], $0x10, s28, s14, $0xb8;
	[tilespmem:$0x6810] =	vst v63  }
0x2b: {  	_ =	swait.ge [sflag:s12], $0x500  }
0x2c: {  	[sflag:s12] =	ssyncset.done $0x0  }
0x2d: {  	s29 =	simm.s32 $0xA0;
	[sflag:s12] =	ssyncadd.s32 $0xFFFFFB00  }
0x2e: {  	[spmem:s2] =	stream.indirect.scatter.add.f32 [tilespmem:s16], [sflag:$0x1], $0x10, s29, s14, $0xb8;
	[tilespmem:$0x6810] =	vst v63  }
0x2f: {  	_ =	swait.ge [sflag:s12], $0x500  }
0x30: {  	[sflag:s12] =	ssyncset.done $0x0  }
0x31: {  	s30 =	simm.s32 $0xF0;
	[sflag:s12] =	ssyncadd.s32 $0xFFFFFB00  }
0x32: {  	[spmem:s2] =	stream.indirect.scatter.add.f32 [tilespmem:s17], [sflag:$0x1], $0x10, s30, s14, $0xb8;
	[tilespmem:$0x6810] =	vst v63  }
0x33: {  	_ =	swait.ge [sflag:s12], $0x500  }
0x34: {  	[sflag:s12] =	ssyncset.done $0x0  }
0x35: {  	s31 =	simm.s32 $0x140;
	[sflag:s12] =	ssyncadd.s32 $0xFFFFFB00  }
0x36: {  	[spmem:s2] =	stream.indirect.scatter.add.f32 [tilespmem:s18], [sflag:$0x1], $0x10, s31, s14, $0xb8;
	[tilespmem:$0x6810] =	vst v63  }
0x37: {  	_ =	swait.ge [sflag:s12], $0x500  }
0x38: {  	s21 =	smov.u32 s10;
	s20 =	simm.s32 $0x640;
	[sflag:s12] =	ssyncset.done $0x0  }
.LBB2_6:
0x39: {  	p1 =	sne.s32 s20, $0x9600;
	[sflag:s12] =	ssyncadd.s32 $0xFFFFFB00;
	s21 =	sadd.s32 $0x320, s21  }
0x3a: {  	[tilespmem:s13], [sflag:$0x1] =	stream.linear.gather [hbm4b:s21+s3], $0x1900, $0x38;
	[tilespmem:$0x6810] =	vst v63  }
0x3b: {  	s22 =	smov.u32 s20;
	s20 =	sadd.s32 $0x640, s20;
	_ =	swait.ge [sflag:s12], $0x1900  }
0x3c: {  	[sflag:s12] =	ssyncset.done $0x0  }
0x3d: {  	s22 =	sshra.s32 s22, $0x2;
	[sflag:s12] =	ssyncadd.s32 $0xFFFFE700  }
0x3e: {  	[spmem:s2] =	stream.indirect.scatter.add.f32 [tilespmem:s13], [sflag:$0x1], $0x10, s22, s14, $0xb8;
	[tilespmem:$0x6810] =	vst v63  }
0x3f: {  	_ =	swait.ge [sflag:s12], $0x500  }
0x40: {  	[sflag:s12] =	ssyncset.done $0x0  }
0x41: {  	s23 =	sadd.s32 $0x50, s22;
	[sflag:s12] =	ssyncadd.s32 $0xFFFFFB00  }
0x42: {  	[spmem:s2] =	stream.indirect.scatter.add.f32 [tilespmem:s15], [sflag:$0x1], $0x10, s23, s14, $0xb8;
	[tilespmem:$0x6810] =	vst v63  }
0x43: {  	_ =	swait.ge [sflag:s12], $0x500  }
0x44: {  	[sflag:s12] =	ssyncset.done $0x0  }
0x45: {  	s23 =	sadd.s32 $0xA0, s22;
	[sflag:s12] =	ssyncadd.s32 $0xFFFFFB00  }
0x46: {  	[spmem:s2] =	stream.indirect.scatter.add.f32 [tilespmem:s16], [sflag:$0x1], $0x10, s23, s14, $0xb8;
	[tilespmem:$0x6810] =	vst v63  }
0x47: {  	_ =	swait.ge [sflag:s12], $0x500  }
0x48: {  	[sflag:s12] =	ssyncset.done $0x0  }
0x49: {  	s23 =	sadd.s32 $0xF0, s22;
	[sflag:s12] =	ssyncadd.s32 $0xFFFFFB00  }
0x4a: {  	[spmem:s2] =	stream.indirect.scatter.add.f32 [tilespmem:s17], [sflag:$0x1], $0x10, s23, s14, $0xb8;
	[tilespmem:$0x6810] =	vst v63  }
0x4b: {  	_ =	swait.ge [sflag:s12], $0x500  }
.Ltmp3:
0x4c: {  	[sflag:s12] =	ssyncset.done $0x0;
	(pc) =	sbr.rel @p1 .LBB2_6-.Ltmp3, $4  }
0x4d: {  	s22 =	sadd.s32 $0x140, s22;
	[sflag:s12] =	ssyncadd.s32 $0xFFFFFB00  }
0x4e: {  	[spmem:s2] =	stream.indirect.scatter.add.f32 [tilespmem:s18], [sflag:$0x1], $0x10, s22, s14, $0xb8;
	[tilespmem:$0x6810] =	vst v63  }
0x4f: {  	_ =	swait.ge [sflag:s12], $0x500  }
0x50: {  	[sflag:s12] =	ssyncset.done $0x0  }
.Ltmp4:
0x51: {  	_ = 	snop;
	(pc) =	sbr.rel .LBB2_7-.Ltmp4, $1  }
0x52: {  	_ =	sdelay $0x3  }
.LBB2_2:
0x53: {  	[tilespmem:s13], [sflag:$0x1] =	stream.linear.gather [hbm4b:s9+s3], $0x1900, $0x38;
	[tilespmem:$0x6810] =	vst v63  }
0x54: {  	_ =	swait.ge [sflag:s12], $0x1900  }
0x55: {  	[sflag:s12] =	ssyncset.done $0x0  }
0x56: {  	s20 =	simm.s32 $0x0;
	[sflag:s12] =	ssyncadd.s32 $0xFFFFE700  }
0x57: {  	[spmem:s2] =	stream.indirect.scatter.add.f32 [tilespmem:s13], [sflag:$0x1], $0x10, s20, s14, $0xb8;
	[tilespmem:$0x6810] =	vst v63  }
0x58: {  	_ =	swait.ge [sflag:s12], $0x500  }
0x59: {  	[sflag:s12] =	ssyncset.done $0x0  }
0x5a: {  	s28 =	simm.s32 $0x50;
	[sflag:s12] =	ssyncadd.s32 $0xFFFFFB00  }
0x5b: {  	[spmem:s2] =	stream.indirect.scatter.add.f32 [tilespmem:s15], [sflag:$0x1], $0x10, s28, s14, $0xb8;
	[tilespmem:$0x6810] =	vst v63  }
0x5c: {  	_ =	swait.ge [sflag:s12], $0x500  }
0x5d: {  	[sflag:s12] =	ssyncset.done $0x0  }
0x5e: {  	s29 =	simm.s32 $0xA0;
	[sflag:s12] =	ssyncadd.s32 $0xFFFFFB00  }
0x5f: {  	[spmem:s2] =	stream.indirect.scatter.add.f32 [tilespmem:s16], [sflag:$0x1], $0x10, s29, s14, $0xb8;
	[tilespmem:$0x6810] =	vst v63  }
0x60: {  	_ =	swait.ge [sflag:s12], $0x500  }
0x61: {  	[sflag:s12] =	ssyncset.done $0x0  }
0x62: {  	s30 =	simm.s32 $0xF0;
	[sflag:s12] =	ssyncadd.s32 $0xFFFFFB00  }
0x63: {  	[spmem:s2] =	stream.indirect.scatter.add.f32 [tilespmem:s17], [sflag:$0x1], $0x10, s30, s14, $0xb8;
	[tilespmem:$0x6810] =	vst v63  }
0x64: {  	_ =	swait.ge [sflag:s12], $0x500  }
0x65: {  	[sflag:s12] =	ssyncset.done $0x0  }
0x66: {  	s31 =	simm.s32 $0x140;
	[sflag:s12] =	ssyncadd.s32 $0xFFFFFB00  }
0x67: {  	[spmem:s2] =	stream.indirect.scatter.add.f32 [tilespmem:s18], [sflag:$0x1], $0x10, s31, s14, $0xb8;
	[tilespmem:$0x6810] =	vst v63  }
0x68: {  	_ =	swait.ge [sflag:s12], $0x500  }
0x69: {  	s21 =	smov.u32 s9;
	s20 =	simm.s32 $0x640;
	[sflag:s12] =	ssyncset.done $0x0  }
.LBB2_3:
0x6a: {  	p1 =	seq.s32 s20, $0x9600;
	[sflag:s12] =	ssyncadd.s32 $0xFFFFFB00;
	s21 =	sadd.s32 $0x320, s21  }
0x6b: {  	[tilespmem:s13], [sflag:$0x1] =	stream.linear.gather [hbm4b:s21+s3], $0x1900, $0x38;
	[tilespmem:$0x6810] =	vst v63  }
0x6c: {  	s22 =	smov.u32 s20;
	s20 =	sadd.s32 $0x640, s20;
	_ =	swait.ge [sflag:s12], $0x1900  }
0x6d: {  	[sflag:s12] =	ssyncset.done $0x0  }
0x6e: {  	s22 =	sshra.s32 s22, $0x2;
	[sflag:s12] =	ssyncadd.s32 $0xFFFFE700  }
0x6f: {  	[spmem:s2] =	stream.indirect.scatter.add.f32 [tilespmem:s13], [sflag:$0x1], $0x10, s22, s14, $0xb8;
	[tilespmem:$0x6810] =	vst v63  }
0x70: {  	_ =	swait.ge [sflag:s12], $0x500  }
0x71: {  	[sflag:s12] =	ssyncset.done $0x0  }
0x72: {  	s23 =	sadd.s32 $0x50, s22;
	[sflag:s12] =	ssyncadd.s32 $0xFFFFFB00  }
0x73: {  	[spmem:s2] =	stream.indirect.scatter.add.f32 [tilespmem:s15], [sflag:$0x1], $0x10, s23, s14, $0xb8;
	[tilespmem:$0x6810] =	vst v63  }
0x74: {  	_ =	swait.ge [sflag:s12], $0x500  }
0x75: {  	[sflag:s12] =	ssyncset.done $0x0  }
0x76: {  	s23 =	sadd.s32 $0xA0, s22;
	[sflag:s12] =	ssyncadd.s32 $0xFFFFFB00  }
0x77: {  	[spmem:s2] =	stream.indirect.scatter.add.f32 [tilespmem:s16], [sflag:$0x1], $0x10, s23, s14, $0xb8;
	[tilespmem:$0x6810] =	vst v63  }
0x78: {  	_ =	swait.ge [sflag:s12], $0x500  }
0x79: {  	[sflag:s12] =	ssyncset.done $0x0  }
0x7a: {  	s23 =	sadd.s32 $0xF0, s22;
	[sflag:s12] =	ssyncadd.s32 $0xFFFFFB00  }
0x7b: {  	[spmem:s2] =	stream.indirect.scatter.add.f32 [tilespmem:s17], [sflag:$0x1], $0x10, s23, s14, $0xb8;
	[tilespmem:$0x6810] =	vst v63  }
0x7c: {  	_ =	swait.ge [sflag:s12], $0x500  }
.Ltmp5:
0x7d: {  	[sflag:s12] =	ssyncset.done $0x0;
	(pc) =	sbr.rel @!p1 .LBB2_3-.Ltmp5, $4  }
0x7e: {  	s22 =	sadd.s32 $0x140, s22;
	[sflag:s12] =	ssyncadd.s32 $0xFFFFFB00  }
0x7f: {  	[spmem:s2] =	stream.indirect.scatter.add.f32 [tilespmem:s18], [sflag:$0x1], $0x10, s22, s14, $0xb8;
	[tilespmem:$0x6810] =	vst v63  }
0x80: {  	_ =	swait.ge [sflag:s12], $0x500  }
0x81: {  	[sflag:s12] =	ssyncset.done $0x0  }
.Ltmp6:
0x82: {  	(pc) =	sbr.rel .LBB2_8-.Ltmp6, $2  }
0x83: {  	_ =	sdelay $0x2  }
0x84: {  	[sflag:s12] =	ssyncadd.s32 $0xFFFFFB00  }
.LBB2_9:
0x85: {  	_ =	sfence.sel $0x180000  }
0x86: {  	[bflag:$0x0] =	sbarrier.arrive $0xFFFF  }
0x87: {  	p0 =	sne.s32 s0, $0x0;
	_ =	strace $0x9000004D  }
0x88: {  	s0 =	sadd.s32 @!p0 $0x100000, s1;
	[bflag:$0x2] =	sbarrier.arrive $0xFFFF  }
0x89: {  	[sflag:s0] =	ssyncadd.tile.s32 @!p0 $0x1;
	_ =	shalt  }
.Lfunc_end2:
_tile_overlayer_lowered:
.L_overlay_start_2:
0x8a: {  	(tag) =	ssettag $0x2  }
0x8b: {  	s0 =	rddreg [dreg:$0x0];
	s2 =	stileid.u32  }
0x8c: {  	s1 =	rddreg [dreg:$0x1];
	p0 =	sne.s32 s2, $0x0  }
0x8d: {  	s3 =	rddreg [dreg:$0x2];
	[bflag:$0x3] =	sbarrier.arrive $0xFFFF;
	s2 =	simm.s32 @!p0 $0x1C01  }
0x8e: {  	[timem:s3], [sflag:s2] =	dma.local @!p0 [hbm:s0], s1  }
0x8f: {  	s0 =	simm.s32 @!p0 $0x1  }
0x90: {  	_ =	swait.ge @!p0 [sflag:s0], s1  }
0x91: {  	s1 =	ssub.s32 @!p0 $0x0, s1;
	[sflag:s0] =	ssyncset.done @!p0 $0x0  }
0x92: {  	[sflag:s0] =	ssyncadd.s32 @!p0 s1  }
0x93: {  	[bflag:$0x3] =	sbarrier.arrive $0xFFFF  }
0x94: {  	_ =	shalt  }

// kernel: kernel.26.cloned.1.call-start
scs
__scs_entry_jumppad:
0x0: {  	(pc) =	sbr.rel $0x88, $3  }
0x1: {  	(tag) =	ssettag $0x0;
	lr =	simm.s32 $0x1  }
0x2: {  	[smem:$0x3F76] =	sst lr;
	_ =	strace $0xD0000000  }
0x3: {  	_ = 	snop  }
0x4: {  	_ = 	snop  }
0x5: {  	_ = 	snop  }
0x6: {  	_ = 	snop  }
0x7: {  	_ = 	snop  }
__scs_overlays_trampoline_lowered:
0x8: {  	[smem:$0x3F85] =	sst s0  }
0x9: {  	[smem:$0x3F86] =	sst s1  }
0xa: {  	[smem:$0x3F87] =	sst s2  }
0xb: {  	[smem:$0x3F88] =	sst s3  }
0xc: {  	[smem:$0x3F89] =	sst s4  }
0xd: {  	[smem:$0x3F8A] =	sst s5  }
0xe: {  	[smem:$0x3F8B] =	sst s6  }
0xf: {  	[smem:$0x3F8C] =	sst s7  }
0x10: {  	[smem:$0x3F8D] =	sst s8  }
0x11: {  	[smem:$0x3F8E] =	sst s9;
	s0 =	simm.s32 @!p0 $0x0  }
0x12: {  	s1 =	sld [smem:$0x3F74];
	s0 =	simm.s32 @p0 $0x1  }
0x13: {  	[smem:$0x3F8F] =	sst s0;
	s0 =	simm.s32 @!p1 $0x0  }
0x14: {  	s2 =	sld [smem:$0x3F73];
	s0 =	simm.s32 @p1 $0x1  }
0x15: {  	[smem:$0x3F90] =	sst s0;
	s0 =	simm.s32 @!p2 $0x0  }
0x16: {  	s3 =	sld [smem:$0x3FDB];
	s0 =	simm.s32 @p2 $0x1  }
0x17: {  	s4 =	simm.s32 $0x1BF5;
	[smem:$0x3F92] =	sst s0  }
0x18: {  	s0 =	sld [smem:$0x3F75];
	_ =	swait.ge [sflag:s4], $0x0  }
0x19: {  	s7 =	sld [smem:$0x3F76]  }
0x1a: {  	s8 =	sadd.s32 $0xFFFFE003, lr  }
0x1b: {  	s9 =	sadd.s32 $0xFFFFFEF7, lr;
	s5 =	simm.s32 $0xFFFFFFFF;
	p2 =	slt.u32 s8, $0xFFFFF086  }
0x1c: {  	p1 =	slt.u32 s9, $0xF7A;
	s5 =	simm.s32 @!p2 $0x0  }
0x1d: {  	s5 =	simm.s32 @p1 $0x1;
	p0 =	seq.s32 s7, s2  }
0x1e: {  	s7 =	smul.u32 @!p0 $0xF7A, s2;
	p2 =	seq.s32 @!p0 s5, $0x0  }
0x1f: {  	s9 =	smul.u32 $0xF7A, s1;
	s8 =	simm.s32 @!p0 $0x1BF5;
	p2 =	por !p2, p0  }
0x20: {  	[sflag:s8] =	ssyncset.s32 @!p0 $0xFFFFF086;
	s6 =	sadd.s32 @!p0 s3, s7;
	s7 =	simm.s32 @!p0 $0x108  }
0x21: {  	s3 =	sadd.s32 s3, s9;
	s6 =	sadd.s32 @!p0 $0x88, s6;
	s7 =	simm.s32 @p2 $0x1082  }
0x22: {  	[simem:s7], [sflag:s8] =	dma.local @!p0 [hbm:s6], $0xF7A  }
0x23: {  	s9 =	sor.u32 $0xD0000000, s2;
	s6 =	simm.s32 $0x108;
	_ =	swait.ge @!p0 [sflag:s8], $0x0  }
0x24: {  	s3 =	sadd.s32 $0x88, s3;
	s6 =	simm.s32 @!p1 $0x1082;
	[sflag:s4] =	ssyncset.s32 $0xFFFFF086  }
0x25: {  	[simem:s6], [sflag:s4] =	dma.local [hbm:s3], $0xF7A  }
0x26: {  	[smem:$0x3F76] =	sst s1;
	(tag) =	ssettag s2;
	_ =	strace s9  }
0x27: {  	s1 =	sld [smem:$0x3F86]  }
0x28: {  	s2 =	sld [smem:$0x3F87]  }
0x29: {  	s4 =	sld [smem:$0x3F89]  }
0x2a: {  	p0 =	seq.s32 s5, $0x0;
	s5 =	sld [smem:$0x3F8A]  }
0x2b: {  	s6 =	sld [smem:$0x3F8B]  }
0x2c: {  	s7 =	sld [smem:$0x3F8C]  }
0x2d: {  	s3 =	simm.s32 $0x108;
	s8 =	sld [smem:$0x3F8D]  }
0x2e: {  	s3 =	simm.s32 @!p0 $0x1082;
	s9 =	sld [smem:$0x3F8E]  }
0x2f: {  	lr =	sadd.s32 s0, s3;
	s0 =	sld [smem:$0x3F85]  }
0x30: {  	s3 =	sld [smem:$0x3F88]  }
0x31: {  	[smem:$0x3F91] =	sst s10  }
0x32: {  	s10 =	sld [smem:$0x3F8F];
	_ =	sdelay $0x3  }
0x33: {  	p0 =	seq.s32 s10, $0x1;
	s10 =	sld [smem:$0x3F91];
	_ =	sdelay $0x3  }
0x34: {  	[smem:$0x3F91] =	sst s10  }
0x35: {  	s10 =	sld [smem:$0x3F90];
	_ =	sdelay $0x3  }
0x36: {  	p1 =	seq.s32 s10, $0x1;
	s10 =	sld [smem:$0x3F91];
	_ =	sdelay $0x3  }
0x37: {  	[smem:$0x3F91] =	sst s10  }
0x38: {  	s10 =	sld [smem:$0x3F92]  }
0x39: {  	_ = 	snop;
	(pc) =	sbr.ind lr, $3  }
0x3a: {  	_ = 	snop  }
0x3b: {  	_ = 	snop  }
0x3c: {  	p2 =	seq.s32 s10, $0x1;
	s10 =	sld [smem:$0x3F91]  }
0x3d: {  	_ =	shalt  }
0x3e: {  	_ =	shalt  }
0x3f: {  	_ =	shalt  }
0x40: {  	_ =	shalt  }
0x41: {  	_ =	shalt  }
0x42: {  	_ =	shalt  }
0x43: {  	_ =	shalt  }
0x44: {  	_ =	shalt  }
0x45: {  	_ =	shalt  }
0x46: {  	_ =	shalt  }
0x47: {  	_ =	shalt  }
0x48: {  	_ =	shalt  }
0x49: {  	_ =	shalt  }
0x4a: {  	_ =	shalt  }
0x4b: {  	_ =	shalt  }
0x4c: {  	_ =	shalt  }
0x4d: {  	_ =	shalt  }
0x4e: {  	_ =	shalt  }
0x4f: {  	_ =	shalt  }
0x50: {  	_ =	shalt  }
0x51: {  	_ =	shalt  }
0x52: {  	_ =	shalt  }
0x53: {  	_ =	shalt  }
0x54: {  	_ =	shalt  }
0x55: {  	_ =	shalt  }
0x56: {  	_ =	shalt  }
0x57: {  	_ =	shalt  }
0x58: {  	_ =	shalt  }
0x59: {  	_ =	shalt  }
0x5a: {  	_ =	shalt  }
0x5b: {  	_ =	shalt  }
0x5c: {  	_ =	shalt  }
0x5d: {  	_ =	shalt  }
0x5e: {  	_ =	shalt  }
0x5f: {  	_ =	shalt  }
0x60: {  	_ =	shalt  }
0x61: {  	_ =	shalt  }
0x62: {  	_ =	shalt  }
0x63: {  	_ =	shalt  }
0x64: {  	_ =	shalt  }
0x65: {  	_ =	shalt  }
0x66: {  	_ =	shalt  }
0x67: {  	_ =	shalt  }
0x68: {  	_ =	shalt  }
0x69: {  	_ =	shalt  }
0x6a: {  	_ =	shalt  }
0x6b: {  	_ =	shalt  }
0x6c: {  	_ =	shalt  }
0x6d: {  	_ =	shalt  }
0x6e: {  	_ =	shalt  }
0x6f: {  	_ =	shalt  }
0x70: {  	_ =	shalt  }
0x71: {  	_ =	shalt  }
0x72: {  	_ =	shalt  }
0x73: {  	_ =	shalt  }
0x74: {  	_ =	shalt  }
0x75: {  	_ =	shalt  }
0x76: {  	_ =	shalt  }
0x77: {  	_ =	shalt  }
0x78: {  	_ =	shalt  }
0x79: {  	_ =	shalt  }
0x7a: {  	_ =	shalt  }
0x7b: {  	_ =	shalt  }
0x7c: {  	_ =	shalt  }
0x7d: {  	_ =	shalt  }
0x7e: {  	_ =	shalt  }
0x7f: {  	_ =	shalt  }
0x80: {  	_ =	shalt  }
0x81: {  	_ =	shalt  }
0x82: {  	_ =	shalt  }
0x83: {  	_ =	shalt  }
0x84: {  	_ =	shalt  }
0x85: {  	_ =	shalt  }
0x86: {  	_ =	shalt  }
0x87: {  	_ =	shalt  }
.Lfunc_end0:
.L_simem_size_0:
called_computation.3_lowered:
.L_overlay_start_0:
0x88: {  	s2 =	sld [smem:$0x3FD9]  }
0x89: {  	s3 =	sld [smem:$0x3FFE];
	_ =	sdelay $0x1  }
0x8a: {  	s1 =	srdreg.scid  }
0x8b: {  	s0 =	sand.u32 $0x1, s1  }
0x8c: {  	s16 =	sshll.u32 s0, $0xA;
	s2 =	sadd.s32 s3, s2  }
0x8d: {  	s2 =	sadd.s32 s2, s16  }
0x8e: {  	[smem:$0x3F9D] =	sst s2  }
0x8f: {  	_ = 	snop  }
0x90: {  	(tm) =	ssettm $0x1  }
0x91: {  	s17 =	sld [smem:$0x3FFB];
	_ =	sdelay $0x3  }
0x92: {  	_ =	strace s17  }
0x93: {  	s2 =	sld [smem:$0x3FFC];
	_ =	sdelay $0x3  }
0x94: {  	_ =	strace s2  }
0x95: {  	s2 =	sld [smem:$0x3FFD];
	_ =	sdelay $0x3  }
0x96: {  	_ =	strace s2  }
0x97: {  	_ =	strace $0x8FFFFFFF  }
0x98: {  	s18 =	sld [smem:$0x3FDB];
	_ =	sdelay $0x1  }
0x99: {  	s19 =	simm.s32 $_scs_section_size  }
0x9a: {  	s4 =	simm.s32 $_size__tile_overlayer_lowered;
	s5 =	simm.s32 $_tile_overlayer_lowered  }
0x9b: {  	s22 =	simm.s32 $0x1BFF;
	s21 =	sshll.u32 s5, $0x1;
	s2 =	sadd.s32 s19, s18  }
0x9c: {  	s6 =	simm.s32 $0x0;
	s20 =	sshll.u32 s4, $0x1;
	s4 =	sadd.s32 s21, s2  }
0x9d: {  	[timem:s6], [sflag:s22] =	dma.local [hbm:s4], s20  }
0x9e: {  	_ =	swait.ge [sflag:s22], s20  }
0x9f: {  	s3 =	ssub.s32 $0x0, s20;
	[sflag:s22] =	ssyncset.done $0x0  }
0xa0: {  	[sflag:s22] =	ssyncadd.s32 s3;
	_ =	sdelay $0x1  }
0xa1: {  	s23 =	simm.s32 $0x1B8B  }
0xa2: {  	_ =	swait.ge [sflag:s23], $0x1  }
0xa3: {  	[sflag:s23] =	ssyncset.done $0x0  }
0xa4: {  	s25 =	simm.s32 $0x1B8E;
	s24 =	sld [smem:$0x3FFE];
	[sflag:s23] =	ssyncadd.s32 $0xFFFFFFFF  }
0xa5: {  	s26 =	simm.s32 $execute0_lowered;
	[smem:$0x3FD2] =	sst s25  }
0xa6: {  	s4 =	sshll.u32 s26, $0x1;
	_ =	strace $0x8000004F;
	[dreg:$0x1] =	wrdreg $0xFFFFFFFF  }
0xa7: {  	s28 =	simm.s32 $_size_execute0_lowered;
	s2 =	sadd.s32 s2, s4;
	[dreg:$0x0] =	wrdreg $0x0  }
0xa8: {  	s4 =	sshll.u32 s28, $0x1;
	[dreg:$0x2] =	wrdreg s2  }
0xa9: {  	[dreg:$0x3] =	wrdreg s4  }
0xaa: {  	[dreg:$0x4] =	wrdreg $0xC0  }
0xab: {  	_ =	task [dreg:s6], $0x5FFFF  }
0xac: {  	[dreg:$0x1] =	wrdreg $0xFFFFFFFF  }
0xad: {  	[dreg:$0x0] =	wrdreg $0x60  }
0xae: {  	[dreg:$0x2] =	wrdreg s24  }
0xaf: {  	[dreg:$0x3] =	wrdreg $0x9  }
0xb0: {  	_ =	task.clear_ibuf [dreg:s6], $0x4FFFF;
	_ =	strace $0x9000004F  }
0xb1: {  	s29 =	simm.s32 $0x9;
	_ =	strace $0x80000051  }
0xb2: {  	_ =	swait.ge [sflag:s29], $0x1  }
0xb3: {  	[sflag:s29] =	ssyncadd.s32 $0xFFFFFFFF  }
0xb4: {  	_ =	strace $0x90000051  }
0xb5: {  	_ =	sfence  }
0xb6: {  	s30 =	sld [smem:$0x0];
	_ =	sdelay $0x2  }
0xb7: {  	s31 =	sshll.u32 s1, $0xD;
	s1 =	sshrl.u32 s1, $0x2  }
0xb8: {  	s3 =	sand.u32 $0x4000, s31;
	s1 =	sadd.s32 s1, s30  }
0xb9: {  	s0 =	sor.u32 s3, s0;
	s1 =	sshll.u32 s1, $0x11  }
0xba: {  	s0 =	sor.u32 s1, s0  }
0xbb: {  	s0 =	sadd.s32 $0x8F2B, s0  }
0xbc: {  	[sflag:s0] =	ssyncadd.remote.s32 $0x1  }
0xbd: {  	_ =	sfence.sel $0xFFFF  }
0xbe: {  	[dreg:$0x0] =	wrdreg $0xFFFFFFFF;
	(pc) =	sbr.abs _section_cstart, $3  }
0xbf: {  	[dreg:$0x1] =	wrdreg $0xFFFFFFFF  }
0xc0: {  	_ =	task.clear_ibuf [dreg:s6], $0x2FFFF;
	_ =	strace $0x9FFFFFFF  }
0xc1: {  	(tm) =	ssettm $0x7FFFFFFF  }
tec
execute0_lowered:
.L_overlay_start_1:
0x0: {  	(tag) =	ssettag $0x1  }
0x1: {  	s0 =	srdreg.scid  }
0x2: {  	s5 =	rddreg [dreg:$0x0];
	s1 =	stileid.u32  }
0x3: {  	s2 =	simm.s32 $0x0;
	s10 =	simm.s32 $0x2C10;
	s11 =	simm.s32 $0x3110  }
0x4: {  	s12 =	simm.s32 $0x3610;
	s13 =	simm.s32 $0x3B10;
	s14 =	simm.s32 $0x1  }
0x5: {  	s15 =	simm.s32 $0x0;
	s4 =	sand.u32 $0x1, s0;
	s0 =	rddreg [dreg:$0x1]  }
0x6: {  	[smem:$0x7FF] =	sst s2;
	s8 =	smul.u32 $0x4E20, s1;
	s3 =	sshll.u32 s4, $0x4  }
0x7: {  	s7 =	smul.u32 $0x4E200, s4;
	s4 =	ssub.s32 $0x2, s4;
	s3 =	sor.u32 s1, s3  }
0x8: {  	_ =	strace $0x80000050;
	s9 =	sshrl.u32 s4, $0x1;
	s6 =	smul.u32 $0x2710, s3  }
0x9: {  	s3 =	sadd.s32 $0x1A000, s5;
	s7 =	sadd.s32 s7, s5;
	s31 =	ssub.s32 s4, s9  }
0xa: {  	s9 =	simm.s32 $0x2710;
	s7 =	sadd.s32 s8, s7;
	s6 =	sshrl.u32 s6, $0x3  }
0xb: {  	s8 =	simm.s32 $0x50;
	s5 =	sadd.s32 s6, s5;
	s6 =	sadd.s32 $0xBB400, s7  }
0xc: {  	s7 =	simm.s32 $0x2;
	s4 =	sadd.s32 $0x10200, s5;
	s5 =	smax.u32 s31, $0x1  }
.LBB2_1:
0xd: {  	[tilespmem:s2], [sflag:$0x2] =	stream.linear.gather [hbm4b:s4+s2], $0x2710, $0x38;
	[tilespmem:$0x4010] =	vst v63  }
0xe: {  	_ =	swait.ge [sflag:s7], $0x2710  }
0xf: {  	[sflag:s7] =	ssyncset.done $0x0  }
0x10: {  	s16 =	simm.s32 $0x0;
	[sflag:s7] =	ssyncadd.s32 $0xFFFFD8F0  }
0x11: {  	[tilespmem:s9], [sflag:$0x1] =	stream.indirect.gather [hbm4b:s3+s8], $0x10, s16, s8, $0xb8;
	[tilespmem:$0x4010] =	vst v63  }
0x12: {  	s28 =	simm.s32 $0x50  }
0x13: {  	[tilespmem:s10], [sflag:$0x1] =	stream.indirect.gather [hbm4b:s3+s8], $0x10, s28, s8, $0xb8;
	[tilespmem:$0x4010] =	vst v63  }
0x14: {  	s29 =	simm.s32 $0xA0  }
0x15: {  	[tilespmem:s11], [sflag:$0x1] =	stream.indirect.gather [hbm4b:s3+s8], $0x10, s29, s8, $0xb8;
	[tilespmem:$0x4010] =	vst v63  }
0x16: {  	s30 =	simm.s32 $0xF0  }
0x17: {  	[tilespmem:s12], [sflag:$0x1] =	stream.indirect.gather [hbm4b:s3+s8], $0x10, s30, s8, $0xb8;
	[tilespmem:$0x4010] =	vst v63  }
0x18: {  	s31 =	simm.s32 $0x140  }
0x19: {  	[tilespmem:s13], [sflag:$0x1] =	stream.indirect.gather [hbm4b:s3+s8], $0x10, s31, s8, $0xb8;
	[tilespmem:$0x4010] =	vst v63  }
0x1a: {  	_ =	swait.ge [sflag:s14], $0x500  }
0x1b: {  	[sflag:s14] =	ssyncset.done $0x0  }
0x1c: {  	[sflag:s14] =	ssyncadd.s32 $0xFFFFFB00  }
0x1d: {  	_ =	swait.ge [sflag:s14], $0x500  }
0x1e: {  	[sflag:s14] =	ssyncset.done $0x0  }
0x1f: {  	[sflag:s14] =	ssyncadd.s32 $0xFFFFFB00  }
0x20: {  	_ =	swait.ge [sflag:s14], $0x500  }
0x21: {  	[sflag:s14] =	ssyncset.done $0x0  }
0x22: {  	[sflag:s14] =	ssyncadd.s32 $0xFFFFFB00  }
0x23: {  	_ =	swait.ge [sflag:s14], $0x500  }
0x24: {  	[sflag:s14] =	ssyncset.done $0x0  }
0x25: {  	[sflag:s14] =	ssyncadd.s32 $0xFFFFFB00  }
0x26: {  	_ =	swait.ge [sflag:s14], $0x500  }
0x27: {  	[sflag:s14] =	ssyncset.done $0x0  }
0x28: {  	[sflag:s14] =	ssyncadd.s32 $0xFFFFFB00  }
0x29: {  	[hbm4b:s6+s2] =	stream.linear.scatter [tilespmem:s9], [sflag:$0x2], $0x1900, $0x38;
	[tilespmem:$0x4010] =	vst v63  }
0x2a: {  	s17 =	simm.s32 $0x640;
	_ =	swait.ge [sflag:s7], $0x1900  }
0x2b: {  	s18 =	simm.s32 $0xC80;
	s16 =	sadd.s32 $0x320, s6;
	[sflag:s7] =	ssyncset.done $0x0  }
.LBB2_2:
0x2c: {  	s19 =	sshra.s32 s17, $0x2  }
0x2d: {  	[sflag:s7] =	ssyncadd.s32 $0xFFFFE700;
	s17 =	smov.u32 s18;
	s20 =	sadd.s32 $0x640, s18  }
0x2e: {  	[tilespmem:s9], [sflag:$0x1] =	stream.indirect.gather [hbm4b:s3+s8], $0x10, s19, s8, $0xb8;
	[tilespmem:$0x4010] =	vst v63  }
0x2f: {  	p0 =	sne.s32 s18, $0x9600;
	s18 =	sadd.s32 $0x50, s19  }
0x30: {  	[tilespmem:s10], [sflag:$0x1] =	stream.indirect.gather [hbm4b:s3+s8], $0x10, s18, s8, $0xb8;
	[tilespmem:$0x4010] =	vst v63  }
0x31: {  	s18 =	sadd.s32 $0xA0, s19  }
0x32: {  	[tilespmem:s11], [sflag:$0x1] =	stream.indirect.gather [hbm4b:s3+s8], $0x10, s18, s8, $0xb8;
	[tilespmem:$0x4010] =	vst v63  }
0x33: {  	s18 =	sadd.s32 $0xF0, s19  }
0x34: {  	[tilespmem:s12], [sflag:$0x1] =	stream.indirect.gather [hbm4b:s3+s8], $0x10, s18, s8, $0xb8;
	[tilespmem:$0x4010] =	vst v63  }
0x35: {  	s18 =	sadd.s32 $0x140, s19  }
0x36: {  	[tilespmem:s13], [sflag:$0x1] =	stream.indirect.gather [hbm4b:s3+s8], $0x10, s18, s8, $0xb8;
	[tilespmem:$0x4010] =	vst v63  }
0x37: {  	_ =	swait.ge [sflag:s14], $0x500  }
0x38: {  	[sflag:s14] =	ssyncset.done $0x0  }
0x39: {  	[sflag:s14] =	ssyncadd.s32 $0xFFFFFB00  }
0x3a: {  	_ =	swait.ge [sflag:s14], $0x500  }
0x3b: {  	[sflag:s14] =	ssyncset.done $0x0  }
0x3c: {  	[sflag:s14] =	ssyncadd.s32 $0xFFFFFB00  }
0x3d: {  	_ =	swait.ge [sflag:s14], $0x500  }
0x3e: {  	[sflag:s14] =	ssyncset.done $0x0  }
0x3f: {  	[sflag:s14] =	ssyncadd.s32 $0xFFFFFB00  }
0x40: {  	_ =	swait.ge [sflag:s14], $0x500  }
0x41: {  	[sflag:s14] =	ssyncset.done $0x0  }
0x42: {  	[sflag:s14] =	ssyncadd.s32 $0xFFFFFB00  }
0x43: {  	_ =	swait.ge [sflag:s14], $0x500  }
.Ltmp0:
0x44: {  	[sflag:s14] =	ssyncset.done $0x0;
	(pc) =	sbr.rel @p0 .LBB2_2-.Ltmp0, $4  }
0x45: {  	[sflag:s14] =	ssyncadd.s32 $0xFFFFFB00  }
0x46: {  	[hbm4b:s16+s2] =	stream.linear.scatter [tilespmem:s9], [sflag:$0x2], $0x1900, $0x38;
	[tilespmem:$0x4010] =	vst v63  }
0x47: {  	_ =	swait.ge [sflag:s7], $0x1900  }
0x48: {  	s18 =	smov.u32 s20;
	s16 =	sadd.s32 $0x320, s16;
	[sflag:s7] =	ssyncset.done $0x0  }
0x49: {  	s17 =	sshra.s32 s17, $0x2;
	[sflag:s7] =	ssyncadd.s32 $0xFFFFE700  }
0x4a: {  	[tilespmem:s9], [sflag:$0x1] =	stream.indirect.gather [hbm4b:s3+s8], $0x10, s17, s8, $0xb8;
	[tilespmem:$0x4010] =	vst v63  }
0x4b: {  	s18 =	sadd.s32 $0x50, s17  }
0x4c: {  	[tilespmem:s10], [sflag:$0x1] =	stream.indirect.gather [hbm4b:s3+s8], $0x10, s18, s8, $0xb8;
	[tilespmem:$0x4010] =	vst v63  }
0x4d: {  	s30 =	sadd.s32 $0xA0, s17  }
0x4e: {  	[tilespmem:s11], [sflag:$0x1] =	stream.indirect.gather [hbm4b:s3+s8], $0x10, s30, s8, $0xb8;
	[tilespmem:$0x4010] =	vst v63  }
0x4f: {  	s31 =	sadd.s32 $0xF0, s17  }
0x50: {  	[tilespmem:s12], [sflag:$0x1] =	stream.indirect.gather [hbm4b:s3+s8], $0x10, s31, s8, $0xb8;
	[tilespmem:$0x4010] =	vst v63  }
0x51: {  	s17 =	sadd.s32 $0x140, s17  }
0x52: {  	[tilespmem:s13], [sflag:$0x1] =	stream.indirect.gather [hbm4b:s3+s8], $0x10, s17, s8, $0xb8;
	[tilespmem:$0x4010] =	vst v63  }
0x53: {  	_ =	swait.ge [sflag:s14], $0x500  }
0x54: {  	[sflag:s14] =	ssyncset.done $0x0  }
0x55: {  	[sflag:s14] =	ssyncadd.s32 $0xFFFFFB00  }
0x56: {  	_ =	swait.ge [sflag:s14], $0x500  }
0x57: {  	[sflag:s14] =	ssyncset.done $0x0  }
0x58: {  	[sflag:s14] =	ssyncadd.s32 $0xFFFFFB00  }
0x59: {  	_ =	swait.ge [sflag:s14], $0x500  }
0x5a: {  	[sflag:s14] =	ssyncset.done $0x0  }
0x5b: {  	[sflag:s14] =	ssyncadd.s32 $0xFFFFFB00  }
0x5c: {  	_ =	swait.ge [sflag:s14], $0x500  }
0x5d: {  	[sflag:s14] =	ssyncset.done $0x0  }
0x5e: {  	[sflag:s14] =	ssyncadd.s32 $0xFFFFFB00  }
0x5f: {  	s15 =	sadd.s32 $0x1, s15;
	_ =	swait.ge [sflag:s14], $0x500  }
0x60: {  	p0 =	sne.s32 s15, s5;
	[sflag:s14] =	ssyncset.done $0x0  }
.Ltmp1:
0x61: {  	[sflag:s14] =	ssyncadd.s32 $0xFFFFFB00;
	(pc) =	sbr.rel @p0 .LBB2_1-.Ltmp1, $4  }
0x62: {  	[hbm4b:s16+s2] =	stream.linear.scatter [tilespmem:s9], [sflag:$0x2], $0x1900, $0x38;
	[tilespmem:$0x4010] =	vst v63  }
0x63: {  	_ =	swait.ge [sflag:s7], $0x1900  }
0x64: {  	[sflag:s7] =	ssyncset.done $0x0  }
0x65: {  	[sflag:s7] =	ssyncadd.s32 $0xFFFFE700  }
0x66: {  	_ =	sfence.sel $0x180000  }
0x67: {  	[bflag:$0x0] =	sbarrier.arrive $0xFFFF  }
0x68: {  	p0 =	sne.s32 s1, $0x0;
	_ =	strace $0x90000050  }
0x69: {  	s0 =	sadd.s32 @!p0 $0x100000, s0;
	[bflag:$0x2] =	sbarrier.arrive $0xFFFF  }
0x6a: {  	[sflag:s0] =	ssyncadd.tile.s32 @!p0 $0x1;
	_ =	shalt  }
.Lfunc_end2:
_tile_overlayer_lowered:
.L_overlay_start_2:
0x6b: {  	(tag) =	ssettag $0x2  }
0x6c: {  	s0 =	rddreg [dreg:$0x0];
	s2 =	stileid.u32  }
0x6d: {  	s1 =	rddreg [dreg:$0x1];
	p0 =	sne.s32 s2, $0x0  }
0x6e: {  	s3 =	rddreg [dreg:$0x2];
	[bflag:$0x3] =	sbarrier.arrive $0xFFFF;
	s2 =	simm.s32 @!p0 $0x1C02  }
0x6f: {  	[timem:s3], [sflag:s2] =	dma.local @!p0 [hbm:s0], s1  }
0x70: {  	s0 =	simm.s32 @!p0 $0x2  }
0x71: {  	_ =	swait.ge @!p0 [sflag:s0], s1  }
0x72: {  	s1 =	ssub.s32 @!p0 $0x0, s1;
	[sflag:s0] =	ssyncset.done @!p0 $0x0  }
0x73: {  	[sflag:s0] =	ssyncadd.s32 @!p0 s1  }
0x74: {  	[bflag:$0x3] =	sbarrier.arrive $0xFFFF  }
0x75: {  	_ =	shalt  }

// kernel: kernel.29.cloned.1.call-start
scs
__scs_entry_jumppad:
0x0: {  	(pc) =	sbr.rel $0x88, $3  }
0x1: {  	(tag) =	ssettag $0x0;
	lr =	simm.s32 $0x1  }
0x2: {  	[smem:$0x3F76] =	sst lr;
	_ =	strace $0xD0000000  }
0x3: {  	_ = 	snop  }
0x4: {  	_ = 	snop  }
0x5: {  	_ = 	snop  }
0x6: {  	_ = 	snop  }
0x7: {  	_ = 	snop  }
__scs_overlays_trampoline_lowered:
0x8: {  	[smem:$0x3F85] =	sst s0  }
0x9: {  	[smem:$0x3F86] =	sst s1  }
0xa: {  	[smem:$0x3F87] =	sst s2  }
0xb: {  	[smem:$0x3F88] =	sst s3  }
0xc: {  	[smem:$0x3F89] =	sst s4  }
0xd: {  	[smem:$0x3F8A] =	sst s5  }
0xe: {  	[smem:$0x3F8B] =	sst s6  }
0xf: {  	[smem:$0x3F8C] =	sst s7  }
0x10: {  	[smem:$0x3F8D] =	sst s8  }
0x11: {  	[smem:$0x3F8E] =	sst s9;
	s0 =	simm.s32 @!p0 $0x0  }
0x12: {  	s1 =	sld [smem:$0x3F74];
	s0 =	simm.s32 @p0 $0x1  }
0x13: {  	[smem:$0x3F8F] =	sst s0;
	s0 =	simm.s32 @!p1 $0x0  }
0x14: {  	s2 =	sld [smem:$0x3F73];
	s0 =	simm.s32 @p1 $0x1  }
0x15: {  	[smem:$0x3F90] =	sst s0;
	s0 =	simm.s32 @!p2 $0x0  }
0x16: {  	s3 =	sld [smem:$0x3FDB];
	s0 =	simm.s32 @p2 $0x1  }
0x17: {  	s4 =	simm.s32 $0x1BF5;
	[smem:$0x3F92] =	sst s0  }
0x18: {  	s0 =	sld [smem:$0x3F75];
	_ =	swait.ge [sflag:s4], $0x0  }
0x19: {  	s7 =	sld [smem:$0x3F76]  }
0x1a: {  	s8 =	sadd.s32 $0xFFFFE003, lr  }
0x1b: {  	s9 =	sadd.s32 $0xFFFFFEF7, lr;
	s5 =	simm.s32 $0xFFFFFFFF;
	p2 =	slt.u32 s8, $0xFFFFF086  }
0x1c: {  	p1 =	slt.u32 s9, $0xF7A;
	s5 =	simm.s32 @!p2 $0x0  }
0x1d: {  	s5 =	simm.s32 @p1 $0x1;
	p0 =	seq.s32 s7, s2  }
0x1e: {  	s7 =	smul.u32 @!p0 $0xF7A, s2;
	p2 =	seq.s32 @!p0 s5, $0x0  }
0x1f: {  	s9 =	smul.u32 $0xF7A, s1;
	s8 =	simm.s32 @!p0 $0x1BF5;
	p2 =	por !p2, p0  }
0x20: {  	[sflag:s8] =	ssyncset.s32 @!p0 $0xFFFFF086;
	s6 =	sadd.s32 @!p0 s3, s7;
	s7 =	simm.s32 @!p0 $0x108  }
0x21: {  	s3 =	sadd.s32 s3, s9;
	s6 =	sadd.s32 @!p0 $0x88, s6;
	s7 =	simm.s32 @p2 $0x1082  }
0x22: {  	[simem:s7], [sflag:s8] =	dma.local @!p0 [hbm:s6], $0xF7A  }
0x23: {  	s9 =	sor.u32 $0xD0000000, s2;
	s6 =	simm.s32 $0x108;
	_ =	swait.ge @!p0 [sflag:s8], $0x0  }
0x24: {  	s3 =	sadd.s32 $0x88, s3;
	s6 =	simm.s32 @!p1 $0x1082;
	[sflag:s4] =	ssyncset.s32 $0xFFFFF086  }
0x25: {  	[simem:s6], [sflag:s4] =	dma.local [hbm:s3], $0xF7A  }
0x26: {  	[smem:$0x3F76] =	sst s1;
	(tag) =	ssettag s2;
	_ =	strace s9  }
0x27: {  	s1 =	sld [smem:$0x3F86]  }
0x28: {  	s2 =	sld [smem:$0x3F87]  }
0x29: {  	s4 =	sld [smem:$0x3F89]  }
0x2a: {  	p0 =	seq.s32 s5, $0x0;
	s5 =	sld [smem:$0x3F8A]  }
0x2b: {  	s6 =	sld [smem:$0x3F8B]  }
0x2c: {  	s7 =	sld [smem:$0x3F8C]  }
0x2d: {  	s3 =	simm.s32 $0x108;
	s8 =	sld [smem:$0x3F8D]  }
0x2e: {  	s3 =	simm.s32 @!p0 $0x1082;
	s9 =	sld [smem:$0x3F8E]  }
0x2f: {  	lr =	sadd.s32 s0, s3;
	s0 =	sld [smem:$0x3F85]  }
0x30: {  	s3 =	sld [smem:$0x3F88]  }
0x31: {  	[smem:$0x3F91] =	sst s10  }
0x32: {  	s10 =	sld [smem:$0x3F8F];
	_ =	sdelay $0x3  }
0x33: {  	p0 =	seq.s32 s10, $0x1;
	s10 =	sld [smem:$0x3F91];
	_ =	sdelay $0x3  }
0x34: {  	[smem:$0x3F91] =	sst s10  }
0x35: {  	s10 =	sld [smem:$0x3F90];
	_ =	sdelay $0x3  }
0x36: {  	p1 =	seq.s32 s10, $0x1;
	s10 =	sld [smem:$0x3F91];
	_ =	sdelay $0x3  }
0x37: {  	[smem:$0x3F91] =	sst s10  }
0x38: {  	s10 =	sld [smem:$0x3F92]  }
0x39: {  	_ = 	snop;
	(pc) =	sbr.ind lr, $3  }
0x3a: {  	_ = 	snop  }
0x3b: {  	_ = 	snop  }
0x3c: {  	p2 =	seq.s32 s10, $0x1;
	s10 =	sld [smem:$0x3F91]  }
0x3d: {  	_ =	shalt  }
0x3e: {  	_ =	shalt  }
0x3f: {  	_ =	shalt  }
0x40: {  	_ =	shalt  }
0x41: {  	_ =	shalt  }
0x42: {  	_ =	shalt  }
0x43: {  	_ =	shalt  }
0x44: {  	_ =	shalt  }
0x45: {  	_ =	shalt  }
0x46: {  	_ =	shalt  }
0x47: {  	_ =	shalt  }
0x48: {  	_ =	shalt  }
0x49: {  	_ =	shalt  }
0x4a: {  	_ =	shalt  }
0x4b: {  	_ =	shalt  }
0x4c: {  	_ =	shalt  }
0x4d: {  	_ =	shalt  }
0x4e: {  	_ =	shalt  }
0x4f: {  	_ =	shalt  }
0x50: {  	_ =	shalt  }
0x51: {  	_ =	shalt  }
0x52: {  	_ =	shalt  }
0x53: {  	_ =	shalt  }
0x54: {  	_ =	shalt  }
0x55: {  	_ =	shalt  }
0x56: {  	_ =	shalt  }
0x57: {  	_ =	shalt  }
0x58: {  	_ =	shalt  }
0x59: {  	_ =	shalt  }
0x5a: {  	_ =	shalt  }
0x5b: {  	_ =	shalt  }
0x5c: {  	_ =	shalt  }
0x5d: {  	_ =	shalt  }
0x5e: {  	_ =	shalt  }
0x5f: {  	_ =	shalt  }
0x60: {  	_ =	shalt  }
0x61: {  	_ =	shalt  }
0x62: {  	_ =	shalt  }
0x63: {  	_ =	shalt  }
0x64: {  	_ =	shalt  }
0x65: {  	_ =	shalt  }
0x66: {  	_ =	shalt  }
0x67: {  	_ =	shalt  }
0x68: {  	_ =	shalt  }
0x69: {  	_ =	shalt  }
0x6a: {  	_ =	shalt  }
0x6b: {  	_ =	shalt  }
0x6c: {  	_ =	shalt  }
0x6d: {  	_ =	shalt  }
0x6e: {  	_ =	shalt  }
0x6f: {  	_ =	shalt  }
0x70: {  	_ =	shalt  }
0x71: {  	_ =	shalt  }
0x72: {  	_ =	shalt  }
0x73: {  	_ =	shalt  }
0x74: {  	_ =	shalt  }
0x75: {  	_ =	shalt  }
0x76: {  	_ =	shalt  }
0x77: {  	_ =	shalt  }
0x78: {  	_ =	shalt  }
0x79: {  	_ =	shalt  }
0x7a: {  	_ =	shalt  }
0x7b: {  	_ =	shalt  }
0x7c: {  	_ =	shalt  }
0x7d: {  	_ =	shalt  }
0x7e: {  	_ =	shalt  }
0x7f: {  	_ =	shalt  }
0x80: {  	_ =	shalt  }
0x81: {  	_ =	shalt  }
0x82: {  	_ =	shalt  }
0x83: {  	_ =	shalt  }
0x84: {  	_ =	shalt  }
0x85: {  	_ =	shalt  }
0x86: {  	_ =	shalt  }
0x87: {  	_ =	shalt  }
.Lfunc_end0:
.L_simem_size_0:
called_computation.4_lowered:
.L_overlay_start_0:
0x88: {  	s2 =	sld [smem:$0x3FD9]  }
0x89: {  	s3 =	sld [smem:$0x3FFE];
	_ =	sdelay $0x1  }
0x8a: {  	s1 =	srdreg.scid  }
0x8b: {  	s0 =	sand.u32 $0x1, s1  }
0x8c: {  	s16 =	sshll.u32 s0, $0xA;
	s2 =	sadd.s32 s3, s2  }
0x8d: {  	s2 =	sadd.s32 s2, s16  }
0x8e: {  	[smem:$0x3F9D] =	sst s2  }
0x8f: {  	_ = 	snop  }
0x90: {  	(tm) =	ssettm $0x1  }
0x91: {  	s17 =	sld [smem:$0x3FFB];
	_ =	sdelay $0x3  }
0x92: {  	_ =	strace s17  }
0x93: {  	s2 =	sld [smem:$0x3FFC];
	_ =	sdelay $0x3  }
0x94: {  	_ =	strace s2  }
0x95: {  	s2 =	sld [smem:$0x3FFD];
	_ =	sdelay $0x3  }
0x96: {  	_ =	strace s2  }
0x97: {  	_ =	strace $0x8FFFFFFF  }
0x98: {  	s18 =	sld [smem:$0x3FDB];
	_ =	sdelay $0x1  }
0x99: {  	s19 =	simm.s32 $_scs_section_size  }
0x9a: {  	s4 =	simm.s32 $_size__tile_overlayer_lowered;
	s5 =	simm.s32 $_tile_overlayer_lowered  }
0x9b: {  	s22 =	simm.s32 $0x1BFF;
	s21 =	sshll.u32 s5, $0x1;
	s2 =	sadd.s32 s19, s18  }
0x9c: {  	s6 =	simm.s32 $0x0;
	s20 =	sshll.u32 s4, $0x1;
	s4 =	sadd.s32 s21, s2  }
0x9d: {  	[timem:s6], [sflag:s22] =	dma.local [hbm:s4], s20  }
0x9e: {  	_ =	swait.ge [sflag:s22], s20  }
0x9f: {  	s3 =	ssub.s32 $0x0, s20;
	[sflag:s22] =	ssyncset.done $0x0  }
0xa0: {  	[sflag:s22] =	ssyncadd.s32 s3;
	_ =	sdelay $0x1  }
0xa1: {  	s23 =	simm.s32 $0x1B8B  }
0xa2: {  	_ =	swait.ge [sflag:s23], $0x1  }
0xa3: {  	[sflag:s23] =	ssyncset.done $0x0  }
0xa4: {  	s25 =	simm.s32 $0x1B8E;
	s24 =	sld [smem:$0x3FFE];
	[sflag:s23] =	ssyncadd.s32 $0xFFFFFFFF  }
0xa5: {  	s26 =	simm.s32 $execute0_lowered;
	[smem:$0x3FD2] =	sst s25  }
0xa6: {  	s4 =	sshll.u32 s26, $0x1;
	_ =	strace $0x80000052;
	[dreg:$0x1] =	wrdreg $0xFFFFFFFF  }
0xa7: {  	s28 =	simm.s32 $_size_execute0_lowered;
	s2 =	sadd.s32 s2, s4;
	[dreg:$0x0] =	wrdreg $0x0  }
0xa8: {  	s4 =	sshll.u32 s28, $0x1;
	[dreg:$0x2] =	wrdreg s2  }
0xa9: {  	[dreg:$0x3] =	wrdreg s4  }
0xaa: {  	[dreg:$0x4] =	wrdreg $0xC0  }
0xab: {  	_ =	task [dreg:s6], $0x5FFFF  }
0xac: {  	[dreg:$0x1] =	wrdreg $0xFFFFFFFF  }
0xad: {  	[dreg:$0x0] =	wrdreg $0x60  }
0xae: {  	[dreg:$0x2] =	wrdreg s24  }
0xaf: {  	[dreg:$0x3] =	wrdreg $0x40100  }
0xb0: {  	[dreg:$0x4] =	wrdreg $0x9  }
0xb1: {  	_ =	task.clear_ibuf [dreg:s6], $0x5FFFF;
	_ =	strace $0x90000052  }
0xb2: {  	s29 =	simm.s32 $0x9;
	_ =	strace $0x80000054  }
0xb3: {  	_ =	swait.ge [sflag:s29], $0x1  }
0xb4: {  	[sflag:s29] =	ssyncadd.s32 $0xFFFFFFFF  }
0xb5: {  	_ =	strace $0x90000054  }
0xb6: {  	_ =	sfence  }
0xb7: {  	s30 =	sld [smem:$0x0];
	_ =	sdelay $0x2  }
0xb8: {  	s31 =	sshll.u32 s1, $0xD;
	s1 =	sshrl.u32 s1, $0x2  }
0xb9: {  	s3 =	sand.u32 $0x4000, s31;
	s1 =	sadd.s32 s1, s30  }
0xba: {  	s0 =	sor.u32 s3, s0;
	s1 =	sshll.u32 s1, $0x11  }
0xbb: {  	s0 =	sor.u32 s1, s0  }
0xbc: {  	s0 =	sadd.s32 $0x8F2B, s0  }
0xbd: {  	[sflag:s0] =	ssyncadd.remote.s32 $0x1  }
0xbe: {  	_ =	sfence.sel $0xFFFF  }
0xbf: {  	[dreg:$0x0] =	wrdreg $0xFFFFFFFF;
	(pc) =	sbr.abs _section_cstart, $3  }
0xc0: {  	[dreg:$0x1] =	wrdreg $0xFFFFFFFF  }
0xc1: {  	_ =	task.clear_ibuf [dreg:s6], $0x2FFFF;
	_ =	strace $0x9FFFFFFF  }
0xc2: {  	(tm) =	ssettm $0x7FFFFFFF  }
0xc3: {  	_ =	shalt  }
tec
execute0_lowered:
.L_overlay_start_1:
0x0: {  	(tag) =	ssettag $0x1  }
0x1: {  	s5 =	rddreg [dreg:$0x0]  }
0x2: {  	s0 =	srdreg.scid;
	s2 =	rddreg [dreg:$0x1]  }
0x3: {  	s3 =	simm.s32 $0x0;
	s14 =	simm.s32 $0x2C10;
	s4 =	sand.u32 $0x1, s0  }
0x4: {  	s15 =	simm.s32 $0x3110;
	s0 =	stileid.u32;
	s6 =	smul.u32 $0x4E200, s4  }
0x5: {  	s16 =	simm.s32 $0x3610;
	s17 =	simm.s32 $0x3B10;
	s8 =	smul.u32 $0x2800, s0  }
0x6: {  	s18 =	simm.s32 $0x0;
	[smem:$0x7FF] =	sst s3;
	s9 =	smul.u32 $0x28000, s4  }
0x7: {  	s1 =	sshll.u32 s4, $0x4;
	s4 =	ssub.s32 $0x2, s4;
	s12 =	smul.u32 $0x4E20, s0  }
0x8: {  	s31 =	sshll.u32 s0, $0x6;
	s1 =	sor.u32 s0, s1;
	s11 =	sshrl.u32 s4, $0x1  }
0x9: {  	s7 =	smul.u32 $0x2710, s1;
	s1 =	rddreg [dreg:$0x2];
	_ =	strace $0x80000053  }
0xa: {  	s10 =	sadd.s32 s6, s5;
	s30 =	sshrl.u32 s8, $0x3;
	s9 =	sadd.s32 s8, s9  }
0xb: {  	s11 =	ssub.s32 s4, s11;
	s13 =	sadd.s32 s8, s2;
	s9 =	sshrl.u32 s9, $0x3  }
0xc: {  	s10 =	sadd.s32 s12, s10;
	s8 =	smax.u32 s11, $0x1;
	s11 =	simm.s32 $0x1  }
0xd: {  	s12 =	simm.s32 $0x2710;
	s7 =	sshrl.u32 s7, $0x3;
	s9 =	sadd.s32 s9, s5  }
0xe: {  	s29 =	sadd.s32 s7, s5;
	s7 =	sadd.s32 s30, s5;
	s5 =	sor.u32 $0x1C01, s31  }
0xf: {  	s4 =	sadd.s32 $0xB6400, s7;
	s6 =	sadd.s32 $0x6400, s29;
	s7 =	sadd.s32 $0xBB400, s9  }
0x10: {  	s9 =	sadd.s32 $0x1A000, s10;
	s10 =	sshrl.u32 s13, $0x3;
	s13 =	simm.s32 $0x50  }
.LBB2_1:
0x11: {  	[spmem:s10], [sflag:s5] =	dma.local [hbm:s4], $0x500  }
0x12: {  	_ =	swait.ge [sflag:s11], $0x500  }
0x13: {  	[sflag:s11] =	ssyncset.done $0x0  }
0x14: {  	[sflag:s11] =	ssyncadd.s32 $0xFFFFFB00  }
0x15: {  	[bflag:$0x0] =	sbarrier.arrive $0xFFFF  }
0x16: {  	[tilespmem:s3], [sflag:$0x1] =	stream.linear.gather [hbm4b:s6+s3], $0x2710, $0x38;
	[tilespmem:$0x6810] =	vst v63  }
0x17: {  	_ =	swait.ge [sflag:s11], $0x2710  }
0x18: {  	[sflag:s11] =	ssyncset.done $0x0  }
0x19: {  	[sflag:s11] =	ssyncadd.s32 $0xFFFFD8F0  }
0x1a: {  	[tilespmem:s12], [sflag:$0x1] =	stream.linear.gather [hbm4b:s9+s3], $0x1900, $0x38;
	[tilespmem:$0x6810] =	vst v63  }
0x1b: {  	_ =	swait.ge [sflag:s11], $0x1900  }
0x1c: {  	[sflag:s11] =	ssyncset.done $0x0  }
0x1d: {  	s19 =	simm.s32 $0x0;
	[sflag:s11] =	ssyncadd.s32 $0xFFFFE700  }
0x1e: {  	[spmem:s2] =	stream.indirect.scatter.add.f32 [tilespmem:s12], [sflag:$0x1], $0x10, s19, s13, $0xb8;
	[tilespmem:$0x6810] =	vst v63  }
0x1f: {  	_ =	swait.ge [sflag:s11], $0x500  }
0x20: {  	[sflag:s11] =	ssyncset.done $0x0  }
0x21: {  	s28 =	simm.s32 $0x50;
	[sflag:s11] =	ssyncadd.s32 $0xFFFFFB00  }
0x22: {  	[spmem:s2] =	stream.indirect.scatter.add.f32 [tilespmem:s14], [sflag:$0x1], $0x10, s28, s13, $0xb8;
	[tilespmem:$0x6810] =	vst v63  }
0x23: {  	_ =	swait.ge [sflag:s11], $0x500  }
0x24: {  	[sflag:s11] =	ssyncset.done $0x0  }
0x25: {  	s29 =	simm.s32 $0xA0;
	[sflag:s11] =	ssyncadd.s32 $0xFFFFFB00  }
0x26: {  	[spmem:s2] =	stream.indirect.scatter.add.f32 [tilespmem:s15], [sflag:$0x1], $0x10, s29, s13, $0xb8;
	[tilespmem:$0x6810] =	vst v63  }
0x27: {  	_ =	swait.ge [sflag:s11], $0x500  }
0x28: {  	[sflag:s11] =	ssyncset.done $0x0  }
0x29: {  	s30 =	simm.s32 $0xF0;
	[sflag:s11] =	ssyncadd.s32 $0xFFFFFB00  }
0x2a: {  	[spmem:s2] =	stream.indirect.scatter.add.f32 [tilespmem:s16], [sflag:$0x1], $0x10, s30, s13, $0xb8;
	[tilespmem:$0x6810] =	vst v63  }
0x2b: {  	_ =	swait.ge [sflag:s11], $0x500  }
0x2c: {  	[sflag:s11] =	ssyncset.done $0x0  }
0x2d: {  	s31 =	simm.s32 $0x140;
	[sflag:s11] =	ssyncadd.s32 $0xFFFFFB00  }
0x2e: {  	[spmem:s2] =	stream.indirect.scatter.add.f32 [tilespmem:s17], [sflag:$0x1], $0x10, s31, s13, $0xb8;
	[tilespmem:$0x6810] =	vst v63  }
0x2f: {  	_ =	swait.ge [sflag:s11], $0x500  }
0x30: {  	s20 =	smov.u32 s9;
	s19 =	simm.s32 $0x640;
	[sflag:s11] =	ssyncset.done $0x0  }
.LBB2_2:
0x31: {  	p0 =	sne.s32 s19, $0x9600;
	[sflag:s11] =	ssyncadd.s32 $0xFFFFFB00;
	s20 =	sadd.s32 $0x320, s20  }
0x32: {  	[tilespmem:s12], [sflag:$0x1] =	stream.linear.gather [hbm4b:s20+s3], $0x1900, $0x38;
	[tilespmem:$0x6810] =	vst v63  }
0x33: {  	s21 =	smov.u32 s19;
	s19 =	sadd.s32 $0x640, s19;
	_ =	swait.ge [sflag:s11], $0x1900  }
0x34: {  	[sflag:s11] =	ssyncset.done $0x0  }
0x35: {  	s21 =	sshra.s32 s21, $0x2;
	[sflag:s11] =	ssyncadd.s32 $0xFFFFE700  }
0x36: {  	[spmem:s2] =	stream.indirect.scatter.add.f32 [tilespmem:s12], [sflag:$0x1], $0x10, s21, s13, $0xb8;
	[tilespmem:$0x6810] =	vst v63  }
0x37: {  	_ =	swait.ge [sflag:s11], $0x500  }
0x38: {  	[sflag:s11] =	ssyncset.done $0x0  }
0x39: {  	s22 =	sadd.s32 $0x50, s21;
	[sflag:s11] =	ssyncadd.s32 $0xFFFFFB00  }
0x3a: {  	[spmem:s2] =	stream.indirect.scatter.add.f32 [tilespmem:s14], [sflag:$0x1], $0x10, s22, s13, $0xb8;
	[tilespmem:$0x6810] =	vst v63  }
0x3b: {  	_ =	swait.ge [sflag:s11], $0x500  }
0x3c: {  	[sflag:s11] =	ssyncset.done $0x0  }
0x3d: {  	s22 =	sadd.s32 $0xA0, s21;
	[sflag:s11] =	ssyncadd.s32 $0xFFFFFB00  }
0x3e: {  	[spmem:s2] =	stream.indirect.scatter.add.f32 [tilespmem:s15], [sflag:$0x1], $0x10, s22, s13, $0xb8;
	[tilespmem:$0x6810] =	vst v63  }
0x3f: {  	_ =	swait.ge [sflag:s11], $0x500  }
0x40: {  	[sflag:s11] =	ssyncset.done $0x0  }
0x41: {  	s22 =	sadd.s32 $0xF0, s21;
	[sflag:s11] =	ssyncadd.s32 $0xFFFFFB00  }
0x42: {  	[spmem:s2] =	stream.indirect.scatter.add.f32 [tilespmem:s16], [sflag:$0x1], $0x10, s22, s13, $0xb8;
	[tilespmem:$0x6810] =	vst v63  }
0x43: {  	_ =	swait.ge [sflag:s11], $0x500  }
.Ltmp0:
0x44: {  	[sflag:s11] =	ssyncset.done $0x0;
	(pc) =	sbr.rel @p0 .LBB2_2-.Ltmp0, $4  }
0x45: {  	s21 =	sadd.s32 $0x140, s21;
	[sflag:s11] =	ssyncadd.s32 $0xFFFFFB00  }
0x46: {  	[spmem:s2] =	stream.indirect.scatter.add.f32 [tilespmem:s17], [sflag:$0x1], $0x10, s21, s13, $0xb8;
	[tilespmem:$0x6810] =	vst v63  }
0x47: {  	_ =	swait.ge [sflag:s11], $0x500  }
0x48: {  	[sflag:s11] =	ssyncset.done $0x0  }
0x49: {  	s18 =	sadd.s32 $0x1, s18  }
0x4a: {  	[sflag:s11] =	ssyncadd.s32 $0xFFFFFB00;
	p0 =	sne.s32 s18, s8  }
.Ltmp1:
0x4b: {  	[bflag:$0x0] =	sbarrier.arrive $0xFFFF;
	(pc) =	sbr.rel @p0 .LBB2_1-.Ltmp1, $4  }
0x4c: {  	[hbm:s7], [sflag:s5] =	dma.local [spmem:s10], $0x500  }
0x4d: {  	_ =	swait.ge [sflag:s11], $0x500  }
0x4e: {  	[sflag:s11] =	ssyncset.done $0x0  }
0x4f: {  	[sflag:s11] =	ssyncadd.s32 $0xFFFFFB00  }
0x50: {  	_ =	sfence.sel $0x180000  }
0x51: {  	[bflag:$0x0] =	sbarrier.arrive $0xFFFF  }
0x52: {  	p0 =	sne.s32 s0, $0x0;
	_ =	strace $0x90000053  }
0x53: {  	s0 =	sadd.s32 @!p0 $0x100000, s1;
	[bflag:$0x2] =	sbarrier.arrive $0xFFFF  }
0x54: {  	[sflag:s0] =	ssyncadd.tile.s32 @!p0 $0x1;
	_ =	shalt  }
.Lfunc_end2:
_tile_overlayer_lowered:
.L_overlay_start_2:
0x55: {  	(tag) =	ssettag $0x2  }
0x56: {  	s0 =	rddreg [dreg:$0x0];
	s2 =	stileid.u32  }
0x57: {  	s1 =	rddreg [dreg:$0x1];
	p0 =	sne.s32 s2, $0x0  }
0x58: {  	s3 =	rddreg [dreg:$0x2];
	[bflag:$0x3] =	sbarrier.arrive $0xFFFF;
	s2 =	simm.s32 @!p0 $0x1C01  }
0x59: {  	[timem:s3], [sflag:s2] =	dma.local @!p0 [hbm:s0], s1  }
0x5a: {  	s0 =	simm.s32 @!p0 $0x1  }
0x5b: {  	_ =	swait.ge @!p0 [sflag:s0], s1  }
0x5c: {  	s1 =	ssub.s32 @!p0 $0x0, s1;
	[sflag:s0] =	ssyncset.done @!p0 $0x0  }
0x5d: {  	[sflag:s0] =	ssyncadd.s32 @!p0 s1  }
0x5e: {  	[bflag:$0x3] =	sbarrier.arrive $0xFFFF  }
0x5f: {  	_ =	shalt  }

// kernel: kernel.32.cloned.1.call-start
scs
__scs_entry_jumppad:
0x0: {  	(pc) =	sbr.rel $0x88, $3  }
0x1: {  	(tag) =	ssettag $0x0;
	lr =	simm.s32 $0x1  }
0x2: {  	[smem:$0x3F76] =	sst lr;
	_ =	strace $0xD0000000  }
0x3: {  	_ = 	snop  }
0x4: {  	_ = 	snop  }
0x5: {  	_ = 	snop  }
0x6: {  	_ = 	snop  }
0x7: {  	_ = 	snop  }
__scs_overlays_trampoline_lowered:
0x8: {  	[smem:$0x3F85] =	sst s0  }
0x9: {  	[smem:$0x3F86] =	sst s1  }
0xa: {  	[smem:$0x3F87] =	sst s2  }
0xb: {  	[smem:$0x3F88] =	sst s3  }
0xc: {  	[smem:$0x3F89] =	sst s4  }
0xd: {  	[smem:$0x3F8A] =	sst s5  }
0xe: {  	[smem:$0x3F8B] =	sst s6  }
0xf: {  	[smem:$0x3F8C] =	sst s7  }
0x10: {  	[smem:$0x3F8D] =	sst s8  }
0x11: {  	[smem:$0x3F8E] =	sst s9;
	s0 =	simm.s32 @!p0 $0x0  }
0x12: {  	s1 =	sld [smem:$0x3F74];
	s0 =	simm.s32 @p0 $0x1  }
0x13: {  	[smem:$0x3F8F] =	sst s0;
	s0 =	simm.s32 @!p1 $0x0  }
0x14: {  	s2 =	sld [smem:$0x3F73];
	s0 =	simm.s32 @p1 $0x1  }
0x15: {  	[smem:$0x3F90] =	sst s0;
	s0 =	simm.s32 @!p2 $0x0  }
0x16: {  	s3 =	sld [smem:$0x3FDB];
	s0 =	simm.s32 @p2 $0x1  }
0x17: {  	s4 =	simm.s32 $0x1BF5;
	[smem:$0x3F92] =	sst s0  }
0x18: {  	s0 =	sld [smem:$0x3F75];
	_ =	swait.ge [sflag:s4], $0x0  }
0x19: {  	s7 =	sld [smem:$0x3F76]  }
0x1a: {  	s8 =	sadd.s32 $0xFFFFE003, lr  }
0x1b: {  	s9 =	sadd.s32 $0xFFFFFEF7, lr;
	s5 =	simm.s32 $0xFFFFFFFF;
	p2 =	slt.u32 s8, $0xFFFFF086  }
0x1c: {  	p1 =	slt.u32 s9, $0xF7A;
	s5 =	simm.s32 @!p2 $0x0  }
0x1d: {  	s5 =	simm.s32 @p1 $0x1;
	p0 =	seq.s32 s7, s2  }
0x1e: {  	s7 =	smul.u32 @!p0 $0xF7A, s2;
	p2 =	seq.s32 @!p0 s5, $0x0  }
0x1f: {  	s9 =	smul.u32 $0xF7A, s1;
	s8 =	simm.s32 @!p0 $0x1BF5;
	p2 =	por !p2, p0  }
0x20: {  	[sflag:s8] =	ssyncset.s32 @!p0 $0xFFFFF086;
	s6 =	sadd.s32 @!p0 s3, s7;
	s7 =	simm.s32 @!p0 $0x108  }
0x21: {  	s3 =	sadd.s32 s3, s9;
	s6 =	sadd.s32 @!p0 $0x88, s6;
	s7 =	simm.s32 @p2 $0x1082  }
0x22: {  	[simem:s7], [sflag:s8] =	dma.local @!p0 [hbm:s6], $0xF7A  }
0x23: {  	s9 =	sor.u32 $0xD0000000, s2;
	s6 =	simm.s32 $0x108;
	_ =	swait.ge @!p0 [sflag:s8], $0x0  }
0x24: {  	s3 =	sadd.s32 $0x88, s3;
	s6 =	simm.s32 @!p1 $0x1082;
	[sflag:s4] =	ssyncset.s32 $0xFFFFF086  }
0x25: {  	[simem:s6], [sflag:s4] =	dma.local [hbm:s3], $0xF7A  }
0x26: {  	[smem:$0x3F76] =	sst s1;
	(tag) =	ssettag s2;
	_ =	strace s9  }
0x27: {  	s1 =	sld [smem:$0x3F86]  }
0x28: {  	s2 =	sld [smem:$0x3F87]  }
0x29: {  	s4 =	sld [smem:$0x3F89]  }
0x2a: {  	p0 =	seq.s32 s5, $0x0;
	s5 =	sld [smem:$0x3F8A]  }
0x2b: {  	s6 =	sld [smem:$0x3F8B]  }
0x2c: {  	s7 =	sld [smem:$0x3F8C]  }
0x2d: {  	s3 =	simm.s32 $0x108;
	s8 =	sld [smem:$0x3F8D]  }
0x2e: {  	s3 =	simm.s32 @!p0 $0x1082;
	s9 =	sld [smem:$0x3F8E]  }
0x2f: {  	lr =	sadd.s32 s0, s3;
	s0 =	sld [smem:$0x3F85]  }
0x30: {  	s3 =	sld [smem:$0x3F88]  }
0x31: {  	[smem:$0x3F91] =	sst s10  }
0x32: {  	s10 =	sld [smem:$0x3F8F];
	_ =	sdelay $0x3  }
0x33: {  	p0 =	seq.s32 s10, $0x1;
	s10 =	sld [smem:$0x3F91];
	_ =	sdelay $0x3  }
0x34: {  	[smem:$0x3F91] =	sst s10  }
0x35: {  	s10 =	sld [smem:$0x3F90];
	_ =	sdelay $0x3  }
0x36: {  	p1 =	seq.s32 s10, $0x1;
	s10 =	sld [smem:$0x3F91];
	_ =	sdelay $0x3  }
0x37: {  	[smem:$0x3F91] =	sst s10  }
0x38: {  	s10 =	sld [smem:$0x3F92]  }
0x39: {  	_ = 	snop;
	(pc) =	sbr.ind lr, $3  }
0x3a: {  	_ = 	snop  }
0x3b: {  	_ = 	snop  }
0x3c: {  	p2 =	seq.s32 s10, $0x1;
	s10 =	sld [smem:$0x3F91]  }
0x3d: {  	_ =	shalt  }
0x3e: {  	_ =	shalt  }
0x3f: {  	_ =	shalt  }
0x40: {  	_ =	shalt  }
0x41: {  	_ =	shalt  }
0x42: {  	_ =	shalt  }
0x43: {  	_ =	shalt  }
0x44: {  	_ =	shalt  }
0x45: {  	_ =	shalt  }
0x46: {  	_ =	shalt  }
0x47: {  	_ =	shalt  }
0x48: {  	_ =	shalt  }
0x49: {  	_ =	shalt  }
0x4a: {  	_ =	shalt  }
0x4b: {  	_ =	shalt  }
0x4c: {  	_ =	shalt  }
0x4d: {  	_ =	shalt  }
0x4e: {  	_ =	shalt  }
0x4f: {  	_ =	shalt  }
0x50: {  	_ =	shalt  }
0x51: {  	_ =	shalt  }
0x52: {  	_ =	shalt  }
0x53: {  	_ =	shalt  }
0x54: {  	_ =	shalt  }
0x55: {  	_ =	shalt  }
0x56: {  	_ =	shalt  }
0x57: {  	_ =	shalt  }
0x58: {  	_ =	shalt  }
0x59: {  	_ =	shalt  }
0x5a: {  	_ =	shalt  }
0x5b: {  	_ =	shalt  }
0x5c: {  	_ =	shalt  }
0x5d: {  	_ =	shalt  }
0x5e: {  	_ =	shalt  }
0x5f: {  	_ =	shalt  }
0x60: {  	_ =	shalt  }
0x61: {  	_ =	shalt  }
0x62: {  	_ =	shalt  }
0x63: {  	_ =	shalt  }
0x64: {  	_ =	shalt  }
0x65: {  	_ =	shalt  }
0x66: {  	_ =	shalt  }
0x67: {  	_ =	shalt  }
0x68: {  	_ =	shalt  }
0x69: {  	_ =	shalt  }
0x6a: {  	_ =	shalt  }
0x6b: {  	_ =	shalt  }
0x6c: {  	_ =	shalt  }
0x6d: {  	_ =	shalt  }
0x6e: {  	_ =	shalt  }
0x6f: {  	_ =	shalt  }
0x70: {  	_ =	shalt  }
0x71: {  	_ =	shalt  }
0x72: {  	_ =	shalt  }
0x73: {  	_ =	shalt  }
0x74: {  	_ =	shalt  }
0x75: {  	_ =	shalt  }
0x76: {  	_ =	shalt  }
0x77: {  	_ =	shalt  }
0x78: {  	_ =	shalt  }
0x79: {  	_ =	shalt  }
0x7a: {  	_ =	shalt  }
0x7b: {  	_ =	shalt  }
0x7c: {  	_ =	shalt  }
0x7d: {  	_ =	shalt  }
0x7e: {  	_ =	shalt  }
0x7f: {  	_ =	shalt  }
0x80: {  	_ =	shalt  }
0x81: {  	_ =	shalt  }
0x82: {  	_ =	shalt  }
0x83: {  	_ =	shalt  }
0x84: {  	_ =	shalt  }
0x85: {  	_ =	shalt  }
0x86: {  	_ =	shalt  }
0x87: {  	_ =	shalt  }
.Lfunc_end0:
.L_simem_size_0:
called_computation.5_lowered:
.L_overlay_start_0:
0x88: {  	s2 =	sld [smem:$0x3FD9]  }
0x89: {  	s3 =	sld [smem:$0x3FFE];
	_ =	sdelay $0x1  }
0x8a: {  	s1 =	srdreg.scid  }
0x8b: {  	s0 =	sand.u32 $0x1, s1  }
0x8c: {  	s16 =	sshll.u32 s0, $0xA;
	s2 =	sadd.s32 s3, s2  }
0x8d: {  	s2 =	sadd.s32 s2, s16  }
0x8e: {  	[smem:$0x3F9D] =	sst s2  }
0x8f: {  	_ = 	snop  }
0x90: {  	(tm) =	ssettm $0x1  }
0x91: {  	s17 =	sld [smem:$0x3FFB];
	_ =	sdelay $0x3  }
0x92: {  	_ =	strace s17  }
0x93: {  	s2 =	sld [smem:$0x3FFC];
	_ =	sdelay $0x3  }
0x94: {  	_ =	strace s2  }
0x95: {  	s2 =	sld [smem:$0x3FFD];
	_ =	sdelay $0x3  }
0x96: {  	_ =	strace s2  }
0x97: {  	_ =	strace $0x8FFFFFFF  }
0x98: {  	s18 =	sld [smem:$0x3FDB];
	_ =	sdelay $0x1  }
0x99: {  	s19 =	simm.s32 $_scs_section_size  }
0x9a: {  	s4 =	simm.s32 $_size__tile_overlayer_lowered;
	s5 =	simm.s32 $_tile_overlayer_lowered  }
0x9b: {  	s22 =	simm.s32 $0x1BFF;
	s21 =	sshll.u32 s5, $0x1;
	s2 =	sadd.s32 s19, s18  }
0x9c: {  	s6 =	simm.s32 $0x0;
	s20 =	sshll.u32 s4, $0x1;
	s4 =	sadd.s32 s21, s2  }
0x9d: {  	[timem:s6], [sflag:s22] =	dma.local [hbm:s4], s20  }
0x9e: {  	_ =	swait.ge [sflag:s22], s20  }
0x9f: {  	s3 =	ssub.s32 $0x0, s20;
	[sflag:s22] =	ssyncset.done $0x0  }
0xa0: {  	[sflag:s22] =	ssyncadd.s32 s3;
	_ =	sdelay $0x1  }
0xa1: {  	s23 =	simm.s32 $0x1B8B  }
0xa2: {  	_ =	swait.ge [sflag:s23], $0x1  }
0xa3: {  	[sflag:s23] =	ssyncset.done $0x0  }
0xa4: {  	s25 =	simm.s32 $0x1B8E;
	s24 =	sld [smem:$0x3FFE];
	[sflag:s23] =	ssyncadd.s32 $0xFFFFFFFF  }
0xa5: {  	s26 =	simm.s32 $execute0_lowered;
	[smem:$0x3FD2] =	sst s25  }
0xa6: {  	s4 =	sshll.u32 s26, $0x1;
	_ =	strace $0x80000055;
	[dreg:$0x1] =	wrdreg $0xFFFFFFFF  }
0xa7: {  	s28 =	simm.s32 $_size_execute0_lowered;
	s2 =	sadd.s32 s2, s4;
	[dreg:$0x0] =	wrdreg $0x0  }
0xa8: {  	s4 =	sshll.u32 s28, $0x1;
	[dreg:$0x2] =	wrdreg s2  }
0xa9: {  	[dreg:$0x3] =	wrdreg s4  }
0xaa: {  	[dreg:$0x4] =	wrdreg $0xC0  }
0xab: {  	_ =	task [dreg:s6], $0x5FFFF  }
0xac: {  	[dreg:$0x1] =	wrdreg $0xFFFFFFFF  }
0xad: {  	[dreg:$0x0] =	wrdreg $0x60  }
0xae: {  	[dreg:$0x2] =	wrdreg s24  }
0xaf: {  	[dreg:$0x3] =	wrdreg $0x9  }
0xb0: {  	_ =	task.clear_ibuf [dreg:s6], $0x4FFFF;
	_ =	strace $0x90000055  }
0xb1: {  	s29 =	simm.s32 $0x9;
	_ =	strace $0x80000057  }
0xb2: {  	_ =	swait.ge [sflag:s29], $0x1  }
0xb3: {  	[sflag:s29] =	ssyncadd.s32 $0xFFFFFFFF  }
0xb4: {  	_ =	strace $0x90000057  }
0xb5: {  	_ =	sfence  }
0xb6: {  	s30 =	sld [smem:$0x0];
	_ =	sdelay $0x2  }
0xb7: {  	s31 =	sshll.u32 s1, $0xD;
	s1 =	sshrl.u32 s1, $0x2  }
0xb8: {  	s3 =	sand.u32 $0x4000, s31;
	s1 =	sadd.s32 s1, s30  }
0xb9: {  	s0 =	sor.u32 s3, s0;
	s1 =	sshll.u32 s1, $0x11  }
0xba: {  	s0 =	sor.u32 s1, s0  }
0xbb: {  	s0 =	sadd.s32 $0x8F2B, s0  }
0xbc: {  	[sflag:s0] =	ssyncadd.remote.s32 $0x1  }
0xbd: {  	_ =	sfence.sel $0xFFFF  }
0xbe: {  	[dreg:$0x0] =	wrdreg $0xFFFFFFFF;
	(pc) =	sbr.abs _section_cstart, $3  }
0xbf: {  	[dreg:$0x1] =	wrdreg $0xFFFFFFFF  }
0xc0: {  	_ =	task.clear_ibuf [dreg:s6], $0x2FFFF;
	_ =	strace $0x9FFFFFFF  }
0xc1: {  	(tm) =	ssettm $0x7FFFFFFF  }
tec
execute0_lowered:
.L_overlay_start_1:
0x0: {  	(tag) =	ssettag $0x1  }
0x1: {  	s0 =	srdreg.scid  }
0x2: {  	s5 =	rddreg [dreg:$0x0];
	s1 =	stileid.u32  }
0x3: {  	s2 =	simm.s32 $0x0;
	s10 =	simm.s32 $0x2C10;
	s11 =	simm.s32 $0x3110  }
0x4: {  	s12 =	simm.s32 $0x3610;
	s13 =	simm.s32 $0x3B10;
	s14 =	simm.s32 $0x1  }
0x5: {  	s15 =	simm.s32 $0x0;
	s4 =	sand.u32 $0x1, s0;
	s0 =	rddreg [dreg:$0x1]  }
0x6: {  	[smem:$0x7FF] =	sst s2;
	s8 =	smul.u32 $0x4E20, s1;
	s3 =	sshll.u32 s4, $0x4  }
0x7: {  	s7 =	smul.u32 $0x4E200, s4;
	s4 =	ssub.s32 $0x2, s4;
	s3 =	sor.u32 s1, s3  }
0x8: {  	_ =	strace $0x80000056;
	s9 =	sshrl.u32 s4, $0x1;
	s6 =	smul.u32 $0x2710, s3  }
0x9: {  	s3 =	sadd.s32 $0x1A000, s5;
	s7 =	sadd.s32 s7, s5;
	s31 =	ssub.s32 s4, s9  }
0xa: {  	s9 =	simm.s32 $0x2710;
	s7 =	sadd.s32 s8, s7;
	s6 =	sshrl.u32 s6, $0x3  }
0xb: {  	s8 =	simm.s32 $0x50;
	s5 =	sadd.s32 s6, s5;
	s6 =	sadd.s32 $0xBB400, s7  }
0xc: {  	s7 =	simm.s32 $0x2;
	s4 =	sadd.s32 $0x10200, s5;
	s5 =	smax.u32 s31, $0x1  }
.LBB2_1:
0xd: {  	[tilespmem:s2], [sflag:$0x2] =	stream.linear.gather [hbm4b:s4+s2], $0x2710, $0x38;
	[tilespmem:$0x4010] =	vst v63  }
0xe: {  	_ =	swait.ge [sflag:s7], $0x2710  }
0xf: {  	[sflag:s7] =	ssyncset.done $0x0  }
0x10: {  	s16 =	simm.s32 $0x0;
	[sflag:s7] =	ssyncadd.s32 $0xFFFFD8F0  }
0x11: {  	[tilespmem:s9], [sflag:$0x1] =	stream.indirect.gather [hbm4b:s3+s8], $0x10, s16, s8, $0xb8;
	[tilespmem:$0x4010] =	vst v63  }
0x12: {  	s28 =	simm.s32 $0x50  }
0x13: {  	[tilespmem:s10], [sflag:$0x1] =	stream.indirect.gather [hbm4b:s3+s8], $0x10, s28, s8, $0xb8;
	[tilespmem:$0x4010] =	vst v63  }
0x14: {  	s29 =	simm.s32 $0xA0  }
0x15: {  	[tilespmem:s11], [sflag:$0x1] =	stream.indirect.gather [hbm4b:s3+s8], $0x10, s29, s8, $0xb8;
	[tilespmem:$0x4010] =	vst v63  }
0x16: {  	s30 =	simm.s32 $0xF0  }
0x17: {  	[tilespmem:s12], [sflag:$0x1] =	stream.indirect.gather [hbm4b:s3+s8], $0x10, s30, s8, $0xb8;
	[tilespmem:$0x4010] =	vst v63  }
0x18: {  	s31 =	simm.s32 $0x140  }
0x19: {  	[tilespmem:s13], [sflag:$0x1] =	stream.indirect.gather [hbm4b:s3+s8], $0x10, s31, s8, $0xb8;
	[tilespmem:$0x4010] =	vst v63  }
0x1a: {  	_ =	swait.ge [sflag:s14], $0x500  }
0x1b: {  	[sflag:s14] =	ssyncset.done $0x0  }
0x1c: {  	[sflag:s14] =	ssyncadd.s32 $0xFFFFFB00  }
0x1d: {  	_ =	swait.ge [sflag:s14], $0x500  }
0x1e: {  	[sflag:s14] =	ssyncset.done $0x0  }
0x1f: {  	[sflag:s14] =	ssyncadd.s32 $0xFFFFFB00  }
0x20: {  	_ =	swait.ge [sflag:s14], $0x500  }
0x21: {  	[sflag:s14] =	ssyncset.done $0x0  }
0x22: {  	[sflag:s14] =	ssyncadd.s32 $0xFFFFFB00  }
0x23: {  	_ =	swait.ge [sflag:s14], $0x500  }
0x24: {  	[sflag:s14] =	ssyncset.done $0x0  }
0x25: {  	[sflag:s14] =	ssyncadd.s32 $0xFFFFFB00  }
0x26: {  	_ =	swait.ge [sflag:s14], $0x500  }
0x27: {  	[sflag:s14] =	ssyncset.done $0x0  }
0x28: {  	[sflag:s14] =	ssyncadd.s32 $0xFFFFFB00  }
0x29: {  	[hbm4b:s6+s2] =	stream.linear.scatter [tilespmem:s9], [sflag:$0x2], $0x1900, $0x38;
	[tilespmem:$0x4010] =	vst v63  }
0x2a: {  	s17 =	simm.s32 $0x640;
	_ =	swait.ge [sflag:s7], $0x1900  }
0x2b: {  	s18 =	simm.s32 $0xC80;
	s16 =	sadd.s32 $0x320, s6;
	[sflag:s7] =	ssyncset.done $0x0  }
.LBB2_2:
0x2c: {  	s19 =	sshra.s32 s17, $0x2  }
0x2d: {  	[sflag:s7] =	ssyncadd.s32 $0xFFFFE700;
	s17 =	smov.u32 s18;
	s20 =	sadd.s32 $0x640, s18  }
0x2e: {  	[tilespmem:s9], [sflag:$0x1] =	stream.indirect.gather [hbm4b:s3+s8], $0x10, s19, s8, $0xb8;
	[tilespmem:$0x4010] =	vst v63  }
0x2f: {  	p0 =	sne.s32 s18, $0x9600;
	s18 =	sadd.s32 $0x50, s19  }
0x30: {  	[tilespmem:s10], [sflag:$0x1] =	stream.indirect.gather [hbm4b:s3+s8], $0x10, s18, s8, $0xb8;
	[tilespmem:$0x4010] =	vst v63  }
0x31: {  	s18 =	sadd.s32 $0xA0, s19  }
0x32: {  	[tilespmem:s11], [sflag:$0x1] =	stream.indirect.gather [hbm4b:s3+s8], $0x10, s18, s8, $0xb8;
	[tilespmem:$0x4010] =	vst v63  }
0x33: {  	s18 =	sadd.s32 $0xF0, s19  }
0x34: {  	[tilespmem:s12], [sflag:$0x1] =	stream.indirect.gather [hbm4b:s3+s8], $0x10, s18, s8, $0xb8;
	[tilespmem:$0x4010] =	vst v63  }
0x35: {  	s18 =	sadd.s32 $0x140, s19  }
0x36: {  	[tilespmem:s13], [sflag:$0x1] =	stream.indirect.gather [hbm4b:s3+s8], $0x10, s18, s8, $0xb8;
	[tilespmem:$0x4010] =	vst v63  }
0x37: {  	_ =	swait.ge [sflag:s14], $0x500  }
0x38: {  	[sflag:s14] =	ssyncset.done $0x0  }
0x39: {  	[sflag:s14] =	ssyncadd.s32 $0xFFFFFB00  }
0x3a: {  	_ =	swait.ge [sflag:s14], $0x500  }
0x3b: {  	[sflag:s14] =	ssyncset.done $0x0  }
0x3c: {  	[sflag:s14] =	ssyncadd.s32 $0xFFFFFB00  }
0x3d: {  	_ =	swait.ge [sflag:s14], $0x500  }
0x3e: {  	[sflag:s14] =	ssyncset.done $0x0  }
0x3f: {  	[sflag:s14] =	ssyncadd.s32 $0xFFFFFB00  }
0x40: {  	_ =	swait.ge [sflag:s14], $0x500  }
0x41: {  	[sflag:s14] =	ssyncset.done $0x0  }
0x42: {  	[sflag:s14] =	ssyncadd.s32 $0xFFFFFB00  }
0x43: {  	_ =	swait.ge [sflag:s14], $0x500  }
.Ltmp0:
0x44: {  	[sflag:s14] =	ssyncset.done $0x0;
	(pc) =	sbr.rel @p0 .LBB2_2-.Ltmp0, $4  }
0x45: {  	[sflag:s14] =	ssyncadd.s32 $0xFFFFFB00  }
0x46: {  	[hbm4b:s16+s2] =	stream.linear.scatter [tilespmem:s9], [sflag:$0x2], $0x1900, $0x38;
	[tilespmem:$0x4010] =	vst v63  }
0x47: {  	_ =	swait.ge [sflag:s7], $0x1900  }
0x48: {  	s18 =	smov.u32 s20;
	s16 =	sadd.s32 $0x320, s16;
	[sflag:s7] =	ssyncset.done $0x0  }
0x49: {  	s17 =	sshra.s32 s17, $0x2;
	[sflag:s7] =	ssyncadd.s32 $0xFFFFE700  }
0x4a: {  	[tilespmem:s9], [sflag:$0x1] =	stream.indirect.gather [hbm4b:s3+s8], $0x10, s17, s8, $0xb8;
	[tilespmem:$0x4010] =	vst v63  }
0x4b: {  	s18 =	sadd.s32 $0x50, s17  }
0x4c: {  	[tilespmem:s10], [sflag:$0x1] =	stream.indirect.gather [hbm4b:s3+s8], $0x10, s18, s8, $0xb8;
	[tilespmem:$0x4010] =	vst v63  }
0x4d: {  	s30 =	sadd.s32 $0xA0, s17  }
0x4e: {  	[tilespmem:s11], [sflag:$0x1] =	stream.indirect.gather [hbm4b:s3+s8], $0x10, s30, s8, $0xb8;
	[tilespmem:$0x4010] =	vst v63  }
0x4f: {  	s31 =	sadd.s32 $0xF0, s17  }
0x50: {  	[tilespmem:s12], [sflag:$0x1] =	stream.indirect.gather [hbm4b:s3+s8], $0x10, s31, s8, $0xb8;
	[tilespmem:$0x4010] =	vst v63  }
0x51: {  	s17 =	sadd.s32 $0x140, s17  }
0x52: {  	[tilespmem:s13], [sflag:$0x1] =	stream.indirect.gather [hbm4b:s3+s8], $0x10, s17, s8, $0xb8;
	[tilespmem:$0x4010] =	vst v63  }
0x53: {  	_ =	swait.ge [sflag:s14], $0x500  }
0x54: {  	[sflag:s14] =	ssyncset.done $0x0  }
0x55: {  	[sflag:s14] =	ssyncadd.s32 $0xFFFFFB00  }
0x56: {  	_ =	swait.ge [sflag:s14], $0x500  }
0x57: {  	[sflag:s14] =	ssyncset.done $0x0  }
0x58: {  	[sflag:s14] =	ssyncadd.s32 $0xFFFFFB00  }
0x59: {  	_ =	swait.ge [sflag:s14], $0x500  }
0x5a: {  	[sflag:s14] =	ssyncset.done $0x0  }
0x5b: {  	[sflag:s14] =	ssyncadd.s32 $0xFFFFFB00  }
0x5c: {  	_ =	swait.ge [sflag:s14], $0x500  }
0x5d: {  	[sflag:s14] =	ssyncset.done $0x0  }
0x5e: {  	[sflag:s14] =	ssyncadd.s32 $0xFFFFFB00  }
0x5f: {  	s15 =	sadd.s32 $0x1, s15;
	_ =	swait.ge [sflag:s14], $0x500  }
0x60: {  	p0 =	sne.s32 s15, s5;
	[sflag:s14] =	ssyncset.done $0x0  }
.Ltmp1:
0x61: {  	[sflag:s14] =	ssyncadd.s32 $0xFFFFFB00;
	(pc) =	sbr.rel @p0 .LBB2_1-.Ltmp1, $4  }
0x62: {  	[hbm4b:s16+s2] =	stream.linear.scatter [tilespmem:s9], [sflag:$0x2], $0x1900, $0x38;
	[tilespmem:$0x4010] =	vst v63  }
0x63: {  	_ =	swait.ge [sflag:s7], $0x1900  }
0x64: {  	[sflag:s7] =	ssyncset.done $0x0  }
0x65: {  	[sflag:s7] =	ssyncadd.s32 $0xFFFFE700  }
0x66: {  	_ =	sfence.sel $0x180000  }
0x67: {  	[bflag:$0x0] =	sbarrier.arrive $0xFFFF  }
0x68: {  	p0 =	sne.s32 s1, $0x0;
	_ =	strace $0x90000056  }
0x69: {  	s0 =	sadd.s32 @!p0 $0x100000, s0;
	[bflag:$0x2] =	sbarrier.arrive $0xFFFF  }
0x6a: {  	[sflag:s0] =	ssyncadd.tile.s32 @!p0 $0x1;
	_ =	shalt  }
.Lfunc_end2:
_tile_overlayer_lowered:
.L_overlay_start_2:
0x6b: {  	(tag) =	ssettag $0x2  }
0x6c: {  	s0 =	rddreg [dreg:$0x0];
	s2 =	stileid.u32  }
0x6d: {  	s1 =	rddreg [dreg:$0x1];
	p0 =	sne.s32 s2, $0x0  }
0x6e: {  	s3 =	rddreg [dreg:$0x2];
	[bflag:$0x3] =	sbarrier.arrive $0xFFFF;
	s2 =	simm.s32 @!p0 $0x1C02  }
0x6f: {  	[timem:s3], [sflag:s2] =	dma.local @!p0 [hbm:s0], s1  }
0x70: {  	s0 =	simm.s32 @!p0 $0x2  }
0x71: {  	_ =	swait.ge @!p0 [sflag:s0], s1  }
0x72: {  	s1 =	ssub.s32 @!p0 $0x0, s1;
	[sflag:s0] =	ssyncset.done @!p0 $0x0  }
0x73: {  	[sflag:s0] =	ssyncadd.s32 @!p0 s1  }
0x74: {  	[bflag:$0x3] =	sbarrier.arrive $0xFFFF  }
0x75: {  	_ =	shalt  }

// kernel: kernel.35.cloned.1.call-start
scs
__scs_entry_jumppad:
0x0: {  	(pc) =	sbr.rel $0x88, $3  }
0x1: {  	(tag) =	ssettag $0x0;
	lr =	simm.s32 $0x1  }
0x2: {  	[smem:$0x3F76] =	sst lr;
	_ =	strace $0xD0000000  }
0x3: {  	_ = 	snop  }
0x4: {  	_ = 	snop  }
0x5: {  	_ = 	snop  }
0x6: {  	_ = 	snop  }
0x7: {  	_ = 	snop  }
__scs_overlays_trampoline_lowered:
0x8: {  	[smem:$0x3F85] =	sst s0  }
0x9: {  	[smem:$0x3F86] =	sst s1  }
0xa: {  	[smem:$0x3F87] =	sst s2  }
0xb: {  	[smem:$0x3F88] =	sst s3  }
0xc: {  	[smem:$0x3F89] =	sst s4  }
0xd: {  	[smem:$0x3F8A] =	sst s5  }
0xe: {  	[smem:$0x3F8B] =	sst s6  }
0xf: {  	[smem:$0x3F8C] =	sst s7  }
0x10: {  	[smem:$0x3F8D] =	sst s8  }
0x11: {  	[smem:$0x3F8E] =	sst s9;
	s0 =	simm.s32 @!p0 $0x0  }
0x12: {  	s1 =	sld [smem:$0x3F74];
	s0 =	simm.s32 @p0 $0x1  }
0x13: {  	[smem:$0x3F8F] =	sst s0;
	s0 =	simm.s32 @!p1 $0x0  }
0x14: {  	s2 =	sld [smem:$0x3F73];
	s0 =	simm.s32 @p1 $0x1  }
0x15: {  	[smem:$0x3F90] =	sst s0;
	s0 =	simm.s32 @!p2 $0x0  }
0x16: {  	s3 =	sld [smem:$0x3FDB];
	s0 =	simm.s32 @p2 $0x1  }
0x17: {  	s4 =	simm.s32 $0x1BF5;
	[smem:$0x3F92] =	sst s0  }
0x18: {  	s0 =	sld [smem:$0x3F75];
	_ =	swait.ge [sflag:s4], $0x0  }
0x19: {  	s7 =	sld [smem:$0x3F76]  }
0x1a: {  	s8 =	sadd.s32 $0xFFFFE003, lr  }
0x1b: {  	s9 =	sadd.s32 $0xFFFFFEF7, lr;
	s5 =	simm.s32 $0xFFFFFFFF;
	p2 =	slt.u32 s8, $0xFFFFF086  }
0x1c: {  	p1 =	slt.u32 s9, $0xF7A;
	s5 =	simm.s32 @!p2 $0x0  }
0x1d: {  	s5 =	simm.s32 @p1 $0x1;
	p0 =	seq.s32 s7, s2  }
0x1e: {  	s7 =	smul.u32 @!p0 $0xF7A, s2;
	p2 =	seq.s32 @!p0 s5, $0x0  }
0x1f: {  	s9 =	smul.u32 $0xF7A, s1;
	s8 =	simm.s32 @!p0 $0x1BF5;
	p2 =	por !p2, p0  }
0x20: {  	[sflag:s8] =	ssyncset.s32 @!p0 $0xFFFFF086;
	s6 =	sadd.s32 @!p0 s3, s7;
	s7 =	simm.s32 @!p0 $0x108  }
0x21: {  	s3 =	sadd.s32 s3, s9;
	s6 =	sadd.s32 @!p0 $0x88, s6;
	s7 =	simm.s32 @p2 $0x1082  }
0x22: {  	[simem:s7], [sflag:s8] =	dma.local @!p0 [hbm:s6], $0xF7A  }
0x23: {  	s9 =	sor.u32 $0xD0000000, s2;
	s6 =	simm.s32 $0x108;
	_ =	swait.ge @!p0 [sflag:s8], $0x0  }
0x24: {  	s3 =	sadd.s32 $0x88, s3;
	s6 =	simm.s32 @!p1 $0x1082;
	[sflag:s4] =	ssyncset.s32 $0xFFFFF086  }
0x25: {  	[simem:s6], [sflag:s4] =	dma.local [hbm:s3], $0xF7A  }
0x26: {  	[smem:$0x3F76] =	sst s1;
	(tag) =	ssettag s2;
	_ =	strace s9  }
0x27: {  	s1 =	sld [smem:$0x3F86]  }
0x28: {  	s2 =	sld [smem:$0x3F87]  }
0x29: {  	s4 =	sld [smem:$0x3F89]  }
0x2a: {  	p0 =	seq.s32 s5, $0x0;
	s5 =	sld [smem:$0x3F8A]  }
0x2b: {  	s6 =	sld [smem:$0x3F8B]  }
0x2c: {  	s7 =	sld [smem:$0x3F8C]  }
0x2d: {  	s3 =	simm.s32 $0x108;
	s8 =	sld [smem:$0x3F8D]  }
0x2e: {  	s3 =	simm.s32 @!p0 $0x1082;
	s9 =	sld [smem:$0x3F8E]  }
0x2f: {  	lr =	sadd.s32 s0, s3;
	s0 =	sld [smem:$0x3F85]  }
0x30: {  	s3 =	sld [smem:$0x3F88]  }
0x31: {  	[smem:$0x3F91] =	sst s10  }
0x32: {  	s10 =	sld [smem:$0x3F8F];
	_ =	sdelay $0x3  }
0x33: {  	p0 =	seq.s32 s10, $0x1;
	s10 =	sld [smem:$0x3F91];
	_ =	sdelay $0x3  }
0x34: {  	[smem:$0x3F91] =	sst s10  }
0x35: {  	s10 =	sld [smem:$0x3F90];
	_ =	sdelay $0x3  }
0x36: {  	p1 =	seq.s32 s10, $0x1;
	s10 =	sld [smem:$0x3F91];
	_ =	sdelay $0x3  }
0x37: {  	[smem:$0x3F91] =	sst s10  }
0x38: {  	s10 =	sld [smem:$0x3F92]  }
0x39: {  	_ = 	snop;
	(pc) =	sbr.ind lr, $3  }
0x3a: {  	_ = 	snop  }
0x3b: {  	_ = 	snop  }
0x3c: {  	p2 =	seq.s32 s10, $0x1;
	s10 =	sld [smem:$0x3F91]  }
0x3d: {  	_ =	shalt  }
0x3e: {  	_ =	shalt  }
0x3f: {  	_ =	shalt  }
0x40: {  	_ =	shalt  }
0x41: {  	_ =	shalt  }
0x42: {  	_ =	shalt  }
0x43: {  	_ =	shalt  }
0x44: {  	_ =	shalt  }
0x45: {  	_ =	shalt  }
0x46: {  	_ =	shalt  }
0x47: {  	_ =	shalt  }
0x48: {  	_ =	shalt  }
0x49: {  	_ =	shalt  }
0x4a: {  	_ =	shalt  }
0x4b: {  	_ =	shalt  }
0x4c: {  	_ =	shalt  }
0x4d: {  	_ =	shalt  }
0x4e: {  	_ =	shalt  }
0x4f: {  	_ =	shalt  }
0x50: {  	_ =	shalt  }
0x51: {  	_ =	shalt  }
0x52: {  	_ =	shalt  }
0x53: {  	_ =	shalt  }
0x54: {  	_ =	shalt  }
0x55: {  	_ =	shalt  }
0x56: {  	_ =	shalt  }
0x57: {  	_ =	shalt  }
0x58: {  	_ =	shalt  }
0x59: {  	_ =	shalt  }
0x5a: {  	_ =	shalt  }
0x5b: {  	_ =	shalt  }
0x5c: {  	_ =	shalt  }
0x5d: {  	_ =	shalt  }
0x5e: {  	_ =	shalt  }
0x5f: {  	_ =	shalt  }
0x60: {  	_ =	shalt  }
0x61: {  	_ =	shalt  }
0x62: {  	_ =	shalt  }
0x63: {  	_ =	shalt  }
0x64: {  	_ =	shalt  }
0x65: {  	_ =	shalt  }
0x66: {  	_ =	shalt  }
0x67: {  	_ =	shalt  }
0x68: {  	_ =	shalt  }
0x69: {  	_ =	shalt  }
0x6a: {  	_ =	shalt  }
0x6b: {  	_ =	shalt  }
0x6c: {  	_ =	shalt  }
0x6d: {  	_ =	shalt  }
0x6e: {  	_ =	shalt  }
0x6f: {  	_ =	shalt  }
0x70: {  	_ =	shalt  }
0x71: {  	_ =	shalt  }
0x72: {  	_ =	shalt  }
0x73: {  	_ =	shalt  }
0x74: {  	_ =	shalt  }
0x75: {  	_ =	shalt  }
0x76: {  	_ =	shalt  }
0x77: {  	_ =	shalt  }
0x78: {  	_ =	shalt  }
0x79: {  	_ =	shalt  }
0x7a: {  	_ =	shalt  }
0x7b: {  	_ =	shalt  }
0x7c: {  	_ =	shalt  }
0x7d: {  	_ =	shalt  }
0x7e: {  	_ =	shalt  }
0x7f: {  	_ =	shalt  }
0x80: {  	_ =	shalt  }
0x81: {  	_ =	shalt  }
0x82: {  	_ =	shalt  }
0x83: {  	_ =	shalt  }
0x84: {  	_ =	shalt  }
0x85: {  	_ =	shalt  }
0x86: {  	_ =	shalt  }
0x87: {  	_ =	shalt  }
.Lfunc_end0:
.L_simem_size_0:
called_computation.6_lowered:
.L_overlay_start_0:
0x88: {  	s2 =	sld [smem:$0x3FD9]  }
0x89: {  	s3 =	sld [smem:$0x3FFE];
	_ =	sdelay $0x1  }
0x8a: {  	s1 =	srdreg.scid  }
0x8b: {  	s0 =	sand.u32 $0x1, s1  }
0x8c: {  	s16 =	sshll.u32 s0, $0xA;
	s2 =	sadd.s32 s3, s2  }
0x8d: {  	s2 =	sadd.s32 s2, s16  }
0x8e: {  	[smem:$0x3F9D] =	sst s2  }
0x8f: {  	_ = 	snop  }
0x90: {  	(tm) =	ssettm $0x1  }
0x91: {  	s17 =	sld [smem:$0x3FFB];
	_ =	sdelay $0x3  }
0x92: {  	_ =	strace s17  }
0x93: {  	s2 =	sld [smem:$0x3FFC];
	_ =	sdelay $0x3  }
0x94: {  	_ =	strace s2  }
0x95: {  	s2 =	sld [smem:$0x3FFD];
	_ =	sdelay $0x3  }
0x96: {  	_ =	strace s2  }
0x97: {  	_ =	strace $0x8FFFFFFF  }
0x98: {  	s18 =	sld [smem:$0x3FDB];
	_ =	sdelay $0x1  }
0x99: {  	s19 =	simm.s32 $_scs_section_size  }
0x9a: {  	s4 =	simm.s32 $_size__tile_overlayer_lowered;
	s5 =	simm.s32 $_tile_overlayer_lowered  }
0x9b: {  	s22 =	simm.s32 $0x1BFF;
	s21 =	sshll.u32 s5, $0x1;
	s2 =	sadd.s32 s19, s18  }
0x9c: {  	s6 =	simm.s32 $0x0;
	s20 =	sshll.u32 s4, $0x1;
	s4 =	sadd.s32 s21, s2  }
0x9d: {  	[timem:s6], [sflag:s22] =	dma.local [hbm:s4], s20  }
0x9e: {  	_ =	swait.ge [sflag:s22], s20  }
0x9f: {  	s3 =	ssub.s32 $0x0, s20;
	[sflag:s22] =	ssyncset.done $0x0  }
0xa0: {  	[sflag:s22] =	ssyncadd.s32 s3;
	_ =	sdelay $0x1  }
0xa1: {  	s23 =	simm.s32 $0x1B8B  }
0xa2: {  	_ =	swait.ge [sflag:s23], $0x1  }
0xa3: {  	[sflag:s23] =	ssyncset.done $0x0  }
0xa4: {  	s25 =	simm.s32 $0x1B8E;
	s24 =	sld [smem:$0x3FFE];
	[sflag:s23] =	ssyncadd.s32 $0xFFFFFFFF  }
0xa5: {  	s26 =	simm.s32 $execute0_lowered;
	[smem:$0x3FD2] =	sst s25  }
0xa6: {  	s4 =	sshll.u32 s26, $0x1;
	_ =	strace $0x80000058;
	[dreg:$0x1] =	wrdreg $0xFFFFFFFF  }
0xa7: {  	s28 =	simm.s32 $_size_execute0_lowered;
	s2 =	sadd.s32 s2, s4;
	[dreg:$0x0] =	wrdreg $0x0  }
0xa8: {  	s4 =	sshll.u32 s28, $0x1;
	[dreg:$0x2] =	wrdreg s2  }
0xa9: {  	[dreg:$0x3] =	wrdreg s4  }
0xaa: {  	[dreg:$0x4] =	wrdreg $0xC0  }
0xab: {  	_ =	task [dreg:s6], $0x5FFFF  }
0xac: {  	[dreg:$0x1] =	wrdreg $0xFFFFFFFF  }
0xad: {  	[dreg:$0x0] =	wrdreg $0x60  }
0xae: {  	[dreg:$0x2] =	wrdreg s24  }
0xaf: {  	[dreg:$0x3] =	wrdreg $0x40100  }
0xb0: {  	[dreg:$0x4] =	wrdreg $0x9  }
0xb1: {  	_ =	task.clear_ibuf [dreg:s6], $0x5FFFF;
	_ =	strace $0x90000058  }
0xb2: {  	s29 =	simm.s32 $0x9;
	_ =	strace $0x8000005A  }
0xb3: {  	_ =	swait.ge [sflag:s29], $0x1  }
0xb4: {  	[sflag:s29] =	ssyncadd.s32 $0xFFFFFFFF  }
0xb5: {  	_ =	strace $0x9000005A  }
0xb6: {  	_ =	sfence  }
0xb7: {  	s30 =	sld [smem:$0x0];
	_ =	sdelay $0x2  }
0xb8: {  	s31 =	sshll.u32 s1, $0xD;
	s1 =	sshrl.u32 s1, $0x2  }
0xb9: {  	s3 =	sand.u32 $0x4000, s31;
	s1 =	sadd.s32 s1, s30  }
0xba: {  	s0 =	sor.u32 s3, s0;
	s1 =	sshll.u32 s1, $0x11  }
0xbb: {  	s0 =	sor.u32 s1, s0  }
0xbc: {  	s0 =	sadd.s32 $0x8F2B, s0  }
0xbd: {  	[sflag:s0] =	ssyncadd.remote.s32 $0x1  }
0xbe: {  	_ =	sfence.sel $0xFFFF  }
0xbf: {  	[dreg:$0x0] =	wrdreg $0xFFFFFFFF;
	(pc) =	sbr.abs _section_cstart, $3  }
0xc0: {  	[dreg:$0x1] =	wrdreg $0xFFFFFFFF  }
0xc1: {  	_ =	task.clear_ibuf [dreg:s6], $0x2FFFF;
	_ =	strace $0x9FFFFFFF  }
0xc2: {  	(tm) =	ssettm $0x7FFFFFFF  }
0xc3: {  	_ =	shalt  }
tec
execute0_lowered:
.L_overlay_start_1:
0x0: {  	(tag) =	ssettag $0x1  }
0x1: {  	s5 =	rddreg [dreg:$0x0]  }
0x2: {  	s0 =	srdreg.scid;
	s2 =	rddreg [dreg:$0x1]  }
0x3: {  	s3 =	simm.s32 $0x0;
	s14 =	simm.s32 $0x2C10;
	s4 =	sand.u32 $0x1, s0  }
0x4: {  	s15 =	simm.s32 $0x3110;
	s0 =	stileid.u32;
	s6 =	smul.u32 $0x4E200, s4  }
0x5: {  	s16 =	simm.s32 $0x3610;
	s17 =	simm.s32 $0x3B10;
	s8 =	smul.u32 $0x2800, s0  }
0x6: {  	s18 =	simm.s32 $0x0;
	[smem:$0x7FF] =	sst s3;
	s9 =	smul.u32 $0x28000, s4  }
0x7: {  	s1 =	sshll.u32 s4, $0x4;
	s4 =	ssub.s32 $0x2, s4;
	s12 =	smul.u32 $0x4E20, s0  }
0x8: {  	s31 =	sshll.u32 s0, $0x6;
	s1 =	sor.u32 s0, s1;
	s11 =	sshrl.u32 s4, $0x1  }
0x9: {  	s7 =	smul.u32 $0x2710, s1;
	s1 =	rddreg [dreg:$0x2];
	_ =	strace $0x80000059  }
0xa: {  	s10 =	sadd.s32 s6, s5;
	s30 =	sshrl.u32 s8, $0x3;
	s9 =	sadd.s32 s8, s9  }
0xb: {  	s11 =	ssub.s32 s4, s11;
	s13 =	sadd.s32 s8, s2;
	s9 =	sshrl.u32 s9, $0x3  }
0xc: {  	s10 =	sadd.s32 s12, s10;
	s8 =	smax.u32 s11, $0x1;
	s11 =	simm.s32 $0x1  }
0xd: {  	s12 =	simm.s32 $0x2710;
	s7 =	sshrl.u32 s7, $0x3;
	s9 =	sadd.s32 s9, s5  }
0xe: {  	s29 =	sadd.s32 s7, s5;
	s7 =	sadd.s32 s30, s5;
	s5 =	sor.u32 $0x1C01, s31  }
0xf: {  	s4 =	sadd.s32 $0xB6400, s7;
	s6 =	sadd.s32 $0x6400, s29;
	s7 =	sadd.s32 $0xBB400, s9  }
0x10: {  	s9 =	sadd.s32 $0x10200, s10;
	s10 =	sshrl.u32 s13, $0x3;
	s13 =	simm.s32 $0x50  }
.LBB2_1:
0x11: {  	[spmem:s10], [sflag:s5] =	dma.local [hbm:s4], $0x500  }
0x12: {  	_ =	swait.ge [sflag:s11], $0x500  }
0x13: {  	[sflag:s11] =	ssyncset.done $0x0  }
0x14: {  	[sflag:s11] =	ssyncadd.s32 $0xFFFFFB00  }
0x15: {  	[bflag:$0x0] =	sbarrier.arrive $0xFFFF  }
0x16: {  	[tilespmem:s3], [sflag:$0x1] =	stream.linear.gather [hbm4b:s6+s3], $0x2710, $0x38;
	[tilespmem:$0x6810] =	vst v63  }
0x17: {  	_ =	swait.ge [sflag:s11], $0x2710  }
0x18: {  	[sflag:s11] =	ssyncset.done $0x0  }
0x19: {  	[sflag:s11] =	ssyncadd.s32 $0xFFFFD8F0  }
0x1a: {  	[tilespmem:s12], [sflag:$0x1] =	stream.linear.gather [hbm4b:s9+s3], $0x1900, $0x38;
	[tilespmem:$0x6810] =	vst v63  }
0x1b: {  	_ =	swait.ge [sflag:s11], $0x1900  }
0x1c: {  	[sflag:s11] =	ssyncset.done $0x0  }
0x1d: {  	s19 =	simm.s32 $0x0;
	[sflag:s11] =	ssyncadd.s32 $0xFFFFE700  }
0x1e: {  	[spmem:s2] =	stream.indirect.scatter.add.f32 [tilespmem:s12], [sflag:$0x1], $0x10, s19, s13, $0xb8;
	[tilespmem:$0x6810] =	vst v63  }
0x1f: {  	_ =	swait.ge [sflag:s11], $0x500  }
0x20: {  	[sflag:s11] =	ssyncset.done $0x0  }
0x21: {  	s28 =	simm.s32 $0x50;
	[sflag:s11] =	ssyncadd.s32 $0xFFFFFB00  }
0x22: {  	[spmem:s2] =	stream.indirect.scatter.add.f32 [tilespmem:s14], [sflag:$0x1], $0x10, s28, s13, $0xb8;
	[tilespmem:$0x6810] =	vst v63  }
0x23: {  	_ =	swait.ge [sflag:s11], $0x500  }
0x24: {  	[sflag:s11] =	ssyncset.done $0x0  }
0x25: {  	s29 =	simm.s32 $0xA0;
	[sflag:s11] =	ssyncadd.s32 $0xFFFFFB00  }
0x26: {  	[spmem:s2] =	stream.indirect.scatter.add.f32 [tilespmem:s15], [sflag:$0x1], $0x10, s29, s13, $0xb8;
	[tilespmem:$0x6810] =	vst v63  }
0x27: {  	_ =	swait.ge [sflag:s11], $0x500  }
0x28: {  	[sflag:s11] =	ssyncset.done $0x0  }
0x29: {  	s30 =	simm.s32 $0xF0;
	[sflag:s11] =	ssyncadd.s32 $0xFFFFFB00  }
0x2a: {  	[spmem:s2] =	stream.indirect.scatter.add.f32 [tilespmem:s16], [sflag:$0x1], $0x10, s30, s13, $0xb8;
	[tilespmem:$0x6810] =	vst v63  }
0x2b: {  	_ =	swait.ge [sflag:s11], $0x500  }
0x2c: {  	[sflag:s11] =	ssyncset.done $0x0  }
0x2d: {  	s31 =	simm.s32 $0x140;
	[sflag:s11] =	ssyncadd.s32 $0xFFFFFB00  }
0x2e: {  	[spmem:s2] =	stream.indirect.scatter.add.f32 [tilespmem:s17], [sflag:$0x1], $0x10, s31, s13, $0xb8;
	[tilespmem:$0x6810] =	vst v63  }
0x2f: {  	_ =	swait.ge [sflag:s11], $0x500  }
0x30: {  	s20 =	smov.u32 s9;
	s19 =	simm.s32 $0x640;
	[sflag:s11] =	ssyncset.done $0x0  }
.LBB2_2:
0x31: {  	p0 =	sne.s32 s19, $0x9600;
	[sflag:s11] =	ssyncadd.s32 $0xFFFFFB00;
	s20 =	sadd.s32 $0x320, s20  }
0x32: {  	[tilespmem:s12], [sflag:$0x1] =	stream.linear.gather [hbm4b:s20+s3], $0x1900, $0x38;
	[tilespmem:$0x6810] =	vst v63  }
0x33: {  	s21 =	smov.u32 s19;
	s19 =	sadd.s32 $0x640, s19;
	_ =	swait.ge [sflag:s11], $0x1900  }
0x34: {  	[sflag:s11] =	ssyncset.done $0x0  }
0x35: {  	s21 =	sshra.s32 s21, $0x2;
	[sflag:s11] =	ssyncadd.s32 $0xFFFFE700  }
0x36: {  	[spmem:s2] =	stream.indirect.scatter.add.f32 [tilespmem:s12], [sflag:$0x1], $0x10, s21, s13, $0xb8;
	[tilespmem:$0x6810] =	vst v63  }
0x37: {  	_ =	swait.ge [sflag:s11], $0x500  }
0x38: {  	[sflag:s11] =	ssyncset.done $0x0  }
0x39: {  	s22 =	sadd.s32 $0x50, s21;
	[sflag:s11] =	ssyncadd.s32 $0xFFFFFB00  }
0x3a: {  	[spmem:s2] =	stream.indirect.scatter.add.f32 [tilespmem:s14], [sflag:$0x1], $0x10, s22, s13, $0xb8;
	[tilespmem:$0x6810] =	vst v63  }
0x3b: {  	_ =	swait.ge [sflag:s11], $0x500  }
0x3c: {  	[sflag:s11] =	ssyncset.done $0x0  }
0x3d: {  	s22 =	sadd.s32 $0xA0, s21;
	[sflag:s11] =	ssyncadd.s32 $0xFFFFFB00  }
0x3e: {  	[spmem:s2] =	stream.indirect.scatter.add.f32 [tilespmem:s15], [sflag:$0x1], $0x10, s22, s13, $0xb8;
	[tilespmem:$0x6810] =	vst v63  }
0x3f: {  	_ =	swait.ge [sflag:s11], $0x500  }
0x40: {  	[sflag:s11] =	ssyncset.done $0x0  }
0x41: {  	s22 =	sadd.s32 $0xF0, s21;
	[sflag:s11] =	ssyncadd.s32 $0xFFFFFB00  }
0x42: {  	[spmem:s2] =	stream.indirect.scatter.add.f32 [tilespmem:s16], [sflag:$0x1], $0x10, s22, s13, $0xb8;
	[tilespmem:$0x6810] =	vst v63  }
0x43: {  	_ =	swait.ge [sflag:s11], $0x500  }
.Ltmp0:
0x44: {  	[sflag:s11] =	ssyncset.done $0x0;
	(pc) =	sbr.rel @p0 .LBB2_2-.Ltmp0, $4  }
0x45: {  	s21 =	sadd.s32 $0x140, s21;
	[sflag:s11] =	ssyncadd.s32 $0xFFFFFB00  }
0x46: {  	[spmem:s2] =	stream.indirect.scatter.add.f32 [tilespmem:s17], [sflag:$0x1], $0x10, s21, s13, $0xb8;
	[tilespmem:$0x6810] =	vst v63  }
0x47: {  	_ =	swait.ge [sflag:s11], $0x500  }
0x48: {  	[sflag:s11] =	ssyncset.done $0x0  }
0x49: {  	s18 =	sadd.s32 $0x1, s18  }
0x4a: {  	[sflag:s11] =	ssyncadd.s32 $0xFFFFFB00;
	p0 =	sne.s32 s18, s8  }
.Ltmp1:
0x4b: {  	[bflag:$0x0] =	sbarrier.arrive $0xFFFF;
	(pc) =	sbr.rel @p0 .LBB2_1-.Ltmp1, $4  }
0x4c: {  	[hbm:s7], [sflag:s5] =	dma.local [spmem:s10], $0x500  }
0x4d: {  	_ =	swait.ge [sflag:s11], $0x500  }
0x4e: {  	[sflag:s11] =	ssyncset.done $0x0  }
0x4f: {  	[sflag:s11] =	ssyncadd.s32 $0xFFFFFB00  }
0x50: {  	_ =	sfence.sel $0x180000  }
0x51: {  	[bflag:$0x0] =	sbarrier.arrive $0xFFFF  }
0x52: {  	p0 =	sne.s32 s0, $0x0;
	_ =	strace $0x90000059  }
0x53: {  	s0 =	sadd.s32 @!p0 $0x100000, s1;
	[bflag:$0x2] =	sbarrier.arrive $0xFFFF  }
0x54: {  	[sflag:s0] =	ssyncadd.tile.s32 @!p0 $0x1;
	_ =	shalt  }
.Lfunc_end2:
_tile_overlayer_lowered:
.L_overlay_start_2:
0x55: {  	(tag) =	ssettag $0x2  }
0x56: {  	s0 =	rddreg [dreg:$0x0];
	s2 =	stileid.u32  }
0x57: {  	s1 =	rddreg [dreg:$0x1];
	p0 =	sne.s32 s2, $0x0  }
0x58: {  	s3 =	rddreg [dreg:$0x2];
	[bflag:$0x3] =	sbarrier.arrive $0xFFFF;
	s2 =	simm.s32 @!p0 $0x1C01  }
0x59: {  	[timem:s3], [sflag:s2] =	dma.local @!p0 [hbm:s0], s1  }
0x5a: {  	s0 =	simm.s32 @!p0 $0x1  }
0x5b: {  	_ =	swait.ge @!p0 [sflag:s0], s1  }
0x5c: {  	s1 =	ssub.s32 @!p0 $0x0, s1;
	[sflag:s0] =	ssyncset.done @!p0 $0x0  }
0x5d: {  	[sflag:s0] =	ssyncadd.s32 @!p0 s1  }
0x5e: {  	[bflag:$0x3] =	sbarrier.arrive $0xFFFF  }
0x5f: {  	_ =	shalt  }

</sc_bundles>
